<compile_context>
chip_gen: v7x
topology: tpu7x:2x2x1
jax: 0.10.2.dev20260603
libtpu: 0.0.44.dev20260713+nightly
codegen_flags: <defaults>
</compile_context>

<pallas_src>
import functools
import math

import jax
import jax.numpy as jnp
from jax import lax
from jax.experimental import pallas as pl
from jax.experimental.pallas import tpu as pltpu
from jax.experimental.pallas import tpu_sc as plsc

ALPHA = 0.99
EPS = 1e-06
LOG_ALPHA = math.log(ALPHA)
M = 100000
D = 64
B = 16384

NC = 2
NS = 16
NW = NC * NS
FPW = D // NW
BROWS = B // 128
P0R = BROWS // NS
NBCH = 4
CROWS = BROWS // NBCH
CB = CROWS * 128

_mesh = plsc.VectorSubcoreMesh(core_axis_name="c", subcore_axis_name="s")


@functools.partial(
    pl.kernel,
    mesh=_mesh,
    out_type=jax.ShapeDtypeStruct((D, B), jnp.float32),
    compiler_params=pltpu.CompilerParams(needs_layout_passes=False),
    scratch_types=[
        pltpu.VMEM_SHARED((BROWS, 128), jnp.float32),
        pltpu.VMEM((M,), jnp.float32),
        pltpu.VMEM((BROWS, 128), jnp.int32),
        pltpu.VMEM((CROWS, 128), jnp.float32),
        pltpu.VMEM((2, CB), jnp.float32),
        pltpu.SemaphoreType.DMA,
        pltpu.SemaphoreType.DMA,
        pltpu.SemaphoreType.DMA,
    ],
)
def _ema_sc(i_hbm, ct_hbm, counts_hbm, out_hbm, scale_sh, row_v, idxf_v,
            scalec_v, outc_v, sem_g, sem_w, sem_r):
    cid = lax.axis_index("c")
    sid = lax.axis_index("s")
    wid = sid * NC + cid

    row_cp = pltpu.async_copy(ct_hbm.at[wid * FPW], row_v, sem_r)

    pltpu.sync_copy(i_hbm, idxf_v)
    cnt_copies = [
        pltpu.async_copy(counts_hbm.at[idxf_v.at[sid * P0R + r]],
                         scalec_v.at[r], sem_g)
        for r in range(P0R)
    ]
    for c in cnt_copies:
        c.wait()
    for r in range(P0R):
        for c in range(128 // 16):
            sl = pl.ds(c * 16, 16)
            scalec_v[P0R + r, sl] = 1.0 / (
                1.0 + EPS - jnp.exp(scalec_v[r, sl] * LOG_ALPHA))
    pltpu.sync_copy(scalec_v.at[pl.ds(P0R, P0R)],
                    scale_sh.at[pl.ds(sid * P0R, P0R)])
    plsc.subcore_barrier()

    nsteps = FPW * NBCH
    pending_w = {}
    for s in range(nsteps):
        f, k = s // NBCH, s % NBCH
        if k == 0:
            if f == 0:
                row_cp.wait()
            else:
                pltpu.sync_copy(ct_hbm.at[wid * FPW + f], row_v)
        pltpu.sync_copy(scale_sh.at[pl.ds(k * CROWS, CROWS)], scalec_v)
        if s - 2 in pending_w:
            pending_w.pop(s - 2).wait()
        bb = s % 2
        d = wid * FPW + f

        def body(rr, carry):
            sls = [pl.ds(c * 16, 16) for c in range(128 // 16)]
            idxs = [idxf_v[k * CROWS + rr, sl] for sl in sls]
            gath = [plsc.load_gather(row_v, [ix]) for ix in idxs]
            scls = [scalec_v[rr, sl] for sl in sls]
            for c in range(128 // 16):
                outc_v[bb, pl.ds(rr * 128 + c * 16, 16)] = (
                    gath[c] * scls[c])
            return carry

        lax.fori_loop(0, CROWS, body, 0)
        pending_w[s] = pltpu.async_copy(
            outc_v.at[bb], out_hbm.at[d, pl.ds(k * CB, CB)], sem_w)
    for key in sorted(pending_w):
        pending_w.pop(key).wait()


def kernel(i, x, centers, counts):
    del x
    i2d = i.astype(jnp.int32).reshape(BROWS, 128)
    out_t = _ema_sc(i2d, centers.T, counts)
    return out_t.T

# --- scband reference (transcript-rebuilt; emitter-appended) ---
"""Pipeline reference for scband-ema-58231166599391 (READ-ONLY COPY).

The authoritative reference and input builder live on the scoring server;
editing this copy changes nothing except your own understanding.
"""

import jax, jax.numpy as jnp
import numpy as np
import math

ALPHA = 0.99
EPS = 1e-06
LOG_ALPHA = math.log(ALPHA)
M = 100000
D = 64
B = 16384

def setup_inputs(seed: int = 0) -> dict:
    key = jax.random.key(seed)
    k1, k2, k3, k4 = jax.random.split(key, 4)
    i = jax.random.randint(k1, (B,), 0, M, dtype=jnp.int64) if jax.config.jax_enable_x64 else jax.random.randint(k1, (B,), 0, M, dtype=jnp.int32)
    x = jax.random.normal(k2, (B, D), dtype=jnp.float32)
    # learned/statistic parameters sized per init_kwargs (size=[M, D])
    # torch inits these to zeros; use nonzero plausible values so the math is exercised
    centers = jax.random.normal(k3, (M, D), dtype=jnp.float32)
    counts = jax.random.uniform(k4, (M,), dtype=jnp.float32, minval=1.0, maxval=50.0)
    return {"i": i, "x": x, "centers": centers, "counts": counts}

def reference(i, x, centers, counts):
    # center = self.centers[i].clone()
    center = jnp.take(centers, i, axis=0)
    # counts = self.counts[i]
    cnt = jnp.take(counts, i, axis=0)
    # c = 1 + eps - exp(log_alpha * counts)
    c = 1.0 + EPS - jnp.exp(LOG_ALPHA * cnt)
    # center /= c.unsqueeze(1).expand_as(center)
    center = center / c[:, None]
    # (training-mode in-place buffer updates do not affect the returned value,
    #  since the output is computed from the pre-update state)
    return center

if __name__ == "__main__":
    import jax
    _d = setup_inputs()
    print(jax.jit(kernel)(*tuple(_d.values())))

</pallas_src>

<mosaic_0001>
#map = affine_map<(d0, d1) -> (0, 0)>
#map1 = affine_map<(d0, d1) -> (0)>
module attributes {stable_mosaic.version = 14 : i64} {
  func.func @_ema_sc(%arg0: i32, %arg1: i32, %arg2: memref<128x128xi32, #tpu.memory_space<hbm>>, %arg3: memref<64x100000xf32, #tpu.memory_space<hbm>>, %arg4: memref<100000xf32, #tpu.memory_space<hbm>>, %arg5: memref<64x16384xf32, #tpu.memory_space<hbm>>, %arg6: memref<128x128xf32, #tpu.memory_space<vmem_shared>>, %arg7: memref<100000xf32, #tpu.memory_space<vmem>>, %arg8: memref<128x128xi32, #tpu.memory_space<vmem>>, %arg9: memref<32x128xf32, #tpu.memory_space<vmem>>, %arg10: memref<2x4096xf32, #tpu.memory_space<vmem>>, %arg11: memref<!tpu.dma_semaphore, #tpu.memory_space<semaphore_mem>>, %arg12: memref<!tpu.dma_semaphore, #tpu.memory_space<semaphore_mem>>, %arg13: memref<!tpu.dma_semaphore, #tpu.memory_space<semaphore_mem>>) attributes {dimension_semantics = [#tpu.dimension_semantics<core_parallel>, #tpu.dimension_semantics<subcore_parallel>], iteration_bounds = array<i64: 2, 16>, scalar_prefetch = 0 : i64, scratch_operands = 8 : i64, tpu.core_type = #tpu.core_type<sc_vector_subcore>, window_params = [{transform_indices = #map}, {transform_indices = #map}, {transform_indices = #map1}, {transform_indices = #map}]} {
    %mul3A = arith.constant 2 : i32
    %mul3A_0 = arith.muli %arg1, %mul3A : i32
    %add3A = arith.addi %mul3A_0, %arg0 : i32
    %mul3A_1 = arith.constant 2 : i32
    %mul3A_2 = arith.muli %add3A, %mul3A_1 : i32
    %dma_start3A = arith.constant 0 : i32
    %dma_start3A_3 = tpu.memref_slice %arg3[%mul3A_2, %dma_start3A] : memref<64x100000xf32, #tpu.memory_space<hbm>> -> memref<1x100000xf32, #tpu.memory_space<hbm>>
    %dma_start3A_4 = tpu.memref_squeeze %dma_start3A_3 : memref<1x100000xf32, #tpu.memory_space<hbm>> -> memref<100000xf32, #tpu.memory_space<hbm>>
    %dma_start3A_5 = arith.constant 0 : i32
    %dma_start3A_6 = tpu.memref_slice %arg3[%mul3A_2, %dma_start3A_5] : memref<64x100000xf32, #tpu.memory_space<hbm>> -> memref<1x100000xf32, #tpu.memory_space<hbm>>
    %dma_start3A_7 = tpu.memref_squeeze %dma_start3A_6 : memref<1x100000xf32, #tpu.memory_space<hbm>> -> memref<100000xf32, #tpu.memory_space<hbm>>
    tpu.enqueue_dma source(%dma_start3A_7 : memref<100000xf32, #tpu.memory_space<hbm>>) target(%arg7 : memref<100000xf32, #tpu.memory_space<vmem>>) target_semaphore(%arg13 : memref<!tpu.dma_semaphore, #tpu.memory_space<semaphore_mem>>)
    "tpu.region"() ({
      %run_scoped3A = tpu.sem_alloc : memref<!tpu.dma_semaphore, #tpu.memory_space<semaphore_mem>>
      tpu.enqueue_dma source(%arg2 : memref<128x128xi32, #tpu.memory_space<hbm>>) target(%arg8 : memref<128x128xi32, #tpu.memory_space<vmem>>) target_semaphore(%run_scoped3A : memref<!tpu.dma_semaphore, #tpu.memory_space<semaphore_mem>>)
      tpu.wait_dma2 semaphore(%run_scoped3A : memref<!tpu.dma_semaphore, #tpu.memory_space<semaphore_mem>>) src(%arg2 : memref<128x128xi32, #tpu.memory_space<hbm>>) dst(%arg8 : memref<128x128xi32, #tpu.memory_space<vmem>>)
      tpu.yield
    }) : () -> ()
    %mul3A_8 = arith.constant 8 : i32
    %mul3A_9 = arith.muli %arg1, %mul3A_8 : i32
    %add3A_10 = arith.constant 0 : i32
    %add3A_11 = arith.addi %mul3A_9, %add3A_10 : i32
    %dma_start3A_12 = arith.constant 0 : i32
    %dma_start3A_13 = arith.constant 0 : i32
    %dma_start3A_14 = tpu.memref_slice %arg9[%dma_start3A_12, %dma_start3A_13] : memref<32x128xf32, #tpu.memory_space<vmem>> -> memref<1x128xf32, #tpu.memory_space<vmem>>
    %dma_start3A_15 = tpu.memref_squeeze %dma_start3A_14 : memref<1x128xf32, #tpu.memory_space<vmem>> -> memref<128xf32, #tpu.memory_space<vmem>>
    %dma_start3A_16 = arith.constant 0 : i32
    %dma_start3A_17 = tpu.memref_slice %arg8[%add3A_11, %dma_start3A_16] : memref<128x128xi32, #tpu.memory_space<vmem>> -> memref<1x128xi32, #tpu.memory_space<vmem>>
    %dma_start3A_18 = tpu.memref_squeeze %dma_start3A_17 : memref<1x128xi32, #tpu.memory_space<vmem>> -> memref<128xi32, #tpu.memory_space<vmem>>
    %dma_start3A_19 = arith.constant 0 : i32
    %dma_start3A_20 = tpu.memref_slice %arg4[%dma_start3A_19] : memref<100000xf32, #tpu.memory_space<hbm>> -> memref<100000xf32, #tpu.memory_space<hbm>>
    tpu.enqueue_indirect_dma source(%dma_start3A_20 : memref<100000xf32, #tpu.memory_space<hbm>>) target(%dma_start3A_15 : memref<128xf32, #tpu.memory_space<vmem>>) offsets(%dma_start3A_18 : memref<128xi32, #tpu.memory_space<vmem>>) semaphore(%arg11 : memref<!tpu.dma_semaphore, #tpu.memory_space<semaphore_mem>>)
    %mul3A_21 = arith.constant 8 : i32
    %mul3A_22 = arith.muli %arg1, %mul3A_21 : i32
    %add3A_23 = arith.constant 1 : i32
    %add3A_24 = arith.addi %mul3A_22, %add3A_23 : i32
    %dma_start3A_25 = arith.constant 1 : i32
    %dma_start3A_26 = arith.constant 0 : i32
    %dma_start3A_27 = tpu.memref_slice %arg9[%dma_start3A_25, %dma_start3A_26] : memref<32x128xf32, #tpu.memory_space<vmem>> -> memref<1x128xf32, #tpu.memory_space<vmem>>
    %dma_start3A_28 = tpu.memref_squeeze %dma_start3A_27 : memref<1x128xf32, #tpu.memory_space<vmem>> -> memref<128xf32, #tpu.memory_space<vmem>>
    %dma_start3A_29 = arith.constant 0 : i32
    %dma_start3A_30 = tpu.memref_slice %arg8[%add3A_24, %dma_start3A_29] : memref<128x128xi32, #tpu.memory_space<vmem>> -> memref<1x128xi32, #tpu.memory_space<vmem>>
    %dma_start3A_31 = tpu.memref_squeeze %dma_start3A_30 : memref<1x128xi32, #tpu.memory_space<vmem>> -> memref<128xi32, #tpu.memory_space<vmem>>
    %dma_start3A_32 = arith.constant 0 : i32
    %dma_start3A_33 = tpu.memref_slice %arg4[%dma_start3A_32] : memref<100000xf32, #tpu.memory_space<hbm>> -> memref<100000xf32, #tpu.memory_space<hbm>>
    tpu.enqueue_indirect_dma source(%dma_start3A_33 : memref<100000xf32, #tpu.memory_space<hbm>>) target(%dma_start3A_28 : memref<128xf32, #tpu.memory_space<vmem>>) offsets(%dma_start3A_31 : memref<128xi32, #tpu.memory_space<vmem>>) semaphore(%arg11 : memref<!tpu.dma_semaphore, #tpu.memory_space<semaphore_mem>>)
    %mul3A_34 = arith.constant 8 : i32
    %mul3A_35 = arith.muli %arg1, %mul3A_34 : i32
    %add3A_36 = arith.constant 2 : i32
    %add3A_37 = arith.addi %mul3A_35, %add3A_36 : i32
    %dma_start3A_38 = arith.constant 2 : i32
    %dma_start3A_39 = arith.constant 0 : i32
    %dma_start3A_40 = tpu.memref_slice %arg9[%dma_start3A_38, %dma_start3A_39] : memref<32x128xf32, #tpu.memory_space<vmem>> -> memref<1x128xf32, #tpu.memory_space<vmem>>
    %dma_start3A_41 = tpu.memref_squeeze %dma_start3A_40 : memref<1x128xf32, #tpu.memory_space<vmem>> -> memref<128xf32, #tpu.memory_space<vmem>>
    %dma_start3A_42 = arith.constant 0 : i32
    %dma_start3A_43 = tpu.memref_slice %arg8[%add3A_37, %dma_start3A_42] : memref<128x128xi32, #tpu.memory_space<vmem>> -> memref<1x128xi32, #tpu.memory_space<vmem>>
    %dma_start3A_44 = tpu.memref_squeeze %dma_start3A_43 : memref<1x128xi32, #tpu.memory_space<vmem>> -> memref<128xi32, #tpu.memory_space<vmem>>
    %dma_start3A_45 = arith.constant 0 : i32
    %dma_start3A_46 = tpu.memref_slice %arg4[%dma_start3A_45] : memref<100000xf32, #tpu.memory_space<hbm>> -> memref<100000xf32, #tpu.memory_space<hbm>>
    tpu.enqueue_indirect_dma source(%dma_start3A_46 : memref<100000xf32, #tpu.memory_space<hbm>>) target(%dma_start3A_41 : memref<128xf32, #tpu.memory_space<vmem>>) offsets(%dma_start3A_44 : memref<128xi32, #tpu.memory_space<vmem>>) semaphore(%arg11 : memref<!tpu.dma_semaphore, #tpu.memory_space<semaphore_mem>>)
    %mul3A_47 = arith.constant 8 : i32
    %mul3A_48 = arith.muli %arg1, %mul3A_47 : i32
    %add3A_49 = arith.constant 3 : i32
    %add3A_50 = arith.addi %mul3A_48, %add3A_49 : i32
    %dma_start3A_51 = arith.constant 3 : i32
    %dma_start3A_52 = arith.constant 0 : i32
    %dma_start3A_53 = tpu.memref_slice %arg9[%dma_start3A_51, %dma_start3A_52] : memref<32x128xf32, #tpu.memory_space<vmem>> -> memref<1x128xf32, #tpu.memory_space<vmem>>
    %dma_start3A_54 = tpu.memref_squeeze %dma_start3A_53 : memref<1x128xf32, #tpu.memory_space<vmem>> -> memref<128xf32, #tpu.memory_space<vmem>>
    %dma_start3A_55 = arith.constant 0 : i32
    %dma_start3A_56 = tpu.memref_slice %arg8[%add3A_50, %dma_start3A_55] : memref<128x128xi32, #tpu.memory_space<vmem>> -> memref<1x128xi32, #tpu.memory_space<vmem>>
    %dma_start3A_57 = tpu.memref_squeeze %dma_start3A_56 : memref<1x128xi32, #tpu.memory_space<vmem>> -> memref<128xi32, #tpu.memory_space<vmem>>
    %dma_start3A_58 = arith.constant 0 : i32
    %dma_start3A_59 = tpu.memref_slice %arg4[%dma_start3A_58] : memref<100000xf32, #tpu.memory_space<hbm>> -> memref<100000xf32, #tpu.memory_space<hbm>>
    tpu.enqueue_indirect_dma source(%dma_start3A_59 : memref<100000xf32, #tpu.memory_space<hbm>>) target(%dma_start3A_54 : memref<128xf32, #tpu.memory_space<vmem>>) offsets(%dma_start3A_57 : memref<128xi32, #tpu.memory_space<vmem>>) semaphore(%arg11 : memref<!tpu.dma_semaphore, #tpu.memory_space<semaphore_mem>>)
    %mul3A_60 = arith.constant 8 : i32
    %mul3A_61 = arith.muli %arg1, %mul3A_60 : i32
    %add3A_62 = arith.constant 4 : i32
    %add3A_63 = arith.addi %mul3A_61, %add3A_62 : i32
    %dma_start3A_64 = arith.constant 4 : i32
    %dma_start3A_65 = arith.constant 0 : i32
    %dma_start3A_66 = tpu.memref_slice %arg9[%dma_start3A_64, %dma_start3A_65] : memref<32x128xf32, #tpu.memory_space<vmem>> -> memref<1x128xf32, #tpu.memory_space<vmem>>
    %dma_start3A_67 = tpu.memref_squeeze %dma_start3A_66 : memref<1x128xf32, #tpu.memory_space<vmem>> -> memref<128xf32, #tpu.memory_space<vmem>>
    %dma_start3A_68 = arith.constant 0 : i32
    %dma_start3A_69 = tpu.memref_slice %arg8[%add3A_63, %dma_start3A_68] : memref<128x128xi32, #tpu.memory_space<vmem>> -> memref<1x128xi32, #tpu.memory_space<vmem>>
    %dma_start3A_70 = tpu.memref_squeeze %dma_start3A_69 : memref<1x128xi32, #tpu.memory_space<vmem>> -> memref<128xi32, #tpu.memory_space<vmem>>
    %dma_start3A_71 = arith.constant 0 : i32
    %dma_start3A_72 = tpu.memref_slice %arg4[%dma_start3A_71] : memref<100000xf32, #tpu.memory_space<hbm>> -> memref<100000xf32, #tpu.memory_space<hbm>>
    tpu.enqueue_indirect_dma source(%dma_start3A_72 : memref<100000xf32, #tpu.memory_space<hbm>>) target(%dma_start3A_67 : memref<128xf32, #tpu.memory_space<vmem>>) offsets(%dma_start3A_70 : memref<128xi32, #tpu.memory_space<vmem>>) semaphore(%arg11 : memref<!tpu.dma_semaphore, #tpu.memory_space<semaphore_mem>>)
    %mul3A_73 = arith.constant 8 : i32
    %mul3A_74 = arith.muli %arg1, %mul3A_73 : i32
    %add3A_75 = arith.constant 5 : i32
    %add3A_76 = arith.addi %mul3A_74, %add3A_75 : i32
    %dma_start3A_77 = arith.constant 5 : i32
    %dma_start3A_78 = arith.constant 0 : i32
    %dma_start3A_79 = tpu.memref_slice %arg9[%dma_start3A_77, %dma_start3A_78] : memref<32x128xf32, #tpu.memory_space<vmem>> -> memref<1x128xf32, #tpu.memory_space<vmem>>
    %dma_start3A_80 = tpu.memref_squeeze %dma_start3A_79 : memref<1x128xf32, #tpu.memory_space<vmem>> -> memref<128xf32, #tpu.memory_space<vmem>>
    %dma_start3A_81 = arith.constant 0 : i32
    %dma_start3A_82 = tpu.memref_slice %arg8[%add3A_76, %dma_start3A_81] : memref<128x128xi32, #tpu.memory_space<vmem>> -> memref<1x128xi32, #tpu.memory_space<vmem>>
    %dma_start3A_83 = tpu.memref_squeeze %dma_start3A_82 : memref<1x128xi32, #tpu.memory_space<vmem>> -> memref<128xi32, #tpu.memory_space<vmem>>
    %dma_start3A_84 = arith.constant 0 : i32
    %dma_start3A_85 = tpu.memref_slice %arg4[%dma_start3A_84] : memref<100000xf32, #tpu.memory_space<hbm>> -> memref<100000xf32, #tpu.memory_space<hbm>>
    tpu.enqueue_indirect_dma source(%dma_start3A_85 : memref<100000xf32, #tpu.memory_space<hbm>>) target(%dma_start3A_80 : memref<128xf32, #tpu.memory_space<vmem>>) offsets(%dma_start3A_83 : memref<128xi32, #tpu.memory_space<vmem>>) semaphore(%arg11 : memref<!tpu.dma_semaphore, #tpu.memory_space<semaphore_mem>>)
    %mul3A_86 = arith.constant 8 : i32
    %mul3A_87 = arith.muli %arg1, %mul3A_86 : i32
    %add3A_88 = arith.constant 6 : i32
    %add3A_89 = arith.addi %mul3A_87, %add3A_88 : i32
    %dma_start3A_90 = arith.constant 6 : i32
    %dma_start3A_91 = arith.constant 0 : i32
    %dma_start3A_92 = tpu.memref_slice %arg9[%dma_start3A_90, %dma_start3A_91] : memref<32x128xf32, #tpu.memory_space<vmem>> -> memref<1x128xf32, #tpu.memory_space<vmem>>
    %dma_start3A_93 = tpu.memref_squeeze %dma_start3A_92 : memref<1x128xf32, #tpu.memory_space<vmem>> -> memref<128xf32, #tpu.memory_space<vmem>>
    %dma_start3A_94 = arith.constant 0 : i32
    %dma_start3A_95 = tpu.memref_slice %arg8[%add3A_89, %dma_start3A_94] : memref<128x128xi32, #tpu.memory_space<vmem>> -> memref<1x128xi32, #tpu.memory_space<vmem>>
    %dma_start3A_96 = tpu.memref_squeeze %dma_start3A_95 : memref<1x128xi32, #tpu.memory_space<vmem>> -> memref<128xi32, #tpu.memory_space<vmem>>
    %dma_start3A_97 = arith.constant 0 : i32
    %dma_start3A_98 = tpu.memref_slice %arg4[%dma_start3A_97] : memref<100000xf32, #tpu.memory_space<hbm>> -> memref<100000xf32, #tpu.memory_space<hbm>>
    tpu.enqueue_indirect_dma source(%dma_start3A_98 : memref<100000xf32, #tpu.memory_space<hbm>>) target(%dma_start3A_93 : memref<128xf32, #tpu.memory_space<vmem>>) offsets(%dma_start3A_96 : memref<128xi32, #tpu.memory_space<vmem>>) semaphore(%arg11 : memref<!tpu.dma_semaphore, #tpu.memory_space<semaphore_mem>>)
    %mul3A_99 = arith.constant 8 : i32
    %mul3A_100 = arith.muli %arg1, %mul3A_99 : i32
    %add3A_101 = arith.constant 7 : i32
    %add3A_102 = arith.addi %mul3A_100, %add3A_101 : i32
    %dma_start3A_103 = arith.constant 7 : i32
    %dma_start3A_104 = arith.constant 0 : i32
    %dma_start3A_105 = tpu.memref_slice %arg9[%dma_start3A_103, %dma_start3A_104] : memref<32x128xf32, #tpu.memory_space<vmem>> -> memref<1x128xf32, #tpu.memory_space<vmem>>
    %dma_start3A_106 = tpu.memref_squeeze %dma_start3A_105 : memref<1x128xf32, #tpu.memory_space<vmem>> -> memref<128xf32, #tpu.memory_space<vmem>>
    %dma_start3A_107 = arith.constant 0 : i32
    %dma_start3A_108 = tpu.memref_slice %arg8[%add3A_102, %dma_start3A_107] : memref<128x128xi32, #tpu.memory_space<vmem>> -> memref<1x128xi32, #tpu.memory_space<vmem>>
    %dma_start3A_109 = tpu.memref_squeeze %dma_start3A_108 : memref<1x128xi32, #tpu.memory_space<vmem>> -> memref<128xi32, #tpu.memory_space<vmem>>
    %dma_start3A_110 = arith.constant 0 : i32
    %dma_start3A_111 = tpu.memref_slice %arg4[%dma_start3A_110] : memref<100000xf32, #tpu.memory_space<hbm>> -> memref<100000xf32, #tpu.memory_space<hbm>>
    tpu.enqueue_indirect_dma source(%dma_start3A_111 : memref<100000xf32, #tpu.memory_space<hbm>>) target(%dma_start3A_106 : memref<128xf32, #tpu.memory_space<vmem>>) offsets(%dma_start3A_109 : memref<128xi32, #tpu.memory_space<vmem>>) semaphore(%arg11 : memref<!tpu.dma_semaphore, #tpu.memory_space<semaphore_mem>>)
    %dma_wait3A = arith.constant 0 : i32
    %dma_wait3A_112 = arith.constant 0 : i32
    %dma_wait3A_113 = tpu.memref_slice %arg9[%dma_wait3A, %dma_wait3A_112] : memref<32x128xf32, #tpu.memory_space<vmem>> -> memref<1x128xf32, #tpu.memory_space<vmem>>
    %dma_wait3A_114 = tpu.memref_squeeze %dma_wait3A_113 : memref<1x128xf32, #tpu.memory_space<vmem>> -> memref<128xf32, #tpu.memory_space<vmem>>
    %dma_wait3A_115 = arith.constant 0 : i32
    %dma_wait3A_116 = tpu.memref_slice %arg8[%add3A_11, %dma_wait3A_115] : memref<128x128xi32, #tpu.memory_space<vmem>> -> memref<1x128xi32, #tpu.memory_space<vmem>>
    %dma_wait3A_117 = tpu.memref_squeeze %dma_wait3A_116 : memref<1x128xi32, #tpu.memory_space<vmem>> -> memref<128xi32, #tpu.memory_space<vmem>>
    %dma_wait3A_118 = arith.constant 0 : i32
    %dma_wait3A_119 = tpu.memref_slice %arg4[%dma_wait3A_118] : memref<100000xf32, #tpu.memory_space<hbm>> -> memref<100000xf32, #tpu.memory_space<hbm>>
    tpu.wait_indirect_dma semaphore(%arg11 : memref<!tpu.dma_semaphore, #tpu.memory_space<semaphore_mem>>) src(%dma_wait3A_119 : memref<100000xf32, #tpu.memory_space<hbm>>) dst(%dma_wait3A_114 : memref<128xf32, #tpu.memory_space<vmem>>)
    %dma_wait3A_120 = arith.constant 1 : i32
    %dma_wait3A_121 = arith.constant 0 : i32
    %dma_wait3A_122 = tpu.memref_slice %arg9[%dma_wait3A_120, %dma_wait3A_121] : memref<32x128xf32, #tpu.memory_space<vmem>> -> memref<1x128xf32, #tpu.memory_space<vmem>>
    %dma_wait3A_123 = tpu.memref_squeeze %dma_wait3A_122 : memref<1x128xf32, #tpu.memory_space<vmem>> -> memref<128xf32, #tpu.memory_space<vmem>>
    %dma_wait3A_124 = arith.constant 0 : i32
    %dma_wait3A_125 = tpu.memref_slice %arg8[%add3A_24, %dma_wait3A_124] : memref<128x128xi32, #tpu.memory_space<vmem>> -> memref<1x128xi32, #tpu.memory_space<vmem>>
    %dma_wait3A_126 = tpu.memref_squeeze %dma_wait3A_125 : memref<1x128xi32, #tpu.memory_space<vmem>> -> memref<128xi32, #tpu.memory_space<vmem>>
    %dma_wait3A_127 = arith.constant 0 : i32
    %dma_wait3A_128 = tpu.memref_slice %arg4[%dma_wait3A_127] : memref<100000xf32, #tpu.memory_space<hbm>> -> memref<100000xf32, #tpu.memory_space<hbm>>
    tpu.wait_indirect_dma semaphore(%arg11 : memref<!tpu.dma_semaphore, #tpu.memory_space<semaphore_mem>>) src(%dma_wait3A_128 : memref<100000xf32, #tpu.memory_space<hbm>>) dst(%dma_wait3A_123 : memref<128xf32, #tpu.memory_space<vmem>>)
    %dma_wait3A_129 = arith.constant 2 : i32
    %dma_wait3A_130 = arith.constant 0 : i32
    %dma_wait3A_131 = tpu.memref_slice %arg9[%dma_wait3A_129, %dma_wait3A_130] : memref<32x128xf32, #tpu.memory_space<vmem>> -> memref<1x128xf32, #tpu.memory_space<vmem>>
    %dma_wait3A_132 = tpu.memref_squeeze %dma_wait3A_131 : memref<1x128xf32, #tpu.memory_space<vmem>> -> memref<128xf32, #tpu.memory_space<vmem>>
    %dma_wait3A_133 = arith.constant 0 : i32
    %dma_wait3A_134 = tpu.memref_slice %arg8[%add3A_37, %dma_wait3A_133] : memref<128x128xi32, #tpu.memory_space<vmem>> -> memref<1x128xi32, #tpu.memory_space<vmem>>
    %dma_wait3A_135 = tpu.memref_squeeze %dma_wait3A_134 : memref<1x128xi32, #tpu.memory_space<vmem>> -> memref<128xi32, #tpu.memory_space<vmem>>
    %dma_wait3A_136 = arith.constant 0 : i32
    %dma_wait3A_137 = tpu.memref_slice %arg4[%dma_wait3A_136] : memref<100000xf32, #tpu.memory_space<hbm>> -> memref<100000xf32, #tpu.memory_space<hbm>>
    tpu.wait_indirect_dma semaphore(%arg11 : memref<!tpu.dma_semaphore, #tpu.memory_space<semaphore_mem>>) src(%dma_wait3A_137 : memref<100000xf32, #tpu.memory_space<hbm>>) dst(%dma_wait3A_132 : memref<128xf32, #tpu.memory_space<vmem>>)
    %dma_wait3A_138 = arith.constant 3 : i32
    %dma_wait3A_139 = arith.constant 0 : i32
    %dma_wait3A_140 = tpu.memref_slice %arg9[%dma_wait3A_138, %dma_wait3A_139] : memref<32x128xf32, #tpu.memory_space<vmem>> -> memref<1x128xf32, #tpu.memory_space<vmem>>
    %dma_wait3A_141 = tpu.memref_squeeze %dma_wait3A_140 : memref<1x128xf32, #tpu.memory_space<vmem>> -> memref<128xf32, #tpu.memory_space<vmem>>
    %dma_wait3A_142 = arith.constant 0 : i32
    %dma_wait3A_143 = tpu.memref_slice %arg8[%add3A_50, %dma_wait3A_142] : memref<128x128xi32, #tpu.memory_space<vmem>> -> memref<1x128xi32, #tpu.memory_space<vmem>>
    %dma_wait3A_144 = tpu.memref_squeeze %dma_wait3A_143 : memref<1x128xi32, #tpu.memory_space<vmem>> -> memref<128xi32, #tpu.memory_space<vmem>>
    %dma_wait3A_145 = arith.constant 0 : i32
    %dma_wait3A_146 = tpu.memref_slice %arg4[%dma_wait3A_145] : memref<100000xf32, #tpu.memory_space<hbm>> -> memref<100000xf32, #tpu.memory_space<hbm>>
    tpu.wait_indirect_dma semaphore(%arg11 : memref<!tpu.dma_semaphore, #tpu.memory_space<semaphore_mem>>) src(%dma_wait3A_146 : memref<100000xf32, #tpu.memory_space<hbm>>) dst(%dma_wait3A_141 : memref<128xf32, #tpu.memory_space<vmem>>)
    %dma_wait3A_147 = arith.constant 4 : i32
    %dma_wait3A_148 = arith.constant 0 : i32
    %dma_wait3A_149 = tpu.memref_slice %arg9[%dma_wait3A_147, %dma_wait3A_148] : memref<32x128xf32, #tpu.memory_space<vmem>> -> memref<1x128xf32, #tpu.memory_space<vmem>>
    %dma_wait3A_150 = tpu.memref_squeeze %dma_wait3A_149 : memref<1x128xf32, #tpu.memory_space<vmem>> -> memref<128xf32, #tpu.memory_space<vmem>>
    %dma_wait3A_151 = arith.constant 0 : i32
    %dma_wait3A_152 = tpu.memref_slice %arg8[%add3A_63, %dma_wait3A_151] : memref<128x128xi32, #tpu.memory_space<vmem>> -> memref<1x128xi32, #tpu.memory_space<vmem>>
    %dma_wait3A_153 = tpu.memref_squeeze %dma_wait3A_152 : memref<1x128xi32, #tpu.memory_space<vmem>> -> memref<128xi32, #tpu.memory_space<vmem>>
    %dma_wait3A_154 = arith.constant 0 : i32
    %dma_wait3A_155 = tpu.memref_slice %arg4[%dma_wait3A_154] : memref<100000xf32, #tpu.memory_space<hbm>> -> memref<100000xf32, #tpu.memory_space<hbm>>
    tpu.wait_indirect_dma semaphore(%arg11 : memref<!tpu.dma_semaphore, #tpu.memory_space<semaphore_mem>>) src(%dma_wait3A_155 : memref<100000xf32, #tpu.memory_space<hbm>>) dst(%dma_wait3A_150 : memref<128xf32, #tpu.memory_space<vmem>>)
    %dma_wait3A_156 = arith.constant 5 : i32
    %dma_wait3A_157 = arith.constant 0 : i32
    %dma_wait3A_158 = tpu.memref_slice %arg9[%dma_wait3A_156, %dma_wait3A_157] : memref<32x128xf32, #tpu.memory_space<vmem>> -> memref<1x128xf32, #tpu.memory_space<vmem>>
    %dma_wait3A_159 = tpu.memref_squeeze %dma_wait3A_158 : memref<1x128xf32, #tpu.memory_space<vmem>> -> memref<128xf32, #tpu.memory_space<vmem>>
    %dma_wait3A_160 = arith.constant 0 : i32
    %dma_wait3A_161 = tpu.memref_slice %arg8[%add3A_76, %dma_wait3A_160] : memref<128x128xi32, #tpu.memory_space<vmem>> -> memref<1x128xi32, #tpu.memory_space<vmem>>
    %dma_wait3A_162 = tpu.memref_squeeze %dma_wait3A_161 : memref<1x128xi32, #tpu.memory_space<vmem>> -> memref<128xi32, #tpu.memory_space<vmem>>
    %dma_wait3A_163 = arith.constant 0 : i32
    %dma_wait3A_164 = tpu.memref_slice %arg4[%dma_wait3A_163] : memref<100000xf32, #tpu.memory_space<hbm>> -> memref<100000xf32, #tpu.memory_space<hbm>>
    tpu.wait_indirect_dma semaphore(%arg11 : memref<!tpu.dma_semaphore, #tpu.memory_space<semaphore_mem>>) src(%dma_wait3A_164 : memref<100000xf32, #tpu.memory_space<hbm>>) dst(%dma_wait3A_159 : memref<128xf32, #tpu.memory_space<vmem>>)
    %dma_wait3A_165 = arith.constant 6 : i32
    %dma_wait3A_166 = arith.constant 0 : i32
    %dma_wait3A_167 = tpu.memref_slice %arg9[%dma_wait3A_165, %dma_wait3A_166] : memref<32x128xf32, #tpu.memory_space<vmem>> -> memref<1x128xf32, #tpu.memory_space<vmem>>
    %dma_wait3A_168 = tpu.memref_squeeze %dma_wait3A_167 : memref<1x128xf32, #tpu.memory_space<vmem>> -> memref<128xf32, #tpu.memory_space<vmem>>
    %dma_wait3A_169 = arith.constant 0 : i32
    %dma_wait3A_170 = tpu.memref_slice %arg8[%add3A_89, %dma_wait3A_169] : memref<128x128xi32, #tpu.memory_space<vmem>> -> memref<1x128xi32, #tpu.memory_space<vmem>>
    %dma_wait3A_171 = tpu.memref_squeeze %dma_wait3A_170 : memref<1x128xi32, #tpu.memory_space<vmem>> -> memref<128xi32, #tpu.memory_space<vmem>>
    %dma_wait3A_172 = arith.constant 0 : i32
    %dma_wait3A_173 = tpu.memref_slice %arg4[%dma_wait3A_172] : memref<100000xf32, #tpu.memory_space<hbm>> -> memref<100000xf32, #tpu.memory_space<hbm>>
    tpu.wait_indirect_dma semaphore(%arg11 : memref<!tpu.dma_semaphore, #tpu.memory_space<semaphore_mem>>) src(%dma_wait3A_173 : memref<100000xf32, #tpu.memory_space<hbm>>) dst(%dma_wait3A_168 : memref<128xf32, #tpu.memory_space<vmem>>)
    %dma_wait3A_174 = arith.constant 7 : i32
    %dma_wait3A_175 = arith.constant 0 : i32
    %dma_wait3A_176 = tpu.memref_slice %arg9[%dma_wait3A_174, %dma_wait3A_175] : memref<32x128xf32, #tpu.memory_space<vmem>> -> memref<1x128xf32, #tpu.memory_space<vmem>>
    %dma_wait3A_177 = tpu.memref_squeeze %dma_wait3A_176 : memref<1x128xf32, #tpu.memory_space<vmem>> -> memref<128xf32, #tpu.memory_space<vmem>>
    %dma_wait3A_178 = arith.constant 0 : i32
    %dma_wait3A_179 = tpu.memref_slice %arg8[%add3A_102, %dma_wait3A_178] : memref<128x128xi32, #tpu.memory_space<vmem>> -> memref<1x128xi32, #tpu.memory_space<vmem>>
    %dma_wait3A_180 = tpu.memref_squeeze %dma_wait3A_179 : memref<1x128xi32, #tpu.memory_space<vmem>> -> memref<128xi32, #tpu.memory_space<vmem>>
    %dma_wait3A_181 = arith.constant 0 : i32
    %dma_wait3A_182 = tpu.memref_slice %arg4[%dma_wait3A_181] : memref<100000xf32, #tpu.memory_space<hbm>> -> memref<100000xf32, #tpu.memory_space<hbm>>
    tpu.wait_indirect_dma semaphore(%arg11 : memref<!tpu.dma_semaphore, #tpu.memory_space<semaphore_mem>>) src(%dma_wait3A_182 : memref<100000xf32, #tpu.memory_space<hbm>>) dst(%dma_wait3A_177 : memref<128xf32, #tpu.memory_space<vmem>>)
    %get3A = arith.constant 0 : i32
    %get3A_183 = arith.index_cast %get3A : i32 to index
    %get3A_184 = arith.constant 0 : index
    %get3A_185 = tpu.vector_load %arg9[%get3A_183, %get3A_184] {strides = array<i32>} : memref<32x128xf32, #tpu.memory_space<vmem>>, vector<16xf32>,
    %mul3A_186 = arith.constant -0.0100503359 : f32
    %mul3A_187 = vector.broadcast %mul3A_186 : f32 to vector<16xf32>
    %mul3A_188 = arith.mulf %get3A_185, %mul3A_187 : vector<16xf32>
    %exp3A = math.exp %mul3A_188 : vector<16xf32>
    %sub3A = arith.constant 1.00000095 : f32
    %sub3A_189 = vector.broadcast %sub3A : f32 to vector<16xf32>
    %sub3A_190 = arith.subf %sub3A_189, %exp3A : vector<16xf32>
    %div3A = arith.constant 1.000000e+00 : f32
    %div3A_191 = vector.broadcast %div3A : f32 to vector<16xf32>
    %div3A_192 = arith.divf %div3A_191, %sub3A_190 : vector<16xf32>
    %swap3A = arith.constant 8 : i32
    %swap3A_193 = arith.index_cast %swap3A : i32 to index
    %swap3A_194 = arith.constant 0 : index
    %swap3A_195 = tpu.vector_load %arg9[%swap3A_193, %swap3A_194] {strides = array<i32>} : memref<32x128xf32, #tpu.memory_space<vmem>>, vector<16xf32>,
    tpu.vector_store %arg9[%swap3A_193, %swap3A_194], %div3A_192 {strides = array<i32>} : memref<32x128xf32, #tpu.memory_space<vmem>>, vector<16xf32>,
    %get3A_196 = arith.constant 0 : i32
    %get3A_197 = arith.index_cast %get3A_196 : i32 to index
    %get3A_198 = arith.constant 16 : index
    %get3A_199 = tpu.vector_load %arg9[%get3A_197, %get3A_198] {strides = array<i32>} : memref<32x128xf32, #tpu.memory_space<vmem>>, vector<16xf32>,
    %mul3A_200 = arith.constant -0.0100503359 : f32
    %mul3A_201 = vector.broadcast %mul3A_200 : f32 to vector<16xf32>
    %mul3A_202 = arith.mulf %get3A_199, %mul3A_201 : vector<16xf32>
    %exp3A_203 = math.exp %mul3A_202 : vector<16xf32>
    %sub3A_204 = arith.constant 1.00000095 : f32
    %sub3A_205 = vector.broadcast %sub3A_204 : f32 to vector<16xf32>
    %sub3A_206 = arith.subf %sub3A_205, %exp3A_203 : vector<16xf32>
    %div3A_207 = arith.constant 1.000000e+00 : f32
    %div3A_208 = vector.broadcast %div3A_207 : f32 to vector<16xf32>
    %div3A_209 = arith.divf %div3A_208, %sub3A_206 : vector<16xf32>
    %swap3A_210 = arith.constant 8 : i32
    %swap3A_211 = arith.index_cast %swap3A_210 : i32 to index
    %swap3A_212 = arith.constant 16 : index
    %swap3A_213 = tpu.vector_load %arg9[%swap3A_211, %swap3A_212] {strides = array<i32>} : memref<32x128xf32, #tpu.memory_space<vmem>>, vector<16xf32>,
    tpu.vector_store %arg9[%swap3A_211, %swap3A_212], %div3A_209 {strides = array<i32>} : memref<32x128xf32, #tpu.memory_space<vmem>>, vector<16xf32>,
    %get3A_214 = arith.constant 0 : i32
    %get3A_215 = arith.index_cast %get3A_214 : i32 to index
    %get3A_216 = arith.constant 32 : index
    %get3A_217 = tpu.vector_load %arg9[%get3A_215, %get3A_216] {strides = array<i32>} : memref<32x128xf32, #tpu.memory_space<vmem>>, vector<16xf32>,
    %mul3A_218 = arith.constant -0.0100503359 : f32
    %mul3A_219 = vector.broadcast %mul3A_218 : f32 to vector<16xf32>
    %mul3A_220 = arith.mulf %get3A_217, %mul3A_219 : vector<16xf32>
    %exp3A_221 = math.exp %mul3A_220 : vector<16xf32>
    %sub3A_222 = arith.constant 1.00000095 : f32
    %sub3A_223 = vector.broadcast %sub3A_222 : f32 to vector<16xf32>
    %sub3A_224 = arith.subf %sub3A_223, %exp3A_221 : vector<16xf32>
    %div3A_225 = arith.constant 1.000000e+00 : f32
    %div3A_226 = vector.broadcast %div3A_225 : f32 to vector<16xf32>
    %div3A_227 = arith.divf %div3A_226, %sub3A_224 : vector<16xf32>
    %swap3A_228 = arith.constant 8 : i32
    %swap3A_229 = arith.index_cast %swap3A_228 : i32 to index
    %swap3A_230 = arith.constant 32 : index
    %swap3A_231 = tpu.vector_load %arg9[%swap3A_229, %swap3A_230] {strides = array<i32>} : memref<32x128xf32, #tpu.memory_space<vmem>>, vector<16xf32>,
    tpu.vector_store %arg9[%swap3A_229, %swap3A_230], %div3A_227 {strides = array<i32>} : memref<32x128xf32, #tpu.memory_space<vmem>>, vector<16xf32>,
    %get3A_232 = arith.constant 0 : i32
    %get3A_233 = arith.index_cast %get3A_232 : i32 to index
    %get3A_234 = arith.constant 48 : index
    %get3A_235 = tpu.vector_load %arg9[%get3A_233, %get3A_234] {strides = array<i32>} : memref<32x128xf32, #tpu.memory_space<vmem>>, vector<16xf32>,
    %mul3A_236 = arith.constant -0.0100503359 : f32
    %mul3A_237 = vector.broadcast %mul3A_236 : f32 to vector<16xf32>
    %mul3A_238 = arith.mulf %get3A_235, %mul3A_237 : vector<16xf32>
    %exp3A_239 = math.exp %mul3A_238 : vector<16xf32>
    %sub3A_240 = arith.constant 1.00000095 : f32
    %sub3A_241 = vector.broadcast %sub3A_240 : f32 to vector<16xf32>
    %sub3A_242 = arith.subf %sub3A_241, %exp3A_239 : vector<16xf32>
    %div3A_243 = arith.constant 1.000000e+00 : f32
    %div3A_244 = vector.broadcast %div3A_243 : f32 to vector<16xf32>
    %div3A_245 = arith.divf %div3A_244, %sub3A_242 : vector<16xf32>
    %swap3A_246 = arith.constant 8 : i32
    %swap3A_247 = arith.index_cast %swap3A_246 : i32 to index
    %swap3A_248 = arith.constant 48 : index
    %swap3A_249 = tpu.vector_load %arg9[%swap3A_247, %swap3A_248] {strides = array<i32>} : memref<32x128xf32, #tpu.memory_space<vmem>>, vector<16xf32>,
    tpu.vector_store %arg9[%swap3A_247, %swap3A_248], %div3A_245 {strides = array<i32>} : memref<32x128xf32, #tpu.memory_space<vmem>>, vector<16xf32>,
    %get3A_250 = arith.constant 0 : i32
    %get3A_251 = arith.index_cast %get3A_250 : i32 to index
    %get3A_252 = arith.constant 64 : index
    %get3A_253 = tpu.vector_load %arg9[%get3A_251, %get3A_252] {strides = array<i32>} : memref<32x128xf32, #tpu.memory_space<vmem>>, vector<16xf32>,
    %mul3A_254 = arith.constant -0.0100503359 : f32
    %mul3A_255 = vector.broadcast %mul3A_254 : f32 to vector<16xf32>
    %mul3A_256 = arith.mulf %get3A_253, %mul3A_255 : vector<16xf32>
    %exp3A_257 = math.exp %mul3A_256 : vector<16xf32>
    %sub3A_258 = arith.constant 1.00000095 : f32
    %sub3A_259 = vector.broadcast %sub3A_258 : f32 to vector<16xf32>
    %sub3A_260 = arith.subf %sub3A_259, %exp3A_257 : vector<16xf32>
    %div3A_261 = arith.constant 1.000000e+00 : f32
    %div3A_262 = vector.broadcast %div3A_261 : f32 to vector<16xf32>
    %div3A_263 = arith.divf %div3A_262, %sub3A_260 : vector<16xf32>
    %swap3A_264 = arith.constant 8 : i32
    %swap3A_265 = arith.index_cast %swap3A_264 : i32 to index
    %swap3A_266 = arith.constant 64 : index
    %swap3A_267 = tpu.vector_load %arg9[%swap3A_265, %swap3A_266] {strides = array<i32>} : memref<32x128xf32, #tpu.memory_space<vmem>>, vector<16xf32>,
    tpu.vector_store %arg9[%swap3A_265, %swap3A_266], %div3A_263 {strides = array<i32>} : memref<32x128xf32, #tpu.memory_space<vmem>>, vector<16xf32>,
    %get3A_268 = arith.constant 0 : i32
    %get3A_269 = arith.index_cast %get3A_268 : i32 to index
    %get3A_270 = arith.constant 80 : index
    %get3A_271 = tpu.vector_load %arg9[%get3A_269, %get3A_270] {strides = array<i32>} : memref<32x128xf32, #tpu.memory_space<vmem>>, vector<16xf32>,
    %mul3A_272 = arith.constant -0.0100503359 : f32
    %mul3A_273 = vector.broadcast %mul3A_272 : f32 to vector<16xf32>
    %mul3A_274 = arith.mulf %get3A_271, %mul3A_273 : vector<16xf32>
    %exp3A_275 = math.exp %mul3A_274 : vector<16xf32>
    %sub3A_276 = arith.constant 1.00000095 : f32
    %sub3A_277 = vector.broadcast %sub3A_276 : f32 to vector<16xf32>
    %sub3A_278 = arith.subf %sub3A_277, %exp3A_275 : vector<16xf32>
    %div3A_279 = arith.constant 1.000000e+00 : f32
    %div3A_280 = vector.broadcast %div3A_279 : f32 to vector<16xf32>
    %div3A_281 = arith.divf %div3A_280, %sub3A_278 : vector<16xf32>
    %swap3A_282 = arith.constant 8 : i32
    %swap3A_283 = arith.index_cast %swap3A_282 : i32 to index
    %swap3A_284 = arith.constant 80 : index
    %swap3A_285 = tpu.vector_load %arg9[%swap3A_283, %swap3A_284] {strides = array<i32>} : memref<32x128xf32, #tpu.memory_space<vmem>>, vector<16xf32>,
    tpu.vector_store %arg9[%swap3A_283, %swap3A_284], %div3A_281 {strides = array<i32>} : memref<32x128xf32, #tpu.memory_space<vmem>>, vector<16xf32>,
    %get3A_286 = arith.constant 0 : i32
    %get3A_287 = arith.index_cast %get3A_286 : i32 to index
    %get3A_288 = arith.constant 96 : index
    %get3A_289 = tpu.vector_load %arg9[%get3A_287, %get3A_288] {strides = array<i32>} : memref<32x128xf32, #tpu.memory_space<vmem>>, vector<16xf32>,
    %mul3A_290 = arith.constant -0.0100503359 : f32
    %mul3A_291 = vector.broadcast %mul3A_290 : f32 to vector<16xf32>
    %mul3A_292 = arith.mulf %get3A_289, %mul3A_291 : vector<16xf32>
    %exp3A_293 = math.exp %mul3A_292 : vector<16xf32>
    %sub3A_294 = arith.constant 1.00000095 : f32
    %sub3A_295 = vector.broadcast %sub3A_294 : f32 to vector<16xf32>
    %sub3A_296 = arith.subf %sub3A_295, %exp3A_293 : vector<16xf32>
    %div3A_297 = arith.constant 1.000000e+00 : f32
    %div3A_298 = vector.broadcast %div3A_297 : f32 to vector<16xf32>
    %div3A_299 = arith.divf %div3A_298, %sub3A_296 : vector<16xf32>
    %swap3A_300 = arith.constant 8 : i32
    %swap3A_301 = arith.index_cast %swap3A_300 : i32 to index
    %swap3A_302 = arith.constant 96 : index
    %swap3A_303 = tpu.vector_load %arg9[%swap3A_301, %swap3A_302] {strides = array<i32>} : memref<32x128xf32, #tpu.memory_space<vmem>>, vector<16xf32>,
    tpu.vector_store %arg9[%swap3A_301, %swap3A_302], %div3A_299 {strides = array<i32>} : memref<32x128xf32, #tpu.memory_space<vmem>>, vector<16xf32>,
    %get3A_304 = arith.constant 0 : i32
    %get3A_305 = arith.index_cast %get3A_304 : i32 to index
    %get3A_306 = arith.constant 112 : index
    %get3A_307 = tpu.vector_load %arg9[%get3A_305, %get3A_306] {strides = array<i32>} : memref<32x128xf32, #tpu.memory_space<vmem>>, vector<16xf32>,
    %mul3A_308 = arith.constant -0.0100503359 : f32
    %mul3A_309 = vector.broadcast %mul3A_308 : f32 to vector<16xf32>
    %mul3A_310 = arith.mulf %get3A_307, %mul3A_309 : vector<16xf32>
    %exp3A_311 = math.exp %mul3A_310 : vector<16xf32>
    %sub3A_312 = arith.constant 1.00000095 : f32
    %sub3A_313 = vector.broadcast %sub3A_312 : f32 to vector<16xf32>
    %sub3A_314 = arith.subf %sub3A_313, %exp3A_311 : vector<16xf32>
    %div3A_315 = arith.constant 1.000000e+00 : f32
    %div3A_316 = vector.broadcast %div3A_315 : f32 to vector<16xf32>
    %div3A_317 = arith.divf %div3A_316, %sub3A_314 : vector<16xf32>
    %swap3A_318 = arith.constant 8 : i32
    %swap3A_319 = arith.index_cast %swap3A_318 : i32 to index
    %swap3A_320 = arith.constant 112 : index
    %swap3A_321 = tpu.vector_load %arg9[%swap3A_319, %swap3A_320] {strides = array<i32>} : memref<32x128xf32, #tpu.memory_space<vmem>>, vector<16xf32>,
    tpu.vector_store %arg9[%swap3A_319, %swap3A_320], %div3A_317 {strides = array<i32>} : memref<32x128xf32, #tpu.memory_space<vmem>>, vector<16xf32>,
    %get3A_322 = arith.constant 1 : i32
    %get3A_323 = arith.index_cast %get3A_322 : i32 to index
    %get3A_324 = arith.constant 0 : index
    %get3A_325 = tpu.vector_load %arg9[%get3A_323, %get3A_324] {strides = array<i32>} : memref<32x128xf32, #tpu.memory_space<vmem>>, vector<16xf32>,
    %mul3A_326 = arith.constant -0.0100503359 : f32
    %mul3A_327 = vector.broadcast %mul3A_326 : f32 to vector<16xf32>
    %mul3A_328 = arith.mulf %get3A_325, %mul3A_327 : vector<16xf32>
    %exp3A_329 = math.exp %mul3A_328 : vector<16xf32>
    %sub3A_330 = arith.constant 1.00000095 : f32
    %sub3A_331 = vector.broadcast %sub3A_330 : f32 to vector<16xf32>
    %sub3A_332 = arith.subf %sub3A_331, %exp3A_329 : vector<16xf32>
    %div3A_333 = arith.constant 1.000000e+00 : f32
    %div3A_334 = vector.broadcast %div3A_333 : f32 to vector<16xf32>
    %div3A_335 = arith.divf %div3A_334, %sub3A_332 : vector<16xf32>
    %swap3A_336 = arith.constant 9 : i32
    %swap3A_337 = arith.index_cast %swap3A_336 : i32 to index
    %swap3A_338 = arith.constant 0 : index
    %swap3A_339 = tpu.vector_load %arg9[%swap3A_337, %swap3A_338] {strides = array<i32>} : memref<32x128xf32, #tpu.memory_space<vmem>>, vector<16xf32>,
    tpu.vector_store %arg9[%swap3A_337, %swap3A_338], %div3A_335 {strides = array<i32>} : memref<32x128xf32, #tpu.memory_space<vmem>>, vector<16xf32>,
    %get3A_340 = arith.constant 1 : i32
    %get3A_341 = arith.index_cast %get3A_340 : i32 to index
    %get3A_342 = arith.constant 16 : index
    %get3A_343 = tpu.vector_load %arg9[%get3A_341, %get3A_342] {strides = array<i32>} : memref<32x128xf32, #tpu.memory_space<vmem>>, vector<16xf32>,
    %mul3A_344 = arith.constant -0.0100503359 : f32
    %mul3A_345 = vector.broadcast %mul3A_344 : f32 to vector<16xf32>
    %mul3A_346 = arith.mulf %get3A_343, %mul3A_345 : vector<16xf32>
    %exp3A_347 = math.exp %mul3A_346 : vector<16xf32>
    %sub3A_348 = arith.constant 1.00000095 : f32
    %sub3A_349 = vector.broadcast %sub3A_348 : f32 to vector<16xf32>
    %sub3A_350 = arith.subf %sub3A_349, %exp3A_347 : vector<16xf32>
    %div3A_351 = arith.constant 1.000000e+00 : f32
    %div3A_352 = vector.broadcast %div3A_351 : f32 to vector<16xf32>
    %div3A_353 = arith.divf %div3A_352, %sub3A_350 : vector<16xf32>
    %swap3A_354 = arith.constant 9 : i32
    %swap3A_355 = arith.index_cast %swap3A_354 : i32 to index
    %swap3A_356 = arith.constant 16 : index
    %swap3A_357 = tpu.vector_load %arg9[%swap3A_355, %swap3A_356] {strides = array<i32>} : memref<32x128xf32, #tpu.memory_space<vmem>>, vector<16xf32>,
    tpu.vector_store %arg9[%swap3A_355, %swap3A_356], %div3A_353 {strides = array<i32>} : memref<32x128xf32, #tpu.memory_space<vmem>>, vector<16xf32>,
    %get3A_358 = arith.constant 1 : i32
    %get3A_359 = arith.index_cast %get3A_358 : i32 to index
    %get3A_360 = arith.constant 32 : index
    %get3A_361 = tpu.vector_load %arg9[%get3A_359, %get3A_360] {strides = array<i32>} : memref<32x128xf32, #tpu.memory_space<vmem>>, vector<16xf32>,
    %mul3A_362 = arith.constant -0.0100503359 : f32
    %mul3A_363 = vector.broadcast %mul3A_362 : f32 to vector<16xf32>
    %mul3A_364 = arith.mulf %get3A_361, %mul3A_363 : vector<16xf32>
    %exp3A_365 = math.exp %mul3A_364 : vector<16xf32>
    %sub3A_366 = arith.constant 1.00000095 : f32
    %sub3A_367 = vector.broadcast %sub3A_366 : f32 to vector<16xf32>
    %sub3A_368 = arith.subf %sub3A_367, %exp3A_365 : vector<16xf32>
    %div3A_369 = arith.constant 1.000000e+00 : f32
    %div3A_370 = vector.broadcast %div3A_369 : f32 to vector<16xf32>
    %div3A_371 = arith.divf %div3A_370, %sub3A_368 : vector<16xf32>
    %swap3A_372 = arith.constant 9 : i32
    %swap3A_373 = arith.index_cast %swap3A_372 : i32 to index
    %swap3A_374 = arith.constant 32 : index
    %swap3A_375 = tpu.vector_load %arg9[%swap3A_373, %swap3A_374] {strides = array<i32>} : memref<32x128xf32, #tpu.memory_space<vmem>>, vector<16xf32>,
    tpu.vector_store %arg9[%swap3A_373, %swap3A_374], %div3A_371 {strides = array<i32>} : memref<32x128xf32, #tpu.memory_space<vmem>>, vector<16xf32>,
    %get3A_376 = arith.constant 1 : i32
    %get3A_377 = arith.index_cast %get3A_376 : i32 to index
    %get3A_378 = arith.constant 48 : index
    %get3A_379 = tpu.vector_load %arg9[%get3A_377, %get3A_378] {strides = array<i32>} : memref<32x128xf32, #tpu.memory_space<vmem>>, vector<16xf32>,
    %mul3A_380 = arith.constant -0.0100503359 : f32
    %mul3A_381 = vector.broadcast %mul3A_380 : f32 to vector<16xf32>
    %mul3A_382 = arith.mulf %get3A_379, %mul3A_381 : vector<16xf32>
    %exp3A_383 = math.exp %mul3A_382 : vector<16xf32>
    %sub3A_384 = arith.constant 1.00000095 : f32
    %sub3A_385 = vector.broadcast %sub3A_384 : f32 to vector<16xf32>
    %sub3A_386 = arith.subf %sub3A_385, %exp3A_383 : vector<16xf32>
    %div3A_387 = arith.constant 1.000000e+00 : f32
    %div3A_388 = vector.broadcast %div3A_387 : f32 to vector<16xf32>
    %div3A_389 = arith.divf %div3A_388, %sub3A_386 : vector<16xf32>
    %swap3A_390 = arith.constant 9 : i32
    %swap3A_391 = arith.index_cast %swap3A_390 : i32 to index
    %swap3A_392 = arith.constant 48 : index
    %swap3A_393 = tpu.vector_load %arg9[%swap3A_391, %swap3A_392] {strides = array<i32>} : memref<32x128xf32, #tpu.memory_space<vmem>>, vector<16xf32>,
    tpu.vector_store %arg9[%swap3A_391, %swap3A_392], %div3A_389 {strides = array<i32>} : memref<32x128xf32, #tpu.memory_space<vmem>>, vector<16xf32>,
    %get3A_394 = arith.constant 1 : i32
    %get3A_395 = arith.index_cast %get3A_394 : i32 to index
    %get3A_396 = arith.constant 64 : index
    %get3A_397 = tpu.vector_load %arg9[%get3A_395, %get3A_396] {strides = array<i32>} : memref<32x128xf32, #tpu.memory_space<vmem>>, vector<16xf32>,
    %mul3A_398 = arith.constant -0.0100503359 : f32
    %mul3A_399 = vector.broadcast %mul3A_398 : f32 to vector<16xf32>
    %mul3A_400 = arith.mulf %get3A_397, %mul3A_399 : vector<16xf32>
    %exp3A_401 = math.exp %mul3A_400 : vector<16xf32>
    %sub3A_402 = arith.constant 1.00000095 : f32
    %sub3A_403 = vector.broadcast %sub3A_402 : f32 to vector<16xf32>
    %sub3A_404 = arith.subf %sub3A_403, %exp3A_401 : vector<16xf32>
    %div3A_405 = arith.constant 1.000000e+00 : f32
    %div3A_406 = vector.broadcast %div3A_405 : f32 to vector<16xf32>
    %div3A_407 = arith.divf %div3A_406, %sub3A_404 : vector<16xf32>
    %swap3A_408 = arith.constant 9 : i32
    %swap3A_409 = arith.index_cast %swap3A_408 : i32 to index
    %swap3A_410 = arith.constant 64 : index
    %swap3A_411 = tpu.vector_load %arg9[%swap3A_409, %swap3A_410] {strides = array<i32>} : memref<32x128xf32, #tpu.memory_space<vmem>>, vector<16xf32>,
    tpu.vector_store %arg9[%swap3A_409, %swap3A_410], %div3A_407 {strides = array<i32>} : memref<32x128xf32, #tpu.memory_space<vmem>>, vector<16xf32>,
    %get3A_412 = arith.constant 1 : i32
    %get3A_413 = arith.index_cast %get3A_412 : i32 to index
    %get3A_414 = arith.constant 80 : index
    %get3A_415 = tpu.vector_load %arg9[%get3A_413, %get3A_414] {strides = array<i32>} : memref<32x128xf32, #tpu.memory_space<vmem>>, vector<16xf32>,
    %mul3A_416 = arith.constant -0.0100503359 : f32
    %mul3A_417 = vector.broadcast %mul3A_416 : f32 to vector<16xf32>
    %mul3A_418 = arith.mulf %get3A_415, %mul3A_417 : vector<16xf32>
    %exp3A_419 = math.exp %mul3A_418 : vector<16xf32>
    %sub3A_420 = arith.constant 1.00000095 : f32
    %sub3A_421 = vector.broadcast %sub3A_420 : f32 to vector<16xf32>
    %sub3A_422 = arith.subf %sub3A_421, %exp3A_419 : vector<16xf32>
    %div3A_423 = arith.constant 1.000000e+00 : f32
    %div3A_424 = vector.broadcast %div3A_423 : f32 to vector<16xf32>
    %div3A_425 = arith.divf %div3A_424, %sub3A_422 : vector<16xf32>
    %swap3A_426 = arith.constant 9 : i32
    %swap3A_427 = arith.index_cast %swap3A_426 : i32 to index
    %swap3A_428 = arith.constant 80 : index
    %swap3A_429 = tpu.vector_load %arg9[%swap3A_427, %swap3A_428] {strides = array<i32>} : memref<32x128xf32, #tpu.memory_space<vmem>>, vector<16xf32>,
    tpu.vector_store %arg9[%swap3A_427, %swap3A_428], %div3A_425 {strides = array<i32>} : memref<32x128xf32, #tpu.memory_space<vmem>>, vector<16xf32>,
    %get3A_430 = arith.constant 1 : i32
    %get3A_431 = arith.index_cast %get3A_430 : i32 to index
    %get3A_432 = arith.constant 96 : index
    %get3A_433 = tpu.vector_load %arg9[%get3A_431, %get3A_432] {strides = array<i32>} : memref<32x128xf32, #tpu.memory_space<vmem>>, vector<16xf32>,
    %mul3A_434 = arith.constant -0.0100503359 : f32
    %mul3A_435 = vector.broadcast %mul3A_434 : f32 to vector<16xf32>
    %mul3A_436 = arith.mulf %get3A_433, %mul3A_435 : vector<16xf32>
    %exp3A_437 = math.exp %mul3A_436 : vector<16xf32>
    %sub3A_438 = arith.constant 1.00000095 : f32
    %sub3A_439 = vector.broadcast %sub3A_438 : f32 to vector<16xf32>
    %sub3A_440 = arith.subf %sub3A_439, %exp3A_437 : vector<16xf32>
    %div3A_441 = arith.constant 1.000000e+00 : f32
    %div3A_442 = vector.broadcast %div3A_441 : f32 to vector<16xf32>
    %div3A_443 = arith.divf %div3A_442, %sub3A_440 : vector<16xf32>
    %swap3A_444 = arith.constant 9 : i32
    %swap3A_445 = arith.index_cast %swap3A_444 : i32 to index
    %swap3A_446 = arith.constant 96 : index
    %swap3A_447 = tpu.vector_load %arg9[%swap3A_445, %swap3A_446] {strides = array<i32>} : memref<32x128xf32, #tpu.memory_space<vmem>>, vector<16xf32>,
    tpu.vector_store %arg9[%swap3A_445, %swap3A_446], %div3A_443 {strides = array<i32>} : memref<32x128xf32, #tpu.memory_space<vmem>>, vector<16xf32>,
    %get3A_448 = arith.constant 1 : i32
    %get3A_449 = arith.index_cast %get3A_448 : i32 to index
    %get3A_450 = arith.constant 112 : index
    %get3A_451 = tpu.vector_load %arg9[%get3A_449, %get3A_450] {strides = array<i32>} : memref<32x128xf32, #tpu.memory_space<vmem>>, vector<16xf32>,
    %mul3A_452 = arith.constant -0.0100503359 : f32
    %mul3A_453 = vector.broadcast %mul3A_452 : f32 to vector<16xf32>
    %mul3A_454 = arith.mulf %get3A_451, %mul3A_453 : vector<16xf32>
    %exp3A_455 = math.exp %mul3A_454 : vector<16xf32>
    %sub3A_456 = arith.constant 1.00000095 : f32
    %sub3A_457 = vector.broadcast %sub3A_456 : f32 to vector<16xf32>
    %sub3A_458 = arith.subf %sub3A_457, %exp3A_455 : vector<16xf32>
    %div3A_459 = arith.constant 1.000000e+00 : f32
    %div3A_460 = vector.broadcast %div3A_459 : f32 to vector<16xf32>
    %div3A_461 = arith.divf %div3A_460, %sub3A_458 : vector<16xf32>
    %swap3A_462 = arith.constant 9 : i32
    %swap3A_463 = arith.index_cast %swap3A_462 : i32 to index
    %swap3A_464 = arith.constant 112 : index
    %swap3A_465 = tpu.vector_load %arg9[%swap3A_463, %swap3A_464] {strides = array<i32>} : memref<32x128xf32, #tpu.memory_space<vmem>>, vector<16xf32>,
    tpu.vector_store %arg9[%swap3A_463, %swap3A_464], %div3A_461 {strides = array<i32>} : memref<32x128xf32, #tpu.memory_space<vmem>>, vector<16xf32>,
    %get3A_466 = arith.constant 2 : i32
    %get3A_467 = arith.index_cast %get3A_466 : i32 to index
    %get3A_468 = arith.constant 0 : index
    %get3A_469 = tpu.vector_load %arg9[%get3A_467, %get3A_468] {strides = array<i32>} : memref<32x128xf32, #tpu.memory_space<vmem>>, vector<16xf32>,
    %mul3A_470 = arith.constant -0.0100503359 : f32
    %mul3A_471 = vector.broadcast %mul3A_470 : f32 to vector<16xf32>
    %mul3A_472 = arith.mulf %get3A_469, %mul3A_471 : vector<16xf32>
    %exp3A_473 = math.exp %mul3A_472 : vector<16xf32>
    %sub3A_474 = arith.constant 1.00000095 : f32
    %sub3A_475 = vector.broadcast %sub3A_474 : f32 to vector<16xf32>
    %sub3A_476 = arith.subf %sub3A_475, %exp3A_473 : vector<16xf32>
    %div3A_477 = arith.constant 1.000000e+00 : f32
    %div3A_478 = vector.broadcast %div3A_477 : f32 to vector<16xf32>
    %div3A_479 = arith.divf %div3A_478, %sub3A_476 : vector<16xf32>
    %swap3A_480 = arith.constant 10 : i32
    %swap3A_481 = arith.index_cast %swap3A_480 : i32 to index
    %swap3A_482 = arith.constant 0 : index
    %swap3A_483 = tpu.vector_load %arg9[%swap3A_481, %swap3A_482] {strides = array<i32>} : memref<32x128xf32, #tpu.memory_space<vmem>>, vector<16xf32>,
    tpu.vector_store %arg9[%swap3A_481, %swap3A_482], %div3A_479 {strides = array<i32>} : memref<32x128xf32, #tpu.memory_space<vmem>>, vector<16xf32>,
    %get3A_484 = arith.constant 2 : i32
    %get3A_485 = arith.index_cast %get3A_484 : i32 to index
    %get3A_486 = arith.constant 16 : index
    %get3A_487 = tpu.vector_load %arg9[%get3A_485, %get3A_486] {strides = array<i32>} : memref<32x128xf32, #tpu.memory_space<vmem>>, vector<16xf32>,
    %mul3A_488 = arith.constant -0.0100503359 : f32
    %mul3A_489 = vector.broadcast %mul3A_488 : f32 to vector<16xf32>
    %mul3A_490 = arith.mulf %get3A_487, %mul3A_489 : vector<16xf32>
    %exp3A_491 = math.exp %mul3A_490 : vector<16xf32>
    %sub3A_492 = arith.constant 1.00000095 : f32
    %sub3A_493 = vector.broadcast %sub3A_492 : f32 to vector<16xf32>
    %sub3A_494 = arith.subf %sub3A_493, %exp3A_491 : vector<16xf32>
    %div3A_495 = arith.constant 1.000000e+00 : f32
    %div3A_496 = vector.broadcast %div3A_495 : f32 to vector<16xf32>
    %div3A_497 = arith.divf %div3A_496, %sub3A_494 : vector<16xf32>
    %swap3A_498 = arith.constant 10 : i32
    %swap3A_499 = arith.index_cast %swap3A_498 : i32 to index
    %swap3A_500 = arith.constant 16 : index
    %swap3A_501 = tpu.vector_load %arg9[%swap3A_499, %swap3A_500] {strides = array<i32>} : memref<32x128xf32, #tpu.memory_space<vmem>>, vector<16xf32>,
    tpu.vector_store %arg9[%swap3A_499, %swap3A_500], %div3A_497 {strides = array<i32>} : memref<32x128xf32, #tpu.memory_space<vmem>>, vector<16xf32>,
    %get3A_502 = arith.constant 2 : i32
    %get3A_503 = arith.index_cast %get3A_502 : i32 to index
    %get3A_504 = arith.constant 32 : index
    %get3A_505 = tpu.vector_load %arg9[%get3A_503, %get3A_504] {strides = array<i32>} : memref<32x128xf32, #tpu.memory_space<vmem>>, vector<16xf32>,
    %mul3A_506 = arith.constant -0.0100503359 : f32
    %mul3A_507 = vector.broadcast %mul3A_506 : f32 to vector<16xf32>
    %mul3A_508 = arith.mulf %get3A_505, %mul3A_507 : vector<16xf32>
    %exp3A_509 = math.exp %mul3A_508 : vector<16xf32>
    %sub3A_510 = arith.constant 1.00000095 : f32
    %sub3A_511 = vector.broadcast %sub3A_510 : f32 to vector<16xf32>
    %sub3A_512 = arith.subf %sub3A_511, %exp3A_509 : vector<16xf32>
    %div3A_513 = arith.constant 1.000000e+00 : f32
    %div3A_514 = vector.broadcast %div3A_513 : f32 to vector<16xf32>
    %div3A_515 = arith.divf %div3A_514, %sub3A_512 : vector<16xf32>
    %swap3A_516 = arith.constant 10 : i32
    %swap3A_517 = arith.index_cast %swap3A_516 : i32 to index
    %swap3A_518 = arith.constant 32 : index
    %swap3A_519 = tpu.vector_load %arg9[%swap3A_517, %swap3A_518] {strides = array<i32>} : memref<32x128xf32, #tpu.memory_space<vmem>>, vector<16xf32>,
    tpu.vector_store %arg9[%swap3A_517, %swap3A_518], %div3A_515 {strides = array<i32>} : memref<32x128xf32, #tpu.memory_space<vmem>>, vector<16xf32>,
    %get3A_520 = arith.constant 2 : i32
    %get3A_521 = arith.index_cast %get3A_520 : i32 to index
    %get3A_522 = arith.constant 48 : index
    %get3A_523 = tpu.vector_load %arg9[%get3A_521, %get3A_522] {strides = array<i32>} : memref<32x128xf32, #tpu.memory_space<vmem>>, vector<16xf32>,
    %mul3A_524 = arith.constant -0.0100503359 : f32
    %mul3A_525 = vector.broadcast %mul3A_524 : f32 to vector<16xf32>
    %mul3A_526 = arith.mulf %get3A_523, %mul3A_525 : vector<16xf32>
    %exp3A_527 = math.exp %mul3A_526 : vector<16xf32>
    %sub3A_528 = arith.constant 1.00000095 : f32
    %sub3A_529 = vector.broadcast %sub3A_528 : f32 to vector<16xf32>
    %sub3A_530 = arith.subf %sub3A_529, %exp3A_527 : vector<16xf32>
    %div3A_531 = arith.constant 1.000000e+00 : f32
    %div3A_532 = vector.broadcast %div3A_531 : f32 to vector<16xf32>
    %div3A_533 = arith.divf %div3A_532, %sub3A_530 : vector<16xf32>
    %swap3A_534 = arith.constant 10 : i32
    %swap3A_535 = arith.index_cast %swap3A_534 : i32 to index
    %swap3A_536 = arith.constant 48 : index
    %swap3A_537 = tpu.vector_load %arg9[%swap3A_535, %swap3A_536] {strides = array<i32>} : memref<32x128xf32, #tpu.memory_space<vmem>>, vector<16xf32>,
    tpu.vector_store %arg9[%swap3A_535, %swap3A_536], %div3A_533 {strides = array<i32>} : memref<32x128xf32, #tpu.memory_space<vmem>>, vector<16xf32>,
    %get3A_538 = arith.constant 2 : i32
    %get3A_539 = arith.index_cast %get3A_538 : i32 to index
    %get3A_540 = arith.constant 64 : index
    %get3A_541 = tpu.vector_load %arg9[%get3A_539, %get3A_540] {strides = array<i32>} : memref<32x128xf32, #tpu.memory_space<vmem>>, vector<16xf32>,
    %mul3A_542 = arith.constant -0.0100503359 : f32
    %mul3A_543 = vector.broadcast %mul3A_542 : f32 to vector<16xf32>
    %mul3A_544 = arith.mulf %get3A_541, %mul3A_543 : vector<16xf32>
    %exp3A_545 = math.exp %mul3A_544 : vector<16xf32>
    %sub3A_546 = arith.constant 1.00000095 : f32
    %sub3A_547 = vector.broadcast %sub3A_546 : f32 to vector<16xf32>
    %sub3A_548 = arith.subf %sub3A_547, %exp3A_545 : vector<16xf32>
    %div3A_549 = arith.constant 1.000000e+00 : f32
    %div3A_550 = vector.broadcast %div3A_549 : f32 to vector<16xf32>
    %div3A_551 = arith.divf %div3A_550, %sub3A_548 : vector<16xf32>
    %swap3A_552 = arith.constant 10 : i32
    %swap3A_553 = arith.index_cast %swap3A_552 : i32 to index
    %swap3A_554 = arith.constant 64 : index
    %swap3A_555 = tpu.vector_load %arg9[%swap3A_553, %swap3A_554] {strides = array<i32>} : memref<32x128xf32, #tpu.memory_space<vmem>>, vector<16xf32>,
    tpu.vector_store %arg9[%swap3A_553, %swap3A_554], %div3A_551 {strides = array<i32>} : memref<32x128xf32, #tpu.memory_space<vmem>>, vector<16xf32>,
    %get3A_556 = arith.constant 2 : i32
    %get3A_557 = arith.index_cast %get3A_556 : i32 to index
    %get3A_558 = arith.constant 80 : index
    %get3A_559 = tpu.vector_load %arg9[%get3A_557, %get3A_558] {strides = array<i32>} : memref<32x128xf32, #tpu.memory_space<vmem>>, vector<16xf32>,
    %mul3A_560 = arith.constant -0.0100503359 : f32
    %mul3A_561 = vector.broadcast %mul3A_560 : f32 to vector<16xf32>
    %mul3A_562 = arith.mulf %get3A_559, %mul3A_561 : vector<16xf32>
    %exp3A_563 = math.exp %mul3A_562 : vector<16xf32>
    %sub3A_564 = arith.constant 1.00000095 : f32
    %sub3A_565 = vector.broadcast %sub3A_564 : f32 to vector<16xf32>
    %sub3A_566 = arith.subf %sub3A_565, %exp3A_563 : vector<16xf32>
    %div3A_567 = arith.constant 1.000000e+00 : f32
    %div3A_568 = vector.broadcast %div3A_567 : f32 to vector<16xf32>
    %div3A_569 = arith.divf %div3A_568, %sub3A_566 : vector<16xf32>
    %swap3A_570 = arith.constant 10 : i32
    %swap3A_571 = arith.index_cast %swap3A_570 : i32 to index
    %swap3A_572 = arith.constant 80 : index
    %swap3A_573 = tpu.vector_load %arg9[%swap3A_571, %swap3A_572] {strides = array<i32>} : memref<32x128xf32, #tpu.memory_space<vmem>>, vector<16xf32>,
    tpu.vector_store %arg9[%swap3A_571, %swap3A_572], %div3A_569 {strides = array<i32>} : memref<32x128xf32, #tpu.memory_space<vmem>>, vector<16xf32>,
    %get3A_574 = arith.constant 2 : i32
    %get3A_575 = arith.index_cast %get3A_574 : i32 to index
    %get3A_576 = arith.constant 96 : index
    %get3A_577 = tpu.vector_load %arg9[%get3A_575, %get3A_576] {strides = array<i32>} : memref<32x128xf32, #tpu.memory_space<vmem>>, vector<16xf32>,
    %mul3A_578 = arith.constant -0.0100503359 : f32
    %mul3A_579 = vector.broadcast %mul3A_578 : f32 to vector<16xf32>
    %mul3A_580 = arith.mulf %get3A_577, %mul3A_579 : vector<16xf32>
    %exp3A_581 = math.exp %mul3A_580 : vector<16xf32>
    %sub3A_582 = arith.constant 1.00000095 : f32
    %sub3A_583 = vector.broadcast %sub3A_582 : f32 to vector<16xf32>
    %sub3A_584 = arith.subf %sub3A_583, %exp3A_581 : vector<16xf32>
    %div3A_585 = arith.constant 1.000000e+00 : f32
    %div3A_586 = vector.broadcast %div3A_585 : f32 to vector<16xf32>
    %div3A_587 = arith.divf %div3A_586, %sub3A_584 : vector<16xf32>
    %swap3A_588 = arith.constant 10 : i32
    %swap3A_589 = arith.index_cast %swap3A_588 : i32 to index
    %swap3A_590 = arith.constant 96 : index
    %swap3A_591 = tpu.vector_load %arg9[%swap3A_589, %swap3A_590] {strides = array<i32>} : memref<32x128xf32, #tpu.memory_space<vmem>>, vector<16xf32>,
    tpu.vector_store %arg9[%swap3A_589, %swap3A_590], %div3A_587 {strides = array<i32>} : memref<32x128xf32, #tpu.memory_space<vmem>>, vector<16xf32>,
    %get3A_592 = arith.constant 2 : i32
    %get3A_593 = arith.index_cast %get3A_592 : i32 to index
    %get3A_594 = arith.constant 112 : index
    %get3A_595 = tpu.vector_load %arg9[%get3A_593, %get3A_594] {strides = array<i32>} : memref<32x128xf32, #tpu.memory_space<vmem>>, vector<16xf32>,
    %mul3A_596 = arith.constant -0.0100503359 : f32
    %mul3A_597 = vector.broadcast %mul3A_596 : f32 to vector<16xf32>
    %mul3A_598 = arith.mulf %get3A_595, %mul3A_597 : vector<16xf32>
    %exp3A_599 = math.exp %mul3A_598 : vector<16xf32>
    %sub3A_600 = arith.constant 1.00000095 : f32
    %sub3A_601 = vector.broadcast %sub3A_600 : f32 to vector<16xf32>
    %sub3A_602 = arith.subf %sub3A_601, %exp3A_599 : vector<16xf32>
    %div3A_603 = arith.constant 1.000000e+00 : f32
    %div3A_604 = vector.broadcast %div3A_603 : f32 to vector<16xf32>
    %div3A_605 = arith.divf %div3A_604, %sub3A_602 : vector<16xf32>
    %swap3A_606 = arith.constant 10 : i32
    %swap3A_607 = arith.index_cast %swap3A_606 : i32 to index
    %swap3A_608 = arith.constant 112 : index
    %swap3A_609 = tpu.vector_load %arg9[%swap3A_607, %swap3A_608] {strides = array<i32>} : memref<32x128xf32, #tpu.memory_space<vmem>>, vector<16xf32>,
    tpu.vector_store %arg9[%swap3A_607, %swap3A_608], %div3A_605 {strides = array<i32>} : memref<32x128xf32, #tpu.memory_space<vmem>>, vector<16xf32>,
    %get3A_610 = arith.constant 3 : i32
    %get3A_611 = arith.index_cast %get3A_610 : i32 to index
    %get3A_612 = arith.constant 0 : index
    %get3A_613 = tpu.vector_load %arg9[%get3A_611, %get3A_612] {strides = array<i32>} : memref<32x128xf32, #tpu.memory_space<vmem>>, vector<16xf32>,
    %mul3A_614 = arith.constant -0.0100503359 : f32
    %mul3A_615 = vector.broadcast %mul3A_614 : f32 to vector<16xf32>
    %mul3A_616 = arith.mulf %get3A_613, %mul3A_615 : vector<16xf32>
    %exp3A_617 = math.exp %mul3A_616 : vector<16xf32>
    %sub3A_618 = arith.constant 1.00000095 : f32
    %sub3A_619 = vector.broadcast %sub3A_618 : f32 to vector<16xf32>
    %sub3A_620 = arith.subf %sub3A_619, %exp3A_617 : vector<16xf32>
    %div3A_621 = arith.constant 1.000000e+00 : f32
    %div3A_622 = vector.broadcast %div3A_621 : f32 to vector<16xf32>
    %div3A_623 = arith.divf %div3A_622, %sub3A_620 : vector<16xf32>
    %swap3A_624 = arith.constant 11 : i32
    %swap3A_625 = arith.index_cast %swap3A_624 : i32 to index
    %swap3A_626 = arith.constant 0 : index
    %swap3A_627 = tpu.vector_load %arg9[%swap3A_625, %swap3A_626] {strides = array<i32>} : memref<32x128xf32, #tpu.memory_space<vmem>>, vector<16xf32>,
    tpu.vector_store %arg9[%swap3A_625, %swap3A_626], %div3A_623 {strides = array<i32>} : memref<32x128xf32, #tpu.memory_space<vmem>>, vector<16xf32>,
    %get3A_628 = arith.constant 3 : i32
    %get3A_629 = arith.index_cast %get3A_628 : i32 to index
    %get3A_630 = arith.constant 16 : index
    %get3A_631 = tpu.vector_load %arg9[%get3A_629, %get3A_630] {strides = array<i32>} : memref<32x128xf32, #tpu.memory_space<vmem>>, vector<16xf32>,
    %mul3A_632 = arith.constant -0.0100503359 : f32
    %mul3A_633 = vector.broadcast %mul3A_632 : f32 to vector<16xf32>
    %mul3A_634 = arith.mulf %get3A_631, %mul3A_633 : vector<16xf32>
    %exp3A_635 = math.exp %mul3A_634 : vector<16xf32>
    %sub3A_636 = arith.constant 1.00000095 : f32
    %sub3A_637 = vector.broadcast %sub3A_636 : f32 to vector<16xf32>
    %sub3A_638 = arith.subf %sub3A_637, %exp3A_635 : vector<16xf32>
    %div3A_639 = arith.constant 1.000000e+00 : f32
    %div3A_640 = vector.broadcast %div3A_639 : f32 to vector<16xf32>
    %div3A_641 = arith.divf %div3A_640, %sub3A_638 : vector<16xf32>
    %swap3A_642 = arith.constant 11 : i32
    %swap3A_643 = arith.index_cast %swap3A_642 : i32 to index
    %swap3A_644 = arith.constant 16 : index
    %swap3A_645 = tpu.vector_load %arg9[%swap3A_643, %swap3A_644] {strides = array<i32>} : memref<32x128xf32, #tpu.memory_space<vmem>>, vector<16xf32>,
    tpu.vector_store %arg9[%swap3A_643, %swap3A_644], %div3A_641 {strides = array<i32>} : memref<32x128xf32, #tpu.memory_space<vmem>>, vector<16xf32>,
    %get3A_646 = arith.constant 3 : i32
    %get3A_647 = arith.index_cast %get3A_646 : i32 to index
    %get3A_648 = arith.constant 32 : index
    %get3A_649 = tpu.vector_load %arg9[%get3A_647, %get3A_648] {strides = array<i32>} : memref<32x128xf32, #tpu.memory_space<vmem>>, vector<16xf32>,
    %mul3A_650 = arith.constant -0.0100503359 : f32
    %mul3A_651 = vector.broadcast %mul3A_650 : f32 to vector<16xf32>
    %mul3A_652 = arith.mulf %get3A_649, %mul3A_651 : vector<16xf32>
    %exp3A_653 = math.exp %mul3A_652 : vector<16xf32>
    %sub3A_654 = arith.constant 1.00000095 : f32
    %sub3A_655 = vector.broadcast %sub3A_654 : f32 to vector<16xf32>
    %sub3A_656 = arith.subf %sub3A_655, %exp3A_653 : vector<16xf32>
    %div3A_657 = arith.constant 1.000000e+00 : f32
    %div3A_658 = vector.broadcast %div3A_657 : f32 to vector<16xf32>
    %div3A_659 = arith.divf %div3A_658, %sub3A_656 : vector<16xf32>
    %swap3A_660 = arith.constant 11 : i32
    %swap3A_661 = arith.index_cast %swap3A_660 : i32 to index
    %swap3A_662 = arith.constant 32 : index
    %swap3A_663 = tpu.vector_load %arg9[%swap3A_661, %swap3A_662] {strides = array<i32>} : memref<32x128xf32, #tpu.memory_space<vmem>>, vector<16xf32>,
    tpu.vector_store %arg9[%swap3A_661, %swap3A_662], %div3A_659 {strides = array<i32>} : memref<32x128xf32, #tpu.memory_space<vmem>>, vector<16xf32>,
    %get3A_664 = arith.constant 3 : i32
    %get3A_665 = arith.index_cast %get3A_664 : i32 to index
    %get3A_666 = arith.constant 48 : index
    %get3A_667 = tpu.vector_load %arg9[%get3A_665, %get3A_666] {strides = array<i32>} : memref<32x128xf32, #tpu.memory_space<vmem>>, vector<16xf32>,
    %mul3A_668 = arith.constant -0.0100503359 : f32
    %mul3A_669 = vector.broadcast %mul3A_668 : f32 to vector<16xf32>
    %mul3A_670 = arith.mulf %get3A_667, %mul3A_669 : vector<16xf32>
    %exp3A_671 = math.exp %mul3A_670 : vector<16xf32>
    %sub3A_672 = arith.constant 1.00000095 : f32
    %sub3A_673 = vector.broadcast %sub3A_672 : f32 to vector<16xf32>
    %sub3A_674 = arith.subf %sub3A_673, %exp3A_671 : vector<16xf32>
    %div3A_675 = arith.constant 1.000000e+00 : f32
    %div3A_676 = vector.broadcast %div3A_675 : f32 to vector<16xf32>
    %div3A_677 = arith.divf %div3A_676, %sub3A_674 : vector<16xf32>
    %swap3A_678 = arith.constant 11 : i32
    %swap3A_679 = arith.index_cast %swap3A_678 : i32 to index
    %swap3A_680 = arith.constant 48 : index
    %swap3A_681 = tpu.vector_load %arg9[%swap3A_679, %swap3A_680] {strides = array<i32>} : memref<32x128xf32, #tpu.memory_space<vmem>>, vector<16xf32>,
    tpu.vector_store %arg9[%swap3A_679, %swap3A_680], %div3A_677 {strides = array<i32>} : memref<32x128xf32, #tpu.memory_space<vmem>>, vector<16xf32>,
    %get3A_682 = arith.constant 3 : i32
    %get3A_683 = arith.index_cast %get3A_682 : i32 to index
    %get3A_684 = arith.constant 64 : index
    %get3A_685 = tpu.vector_load %arg9[%get3A_683, %get3A_684] {strides = array<i32>} : memref<32x128xf32, #tpu.memory_space<vmem>>, vector<16xf32>,
    %mul3A_686 = arith.constant -0.0100503359 : f32
    %mul3A_687 = vector.broadcast %mul3A_686 : f32 to vector<16xf32>
    %mul3A_688 = arith.mulf %get3A_685, %mul3A_687 : vector<16xf32>
    %exp3A_689 = math.exp %mul3A_688 : vector<16xf32>
    %sub3A_690 = arith.constant 1.00000095 : f32
    %sub3A_691 = vector.broadcast %sub3A_690 : f32 to vector<16xf32>
    %sub3A_692 = arith.subf %sub3A_691, %exp3A_689 : vector<16xf32>
    %div3A_693 = arith.constant 1.000000e+00 : f32
    %div3A_694 = vector.broadcast %div3A_693 : f32 to vector<16xf32>
    %div3A_695 = arith.divf %div3A_694, %sub3A_692 : vector<16xf32>
    %swap3A_696 = arith.constant 11 : i32
    %swap3A_697 = arith.index_cast %swap3A_696 : i32 to index
    %swap3A_698 = arith.constant 64 : index
    %swap3A_699 = tpu.vector_load %arg9[%swap3A_697, %swap3A_698] {strides = array<i32>} : memref<32x128xf32, #tpu.memory_space<vmem>>, vector<16xf32>,
    tpu.vector_store %arg9[%swap3A_697, %swap3A_698], %div3A_695 {strides = array<i32>} : memref<32x128xf32, #tpu.memory_space<vmem>>, vector<16xf32>,
    %get3A_700 = arith.constant 3 : i32
    %get3A_701 = arith.index_cast %get3A_700 : i32 to index
    %get3A_702 = arith.constant 80 : index
    %get3A_703 = tpu.vector_load %arg9[%get3A_701, %get3A_702] {strides = array<i32>} : memref<32x128xf32, #tpu.memory_space<vmem>>, vector<16xf32>,
    %mul3A_704 = arith.constant -0.0100503359 : f32
    %mul3A_705 = vector.broadcast %mul3A_704 : f32 to vector<16xf32>
    %mul3A_706 = arith.mulf %get3A_703, %mul3A_705 : vector<16xf32>
    %exp3A_707 = math.exp %mul3A_706 : vector<16xf32>
    %sub3A_708 = arith.constant 1.00000095 : f32
    %sub3A_709 = vector.broadcast %sub3A_708 : f32 to vector<16xf32>
    %sub3A_710 = arith.subf %sub3A_709, %exp3A_707 : vector<16xf32>
    %div3A_711 = arith.constant 1.000000e+00 : f32
    %div3A_712 = vector.broadcast %div3A_711 : f32 to vector<16xf32>
    %div3A_713 = arith.divf %div3A_712, %sub3A_710 : vector<16xf32>
    %swap3A_714 = arith.constant 11 : i32
    %swap3A_715 = arith.index_cast %swap3A_714 : i32 to index
    %swap3A_716 = arith.constant 80 : index
    %swap3A_717 = tpu.vector_load %arg9[%swap3A_715, %swap3A_716] {strides = array<i32>} : memref<32x128xf32, #tpu.memory_space<vmem>>, vector<16xf32>,
    tpu.vector_store %arg9[%swap3A_715, %swap3A_716], %div3A_713 {strides = array<i32>} : memref<32x128xf32, #tpu.memory_space<vmem>>, vector<16xf32>,
    %get3A_718 = arith.constant 3 : i32
    %get3A_719 = arith.index_cast %get3A_718 : i32 to index
    %get3A_720 = arith.constant 96 : index
    %get3A_721 = tpu.vector_load %arg9[%get3A_719, %get3A_720] {strides = array<i32>} : memref<32x128xf32, #tpu.memory_space<vmem>>, vector<16xf32>,
    %mul3A_722 = arith.constant -0.0100503359 : f32
    %mul3A_723 = vector.broadcast %mul3A_722 : f32 to vector<16xf32>
    %mul3A_724 = arith.mulf %get3A_721, %mul3A_723 : vector<16xf32>
    %exp3A_725 = math.exp %mul3A_724 : vector<16xf32>
    %sub3A_726 = arith.constant 1.00000095 : f32
    %sub3A_727 = vector.broadcast %sub3A_726 : f32 to vector<16xf32>
    %sub3A_728 = arith.subf %sub3A_727, %exp3A_725 : vector<16xf32>
    %div3A_729 = arith.constant 1.000000e+00 : f32
    %div3A_730 = vector.broadcast %div3A_729 : f32 to vector<16xf32>
    %div3A_731 = arith.divf %div3A_730, %sub3A_728 : vector<16xf32>
    %swap3A_732 = arith.constant 11 : i32
    %swap3A_733 = arith.index_cast %swap3A_732 : i32 to index
    %swap3A_734 = arith.constant 96 : index
    %swap3A_735 = tpu.vector_load %arg9[%swap3A_733, %swap3A_734] {strides = array<i32>} : memref<32x128xf32, #tpu.memory_space<vmem>>, vector<16xf32>,
    tpu.vector_store %arg9[%swap3A_733, %swap3A_734], %div3A_731 {strides = array<i32>} : memref<32x128xf32, #tpu.memory_space<vmem>>, vector<16xf32>,
    %get3A_736 = arith.constant 3 : i32
    %get3A_737 = arith.index_cast %get3A_736 : i32 to index
    %get3A_738 = arith.constant 112 : index
    %get3A_739 = tpu.vector_load %arg9[%get3A_737, %get3A_738] {strides = array<i32>} : memref<32x128xf32, #tpu.memory_space<vmem>>, vector<16xf32>,
    %mul3A_740 = arith.constant -0.0100503359 : f32
    %mul3A_741 = vector.broadcast %mul3A_740 : f32 to vector<16xf32>
    %mul3A_742 = arith.mulf %get3A_739, %mul3A_741 : vector<16xf32>
    %exp3A_743 = math.exp %mul3A_742 : vector<16xf32>
    %sub3A_744 = arith.constant 1.00000095 : f32
    %sub3A_745 = vector.broadcast %sub3A_744 : f32 to vector<16xf32>
    %sub3A_746 = arith.subf %sub3A_745, %exp3A_743 : vector<16xf32>
    %div3A_747 = arith.constant 1.000000e+00 : f32
    %div3A_748 = vector.broadcast %div3A_747 : f32 to vector<16xf32>
    %div3A_749 = arith.divf %div3A_748, %sub3A_746 : vector<16xf32>
    %swap3A_750 = arith.constant 11 : i32
    %swap3A_751 = arith.index_cast %swap3A_750 : i32 to index
    %swap3A_752 = arith.constant 112 : index
    %swap3A_753 = tpu.vector_load %arg9[%swap3A_751, %swap3A_752] {strides = array<i32>} : memref<32x128xf32, #tpu.memory_space<vmem>>, vector<16xf32>,
    tpu.vector_store %arg9[%swap3A_751, %swap3A_752], %div3A_749 {strides = array<i32>} : memref<32x128xf32, #tpu.memory_space<vmem>>, vector<16xf32>,
    %get3A_754 = arith.constant 4 : i32
    %get3A_755 = arith.index_cast %get3A_754 : i32 to index
    %get3A_756 = arith.constant 0 : index
    %get3A_757 = tpu.vector_load %arg9[%get3A_755, %get3A_756] {strides = array<i32>} : memref<32x128xf32, #tpu.memory_space<vmem>>, vector<16xf32>,
    %mul3A_758 = arith.constant -0.0100503359 : f32
    %mul3A_759 = vector.broadcast %mul3A_758 : f32 to vector<16xf32>
    %mul3A_760 = arith.mulf %get3A_757, %mul3A_759 : vector<16xf32>
    %exp3A_761 = math.exp %mul3A_760 : vector<16xf32>
    %sub3A_762 = arith.constant 1.00000095 : f32
    %sub3A_763 = vector.broadcast %sub3A_762 : f32 to vector<16xf32>
    %sub3A_764 = arith.subf %sub3A_763, %exp3A_761 : vector<16xf32>
    %div3A_765 = arith.constant 1.000000e+00 : f32
    %div3A_766 = vector.broadcast %div3A_765 : f32 to vector<16xf32>
    %div3A_767 = arith.divf %div3A_766, %sub3A_764 : vector<16xf32>
    %swap3A_768 = arith.constant 12 : i32
    %swap3A_769 = arith.index_cast %swap3A_768 : i32 to index
    %swap3A_770 = arith.constant 0 : index
    %swap3A_771 = tpu.vector_load %arg9[%swap3A_769, %swap3A_770] {strides = array<i32>} : memref<32x128xf32, #tpu.memory_space<vmem>>, vector<16xf32>,
    tpu.vector_store %arg9[%swap3A_769, %swap3A_770], %div3A_767 {strides = array<i32>} : memref<32x128xf32, #tpu.memory_space<vmem>>, vector<16xf32>,
    %get3A_772 = arith.constant 4 : i32
    %get3A_773 = arith.index_cast %get3A_772 : i32 to index
    %get3A_774 = arith.constant 16 : index
    %get3A_775 = tpu.vector_load %arg9[%get3A_773, %get3A_774] {strides = array<i32>} : memref<32x128xf32, #tpu.memory_space<vmem>>, vector<16xf32>,
    %mul3A_776 = arith.constant -0.0100503359 : f32
    %mul3A_777 = vector.broadcast %mul3A_776 : f32 to vector<16xf32>
    %mul3A_778 = arith.mulf %get3A_775, %mul3A_777 : vector<16xf32>
    %exp3A_779 = math.exp %mul3A_778 : vector<16xf32>
    %sub3A_780 = arith.constant 1.00000095 : f32
    %sub3A_781 = vector.broadcast %sub3A_780 : f32 to vector<16xf32>
    %sub3A_782 = arith.subf %sub3A_781, %exp3A_779 : vector<16xf32>
    %div3A_783 = arith.constant 1.000000e+00 : f32
    %div3A_784 = vector.broadcast %div3A_783 : f32 to vector<16xf32>
    %div3A_785 = arith.divf %div3A_784, %sub3A_782 : vector<16xf32>
    %swap3A_786 = arith.constant 12 : i32
    %swap3A_787 = arith.index_cast %swap3A_786 : i32 to index
    %swap3A_788 = arith.constant 16 : index
    %swap3A_789 = tpu.vector_load %arg9[%swap3A_787, %swap3A_788] {strides = array<i32>} : memref<32x128xf32, #tpu.memory_space<vmem>>, vector<16xf32>,
    tpu.vector_store %arg9[%swap3A_787, %swap3A_788], %div3A_785 {strides = array<i32>} : memref<32x128xf32, #tpu.memory_space<vmem>>, vector<16xf32>,
    %get3A_790 = arith.constant 4 : i32
    %get3A_791 = arith.index_cast %get3A_790 : i32 to index
    %get3A_792 = arith.constant 32 : index
    %get3A_793 = tpu.vector_load %arg9[%get3A_791, %get3A_792] {strides = array<i32>} : memref<32x128xf32, #tpu.memory_space<vmem>>, vector<16xf32>,
    %mul3A_794 = arith.constant -0.0100503359 : f32
    %mul3A_795 = vector.broadcast %mul3A_794 : f32 to vector<16xf32>
    %mul3A_796 = arith.mulf %get3A_793, %mul3A_795 : vector<16xf32>
    %exp3A_797 = math.exp %mul3A_796 : vector<16xf32>
    %sub3A_798 = arith.constant 1.00000095 : f32
    %sub3A_799 = vector.broadcast %sub3A_798 : f32 to vector<16xf32>
    %sub3A_800 = arith.subf %sub3A_799, %exp3A_797 : vector<16xf32>
    %div3A_801 = arith.constant 1.000000e+00 : f32
    %div3A_802 = vector.broadcast %div3A_801 : f32 to vector<16xf32>
    %div3A_803 = arith.divf %div3A_802, %sub3A_800 : vector<16xf32>
    %swap3A_804 = arith.constant 12 : i32
    %swap3A_805 = arith.index_cast %swap3A_804 : i32 to index
    %swap3A_806 = arith.constant 32 : index
    %swap3A_807 = tpu.vector_load %arg9[%swap3A_805, %swap3A_806] {strides = array<i32>} : memref<32x128xf32, #tpu.memory_space<vmem>>, vector<16xf32>,
    tpu.vector_store %arg9[%swap3A_805, %swap3A_806], %div3A_803 {strides = array<i32>} : memref<32x128xf32, #tpu.memory_space<vmem>>, vector<16xf32>,
    %get3A_808 = arith.constant 4 : i32
    %get3A_809 = arith.index_cast %get3A_808 : i32 to index
    %get3A_810 = arith.constant 48 : index
    %get3A_811 = tpu.vector_load %arg9[%get3A_809, %get3A_810] {strides = array<i32>} : memref<32x128xf32, #tpu.memory_space<vmem>>, vector<16xf32>,
    %mul3A_812 = arith.constant -0.0100503359 : f32
    %mul3A_813 = vector.broadcast %mul3A_812 : f32 to vector<16xf32>
    %mul3A_814 = arith.mulf %get3A_811, %mul3A_813 : vector<16xf32>
    %exp3A_815 = math.exp %mul3A_814 : vector<16xf32>
    %sub3A_816 = arith.constant 1.00000095 : f32
    %sub3A_817 = vector.broadcast %sub3A_816 : f32 to vector<16xf32>
    %sub3A_818 = arith.subf %sub3A_817, %exp3A_815 : vector<16xf32>
    %div3A_819 = arith.constant 1.000000e+00 : f32
    %div3A_820 = vector.broadcast %div3A_819 : f32 to vector<16xf32>
    %div3A_821 = arith.divf %div3A_820, %sub3A_818 : vector<16xf32>
    %swap3A_822 = arith.constant 12 : i32
    %swap3A_823 = arith.index_cast %swap3A_822 : i32 to index
    %swap3A_824 = arith.constant 48 : index
    %swap3A_825 = tpu.vector_load %arg9[%swap3A_823, %swap3A_824] {strides = array<i32>} : memref<32x128xf32, #tpu.memory_space<vmem>>, vector<16xf32>,
    tpu.vector_store %arg9[%swap3A_823, %swap3A_824], %div3A_821 {strides = array<i32>} : memref<32x128xf32, #tpu.memory_space<vmem>>, vector<16xf32>,
    %get3A_826 = arith.constant 4 : i32
    %get3A_827 = arith.index_cast %get3A_826 : i32 to index
    %get3A_828 = arith.constant 64 : index
    %get3A_829 = tpu.vector_load %arg9[%get3A_827, %get3A_828] {strides = array<i32>} : memref<32x128xf32, #tpu.memory_space<vmem>>, vector<16xf32>,
    %mul3A_830 = arith.constant -0.0100503359 : f32
    %mul3A_831 = vector.broadcast %mul3A_830 : f32 to vector<16xf32>
    %mul3A_832 = arith.mulf %get3A_829, %mul3A_831 : vector<16xf32>
    %exp3A_833 = math.exp %mul3A_832 : vector<16xf32>
    %sub3A_834 = arith.constant 1.00000095 : f32
    %sub3A_835 = vector.broadcast %sub3A_834 : f32 to vector<16xf32>
    %sub3A_836 = arith.subf %sub3A_835, %exp3A_833 : vector<16xf32>
    %div3A_837 = arith.constant 1.000000e+00 : f32
    %div3A_838 = vector.broadcast %div3A_837 : f32 to vector<16xf32>
    %div3A_839 = arith.divf %div3A_838, %sub3A_836 : vector<16xf32>
    %swap3A_840 = arith.constant 12 : i32
    %swap3A_841 = arith.index_cast %swap3A_840 : i32 to index
    %swap3A_842 = arith.constant 64 : index
    %swap3A_843 = tpu.vector_load %arg9[%swap3A_841, %swap3A_842] {strides = array<i32>} : memref<32x128xf32, #tpu.memory_space<vmem>>, vector<16xf32>,
    tpu.vector_store %arg9[%swap3A_841, %swap3A_842], %div3A_839 {strides = array<i32>} : memref<32x128xf32, #tpu.memory_space<vmem>>, vector<16xf32>,
    %get3A_844 = arith.constant 4 : i32
    %get3A_845 = arith.index_cast %get3A_844 : i32 to index
    %get3A_846 = arith.constant 80 : index
    %get3A_847 = tpu.vector_load %arg9[%get3A_845, %get3A_846] {strides = array<i32>} : memref<32x128xf32, #tpu.memory_space<vmem>>, vector<16xf32>,
    %mul3A_848 = arith.constant -0.0100503359 : f32
    %mul3A_849 = vector.broadcast %mul3A_848 : f32 to vector<16xf32>
    %mul3A_850 = arith.mulf %get3A_847, %mul3A_849 : vector<16xf32>
    %exp3A_851 = math.exp %mul3A_850 : vector<16xf32>
    %sub3A_852 = arith.constant 1.00000095 : f32
    %sub3A_853 = vector.broadcast %sub3A_852 : f32 to vector<16xf32>
    %sub3A_854 = arith.subf %sub3A_853, %exp3A_851 : vector<16xf32>
    %div3A_855 = arith.constant 1.000000e+00 : f32
    %div3A_856 = vector.broadcast %div3A_855 : f32 to vector<16xf32>
    %div3A_857 = arith.divf %div3A_856, %sub3A_854 : vector<16xf32>
    %swap3A_858 = arith.constant 12 : i32
    %swap3A_859 = arith.index_cast %swap3A_858 : i32 to index
    %swap3A_860 = arith.constant 80 : index
    %swap3A_861 = tpu.vector_load %arg9[%swap3A_859, %swap3A_860] {strides = array<i32>} : memref<32x128xf32, #tpu.memory_space<vmem>>, vector<16xf32>,
    tpu.vector_store %arg9[%swap3A_859, %swap3A_860], %div3A_857 {strides = array<i32>} : memref<32x128xf32, #tpu.memory_space<vmem>>, vector<16xf32>,
    %get3A_862 = arith.constant 4 : i32
    %get3A_863 = arith.index_cast %get3A_862 : i32 to index
    %get3A_864 = arith.constant 96 : index
    %get3A_865 = tpu.vector_load %arg9[%get3A_863, %get3A_864] {strides = array<i32>} : memref<32x128xf32, #tpu.memory_space<vmem>>, vector<16xf32>,
    %mul3A_866 = arith.constant -0.0100503359 : f32
    %mul3A_867 = vector.broadcast %mul3A_866 : f32 to vector<16xf32>
    %mul3A_868 = arith.mulf %get3A_865, %mul3A_867 : vector<16xf32>
    %exp3A_869 = math.exp %mul3A_868 : vector<16xf32>
    %sub3A_870 = arith.constant 1.00000095 : f32
    %sub3A_871 = vector.broadcast %sub3A_870 : f32 to vector<16xf32>
    %sub3A_872 = arith.subf %sub3A_871, %exp3A_869 : vector<16xf32>
    %div3A_873 = arith.constant 1.000000e+00 : f32
    %div3A_874 = vector.broadcast %div3A_873 : f32 to vector<16xf32>
    %div3A_875 = arith.divf %div3A_874, %sub3A_872 : vector<16xf32>
    %swap3A_876 = arith.constant 12 : i32
    %swap3A_877 = arith.index_cast %swap3A_876 : i32 to index
    %swap3A_878 = arith.constant 96 : index
    %swap3A_879 = tpu.vector_load %arg9[%swap3A_877, %swap3A_878] {strides = array<i32>} : memref<32x128xf32, #tpu.memory_space<vmem>>, vector<16xf32>,
    tpu.vector_store %arg9[%swap3A_877, %swap3A_878], %div3A_875 {strides = array<i32>} : memref<32x128xf32, #tpu.memory_space<vmem>>, vector<16xf32>,
    %get3A_880 = arith.constant 4 : i32
    %get3A_881 = arith.index_cast %get3A_880 : i32 to index
    %get3A_882 = arith.constant 112 : index
    %get3A_883 = tpu.vector_load %arg9[%get3A_881, %get3A_882] {strides = array<i32>} : memref<32x128xf32, #tpu.memory_space<vmem>>, vector<16xf32>,
    %mul3A_884 = arith.constant -0.0100503359 : f32
    %mul3A_885 = vector.broadcast %mul3A_884 : f32 to vector<16xf32>
    %mul3A_886 = arith.mulf %get3A_883, %mul3A_885 : vector<16xf32>
    %exp3A_887 = math.exp %mul3A_886 : vector<16xf32>
    %sub3A_888 = arith.constant 1.00000095 : f32
    %sub3A_889 = vector.broadcast %sub3A_888 : f32 to vector<16xf32>
    %sub3A_890 = arith.subf %sub3A_889, %exp3A_887 : vector<16xf32>
    %div3A_891 = arith.constant 1.000000e+00 : f32
    %div3A_892 = vector.broadcast %div3A_891 : f32 to vector<16xf32>
    %div3A_893 = arith.divf %div3A_892, %sub3A_890 : vector<16xf32>
    %swap3A_894 = arith.constant 12 : i32
    %swap3A_895 = arith.index_cast %swap3A_894 : i32 to index
    %swap3A_896 = arith.constant 112 : index
    %swap3A_897 = tpu.vector_load %arg9[%swap3A_895, %swap3A_896] {strides = array<i32>} : memref<32x128xf32, #tpu.memory_space<vmem>>, vector<16xf32>,
    tpu.vector_store %arg9[%swap3A_895, %swap3A_896], %div3A_893 {strides = array<i32>} : memref<32x128xf32, #tpu.memory_space<vmem>>, vector<16xf32>,
    %get3A_898 = arith.constant 5 : i32
    %get3A_899 = arith.index_cast %get3A_898 : i32 to index
    %get3A_900 = arith.constant 0 : index
    %get3A_901 = tpu.vector_load %arg9[%get3A_899, %get3A_900] {strides = array<i32>} : memref<32x128xf32, #tpu.memory_space<vmem>>, vector<16xf32>,
    %mul3A_902 = arith.constant -0.0100503359 : f32
    %mul3A_903 = vector.broadcast %mul3A_902 : f32 to vector<16xf32>
    %mul3A_904 = arith.mulf %get3A_901, %mul3A_903 : vector<16xf32>
    %exp3A_905 = math.exp %mul3A_904 : vector<16xf32>
    %sub3A_906 = arith.constant 1.00000095 : f32
    %sub3A_907 = vector.broadcast %sub3A_906 : f32 to vector<16xf32>
    %sub3A_908 = arith.subf %sub3A_907, %exp3A_905 : vector<16xf32>
    %div3A_909 = arith.constant 1.000000e+00 : f32
    %div3A_910 = vector.broadcast %div3A_909 : f32 to vector<16xf32>
    %div3A_911 = arith.divf %div3A_910, %sub3A_908 : vector<16xf32>
    %swap3A_912 = arith.constant 13 : i32
    %swap3A_913 = arith.index_cast %swap3A_912 : i32 to index
    %swap3A_914 = arith.constant 0 : index
    %swap3A_915 = tpu.vector_load %arg9[%swap3A_913, %swap3A_914] {strides = array<i32>} : memref<32x128xf32, #tpu.memory_space<vmem>>, vector<16xf32>,
    tpu.vector_store %arg9[%swap3A_913, %swap3A_914], %div3A_911 {strides = array<i32>} : memref<32x128xf32, #tpu.memory_space<vmem>>, vector<16xf32>,
    %get3A_916 = arith.constant 5 : i32
    %get3A_917 = arith.index_cast %get3A_916 : i32 to index
    %get3A_918 = arith.constant 16 : index
    %get3A_919 = tpu.vector_load %arg9[%get3A_917, %get3A_918] {strides = array<i32>} : memref<32x128xf32, #tpu.memory_space<vmem>>, vector<16xf32>,
    %mul3A_920 = arith.constant -0.0100503359 : f32
    %mul3A_921 = vector.broadcast %mul3A_920 : f32 to vector<16xf32>
    %mul3A_922 = arith.mulf %get3A_919, %mul3A_921 : vector<16xf32>
    %exp3A_923 = math.exp %mul3A_922 : vector<16xf32>
    %sub3A_924 = arith.constant 1.00000095 : f32
    %sub3A_925 = vector.broadcast %sub3A_924 : f32 to vector<16xf32>
    %sub3A_926 = arith.subf %sub3A_925, %exp3A_923 : vector<16xf32>
    %div3A_927 = arith.constant 1.000000e+00 : f32
    %div3A_928 = vector.broadcast %div3A_927 : f32 to vector<16xf32>
    %div3A_929 = arith.divf %div3A_928, %sub3A_926 : vector<16xf32>
    %swap3A_930 = arith.constant 13 : i32
    %swap3A_931 = arith.index_cast %swap3A_930 : i32 to index
    %swap3A_932 = arith.constant 16 : index
    %swap3A_933 = tpu.vector_load %arg9[%swap3A_931, %swap3A_932] {strides = array<i32>} : memref<32x128xf32, #tpu.memory_space<vmem>>, vector<16xf32>,
    tpu.vector_store %arg9[%swap3A_931, %swap3A_932], %div3A_929 {strides = array<i32>} : memref<32x128xf32, #tpu.memory_space<vmem>>, vector<16xf32>,
    %get3A_934 = arith.constant 5 : i32
    %get3A_935 = arith.index_cast %get3A_934 : i32 to index
    %get3A_936 = arith.constant 32 : index
    %get3A_937 = tpu.vector_load %arg9[%get3A_935, %get3A_936] {strides = array<i32>} : memref<32x128xf32, #tpu.memory_space<vmem>>, vector<16xf32>,
    %mul3A_938 = arith.constant -0.0100503359 : f32
    %mul3A_939 = vector.broadcast %mul3A_938 : f32 to vector<16xf32>
    %mul3A_940 = arith.mulf %get3A_937, %mul3A_939 : vector<16xf32>
    %exp3A_941 = math.exp %mul3A_940 : vector<16xf32>
    %sub3A_942 = arith.constant 1.00000095 : f32
    %sub3A_943 = vector.broadcast %sub3A_942 : f32 to vector<16xf32>
    %sub3A_944 = arith.subf %sub3A_943, %exp3A_941 : vector<16xf32>
    %div3A_945 = arith.constant 1.000000e+00 : f32
    %div3A_946 = vector.broadcast %div3A_945 : f32 to vector<16xf32>
    %div3A_947 = arith.divf %div3A_946, %sub3A_944 : vector<16xf32>
    %swap3A_948 = arith.constant 13 : i32
    %swap3A_949 = arith.index_cast %swap3A_948 : i32 to index
    %swap3A_950 = arith.constant 32 : index
    %swap3A_951 = tpu.vector_load %arg9[%swap3A_949, %swap3A_950] {strides = array<i32>} : memref<32x128xf32, #tpu.memory_space<vmem>>, vector<16xf32>,
    tpu.vector_store %arg9[%swap3A_949, %swap3A_950], %div3A_947 {strides = array<i32>} : memref<32x128xf32, #tpu.memory_space<vmem>>, vector<16xf32>,
    %get3A_952 = arith.constant 5 : i32
    %get3A_953 = arith.index_cast %get3A_952 : i32 to index
    %get3A_954 = arith.constant 48 : index
    %get3A_955 = tpu.vector_load %arg9[%get3A_953, %get3A_954] {strides = array<i32>} : memref<32x128xf32, #tpu.memory_space<vmem>>, vector<16xf32>,
    %mul3A_956 = arith.constant -0.0100503359 : f32
    %mul3A_957 = vector.broadcast %mul3A_956 : f32 to vector<16xf32>
    %mul3A_958 = arith.mulf %get3A_955, %mul3A_957 : vector<16xf32>
    %exp3A_959 = math.exp %mul3A_958 : vector<16xf32>
    %sub3A_960 = arith.constant 1.00000095 : f32
    %sub3A_961 = vector.broadcast %sub3A_960 : f32 to vector<16xf32>
    %sub3A_962 = arith.subf %sub3A_961, %exp3A_959 : vector<16xf32>
    %div3A_963 = arith.constant 1.000000e+00 : f32
    %div3A_964 = vector.broadcast %div3A_963 : f32 to vector<16xf32>
    %div3A_965 = arith.divf %div3A_964, %sub3A_962 : vector<16xf32>
    %swap3A_966 = arith.constant 13 : i32
    %swap3A_967 = arith.index_cast %swap3A_966 : i32 to index
    %swap3A_968 = arith.constant 48 : index
    %swap3A_969 = tpu.vector_load %arg9[%swap3A_967, %swap3A_968] {strides = array<i32>} : memref<32x128xf32, #tpu.memory_space<vmem>>, vector<16xf32>,
    tpu.vector_store %arg9[%swap3A_967, %swap3A_968], %div3A_965 {strides = array<i32>} : memref<32x128xf32, #tpu.memory_space<vmem>>, vector<16xf32>,
    %get3A_970 = arith.constant 5 : i32
    %get3A_971 = arith.index_cast %get3A_970 : i32 to index
    %get3A_972 = arith.constant 64 : index
    %get3A_973 = tpu.vector_load %arg9[%get3A_971, %get3A_972] {strides = array<i32>} : memref<32x128xf32, #tpu.memory_space<vmem>>, vector<16xf32>,
    %mul3A_974 = arith.constant -0.0100503359 : f32
    %mul3A_975 = vector.broadcast %mul3A_974 : f32 to vector<16xf32>
    %mul3A_976 = arith.mulf %get3A_973, %mul3A_975 : vector<16xf32>
    %exp3A_977 = math.exp %mul3A_976 : vector<16xf32>
    %sub3A_978 = arith.constant 1.00000095 : f32
    %sub3A_979 = vector.broadcast %sub3A_978 : f32 to vector<16xf32>
    %sub3A_980 = arith.subf %sub3A_979, %exp3A_977 : vector<16xf32>
    %div3A_981 = arith.constant 1.000000e+00 : f32
    %div3A_982 = vector.broadcast %div3A_981 : f32 to vector<16xf32>
    %div3A_983 = arith.divf %div3A_982, %sub3A_980 : vector<16xf32>
    %swap3A_984 = arith.constant 13 : i32
    %swap3A_985 = arith.index_cast %swap3A_984 : i32 to index
    %swap3A_986 = arith.constant 64 : index
    %swap3A_987 = tpu.vector_load %arg9[%swap3A_985, %swap3A_986] {strides = array<i32>} : memref<32x128xf32, #tpu.memory_space<vmem>>, vector<16xf32>,
    tpu.vector_store %arg9[%swap3A_985, %swap3A_986], %div3A_983 {strides = array<i32>} : memref<32x128xf32, #tpu.memory_space<vmem>>, vector<16xf32>,
    %get3A_988 = arith.constant 5 : i32
    %get3A_989 = arith.index_cast %get3A_988 : i32 to index
    %get3A_990 = arith.constant 80 : index
    %get3A_991 = tpu.vector_load %arg9[%get3A_989, %get3A_990] {strides = array<i32>} : memref<32x128xf32, #tpu.memory_space<vmem>>, vector<16xf32>,
    %mul3A_992 = arith.constant -0.0100503359 : f32
    %mul3A_993 = vector.broadcast %mul3A_992 : f32 to vector<16xf32>
    %mul3A_994 = arith.mulf %get3A_991, %mul3A_993 : vector<16xf32>
    %exp3A_995 = math.exp %mul3A_994 : vector<16xf32>
    %sub3A_996 = arith.constant 1.00000095 : f32
    %sub3A_997 = vector.broadcast %sub3A_996 : f32 to vector<16xf32>
    %sub3A_998 = arith.subf %sub3A_997, %exp3A_995 : vector<16xf32>
    %div3A_999 = arith.constant 1.000000e+00 : f32
    %div3A_1000 = vector.broadcast %div3A_999 : f32 to vector<16xf32>
    %div3A_1001 = arith.divf %div3A_1000, %sub3A_998 : vector<16xf32>
    %swap3A_1002 = arith.constant 13 : i32
    %swap3A_1003 = arith.index_cast %swap3A_1002 : i32 to index
    %swap3A_1004 = arith.constant 80 : index
    %swap3A_1005 = tpu.vector_load %arg9[%swap3A_1003, %swap3A_1004] {strides = array<i32>} : memref<32x128xf32, #tpu.memory_space<vmem>>, vector<16xf32>,
    tpu.vector_store %arg9[%swap3A_1003, %swap3A_1004], %div3A_1001 {strides = array<i32>} : memref<32x128xf32, #tpu.memory_space<vmem>>, vector<16xf32>,
    %get3A_1006 = arith.constant 5 : i32
    %get3A_1007 = arith.index_cast %get3A_1006 : i32 to index
    %get3A_1008 = arith.constant 96 : index
    %get3A_1009 = tpu.vector_load %arg9[%get3A_1007, %get3A_1008] {strides = array<i32>} : memref<32x128xf32, #tpu.memory_space<vmem>>, vector<16xf32>,
    %mul3A_1010 = arith.constant -0.0100503359 : f32
    %mul3A_1011 = vector.broadcast %mul3A_1010 : f32 to vector<16xf32>
    %mul3A_1012 = arith.mulf %get3A_1009, %mul3A_1011 : vector<16xf32>
    %exp3A_1013 = math.exp %mul3A_1012 : vector<16xf32>
    %sub3A_1014 = arith.constant 1.00000095 : f32
    %sub3A_1015 = vector.broadcast %sub3A_1014 : f32 to vector<16xf32>
    %sub3A_1016 = arith.subf %sub3A_1015, %exp3A_1013 : vector<16xf32>
    %div3A_1017 = arith.constant 1.000000e+00 : f32
    %div3A_1018 = vector.broadcast %div3A_1017 : f32 to vector<16xf32>
    %div3A_1019 = arith.divf %div3A_1018, %sub3A_1016 : vector<16xf32>
    %swap3A_1020 = arith.constant 13 : i32
    %swap3A_1021 = arith.index_cast %swap3A_1020 : i32 to index
    %swap3A_1022 = arith.constant 96 : index
    %swap3A_1023 = tpu.vector_load %arg9[%swap3A_1021, %swap3A_1022] {strides = array<i32>} : memref<32x128xf32, #tpu.memory_space<vmem>>, vector<16xf32>,
    tpu.vector_store %arg9[%swap3A_1021, %swap3A_1022], %div3A_1019 {strides = array<i32>} : memref<32x128xf32, #tpu.memory_space<vmem>>, vector<16xf32>,
    %get3A_1024 = arith.constant 5 : i32
    %get3A_1025 = arith.index_cast %get3A_1024 : i32 to index
    %get3A_1026 = arith.constant 112 : index
    %get3A_1027 = tpu.vector_load %arg9[%get3A_1025, %get3A_1026] {strides = array<i32>} : memref<32x128xf32, #tpu.memory_space<vmem>>, vector<16xf32>,
    %mul3A_1028 = arith.constant -0.0100503359 : f32
    %mul3A_1029 = vector.broadcast %mul3A_1028 : f32 to vector<16xf32>
    %mul3A_1030 = arith.mulf %get3A_1027, %mul3A_1029 : vector<16xf32>
    %exp3A_1031 = math.exp %mul3A_1030 : vector<16xf32>
    %sub3A_1032 = arith.constant 1.00000095 : f32
    %sub3A_1033 = vector.broadcast %sub3A_1032 : f32 to vector<16xf32>
    %sub3A_1034 = arith.subf %sub3A_1033, %exp3A_1031 : vector<16xf32>
    %div3A_1035 = arith.constant 1.000000e+00 : f32
    %div3A_1036 = vector.broadcast %div3A_1035 : f32 to vector<16xf32>
    %div3A_1037 = arith.divf %div3A_1036, %sub3A_1034 : vector<16xf32>
    %swap3A_1038 = arith.constant 13 : i32
    %swap3A_1039 = arith.index_cast %swap3A_1038 : i32 to index
    %swap3A_1040 = arith.constant 112 : index
    %swap3A_1041 = tpu.vector_load %arg9[%swap3A_1039, %swap3A_1040] {strides = array<i32>} : memref<32x128xf32, #tpu.memory_space<vmem>>, vector<16xf32>,
    tpu.vector_store %arg9[%swap3A_1039, %swap3A_1040], %div3A_1037 {strides = array<i32>} : memref<32x128xf32, #tpu.memory_space<vmem>>, vector<16xf32>,
    %get3A_1042 = arith.constant 6 : i32
    %get3A_1043 = arith.index_cast %get3A_1042 : i32 to index
    %get3A_1044 = arith.constant 0 : index
    %get3A_1045 = tpu.vector_load %arg9[%get3A_1043, %get3A_1044] {strides = array<i32>} : memref<32x128xf32, #tpu.memory_space<vmem>>, vector<16xf32>,
    %mul3A_1046 = arith.constant -0.0100503359 : f32
    %mul3A_1047 = vector.broadcast %mul3A_1046 : f32 to vector<16xf32>
    %mul3A_1048 = arith.mulf %get3A_1045, %mul3A_1047 : vector<16xf32>
    %exp3A_1049 = math.exp %mul3A_1048 : vector<16xf32>
    %sub3A_1050 = arith.constant 1.00000095 : f32
    %sub3A_1051 = vector.broadcast %sub3A_1050 : f32 to vector<16xf32>
    %sub3A_1052 = arith.subf %sub3A_1051, %exp3A_1049 : vector<16xf32>
    %div3A_1053 = arith.constant 1.000000e+00 : f32
    %div3A_1054 = vector.broadcast %div3A_1053 : f32 to vector<16xf32>
    %div3A_1055 = arith.divf %div3A_1054, %sub3A_1052 : vector<16xf32>
    %swap3A_1056 = arith.constant 14 : i32
    %swap3A_1057 = arith.index_cast %swap3A_1056 : i32 to index
    %swap3A_1058 = arith.constant 0 : index
    %swap3A_1059 = tpu.vector_load %arg9[%swap3A_1057, %swap3A_1058] {strides = array<i32>} : memref<32x128xf32, #tpu.memory_space<vmem>>, vector<16xf32>,
    tpu.vector_store %arg9[%swap3A_1057, %swap3A_1058], %div3A_1055 {strides = array<i32>} : memref<32x128xf32, #tpu.memory_space<vmem>>, vector<16xf32>,
    %get3A_1060 = arith.constant 6 : i32
    %get3A_1061 = arith.index_cast %get3A_1060 : i32 to index
    %get3A_1062 = arith.constant 16 : index
    %get3A_1063 = tpu.vector_load %arg9[%get3A_1061, %get3A_1062] {strides = array<i32>} : memref<32x128xf32, #tpu.memory_space<vmem>>, vector<16xf32>,
    %mul3A_1064 = arith.constant -0.0100503359 : f32
    %mul3A_1065 = vector.broadcast %mul3A_1064 : f32 to vector<16xf32>
    %mul3A_1066 = arith.mulf %get3A_1063, %mul3A_1065 : vector<16xf32>
    %exp3A_1067 = math.exp %mul3A_1066 : vector<16xf32>
    %sub3A_1068 = arith.constant 1.00000095 : f32
    %sub3A_1069 = vector.broadcast %sub3A_1068 : f32 to vector<16xf32>
    %sub3A_1070 = arith.subf %sub3A_1069, %exp3A_1067 : vector<16xf32>
    %div3A_1071 = arith.constant 1.000000e+00 : f32
    %div3A_1072 = vector.broadcast %div3A_1071 : f32 to vector<16xf32>
    %div3A_1073 = arith.divf %div3A_1072, %sub3A_1070 : vector<16xf32>
    %swap3A_1074 = arith.constant 14 : i32
    %swap3A_1075 = arith.index_cast %swap3A_1074 : i32 to index
    %swap3A_1076 = arith.constant 16 : index
    %swap3A_1077 = tpu.vector_load %arg9[%swap3A_1075, %swap3A_1076] {strides = array<i32>} : memref<32x128xf32, #tpu.memory_space<vmem>>, vector<16xf32>,
    tpu.vector_store %arg9[%swap3A_1075, %swap3A_1076], %div3A_1073 {strides = array<i32>} : memref<32x128xf32, #tpu.memory_space<vmem>>, vector<16xf32>,
    %get3A_1078 = arith.constant 6 : i32
    %get3A_1079 = arith.index_cast %get3A_1078 : i32 to index
    %get3A_1080 = arith.constant 32 : index
    %get3A_1081 = tpu.vector_load %arg9[%get3A_1079, %get3A_1080] {strides = array<i32>} : memref<32x128xf32, #tpu.memory_space<vmem>>, vector<16xf32>,
    %mul3A_1082 = arith.constant -0.0100503359 : f32
    %mul3A_1083 = vector.broadcast %mul3A_1082 : f32 to vector<16xf32>
    %mul3A_1084 = arith.mulf %get3A_1081, %mul3A_1083 : vector<16xf32>
    %exp3A_1085 = math.exp %mul3A_1084 : vector<16xf32>
    %sub3A_1086 = arith.constant 1.00000095 : f32
    %sub3A_1087 = vector.broadcast %sub3A_1086 : f32 to vector<16xf32>
    %sub3A_1088 = arith.subf %sub3A_1087, %exp3A_1085 : vector<16xf32>
    %div3A_1089 = arith.constant 1.000000e+00 : f32
    %div3A_1090 = vector.broadcast %div3A_1089 : f32 to vector<16xf32>
    %div3A_1091 = arith.divf %div3A_1090, %sub3A_1088 : vector<16xf32>
    %swap3A_1092 = arith.constant 14 : i32
    %swap3A_1093 = arith.index_cast %swap3A_1092 : i32 to index
    %swap3A_1094 = arith.constant 32 : index
    %swap3A_1095 = tpu.vector_load %arg9[%swap3A_1093, %swap3A_1094] {strides = array<i32>} : memref<32x128xf32, #tpu.memory_space<vmem>>, vector<16xf32>,
    tpu.vector_store %arg9[%swap3A_1093, %swap3A_1094], %div3A_1091 {strides = array<i32>} : memref<32x128xf32, #tpu.memory_space<vmem>>, vector<16xf32>,
    %get3A_1096 = arith.constant 6 : i32
    %get3A_1097 = arith.index_cast %get3A_1096 : i32 to index
    %get3A_1098 = arith.constant 48 : index
    %get3A_1099 = tpu.vector_load %arg9[%get3A_1097, %get3A_1098] {strides = array<i32>} : memref<32x128xf32, #tpu.memory_space<vmem>>, vector<16xf32>,
    %mul3A_1100 = arith.constant -0.0100503359 : f32
    %mul3A_1101 = vector.broadcast %mul3A_1100 : f32 to vector<16xf32>
    %mul3A_1102 = arith.mulf %get3A_1099, %mul3A_1101 : vector<16xf32>
    %exp3A_1103 = math.exp %mul3A_1102 : vector<16xf32>
    %sub3A_1104 = arith.constant 1.00000095 : f32
    %sub3A_1105 = vector.broadcast %sub3A_1104 : f32 to vector<16xf32>
    %sub3A_1106 = arith.subf %sub3A_1105, %exp3A_1103 : vector<16xf32>
    %div3A_1107 = arith.constant 1.000000e+00 : f32
    %div3A_1108 = vector.broadcast %div3A_1107 : f32 to vector<16xf32>
    %div3A_1109 = arith.divf %div3A_1108, %sub3A_1106 : vector<16xf32>
    %swap3A_1110 = arith.constant 14 : i32
    %swap3A_1111 = arith.index_cast %swap3A_1110 : i32 to index
    %swap3A_1112 = arith.constant 48 : index
    %swap3A_1113 = tpu.vector_load %arg9[%swap3A_1111, %swap3A_1112] {strides = array<i32>} : memref<32x128xf32, #tpu.memory_space<vmem>>, vector<16xf32>,
    tpu.vector_store %arg9[%swap3A_1111, %swap3A_1112], %div3A_1109 {strides = array<i32>} : memref<32x128xf32, #tpu.memory_space<vmem>>, vector<16xf32>,
    %get3A_1114 = arith.constant 6 : i32
    %get3A_1115 = arith.index_cast %get3A_1114 : i32 to index
    %get3A_1116 = arith.constant 64 : index
    %get3A_1117 = tpu.vector_load %arg9[%get3A_1115, %get3A_1116] {strides = array<i32>} : memref<32x128xf32, #tpu.memory_space<vmem>>, vector<16xf32>,
    %mul3A_1118 = arith.constant -0.0100503359 : f32
    %mul3A_1119 = vector.broadcast %mul3A_1118 : f32 to vector<16xf32>
    %mul3A_1120 = arith.mulf %get3A_1117, %mul3A_1119 : vector<16xf32>
    %exp3A_1121 = math.exp %mul3A_1120 : vector<16xf32>
    %sub3A_1122 = arith.constant 1.00000095 : f32
    %sub3A_1123 = vector.broadcast %sub3A_1122 : f32 to vector<16xf32>
    %sub3A_1124 = arith.subf %sub3A_1123, %exp3A_1121 : vector<16xf32>
    %div3A_1125 = arith.constant 1.000000e+00 : f32
    %div3A_1126 = vector.broadcast %div3A_1125 : f32 to vector<16xf32>
    %div3A_1127 = arith.divf %div3A_1126, %sub3A_1124 : vector<16xf32>
    %swap3A_1128 = arith.constant 14 : i32
    %swap3A_1129 = arith.index_cast %swap3A_1128 : i32 to index
    %swap3A_1130 = arith.constant 64 : index
    %swap3A_1131 = tpu.vector_load %arg9[%swap3A_1129, %swap3A_1130] {strides = array<i32>} : memref<32x128xf32, #tpu.memory_space<vmem>>, vector<16xf32>,
    tpu.vector_store %arg9[%swap3A_1129, %swap3A_1130], %div3A_1127 {strides = array<i32>} : memref<32x128xf32, #tpu.memory_space<vmem>>, vector<16xf32>,
    %get3A_1132 = arith.constant 6 : i32
    %get3A_1133 = arith.index_cast %get3A_1132 : i32 to index
    %get3A_1134 = arith.constant 80 : index
    %get3A_1135 = tpu.vector_load %arg9[%get3A_1133, %get3A_1134] {strides = array<i32>} : memref<32x128xf32, #tpu.memory_space<vmem>>, vector<16xf32>,
    %mul3A_1136 = arith.constant -0.0100503359 : f32
    %mul3A_1137 = vector.broadcast %mul3A_1136 : f32 to vector<16xf32>
    %mul3A_1138 = arith.mulf %get3A_1135, %mul3A_1137 : vector<16xf32>
    %exp3A_1139 = math.exp %mul3A_1138 : vector<16xf32>
    %sub3A_1140 = arith.constant 1.00000095 : f32
    %sub3A_1141 = vector.broadcast %sub3A_1140 : f32 to vector<16xf32>
    %sub3A_1142 = arith.subf %sub3A_1141, %exp3A_1139 : vector<16xf32>
    %div3A_1143 = arith.constant 1.000000e+00 : f32
    %div3A_1144 = vector.broadcast %div3A_1143 : f32 to vector<16xf32>
    %div3A_1145 = arith.divf %div3A_1144, %sub3A_1142 : vector<16xf32>
    %swap3A_1146 = arith.constant 14 : i32
    %swap3A_1147 = arith.index_cast %swap3A_1146 : i32 to index
    %swap3A_1148 = arith.constant 80 : index
    %swap3A_1149 = tpu.vector_load %arg9[%swap3A_1147, %swap3A_1148] {strides = array<i32>} : memref<32x128xf32, #tpu.memory_space<vmem>>, vector<16xf32>,
    tpu.vector_store %arg9[%swap3A_1147, %swap3A_1148], %div3A_1145 {strides = array<i32>} : memref<32x128xf32, #tpu.memory_space<vmem>>, vector<16xf32>,
    %get3A_1150 = arith.constant 6 : i32
    %get3A_1151 = arith.index_cast %get3A_1150 : i32 to index
    %get3A_1152 = arith.constant 96 : index
    %get3A_1153 = tpu.vector_load %arg9[%get3A_1151, %get3A_1152] {strides = array<i32>} : memref<32x128xf32, #tpu.memory_space<vmem>>, vector<16xf32>,
    %mul3A_1154 = arith.constant -0.0100503359 : f32
    %mul3A_1155 = vector.broadcast %mul3A_1154 : f32 to vector<16xf32>
    %mul3A_1156 = arith.mulf %get3A_1153, %mul3A_1155 : vector<16xf32>
    %exp3A_1157 = math.exp %mul3A_1156 : vector<16xf32>
    %sub3A_1158 = arith.constant 1.00000095 : f32
    %sub3A_1159 = vector.broadcast %sub3A_1158 : f32 to vector<16xf32>
    %sub3A_1160 = arith.subf %sub3A_1159, %exp3A_1157 : vector<16xf32>
    %div3A_1161 = arith.constant 1.000000e+00 : f32
    %div3A_1162 = vector.broadcast %div3A_1161 : f32 to vector<16xf32>
    %div3A_1163 = arith.divf %div3A_1162, %sub3A_1160 : vector<16xf32>
    %swap3A_1164 = arith.constant 14 : i32
    %swap3A_1165 = arith.index_cast %swap3A_1164 : i32 to index
    %swap3A_1166 = arith.constant 96 : index
    %swap3A_1167 = tpu.vector_load %arg9[%swap3A_1165, %swap3A_1166] {strides = array<i32>} : memref<32x128xf32, #tpu.memory_space<vmem>>, vector<16xf32>,
    tpu.vector_store %arg9[%swap3A_1165, %swap3A_1166], %div3A_1163 {strides = array<i32>} : memref<32x128xf32, #tpu.memory_space<vmem>>, vector<16xf32>,
    %get3A_1168 = arith.constant 6 : i32
    %get3A_1169 = arith.index_cast %get3A_1168 : i32 to index
    %get3A_1170 = arith.constant 112 : index
    %get3A_1171 = tpu.vector_load %arg9[%get3A_1169, %get3A_1170] {strides = array<i32>} : memref<32x128xf32, #tpu.memory_space<vmem>>, vector<16xf32>,
    %mul3A_1172 = arith.constant -0.0100503359 : f32
    %mul3A_1173 = vector.broadcast %mul3A_1172 : f32 to vector<16xf32>
    %mul3A_1174 = arith.mulf %get3A_1171, %mul3A_1173 : vector<16xf32>
    %exp3A_1175 = math.exp %mul3A_1174 : vector<16xf32>
    %sub3A_1176 = arith.constant 1.00000095 : f32
    %sub3A_1177 = vector.broadcast %sub3A_1176 : f32 to vector<16xf32>
    %sub3A_1178 = arith.subf %sub3A_1177, %exp3A_1175 : vector<16xf32>
    %div3A_1179 = arith.constant 1.000000e+00 : f32
    %div3A_1180 = vector.broadcast %div3A_1179 : f32 to vector<16xf32>
    %div3A_1181 = arith.divf %div3A_1180, %sub3A_1178 : vector<16xf32>
    %swap3A_1182 = arith.constant 14 : i32
    %swap3A_1183 = arith.index_cast %swap3A_1182 : i32 to index
    %swap3A_1184 = arith.constant 112 : index
    %swap3A_1185 = tpu.vector_load %arg9[%swap3A_1183, %swap3A_1184] {strides = array<i32>} : memref<32x128xf32, #tpu.memory_space<vmem>>, vector<16xf32>,
    tpu.vector_store %arg9[%swap3A_1183, %swap3A_1184], %div3A_1181 {strides = array<i32>} : memref<32x128xf32, #tpu.memory_space<vmem>>, vector<16xf32>,
    %get3A_1186 = arith.constant 7 : i32
    %get3A_1187 = arith.index_cast %get3A_1186 : i32 to index
    %get3A_1188 = arith.constant 0 : index
    %get3A_1189 = tpu.vector_load %arg9[%get3A_1187, %get3A_1188] {strides = array<i32>} : memref<32x128xf32, #tpu.memory_space<vmem>>, vector<16xf32>,
    %mul3A_1190 = arith.constant -0.0100503359 : f32
    %mul3A_1191 = vector.broadcast %mul3A_1190 : f32 to vector<16xf32>
    %mul3A_1192 = arith.mulf %get3A_1189, %mul3A_1191 : vector<16xf32>
    %exp3A_1193 = math.exp %mul3A_1192 : vector<16xf32>
    %sub3A_1194 = arith.constant 1.00000095 : f32
    %sub3A_1195 = vector.broadcast %sub3A_1194 : f32 to vector<16xf32>
    %sub3A_1196 = arith.subf %sub3A_1195, %exp3A_1193 : vector<16xf32>
    %div3A_1197 = arith.constant 1.000000e+00 : f32
    %div3A_1198 = vector.broadcast %div3A_1197 : f32 to vector<16xf32>
    %div3A_1199 = arith.divf %div3A_1198, %sub3A_1196 : vector<16xf32>
    %swap3A_1200 = arith.constant 15 : i32
    %swap3A_1201 = arith.index_cast %swap3A_1200 : i32 to index
    %swap3A_1202 = arith.constant 0 : index
    %swap3A_1203 = tpu.vector_load %arg9[%swap3A_1201, %swap3A_1202] {strides = array<i32>} : memref<32x128xf32, #tpu.memory_space<vmem>>, vector<16xf32>,
    tpu.vector_store %arg9[%swap3A_1201, %swap3A_1202], %div3A_1199 {strides = array<i32>} : memref<32x128xf32, #tpu.memory_space<vmem>>, vector<16xf32>,
    %get3A_1204 = arith.constant 7 : i32
    %get3A_1205 = arith.index_cast %get3A_1204 : i32 to index
    %get3A_1206 = arith.constant 16 : index
    %get3A_1207 = tpu.vector_load %arg9[%get3A_1205, %get3A_1206] {strides = array<i32>} : memref<32x128xf32, #tpu.memory_space<vmem>>, vector<16xf32>,
    %mul3A_1208 = arith.constant -0.0100503359 : f32
    %mul3A_1209 = vector.broadcast %mul3A_1208 : f32 to vector<16xf32>
    %mul3A_1210 = arith.mulf %get3A_1207, %mul3A_1209 : vector<16xf32>
    %exp3A_1211 = math.exp %mul3A_1210 : vector<16xf32>
    %sub3A_1212 = arith.constant 1.00000095 : f32
    %sub3A_1213 = vector.broadcast %sub3A_1212 : f32 to vector<16xf32>
    %sub3A_1214 = arith.subf %sub3A_1213, %exp3A_1211 : vector<16xf32>
    %div3A_1215 = arith.constant 1.000000e+00 : f32
    %div3A_1216 = vector.broadcast %div3A_1215 : f32 to vector<16xf32>
    %div3A_1217 = arith.divf %div3A_1216, %sub3A_1214 : vector<16xf32>
    %swap3A_1218 = arith.constant 15 : i32
    %swap3A_1219 = arith.index_cast %swap3A_1218 : i32 to index
    %swap3A_1220 = arith.constant 16 : index
    %swap3A_1221 = tpu.vector_load %arg9[%swap3A_1219, %swap3A_1220] {strides = array<i32>} : memref<32x128xf32, #tpu.memory_space<vmem>>, vector<16xf32>,
    tpu.vector_store %arg9[%swap3A_1219, %swap3A_1220], %div3A_1217 {strides = array<i32>} : memref<32x128xf32, #tpu.memory_space<vmem>>, vector<16xf32>,
    %get3A_1222 = arith.constant 7 : i32
    %get3A_1223 = arith.index_cast %get3A_1222 : i32 to index
    %get3A_1224 = arith.constant 32 : index
    %get3A_1225 = tpu.vector_load %arg9[%get3A_1223, %get3A_1224] {strides = array<i32>} : memref<32x128xf32, #tpu.memory_space<vmem>>, vector<16xf32>,
    %mul3A_1226 = arith.constant -0.0100503359 : f32
    %mul3A_1227 = vector.broadcast %mul3A_1226 : f32 to vector<16xf32>
    %mul3A_1228 = arith.mulf %get3A_1225, %mul3A_1227 : vector<16xf32>
    %exp3A_1229 = math.exp %mul3A_1228 : vector<16xf32>
    %sub3A_1230 = arith.constant 1.00000095 : f32
    %sub3A_1231 = vector.broadcast %sub3A_1230 : f32 to vector<16xf32>
    %sub3A_1232 = arith.subf %sub3A_1231, %exp3A_1229 : vector<16xf32>
    %div3A_1233 = arith.constant 1.000000e+00 : f32
    %div3A_1234 = vector.broadcast %div3A_1233 : f32 to vector<16xf32>
    %div3A_1235 = arith.divf %div3A_1234, %sub3A_1232 : vector<16xf32>
    %swap3A_1236 = arith.constant 15 : i32
    %swap3A_1237 = arith.index_cast %swap3A_1236 : i32 to index
    %swap3A_1238 = arith.constant 32 : index
    %swap3A_1239 = tpu.vector_load %arg9[%swap3A_1237, %swap3A_1238] {strides = array<i32>} : memref<32x128xf32, #tpu.memory_space<vmem>>, vector<16xf32>,
    tpu.vector_store %arg9[%swap3A_1237, %swap3A_1238], %div3A_1235 {strides = array<i32>} : memref<32x128xf32, #tpu.memory_space<vmem>>, vector<16xf32>,
    %get3A_1240 = arith.constant 7 : i32
    %get3A_1241 = arith.index_cast %get3A_1240 : i32 to index
    %get3A_1242 = arith.constant 48 : index
    %get3A_1243 = tpu.vector_load %arg9[%get3A_1241, %get3A_1242] {strides = array<i32>} : memref<32x128xf32, #tpu.memory_space<vmem>>, vector<16xf32>,
    %mul3A_1244 = arith.constant -0.0100503359 : f32
    %mul3A_1245 = vector.broadcast %mul3A_1244 : f32 to vector<16xf32>
    %mul3A_1246 = arith.mulf %get3A_1243, %mul3A_1245 : vector<16xf32>
    %exp3A_1247 = math.exp %mul3A_1246 : vector<16xf32>
    %sub3A_1248 = arith.constant 1.00000095 : f32
    %sub3A_1249 = vector.broadcast %sub3A_1248 : f32 to vector<16xf32>
    %sub3A_1250 = arith.subf %sub3A_1249, %exp3A_1247 : vector<16xf32>
    %div3A_1251 = arith.constant 1.000000e+00 : f32
    %div3A_1252 = vector.broadcast %div3A_1251 : f32 to vector<16xf32>
    %div3A_1253 = arith.divf %div3A_1252, %sub3A_1250 : vector<16xf32>
    %swap3A_1254 = arith.constant 15 : i32
    %swap3A_1255 = arith.index_cast %swap3A_1254 : i32 to index
    %swap3A_1256 = arith.constant 48 : index
    %swap3A_1257 = tpu.vector_load %arg9[%swap3A_1255, %swap3A_1256] {strides = array<i32>} : memref<32x128xf32, #tpu.memory_space<vmem>>, vector<16xf32>,
    tpu.vector_store %arg9[%swap3A_1255, %swap3A_1256], %div3A_1253 {strides = array<i32>} : memref<32x128xf32, #tpu.memory_space<vmem>>, vector<16xf32>,
    %get3A_1258 = arith.constant 7 : i32
    %get3A_1259 = arith.index_cast %get3A_1258 : i32 to index
    %get3A_1260 = arith.constant 64 : index
    %get3A_1261 = tpu.vector_load %arg9[%get3A_1259, %get3A_1260] {strides = array<i32>} : memref<32x128xf32, #tpu.memory_space<vmem>>, vector<16xf32>,
    %mul3A_1262 = arith.constant -0.0100503359 : f32
    %mul3A_1263 = vector.broadcast %mul3A_1262 : f32 to vector<16xf32>
    %mul3A_1264 = arith.mulf %get3A_1261, %mul3A_1263 : vector<16xf32>
    %exp3A_1265 = math.exp %mul3A_1264 : vector<16xf32>
    %sub3A_1266 = arith.constant 1.00000095 : f32
    %sub3A_1267 = vector.broadcast %sub3A_1266 : f32 to vector<16xf32>
    %sub3A_1268 = arith.subf %sub3A_1267, %exp3A_1265 : vector<16xf32>
    %div3A_1269 = arith.constant 1.000000e+00 : f32
    %div3A_1270 = vector.broadcast %div3A_1269 : f32 to vector<16xf32>
    %div3A_1271 = arith.divf %div3A_1270, %sub3A_1268 : vector<16xf32>
    %swap3A_1272 = arith.constant 15 : i32
    %swap3A_1273 = arith.index_cast %swap3A_1272 : i32 to index
    %swap3A_1274 = arith.constant 64 : index
    %swap3A_1275 = tpu.vector_load %arg9[%swap3A_1273, %swap3A_1274] {strides = array<i32>} : memref<32x128xf32, #tpu.memory_space<vmem>>, vector<16xf32>,
    tpu.vector_store %arg9[%swap3A_1273, %swap3A_1274], %div3A_1271 {strides = array<i32>} : memref<32x128xf32, #tpu.memory_space<vmem>>, vector<16xf32>,
    %get3A_1276 = arith.constant 7 : i32
    %get3A_1277 = arith.index_cast %get3A_1276 : i32 to index
    %get3A_1278 = arith.constant 80 : index
    %get3A_1279 = tpu.vector_load %arg9[%get3A_1277, %get3A_1278] {strides = array<i32>} : memref<32x128xf32, #tpu.memory_space<vmem>>, vector<16xf32>,
    %mul3A_1280 = arith.constant -0.0100503359 : f32
    %mul3A_1281 = vector.broadcast %mul3A_1280 : f32 to vector<16xf32>
    %mul3A_1282 = arith.mulf %get3A_1279, %mul3A_1281 : vector<16xf32>
    %exp3A_1283 = math.exp %mul3A_1282 : vector<16xf32>
    %sub3A_1284 = arith.constant 1.00000095 : f32
    %sub3A_1285 = vector.broadcast %sub3A_1284 : f32 to vector<16xf32>
    %sub3A_1286 = arith.subf %sub3A_1285, %exp3A_1283 : vector<16xf32>
    %div3A_1287 = arith.constant 1.000000e+00 : f32
    %div3A_1288 = vector.broadcast %div3A_1287 : f32 to vector<16xf32>
    %div3A_1289 = arith.divf %div3A_1288, %sub3A_1286 : vector<16xf32>
    %swap3A_1290 = arith.constant 15 : i32
    %swap3A_1291 = arith.index_cast %swap3A_1290 : i32 to index
    %swap3A_1292 = arith.constant 80 : index
    %swap3A_1293 = tpu.vector_load %arg9[%swap3A_1291, %swap3A_1292] {strides = array<i32>} : memref<32x128xf32, #tpu.memory_space<vmem>>, vector<16xf32>,
    tpu.vector_store %arg9[%swap3A_1291, %swap3A_1292], %div3A_1289 {strides = array<i32>} : memref<32x128xf32, #tpu.memory_space<vmem>>, vector<16xf32>,
    %get3A_1294 = arith.constant 7 : i32
    %get3A_1295 = arith.index_cast %get3A_1294 : i32 to index
    %get3A_1296 = arith.constant 96 : index
    %get3A_1297 = tpu.vector_load %arg9[%get3A_1295, %get3A_1296] {strides = array<i32>} : memref<32x128xf32, #tpu.memory_space<vmem>>, vector<16xf32>,
    %mul3A_1298 = arith.constant -0.0100503359 : f32
    %mul3A_1299 = vector.broadcast %mul3A_1298 : f32 to vector<16xf32>
    %mul3A_1300 = arith.mulf %get3A_1297, %mul3A_1299 : vector<16xf32>
    %exp3A_1301 = math.exp %mul3A_1300 : vector<16xf32>
    %sub3A_1302 = arith.constant 1.00000095 : f32
    %sub3A_1303 = vector.broadcast %sub3A_1302 : f32 to vector<16xf32>
    %sub3A_1304 = arith.subf %sub3A_1303, %exp3A_1301 : vector<16xf32>
    %div3A_1305 = arith.constant 1.000000e+00 : f32
    %div3A_1306 = vector.broadcast %div3A_1305 : f32 to vector<16xf32>
    %div3A_1307 = arith.divf %div3A_1306, %sub3A_1304 : vector<16xf32>
    %swap3A_1308 = arith.constant 15 : i32
    %swap3A_1309 = arith.index_cast %swap3A_1308 : i32 to index
    %swap3A_1310 = arith.constant 96 : index
    %swap3A_1311 = tpu.vector_load %arg9[%swap3A_1309, %swap3A_1310] {strides = array<i32>} : memref<32x128xf32, #tpu.memory_space<vmem>>, vector<16xf32>,
    tpu.vector_store %arg9[%swap3A_1309, %swap3A_1310], %div3A_1307 {strides = array<i32>} : memref<32x128xf32, #tpu.memory_space<vmem>>, vector<16xf32>,
    %get3A_1312 = arith.constant 7 : i32
    %get3A_1313 = arith.index_cast %get3A_1312 : i32 to index
    %get3A_1314 = arith.constant 112 : index
    %get3A_1315 = tpu.vector_load %arg9[%get3A_1313, %get3A_1314] {strides = array<i32>} : memref<32x128xf32, #tpu.memory_space<vmem>>, vector<16xf32>,
    %mul3A_1316 = arith.constant -0.0100503359 : f32
    %mul3A_1317 = vector.broadcast %mul3A_1316 : f32 to vector<16xf32>
    %mul3A_1318 = arith.mulf %get3A_1315, %mul3A_1317 : vector<16xf32>
    %exp3A_1319 = math.exp %mul3A_1318 : vector<16xf32>
    %sub3A_1320 = arith.constant 1.00000095 : f32
    %sub3A_1321 = vector.broadcast %sub3A_1320 : f32 to vector<16xf32>
    %sub3A_1322 = arith.subf %sub3A_1321, %exp3A_1319 : vector<16xf32>
    %div3A_1323 = arith.constant 1.000000e+00 : f32
    %div3A_1324 = vector.broadcast %div3A_1323 : f32 to vector<16xf32>
    %div3A_1325 = arith.divf %div3A_1324, %sub3A_1322 : vector<16xf32>
    %swap3A_1326 = arith.constant 15 : i32
    %swap3A_1327 = arith.index_cast %swap3A_1326 : i32 to index
    %swap3A_1328 = arith.constant 112 : index
    %swap3A_1329 = tpu.vector_load %arg9[%swap3A_1327, %swap3A_1328] {strides = array<i32>} : memref<32x128xf32, #tpu.memory_space<vmem>>, vector<16xf32>,
    tpu.vector_store %arg9[%swap3A_1327, %swap3A_1328], %div3A_1325 {strides = array<i32>} : memref<32x128xf32, #tpu.memory_space<vmem>>, vector<16xf32>,
    %mul3A_1330 = arith.constant 8 : i32
    %mul3A_1331 = arith.muli %arg1, %mul3A_1330 : i32
    "tpu.region"() ({
      %run_scoped3A = tpu.sem_alloc : memref<!tpu.dma_semaphore, #tpu.memory_space<semaphore_mem>>
      %dma_start3A_1629 = arith.constant 8 : i32
      %dma_start3A_1630 = arith.constant 0 : i32
      %dma_start3A_1631 = tpu.memref_slice %arg9[%dma_start3A_1629, %dma_start3A_1630] : memref<32x128xf32, #tpu.memory_space<vmem>> -> memref<8x128xf32, #tpu.memory_space<vmem>>
      %dma_start3A_1632 = arith.constant 0 : i32
      %dma_start3A_1633 = tpu.memref_slice %arg6[%mul3A_1331, %dma_start3A_1632] : memref<128x128xf32, #tpu.memory_space<vmem_shared>> -> memref<8x128xf32, #tpu.memory_space<vmem_shared>>
      %dma_start3A_1634 = arith.constant 0 : i32
      %dma_start3A_1635 = tpu.memref_slice %arg6[%mul3A_1331, %dma_start3A_1634] : memref<128x128xf32, #tpu.memory_space<vmem_shared>> -> memref<8x128xf32, #tpu.memory_space<vmem_shared>>
      %dma_start3A_1636 = arith.constant 8 : i32
      %dma_start3A_1637 = arith.constant 0 : i32
      %dma_start3A_1638 = tpu.memref_slice %arg9[%dma_start3A_1636, %dma_start3A_1637] : memref<32x128xf32, #tpu.memory_space<vmem>> -> memref<8x128xf32, #tpu.memory_space<vmem>>
      tpu.enqueue_dma source(%dma_start3A_1638 : memref<8x128xf32, #tpu.memory_space<vmem>>) target(%dma_start3A_1635 : memref<8x128xf32, #tpu.memory_space<vmem_shared>>) target_semaphore(%run_scoped3A : memref<!tpu.dma_semaphore, #tpu.memory_space<semaphore_mem>>)
      %dma_wait3A_1639 = arith.constant 8 : i32
      %dma_wait3A_1640 = arith.constant 0 : i32
      %dma_wait3A_1641 = tpu.memref_slice %arg9[%dma_wait3A_1639, %dma_wait3A_1640] : memref<32x128xf32, #tpu.memory_space<vmem>> -> memref<8x128xf32, #tpu.memory_space<vmem>>
      %dma_wait3A_1642 = arith.constant 0 : i32
      %dma_wait3A_1643 = tpu.memref_slice %arg6[%mul3A_1331, %dma_wait3A_1642] : memref<128x128xf32, #tpu.memory_space<vmem_shared>> -> memref<8x128xf32, #tpu.memory_space<vmem_shared>>
      %dma_wait3A_1644 = arith.constant 0 : i32
      %dma_wait3A_1645 = tpu.memref_slice %arg6[%mul3A_1331, %dma_wait3A_1644] : memref<128x128xf32, #tpu.memory_space<vmem_shared>> -> memref<8x128xf32, #tpu.memory_space<vmem_shared>>
      %dma_wait3A_1646 = arith.constant 8 : i32
      %dma_wait3A_1647 = arith.constant 0 : i32
      %dma_wait3A_1648 = tpu.memref_slice %arg9[%dma_wait3A_1646, %dma_wait3A_1647] : memref<32x128xf32, #tpu.memory_space<vmem>> -> memref<8x128xf32, #tpu.memory_space<vmem>>
      tpu.wait_dma2 semaphore(%run_scoped3A : memref<!tpu.dma_semaphore, #tpu.memory_space<semaphore_mem>>) src(%dma_wait3A_1648 : memref<8x128xf32, #tpu.memory_space<vmem>>) dst(%dma_wait3A_1645 : memref<8x128xf32, #tpu.memory_space<vmem_shared>>)
      tpu.yield
    }) : () -> ()
    %barrier3A = arith.constant 0 : index
    tpu.barrier barrier_id(%barrier3A)
    %dma_wait3A_1332 = arith.constant 0 : i32
    %dma_wait3A_1333 = tpu.memref_slice %arg3[%mul3A_2, %dma_wait3A_1332] : memref<64x100000xf32, #tpu.memory_space<hbm>> -> memref<1x100000xf32, #tpu.memory_space<hbm>>
    %dma_wait3A_1334 = tpu.memref_squeeze %dma_wait3A_1333 : memref<1x100000xf32, #tpu.memory_space<hbm>> -> memref<100000xf32, #tpu.memory_space<hbm>>
    %dma_wait3A_1335 = arith.constant 0 : i32
    %dma_wait3A_1336 = tpu.memref_slice %arg3[%mul3A_2, %dma_wait3A_1335] : memref<64x100000xf32, #tpu.memory_space<hbm>> -> memref<1x100000xf32, #tpu.memory_space<hbm>>
    %dma_wait3A_1337 = tpu.memref_squeeze %dma_wait3A_1336 : memref<1x100000xf32, #tpu.memory_space<hbm>> -> memref<100000xf32, #tpu.memory_space<hbm>>
    tpu.wait_dma2 semaphore(%arg13 : memref<!tpu.dma_semaphore, #tpu.memory_space<semaphore_mem>>) src(%dma_wait3A_1337 : memref<100000xf32, #tpu.memory_space<hbm>>) dst(%arg7 : memref<100000xf32, #tpu.memory_space<vmem>>)
    "tpu.region"() ({
      %run_scoped3A = tpu.sem_alloc : memref<!tpu.dma_semaphore, #tpu.memory_space<semaphore_mem>>
      %dma_start3A_1629 = arith.constant 0 : i32
      %dma_start3A_1630 = arith.constant 0 : i32
      %dma_start3A_1631 = tpu.memref_slice %arg6[%dma_start3A_1629, %dma_start3A_1630] : memref<128x128xf32, #tpu.memory_space<vmem_shared>> -> memref<32x128xf32, #tpu.memory_space<vmem_shared>>
      %dma_start3A_1632 = arith.constant 0 : i32
      %dma_start3A_1633 = arith.constant 0 : i32
      %dma_start3A_1634 = tpu.memref_slice %arg6[%dma_start3A_1632, %dma_start3A_1633] : memref<128x128xf32, #tpu.memory_space<vmem_shared>> -> memref<32x128xf32, #tpu.memory_space<vmem_shared>>
      tpu.enqueue_dma source(%dma_start3A_1634 : memref<32x128xf32, #tpu.memory_space<vmem_shared>>) target(%arg9 : memref<32x128xf32, #tpu.memory_space<vmem>>) target_semaphore(%run_scoped3A : memref<!tpu.dma_semaphore, #tpu.memory_space<semaphore_mem>>)
      %dma_wait3A_1635 = arith.constant 0 : i32
      %dma_wait3A_1636 = arith.constant 0 : i32
      %dma_wait3A_1637 = tpu.memref_slice %arg6[%dma_wait3A_1635, %dma_wait3A_1636] : memref<128x128xf32, #tpu.memory_space<vmem_shared>> -> memref<32x128xf32, #tpu.memory_space<vmem_shared>>
      %dma_wait3A_1638 = arith.constant 0 : i32
      %dma_wait3A_1639 = arith.constant 0 : i32
      %dma_wait3A_1640 = tpu.memref_slice %arg6[%dma_wait3A_1638, %dma_wait3A_1639] : memref<128x128xf32, #tpu.memory_space<vmem_shared>> -> memref<32x128xf32, #tpu.memory_space<vmem_shared>>
      tpu.wait_dma2 semaphore(%run_scoped3A : memref<!tpu.dma_semaphore, #tpu.memory_space<semaphore_mem>>) src(%dma_wait3A_1640 : memref<32x128xf32, #tpu.memory_space<vmem_shared>>) dst(%arg9 : memref<32x128xf32, #tpu.memory_space<vmem>>)
      tpu.yield
    }) : () -> ()
    %mul3A_1338 = arith.constant 2 : i32
    %mul3A_1339 = arith.muli %add3A, %mul3A_1338 : i32
    %add3A_1340 = arith.constant 0 : i32
    %add3A_1341 = arith.addi %mul3A_1339, %add3A_1340 : i32
    %scan3A = arith.constant 0 : i32
    %scan3A_1342 = arith.constant 0 : i32
    %scan3A_1343 = arith.constant 32 : i32
    %scan3A_1344 = arith.addi %scan3A_1342, %scan3A_1343 : i32
    %scan3A_1345 = arith.constant 1 : i32
    scf.for %scan3A_1629 = %scan3A_1342 to %scan3A_1344 step %scan3A_1345  : i32 {
      %add3A_1630 = arith.constant 0 : i32
      %add3A_1631 = arith.addi %add3A_1630, %scan3A_1629 : i32
      %get3A_1632 = arith.index_cast %add3A_1631 : i32 to index
      %get3A_1633 = arith.constant 0 : index
      %get3A_1634 = tpu.vector_load %arg8[%get3A_1632, %get3A_1633] {strides = array<i32>} : memref<128x128xi32, #tpu.memory_space<vmem>>, vector<16xi32>,
      %add3A_1635 = arith.constant 0 : i32
      %add3A_1636 = arith.addi %add3A_1635, %scan3A_1629 : i32
      %get3A_1637 = arith.index_cast %add3A_1636 : i32 to index
      %get3A_1638 = arith.constant 16 : index
      %get3A_1639 = tpu.vector_load %arg8[%get3A_1637, %get3A_1638] {strides = array<i32>} : memref<128x128xi32, #tpu.memory_space<vmem>>, vector<16xi32>,
      %add3A_1640 = arith.constant 0 : i32
      %add3A_1641 = arith.addi %add3A_1640, %scan3A_1629 : i32
      %get3A_1642 = arith.index_cast %add3A_1641 : i32 to index
      %get3A_1643 = arith.constant 32 : index
      %get3A_1644 = tpu.vector_load %arg8[%get3A_1642, %get3A_1643] {strides = array<i32>} : memref<128x128xi32, #tpu.memory_space<vmem>>, vector<16xi32>,
      %add3A_1645 = arith.constant 0 : i32
      %add3A_1646 = arith.addi %add3A_1645, %scan3A_1629 : i32
      %get3A_1647 = arith.index_cast %add3A_1646 : i32 to index
      %get3A_1648 = arith.constant 48 : index
      %get3A_1649 = tpu.vector_load %arg8[%get3A_1647, %get3A_1648] {strides = array<i32>} : memref<128x128xi32, #tpu.memory_space<vmem>>, vector<16xi32>,
      %add3A_1650 = arith.constant 0 : i32
      %add3A_1651 = arith.addi %add3A_1650, %scan3A_1629 : i32
      %get3A_1652 = arith.index_cast %add3A_1651 : i32 to index
      %get3A_1653 = arith.constant 64 : index
      %get3A_1654 = tpu.vector_load %arg8[%get3A_1652, %get3A_1653] {strides = array<i32>} : memref<128x128xi32, #tpu.memory_space<vmem>>, vector<16xi32>,
      %add3A_1655 = arith.constant 0 : i32
      %add3A_1656 = arith.addi %add3A_1655, %scan3A_1629 : i32
      %get3A_1657 = arith.index_cast %add3A_1656 : i32 to index
      %get3A_1658 = arith.constant 80 : index
      %get3A_1659 = tpu.vector_load %arg8[%get3A_1657, %get3A_1658] {strides = array<i32>} : memref<128x128xi32, #tpu.memory_space<vmem>>, vector<16xi32>,
      %add3A_1660 = arith.constant 0 : i32
      %add3A_1661 = arith.addi %add3A_1660, %scan3A_1629 : i32
      %get3A_1662 = arith.index_cast %add3A_1661 : i32 to index
      %get3A_1663 = arith.constant 96 : index
      %get3A_1664 = tpu.vector_load %arg8[%get3A_1662, %get3A_1663] {strides = array<i32>} : memref<128x128xi32, #tpu.memory_space<vmem>>, vector<16xi32>,
      %add3A_1665 = arith.constant 0 : i32
      %add3A_1666 = arith.addi %add3A_1665, %scan3A_1629 : i32
      %get3A_1667 = arith.index_cast %add3A_1666 : i32 to index
      %get3A_1668 = arith.constant 112 : index
      %get3A_1669 = tpu.vector_load %arg8[%get3A_1667, %get3A_1668] {strides = array<i32>} : memref<128x128xi32, #tpu.memory_space<vmem>>, vector<16xi32>,
      %gather3A = tpu.vector_load_idx %arg7[%get3A_1634] : memref<100000xf32, #tpu.memory_space<vmem>>[vector<16xi32>], vector<16xf32>,
      %gather3A_1670 = tpu.vector_load_idx %arg7[%get3A_1639] : memref<100000xf32, #tpu.memory_space<vmem>>[vector<16xi32>], vector<16xf32>,
      %gather3A_1671 = tpu.vector_load_idx %arg7[%get3A_1644] : memref<100000xf32, #tpu.memory_space<vmem>>[vector<16xi32>], vector<16xf32>,
      %gather3A_1672 = tpu.vector_load_idx %arg7[%get3A_1649] : memref<100000xf32, #tpu.memory_space<vmem>>[vector<16xi32>], vector<16xf32>,
      %gather3A_1673 = tpu.vector_load_idx %arg7[%get3A_1654] : memref<100000xf32, #tpu.memory_space<vmem>>[vector<16xi32>], vector<16xf32>,
      %gather3A_1674 = tpu.vector_load_idx %arg7[%get3A_1659] : memref<100000xf32, #tpu.memory_space<vmem>>[vector<16xi32>], vector<16xf32>,
      %gather3A_1675 = tpu.vector_load_idx %arg7[%get3A_1664] : memref<100000xf32, #tpu.memory_space<vmem>>[vector<16xi32>], vector<16xf32>,
      %gather3A_1676 = tpu.vector_load_idx %arg7[%get3A_1669] : memref<100000xf32, #tpu.memory_space<vmem>>[vector<16xi32>], vector<16xf32>,
      %get3A_1677 = arith.index_cast %scan3A_1629 : i32 to index
      %get3A_1678 = arith.constant 0 : index
      %get3A_1679 = tpu.vector_load %arg9[%get3A_1677, %get3A_1678] {strides = array<i32>} : memref<32x128xf32, #tpu.memory_space<vmem>>, vector<16xf32>,
      %get3A_1680 = arith.index_cast %scan3A_1629 : i32 to index
      %get3A_1681 = arith.constant 16 : index
      %get3A_1682 = tpu.vector_load %arg9[%get3A_1680, %get3A_1681] {strides = array<i32>} : memref<32x128xf32, #tpu.memory_space<vmem>>, vector<16xf32>,
      %get3A_1683 = arith.index_cast %scan3A_1629 : i32 to index
      %get3A_1684 = arith.constant 32 : index
      %get3A_1685 = tpu.vector_load %arg9[%get3A_1683, %get3A_1684] {strides = array<i32>} : memref<32x128xf32, #tpu.memory_space<vmem>>, vector<16xf32>,
      %get3A_1686 = arith.index_cast %scan3A_1629 : i32 to index
      %get3A_1687 = arith.constant 48 : index
      %get3A_1688 = tpu.vector_load %arg9[%get3A_1686, %get3A_1687] {strides = array<i32>} : memref<32x128xf32, #tpu.memory_space<vmem>>, vector<16xf32>,
      %get3A_1689 = arith.index_cast %scan3A_1629 : i32 to index
      %get3A_1690 = arith.constant 64 : index
      %get3A_1691 = tpu.vector_load %arg9[%get3A_1689, %get3A_1690] {strides = array<i32>} : memref<32x128xf32, #tpu.memory_space<vmem>>, vector<16xf32>,
      %get3A_1692 = arith.index_cast %scan3A_1629 : i32 to index
      %get3A_1693 = arith.constant 80 : index
      %get3A_1694 = tpu.vector_load %arg9[%get3A_1692, %get3A_1693] {strides = array<i32>} : memref<32x128xf32, #tpu.memory_space<vmem>>, vector<16xf32>,
      %get3A_1695 = arith.index_cast %scan3A_1629 : i32 to index
      %get3A_1696 = arith.constant 96 : index
      %get3A_1697 = tpu.vector_load %arg9[%get3A_1695, %get3A_1696] {strides = array<i32>} : memref<32x128xf32, #tpu.memory_space<vmem>>, vector<16xf32>,
      %get3A_1698 = arith.index_cast %scan3A_1629 : i32 to index
      %get3A_1699 = arith.constant 112 : index
      %get3A_1700 = tpu.vector_load %arg9[%get3A_1698, %get3A_1699] {strides = array<i32>} : memref<32x128xf32, #tpu.memory_space<vmem>>, vector<16xf32>,
      %mul3A_1701 = arith.mulf %gather3A, %get3A_1679 : vector<16xf32>
      %mul3A_1702 = arith.constant 128 : i32
      %mul3A_1703 = arith.muli %scan3A_1629, %mul3A_1702 : i32
      %add3A_1704 = arith.constant 0 : i32
      %add3A_1705 = arith.addi %mul3A_1703, %add3A_1704 : i32
      %swap3A_1706 = arith.constant 0 : i32
      %swap3A_1707 = arith.index_cast %swap3A_1706 : i32 to index
      %swap3A_1708 = arith.index_cast %add3A_1705 : i32 to index
      %swap3A_1709 = tpu.vector_load %arg10[%swap3A_1707, %swap3A_1708] {strides = array<i32>} : memref<2x4096xf32, #tpu.memory_space<vmem>>, vector<16xf32>,
      tpu.vector_store %arg10[%swap3A_1707, %swap3A_1708], %mul3A_1701 {strides = array<i32>} : memref<2x4096xf32, #tpu.memory_space<vmem>>, vector<16xf32>,
      %mul3A_1710 = arith.mulf %gather3A_1670, %get3A_1682 : vector<16xf32>
      %mul3A_1711 = arith.constant 128 : i32
      %mul3A_1712 = arith.muli %scan3A_1629, %mul3A_1711 : i32
      %add3A_1713 = arith.constant 16 : i32
      %add3A_1714 = arith.addi %mul3A_1712, %add3A_1713 : i32
      %swap3A_1715 = arith.constant 0 : i32
      %swap3A_1716 = arith.index_cast %swap3A_1715 : i32 to index
      %swap3A_1717 = arith.index_cast %add3A_1714 : i32 to index
      %swap3A_1718 = tpu.vector_load %arg10[%swap3A_1716, %swap3A_1717] {strides = array<i32>} : memref<2x4096xf32, #tpu.memory_space<vmem>>, vector<16xf32>,
      tpu.vector_store %arg10[%swap3A_1716, %swap3A_1717], %mul3A_1710 {strides = array<i32>} : memref<2x4096xf32, #tpu.memory_space<vmem>>, vector<16xf32>,
      %mul3A_1719 = arith.mulf %gather3A_1671, %get3A_1685 : vector<16xf32>
      %mul3A_1720 = arith.constant 128 : i32
      %mul3A_1721 = arith.muli %scan3A_1629, %mul3A_1720 : i32
      %add3A_1722 = arith.constant 32 : i32
      %add3A_1723 = arith.addi %mul3A_1721, %add3A_1722 : i32
      %swap3A_1724 = arith.constant 0 : i32
      %swap3A_1725 = arith.index_cast %swap3A_1724 : i32 to index
      %swap3A_1726 = arith.index_cast %add3A_1723 : i32 to index
      %swap3A_1727 = tpu.vector_load %arg10[%swap3A_1725, %swap3A_1726] {strides = array<i32>} : memref<2x4096xf32, #tpu.memory_space<vmem>>, vector<16xf32>,
      tpu.vector_store %arg10[%swap3A_1725, %swap3A_1726], %mul3A_1719 {strides = array<i32>} : memref<2x4096xf32, #tpu.memory_space<vmem>>, vector<16xf32>,
      %mul3A_1728 = arith.mulf %gather3A_1672, %get3A_1688 : vector<16xf32>
      %mul3A_1729 = arith.constant 128 : i32
      %mul3A_1730 = arith.muli %scan3A_1629, %mul3A_1729 : i32
      %add3A_1731 = arith.constant 48 : i32
      %add3A_1732 = arith.addi %mul3A_1730, %add3A_1731 : i32
      %swap3A_1733 = arith.constant 0 : i32
      %swap3A_1734 = arith.index_cast %swap3A_1733 : i32 to index
      %swap3A_1735 = arith.index_cast %add3A_1732 : i32 to index
      %swap3A_1736 = tpu.vector_load %arg10[%swap3A_1734, %swap3A_1735] {strides = array<i32>} : memref<2x4096xf32, #tpu.memory_space<vmem>>, vector<16xf32>,
      tpu.vector_store %arg10[%swap3A_1734, %swap3A_1735], %mul3A_1728 {strides = array<i32>} : memref<2x4096xf32, #tpu.memory_space<vmem>>, vector<16xf32>,
      %mul3A_1737 = arith.mulf %gather3A_1673, %get3A_1691 : vector<16xf32>
      %mul3A_1738 = arith.constant 128 : i32
      %mul3A_1739 = arith.muli %scan3A_1629, %mul3A_1738 : i32
      %add3A_1740 = arith.constant 64 : i32
      %add3A_1741 = arith.addi %mul3A_1739, %add3A_1740 : i32
      %swap3A_1742 = arith.constant 0 : i32
      %swap3A_1743 = arith.index_cast %swap3A_1742 : i32 to index
      %swap3A_1744 = arith.index_cast %add3A_1741 : i32 to index
      %swap3A_1745 = tpu.vector_load %arg10[%swap3A_1743, %swap3A_1744] {strides = array<i32>} : memref<2x4096xf32, #tpu.memory_space<vmem>>, vector<16xf32>,
      tpu.vector_store %arg10[%swap3A_1743, %swap3A_1744], %mul3A_1737 {strides = array<i32>} : memref<2x4096xf32, #tpu.memory_space<vmem>>, vector<16xf32>,
      %mul3A_1746 = arith.mulf %gather3A_1674, %get3A_1694 : vector<16xf32>
      %mul3A_1747 = arith.constant 128 : i32
      %mul3A_1748 = arith.muli %scan3A_1629, %mul3A_1747 : i32
      %add3A_1749 = arith.constant 80 : i32
      %add3A_1750 = arith.addi %mul3A_1748, %add3A_1749 : i32
      %swap3A_1751 = arith.constant 0 : i32
      %swap3A_1752 = arith.index_cast %swap3A_1751 : i32 to index
      %swap3A_1753 = arith.index_cast %add3A_1750 : i32 to index
      %swap3A_1754 = tpu.vector_load %arg10[%swap3A_1752, %swap3A_1753] {strides = array<i32>} : memref<2x4096xf32, #tpu.memory_space<vmem>>, vector<16xf32>,
      tpu.vector_store %arg10[%swap3A_1752, %swap3A_1753], %mul3A_1746 {strides = array<i32>} : memref<2x4096xf32, #tpu.memory_space<vmem>>, vector<16xf32>,
      %mul3A_1755 = arith.mulf %gather3A_1675, %get3A_1697 : vector<16xf32>
      %mul3A_1756 = arith.constant 128 : i32
      %mul3A_1757 = arith.muli %scan3A_1629, %mul3A_1756 : i32
      %add3A_1758 = arith.constant 96 : i32
      %add3A_1759 = arith.addi %mul3A_1757, %add3A_1758 : i32
      %swap3A_1760 = arith.constant 0 : i32
      %swap3A_1761 = arith.index_cast %swap3A_1760 : i32 to index
      %swap3A_1762 = arith.index_cast %add3A_1759 : i32 to index
      %swap3A_1763 = tpu.vector_load %arg10[%swap3A_1761, %swap3A_1762] {strides = array<i32>} : memref<2x4096xf32, #tpu.memory_space<vmem>>, vector<16xf32>,
      tpu.vector_store %arg10[%swap3A_1761, %swap3A_1762], %mul3A_1755 {strides = array<i32>} : memref<2x4096xf32, #tpu.memory_space<vmem>>, vector<16xf32>,
      %mul3A_1764 = arith.mulf %gather3A_1676, %get3A_1700 : vector<16xf32>
      %mul3A_1765 = arith.constant 128 : i32
      %mul3A_1766 = arith.muli %scan3A_1629, %mul3A_1765 : i32
      %add3A_1767 = arith.constant 112 : i32
      %add3A_1768 = arith.addi %mul3A_1766, %add3A_1767 : i32
      %swap3A_1769 = arith.constant 0 : i32
      %swap3A_1770 = arith.index_cast %swap3A_1769 : i32 to index
      %swap3A_1771 = arith.index_cast %add3A_1768 : i32 to index
      %swap3A_1772 = tpu.vector_load %arg10[%swap3A_1770, %swap3A_1771] {strides = array<i32>} : memref<2x4096xf32, #tpu.memory_space<vmem>>, vector<16xf32>,
      tpu.vector_store %arg10[%swap3A_1770, %swap3A_1771], %mul3A_1764 {strides = array<i32>} : memref<2x4096xf32, #tpu.memory_space<vmem>>, vector<16xf32>,
    }
    %scan3A_1346 = arith.constant 32 : i32
    %dma_start3A_1347 = arith.constant 0 : i32
    %dma_start3A_1348 = arith.constant 0 : i32
    %dma_start3A_1349 = tpu.memref_slice %arg10[%dma_start3A_1347, %dma_start3A_1348] : memref<2x4096xf32, #tpu.memory_space<vmem>> -> memref<1x4096xf32, #tpu.memory_space<vmem>>
    %dma_start3A_1350 = tpu.memref_squeeze %dma_start3A_1349 : memref<1x4096xf32, #tpu.memory_space<vmem>> -> memref<4096xf32, #tpu.memory_space<vmem>>
    %dma_start3A_1351 = arith.constant 0 : i32
    %dma_start3A_1352 = tpu.memref_slice %arg5[%add3A_1341, %dma_start3A_1351] : memref<64x16384xf32, #tpu.memory_space<hbm>> -> memref<1x4096xf32, #tpu.memory_space<hbm>>
    %dma_start3A_1353 = tpu.memref_squeeze %dma_start3A_1352 : memref<1x4096xf32, #tpu.memory_space<hbm>> -> memref<4096xf32, #tpu.memory_space<hbm>>
    %dma_start3A_1354 = arith.constant 0 : i32
    %dma_start3A_1355 = tpu.memref_slice %arg5[%add3A_1341, %dma_start3A_1354] : memref<64x16384xf32, #tpu.memory_space<hbm>> -> memref<1x4096xf32, #tpu.memory_space<hbm>>
    %dma_start3A_1356 = tpu.memref_squeeze %dma_start3A_1355 : memref<1x4096xf32, #tpu.memory_space<hbm>> -> memref<4096xf32, #tpu.memory_space<hbm>>
    %dma_start3A_1357 = arith.constant 0 : i32
    %dma_start3A_1358 = tpu.memref_slice %arg10[%dma_start3A_1347, %dma_start3A_1357] : memref<2x4096xf32, #tpu.memory_space<vmem>> -> memref<1x4096xf32, #tpu.memory_space<vmem>>
    %dma_start3A_1359 = tpu.memref_squeeze %dma_start3A_1358 : memref<1x4096xf32, #tpu.memory_space<vmem>> -> memref<4096xf32, #tpu.memory_space<vmem>>
    tpu.enqueue_dma source(%dma_start3A_1359 : memref<4096xf32, #tpu.memory_space<vmem>>) target(%dma_start3A_1356 : memref<4096xf32, #tpu.memory_space<hbm>>) target_semaphore(%arg12 : memref<!tpu.dma_semaphore, #tpu.memory_space<semaphore_mem>>)
    "tpu.region"() ({
      %run_scoped3A = tpu.sem_alloc : memref<!tpu.dma_semaphore, #tpu.memory_space<semaphore_mem>>
      %dma_start3A_1629 = arith.constant 32 : i32
      %dma_start3A_1630 = arith.constant 0 : i32
      %dma_start3A_1631 = tpu.memref_slice %arg6[%dma_start3A_1629, %dma_start3A_1630] : memref<128x128xf32, #tpu.memory_space<vmem_shared>> -> memref<32x128xf32, #tpu.memory_space<vmem_shared>>
      %dma_start3A_1632 = arith.constant 32 : i32
      %dma_start3A_1633 = arith.constant 0 : i32
      %dma_start3A_1634 = tpu.memref_slice %arg6[%dma_start3A_1632, %dma_start3A_1633] : memref<128x128xf32, #tpu.memory_space<vmem_shared>> -> memref<32x128xf32, #tpu.memory_space<vmem_shared>>
      tpu.enqueue_dma source(%dma_start3A_1634 : memref<32x128xf32, #tpu.memory_space<vmem_shared>>) target(%arg9 : memref<32x128xf32, #tpu.memory_space<vmem>>) target_semaphore(%run_scoped3A : memref<!tpu.dma_semaphore, #tpu.memory_space<semaphore_mem>>)
      %dma_wait3A_1635 = arith.constant 32 : i32
      %dma_wait3A_1636 = arith.constant 0 : i32
      %dma_wait3A_1637 = tpu.memref_slice %arg6[%dma_wait3A_1635, %dma_wait3A_1636] : memref<128x128xf32, #tpu.memory_space<vmem_shared>> -> memref<32x128xf32, #tpu.memory_space<vmem_shared>>
      %dma_wait3A_1638 = arith.constant 32 : i32
      %dma_wait3A_1639 = arith.constant 0 : i32
      %dma_wait3A_1640 = tpu.memref_slice %arg6[%dma_wait3A_1638, %dma_wait3A_1639] : memref<128x128xf32, #tpu.memory_space<vmem_shared>> -> memref<32x128xf32, #tpu.memory_space<vmem_shared>>
      tpu.wait_dma2 semaphore(%run_scoped3A : memref<!tpu.dma_semaphore, #tpu.memory_space<semaphore_mem>>) src(%dma_wait3A_1640 : memref<32x128xf32, #tpu.memory_space<vmem_shared>>) dst(%arg9 : memref<32x128xf32, #tpu.memory_space<vmem>>)
      tpu.yield
    }) : () -> ()
    %mul3A_1360 = arith.constant 2 : i32
    %mul3A_1361 = arith.muli %add3A, %mul3A_1360 : i32
    %add3A_1362 = arith.constant 0 : i32
    %add3A_1363 = arith.addi %mul3A_1361, %add3A_1362 : i32
    %scan3A_1364 = arith.constant 0 : i32
    %scan3A_1365 = arith.constant 0 : i32
    %scan3A_1366 = arith.constant 32 : i32
    %scan3A_1367 = arith.addi %scan3A_1365, %scan3A_1366 : i32
    %scan3A_1368 = arith.constant 1 : i32
    scf.for %scan3A_1629 = %scan3A_1365 to %scan3A_1367 step %scan3A_1368  : i32 {
      %add3A_1630 = arith.constant 32 : i32
      %add3A_1631 = arith.addi %add3A_1630, %scan3A_1629 : i32
      %get3A_1632 = arith.index_cast %add3A_1631 : i32 to index
      %get3A_1633 = arith.constant 0 : index
      %get3A_1634 = tpu.vector_load %arg8[%get3A_1632, %get3A_1633] {strides = array<i32>} : memref<128x128xi32, #tpu.memory_space<vmem>>, vector<16xi32>,
      %add3A_1635 = arith.constant 32 : i32
      %add3A_1636 = arith.addi %add3A_1635, %scan3A_1629 : i32
      %get3A_1637 = arith.index_cast %add3A_1636 : i32 to index
      %get3A_1638 = arith.constant 16 : index
      %get3A_1639 = tpu.vector_load %arg8[%get3A_1637, %get3A_1638] {strides = array<i32>} : memref<128x128xi32, #tpu.memory_space<vmem>>, vector<16xi32>,
      %add3A_1640 = arith.constant 32 : i32
      %add3A_1641 = arith.addi %add3A_1640, %scan3A_1629 : i32
      %get3A_1642 = arith.index_cast %add3A_1641 : i32 to index
      %get3A_1643 = arith.constant 32 : index
      %get3A_1644 = tpu.vector_load %arg8[%get3A_1642, %get3A_1643] {strides = array<i32>} : memref<128x128xi32, #tpu.memory_space<vmem>>, vector<16xi32>,
      %add3A_1645 = arith.constant 32 : i32
      %add3A_1646 = arith.addi %add3A_1645, %scan3A_1629 : i32
      %get3A_1647 = arith.index_cast %add3A_1646 : i32 to index
      %get3A_1648 = arith.constant 48 : index
      %get3A_1649 = tpu.vector_load %arg8[%get3A_1647, %get3A_1648] {strides = array<i32>} : memref<128x128xi32, #tpu.memory_space<vmem>>, vector<16xi32>,
      %add3A_1650 = arith.constant 32 : i32
      %add3A_1651 = arith.addi %add3A_1650, %scan3A_1629 : i32
      %get3A_1652 = arith.index_cast %add3A_1651 : i32 to index
      %get3A_1653 = arith.constant 64 : index
      %get3A_1654 = tpu.vector_load %arg8[%get3A_1652, %get3A_1653] {strides = array<i32>} : memref<128x128xi32, #tpu.memory_space<vmem>>, vector<16xi32>,
      %add3A_1655 = arith.constant 32 : i32
      %add3A_1656 = arith.addi %add3A_1655, %scan3A_1629 : i32
      %get3A_1657 = arith.index_cast %add3A_1656 : i32 to index
      %get3A_1658 = arith.constant 80 : index
      %get3A_1659 = tpu.vector_load %arg8[%get3A_1657, %get3A_1658] {strides = array<i32>} : memref<128x128xi32, #tpu.memory_space<vmem>>, vector<16xi32>,
      %add3A_1660 = arith.constant 32 : i32
      %add3A_1661 = arith.addi %add3A_1660, %scan3A_1629 : i32
      %get3A_1662 = arith.index_cast %add3A_1661 : i32 to index
      %get3A_1663 = arith.constant 96 : index
      %get3A_1664 = tpu.vector_load %arg8[%get3A_1662, %get3A_1663] {strides = array<i32>} : memref<128x128xi32, #tpu.memory_space<vmem>>, vector<16xi32>,
      %add3A_1665 = arith.constant 32 : i32
      %add3A_1666 = arith.addi %add3A_1665, %scan3A_1629 : i32
      %get3A_1667 = arith.index_cast %add3A_1666 : i32 to index
      %get3A_1668 = arith.constant 112 : index
      %get3A_1669 = tpu.vector_load %arg8[%get3A_1667, %get3A_1668] {strides = array<i32>} : memref<128x128xi32, #tpu.memory_space<vmem>>, vector<16xi32>,
      %gather3A = tpu.vector_load_idx %arg7[%get3A_1634] : memref<100000xf32, #tpu.memory_space<vmem>>[vector<16xi32>], vector<16xf32>,
      %gather3A_1670 = tpu.vector_load_idx %arg7[%get3A_1639] : memref<100000xf32, #tpu.memory_space<vmem>>[vector<16xi32>], vector<16xf32>,
      %gather3A_1671 = tpu.vector_load_idx %arg7[%get3A_1644] : memref<100000xf32, #tpu.memory_space<vmem>>[vector<16xi32>], vector<16xf32>,
      %gather3A_1672 = tpu.vector_load_idx %arg7[%get3A_1649] : memref<100000xf32, #tpu.memory_space<vmem>>[vector<16xi32>], vector<16xf32>,
      %gather3A_1673 = tpu.vector_load_idx %arg7[%get3A_1654] : memref<100000xf32, #tpu.memory_space<vmem>>[vector<16xi32>], vector<16xf32>,
      %gather3A_1674 = tpu.vector_load_idx %arg7[%get3A_1659] : memref<100000xf32, #tpu.memory_space<vmem>>[vector<16xi32>], vector<16xf32>,
      %gather3A_1675 = tpu.vector_load_idx %arg7[%get3A_1664] : memref<100000xf32, #tpu.memory_space<vmem>>[vector<16xi32>], vector<16xf32>,
      %gather3A_1676 = tpu.vector_load_idx %arg7[%get3A_1669] : memref<100000xf32, #tpu.memory_space<vmem>>[vector<16xi32>], vector<16xf32>,
      %get3A_1677 = arith.index_cast %scan3A_1629 : i32 to index
      %get3A_1678 = arith.constant 0 : index
      %get3A_1679 = tpu.vector_load %arg9[%get3A_1677, %get3A_1678] {strides = array<i32>} : memref<32x128xf32, #tpu.memory_space<vmem>>, vector<16xf32>,
      %get3A_1680 = arith.index_cast %scan3A_1629 : i32 to index
      %get3A_1681 = arith.constant 16 : index
      %get3A_1682 = tpu.vector_load %arg9[%get3A_1680, %get3A_1681] {strides = array<i32>} : memref<32x128xf32, #tpu.memory_space<vmem>>, vector<16xf32>,
      %get3A_1683 = arith.index_cast %scan3A_1629 : i32 to index
      %get3A_1684 = arith.constant 32 : index
      %get3A_1685 = tpu.vector_load %arg9[%get3A_1683, %get3A_1684] {strides = array<i32>} : memref<32x128xf32, #tpu.memory_space<vmem>>, vector<16xf32>,
      %get3A_1686 = arith.index_cast %scan3A_1629 : i32 to index
      %get3A_1687 = arith.constant 48 : index
      %get3A_1688 = tpu.vector_load %arg9[%get3A_1686, %get3A_1687] {strides = array<i32>} : memref<32x128xf32, #tpu.memory_space<vmem>>, vector<16xf32>,
      %get3A_1689 = arith.index_cast %scan3A_1629 : i32 to index
      %get3A_1690 = arith.constant 64 : index
      %get3A_1691 = tpu.vector_load %arg9[%get3A_1689, %get3A_1690] {strides = array<i32>} : memref<32x128xf32, #tpu.memory_space<vmem>>, vector<16xf32>,
      %get3A_1692 = arith.index_cast %scan3A_1629 : i32 to index
      %get3A_1693 = arith.constant 80 : index
      %get3A_1694 = tpu.vector_load %arg9[%get3A_1692, %get3A_1693] {strides = array<i32>} : memref<32x128xf32, #tpu.memory_space<vmem>>, vector<16xf32>,
      %get3A_1695 = arith.index_cast %scan3A_1629 : i32 to index
      %get3A_1696 = arith.constant 96 : index
      %get3A_1697 = tpu.vector_load %arg9[%get3A_1695, %get3A_1696] {strides = array<i32>} : memref<32x128xf32, #tpu.memory_space<vmem>>, vector<16xf32>,
      %get3A_1698 = arith.index_cast %scan3A_1629 : i32 to index
      %get3A_1699 = arith.constant 112 : index
      %get3A_1700 = tpu.vector_load %arg9[%get3A_1698, %get3A_1699] {strides = array<i32>} : memref<32x128xf32, #tpu.memory_space<vmem>>, vector<16xf32>,
      %mul3A_1701 = arith.mulf %gather3A, %get3A_1679 : vector<16xf32>
      %mul3A_1702 = arith.constant 128 : i32
      %mul3A_1703 = arith.muli %scan3A_1629, %mul3A_1702 : i32
      %add3A_1704 = arith.constant 0 : i32
      %add3A_1705 = arith.addi %mul3A_1703, %add3A_1704 : i32
      %swap3A_1706 = arith.constant 1 : i32
      %swap3A_1707 = arith.index_cast %swap3A_1706 : i32 to index
      %swap3A_1708 = arith.index_cast %add3A_1705 : i32 to index
      %swap3A_1709 = tpu.vector_load %arg10[%swap3A_1707, %swap3A_1708] {strides = array<i32>} : memref<2x4096xf32, #tpu.memory_space<vmem>>, vector<16xf32>,
      tpu.vector_store %arg10[%swap3A_1707, %swap3A_1708], %mul3A_1701 {strides = array<i32>} : memref<2x4096xf32, #tpu.memory_space<vmem>>, vector<16xf32>,
      %mul3A_1710 = arith.mulf %gather3A_1670, %get3A_1682 : vector<16xf32>
      %mul3A_1711 = arith.constant 128 : i32
      %mul3A_1712 = arith.muli %scan3A_1629, %mul3A_1711 : i32
      %add3A_1713 = arith.constant 16 : i32
      %add3A_1714 = arith.addi %mul3A_1712, %add3A_1713 : i32
      %swap3A_1715 = arith.constant 1 : i32
      %swap3A_1716 = arith.index_cast %swap3A_1715 : i32 to index
      %swap3A_1717 = arith.index_cast %add3A_1714 : i32 to index
      %swap3A_1718 = tpu.vector_load %arg10[%swap3A_1716, %swap3A_1717] {strides = array<i32>} : memref<2x4096xf32, #tpu.memory_space<vmem>>, vector<16xf32>,
      tpu.vector_store %arg10[%swap3A_1716, %swap3A_1717], %mul3A_1710 {strides = array<i32>} : memref<2x4096xf32, #tpu.memory_space<vmem>>, vector<16xf32>,
      %mul3A_1719 = arith.mulf %gather3A_1671, %get3A_1685 : vector<16xf32>
      %mul3A_1720 = arith.constant 128 : i32
      %mul3A_1721 = arith.muli %scan3A_1629, %mul3A_1720 : i32
      %add3A_1722 = arith.constant 32 : i32
      %add3A_1723 = arith.addi %mul3A_1721, %add3A_1722 : i32
      %swap3A_1724 = arith.constant 1 : i32
      %swap3A_1725 = arith.index_cast %swap3A_1724 : i32 to index
      %swap3A_1726 = arith.index_cast %add3A_1723 : i32 to index
      %swap3A_1727 = tpu.vector_load %arg10[%swap3A_1725, %swap3A_1726] {strides = array<i32>} : memref<2x4096xf32, #tpu.memory_space<vmem>>, vector<16xf32>,
      tpu.vector_store %arg10[%swap3A_1725, %swap3A_1726], %mul3A_1719 {strides = array<i32>} : memref<2x4096xf32, #tpu.memory_space<vmem>>, vector<16xf32>,
      %mul3A_1728 = arith.mulf %gather3A_1672, %get3A_1688 : vector<16xf32>
      %mul3A_1729 = arith.constant 128 : i32
      %mul3A_1730 = arith.muli %scan3A_1629, %mul3A_1729 : i32
      %add3A_1731 = arith.constant 48 : i32
      %add3A_1732 = arith.addi %mul3A_1730, %add3A_1731 : i32
      %swap3A_1733 = arith.constant 1 : i32
      %swap3A_1734 = arith.index_cast %swap3A_1733 : i32 to index
      %swap3A_1735 = arith.index_cast %add3A_1732 : i32 to index
      %swap3A_1736 = tpu.vector_load %arg10[%swap3A_1734, %swap3A_1735] {strides = array<i32>} : memref<2x4096xf32, #tpu.memory_space<vmem>>, vector<16xf32>,
      tpu.vector_store %arg10[%swap3A_1734, %swap3A_1735], %mul3A_1728 {strides = array<i32>} : memref<2x4096xf32, #tpu.memory_space<vmem>>, vector<16xf32>,
      %mul3A_1737 = arith.mulf %gather3A_1673, %get3A_1691 : vector<16xf32>
      %mul3A_1738 = arith.constant 128 : i32
      %mul3A_1739 = arith.muli %scan3A_1629, %mul3A_1738 : i32
      %add3A_1740 = arith.constant 64 : i32
      %add3A_1741 = arith.addi %mul3A_1739, %add3A_1740 : i32
      %swap3A_1742 = arith.constant 1 : i32
      %swap3A_1743 = arith.index_cast %swap3A_1742 : i32 to index
      %swap3A_1744 = arith.index_cast %add3A_1741 : i32 to index
      %swap3A_1745 = tpu.vector_load %arg10[%swap3A_1743, %swap3A_1744] {strides = array<i32>} : memref<2x4096xf32, #tpu.memory_space<vmem>>, vector<16xf32>,
      tpu.vector_store %arg10[%swap3A_1743, %swap3A_1744], %mul3A_1737 {strides = array<i32>} : memref<2x4096xf32, #tpu.memory_space<vmem>>, vector<16xf32>,
      %mul3A_1746 = arith.mulf %gather3A_1674, %get3A_1694 : vector<16xf32>
      %mul3A_1747 = arith.constant 128 : i32
      %mul3A_1748 = arith.muli %scan3A_1629, %mul3A_1747 : i32
      %add3A_1749 = arith.constant 80 : i32
      %add3A_1750 = arith.addi %mul3A_1748, %add3A_1749 : i32
      %swap3A_1751 = arith.constant 1 : i32
      %swap3A_1752 = arith.index_cast %swap3A_1751 : i32 to index
      %swap3A_1753 = arith.index_cast %add3A_1750 : i32 to index
      %swap3A_1754 = tpu.vector_load %arg10[%swap3A_1752, %swap3A_1753] {strides = array<i32>} : memref<2x4096xf32, #tpu.memory_space<vmem>>, vector<16xf32>,
      tpu.vector_store %arg10[%swap3A_1752, %swap3A_1753], %mul3A_1746 {strides = array<i32>} : memref<2x4096xf32, #tpu.memory_space<vmem>>, vector<16xf32>,
      %mul3A_1755 = arith.mulf %gather3A_1675, %get3A_1697 : vector<16xf32>
      %mul3A_1756 = arith.constant 128 : i32
      %mul3A_1757 = arith.muli %scan3A_1629, %mul3A_1756 : i32
      %add3A_1758 = arith.constant 96 : i32
      %add3A_1759 = arith.addi %mul3A_1757, %add3A_1758 : i32
      %swap3A_1760 = arith.constant 1 : i32
      %swap3A_1761 = arith.index_cast %swap3A_1760 : i32 to index
      %swap3A_1762 = arith.index_cast %add3A_1759 : i32 to index
      %swap3A_1763 = tpu.vector_load %arg10[%swap3A_1761, %swap3A_1762] {strides = array<i32>} : memref<2x4096xf32, #tpu.memory_space<vmem>>, vector<16xf32>,
      tpu.vector_store %arg10[%swap3A_1761, %swap3A_1762], %mul3A_1755 {strides = array<i32>} : memref<2x4096xf32, #tpu.memory_space<vmem>>, vector<16xf32>,
      %mul3A_1764 = arith.mulf %gather3A_1676, %get3A_1700 : vector<16xf32>
      %mul3A_1765 = arith.constant 128 : i32
      %mul3A_1766 = arith.muli %scan3A_1629, %mul3A_1765 : i32
      %add3A_1767 = arith.constant 112 : i32
      %add3A_1768 = arith.addi %mul3A_1766, %add3A_1767 : i32
      %swap3A_1769 = arith.constant 1 : i32
      %swap3A_1770 = arith.index_cast %swap3A_1769 : i32 to index
      %swap3A_1771 = arith.index_cast %add3A_1768 : i32 to index
      %swap3A_1772 = tpu.vector_load %arg10[%swap3A_1770, %swap3A_1771] {strides = array<i32>} : memref<2x4096xf32, #tpu.memory_space<vmem>>, vector<16xf32>,
      tpu.vector_store %arg10[%swap3A_1770, %swap3A_1771], %mul3A_1764 {strides = array<i32>} : memref<2x4096xf32, #tpu.memory_space<vmem>>, vector<16xf32>,
    }
    %scan3A_1369 = arith.constant 32 : i32
    %dma_start3A_1370 = arith.constant 1 : i32
    %dma_start3A_1371 = arith.constant 0 : i32
    %dma_start3A_1372 = tpu.memref_slice %arg10[%dma_start3A_1370, %dma_start3A_1371] : memref<2x4096xf32, #tpu.memory_space<vmem>> -> memref<1x4096xf32, #tpu.memory_space<vmem>>
    %dma_start3A_1373 = tpu.memref_squeeze %dma_start3A_1372 : memref<1x4096xf32, #tpu.memory_space<vmem>> -> memref<4096xf32, #tpu.memory_space<vmem>>
    %dma_start3A_1374 = arith.constant 4096 : i32
    %dma_start3A_1375 = tpu.memref_slice %arg5[%add3A_1363, %dma_start3A_1374] : memref<64x16384xf32, #tpu.memory_space<hbm>> -> memref<1x4096xf32, #tpu.memory_space<hbm>>
    %dma_start3A_1376 = tpu.memref_squeeze %dma_start3A_1375 : memref<1x4096xf32, #tpu.memory_space<hbm>> -> memref<4096xf32, #tpu.memory_space<hbm>>
    %dma_start3A_1377 = arith.constant 4096 : i32
    %dma_start3A_1378 = tpu.memref_slice %arg5[%add3A_1363, %dma_start3A_1377] : memref<64x16384xf32, #tpu.memory_space<hbm>> -> memref<1x4096xf32, #tpu.memory_space<hbm>>
    %dma_start3A_1379 = tpu.memref_squeeze %dma_start3A_1378 : memref<1x4096xf32, #tpu.memory_space<hbm>> -> memref<4096xf32, #tpu.memory_space<hbm>>
    %dma_start3A_1380 = arith.constant 0 : i32
    %dma_start3A_1381 = tpu.memref_slice %arg10[%dma_start3A_1370, %dma_start3A_1380] : memref<2x4096xf32, #tpu.memory_space<vmem>> -> memref<1x4096xf32, #tpu.memory_space<vmem>>
    %dma_start3A_1382 = tpu.memref_squeeze %dma_start3A_1381 : memref<1x4096xf32, #tpu.memory_space<vmem>> -> memref<4096xf32, #tpu.memory_space<vmem>>
    tpu.enqueue_dma source(%dma_start3A_1382 : memref<4096xf32, #tpu.memory_space<vmem>>) target(%dma_start3A_1379 : memref<4096xf32, #tpu.memory_space<hbm>>) target_semaphore(%arg12 : memref<!tpu.dma_semaphore, #tpu.memory_space<semaphore_mem>>)
    "tpu.region"() ({
      %run_scoped3A = tpu.sem_alloc : memref<!tpu.dma_semaphore, #tpu.memory_space<semaphore_mem>>
      %dma_start3A_1629 = arith.constant 64 : i32
      %dma_start3A_1630 = arith.constant 0 : i32
      %dma_start3A_1631 = tpu.memref_slice %arg6[%dma_start3A_1629, %dma_start3A_1630] : memref<128x128xf32, #tpu.memory_space<vmem_shared>> -> memref<32x128xf32, #tpu.memory_space<vmem_shared>>
      %dma_start3A_1632 = arith.constant 64 : i32
      %dma_start3A_1633 = arith.constant 0 : i32
      %dma_start3A_1634 = tpu.memref_slice %arg6[%dma_start3A_1632, %dma_start3A_1633] : memref<128x128xf32, #tpu.memory_space<vmem_shared>> -> memref<32x128xf32, #tpu.memory_space<vmem_shared>>
      tpu.enqueue_dma source(%dma_start3A_1634 : memref<32x128xf32, #tpu.memory_space<vmem_shared>>) target(%arg9 : memref<32x128xf32, #tpu.memory_space<vmem>>) target_semaphore(%run_scoped3A : memref<!tpu.dma_semaphore, #tpu.memory_space<semaphore_mem>>)
      %dma_wait3A_1635 = arith.constant 64 : i32
      %dma_wait3A_1636 = arith.constant 0 : i32
      %dma_wait3A_1637 = tpu.memref_slice %arg6[%dma_wait3A_1635, %dma_wait3A_1636] : memref<128x128xf32, #tpu.memory_space<vmem_shared>> -> memref<32x128xf32, #tpu.memory_space<vmem_shared>>
      %dma_wait3A_1638 = arith.constant 64 : i32
      %dma_wait3A_1639 = arith.constant 0 : i32
      %dma_wait3A_1640 = tpu.memref_slice %arg6[%dma_wait3A_1638, %dma_wait3A_1639] : memref<128x128xf32, #tpu.memory_space<vmem_shared>> -> memref<32x128xf32, #tpu.memory_space<vmem_shared>>
      tpu.wait_dma2 semaphore(%run_scoped3A : memref<!tpu.dma_semaphore, #tpu.memory_space<semaphore_mem>>) src(%dma_wait3A_1640 : memref<32x128xf32, #tpu.memory_space<vmem_shared>>) dst(%arg9 : memref<32x128xf32, #tpu.memory_space<vmem>>)
      tpu.yield
    }) : () -> ()
    %dma_wait3A_1383 = arith.constant 0 : i32
    %dma_wait3A_1384 = arith.constant 0 : i32
    %dma_wait3A_1385 = tpu.memref_slice %arg10[%dma_wait3A_1383, %dma_wait3A_1384] : memref<2x4096xf32, #tpu.memory_space<vmem>> -> memref<1x4096xf32, #tpu.memory_space<vmem>>
    %dma_wait3A_1386 = tpu.memref_squeeze %dma_wait3A_1385 : memref<1x4096xf32, #tpu.memory_space<vmem>> -> memref<4096xf32, #tpu.memory_space<vmem>>
    %dma_wait3A_1387 = arith.constant 0 : i32
    %dma_wait3A_1388 = tpu.memref_slice %arg5[%add3A_1341, %dma_wait3A_1387] : memref<64x16384xf32, #tpu.memory_space<hbm>> -> memref<1x4096xf32, #tpu.memory_space<hbm>>
    %dma_wait3A_1389 = tpu.memref_squeeze %dma_wait3A_1388 : memref<1x4096xf32, #tpu.memory_space<hbm>> -> memref<4096xf32, #tpu.memory_space<hbm>>
    %dma_wait3A_1390 = arith.constant 0 : i32
    %dma_wait3A_1391 = tpu.memref_slice %arg5[%add3A_1341, %dma_wait3A_1390] : memref<64x16384xf32, #tpu.memory_space<hbm>> -> memref<1x4096xf32, #tpu.memory_space<hbm>>
    %dma_wait3A_1392 = tpu.memref_squeeze %dma_wait3A_1391 : memref<1x4096xf32, #tpu.memory_space<hbm>> -> memref<4096xf32, #tpu.memory_space<hbm>>
    %dma_wait3A_1393 = arith.constant 0 : i32
    %dma_wait3A_1394 = tpu.memref_slice %arg10[%dma_wait3A_1383, %dma_wait3A_1393] : memref<2x4096xf32, #tpu.memory_space<vmem>> -> memref<1x4096xf32, #tpu.memory_space<vmem>>
    %dma_wait3A_1395 = tpu.memref_squeeze %dma_wait3A_1394 : memref<1x4096xf32, #tpu.memory_space<vmem>> -> memref<4096xf32, #tpu.memory_space<vmem>>
    tpu.wait_dma2 semaphore(%arg12 : memref<!tpu.dma_semaphore, #tpu.memory_space<semaphore_mem>>) src(%dma_wait3A_1395 : memref<4096xf32, #tpu.memory_space<vmem>>) dst(%dma_wait3A_1392 : memref<4096xf32, #tpu.memory_space<hbm>>)
    %mul3A_1396 = arith.constant 2 : i32
    %mul3A_1397 = arith.muli %add3A, %mul3A_1396 : i32
    %add3A_1398 = arith.constant 0 : i32
    %add3A_1399 = arith.addi %mul3A_1397, %add3A_1398 : i32
    %scan3A_1400 = arith.constant 0 : i32
    %scan3A_1401 = arith.constant 0 : i32
    %scan3A_1402 = arith.constant 32 : i32
    %scan3A_1403 = arith.addi %scan3A_1401, %scan3A_1402 : i32
    %scan3A_1404 = arith.constant 1 : i32
    scf.for %scan3A_1629 = %scan3A_1401 to %scan3A_1403 step %scan3A_1404  : i32 {
      %add3A_1630 = arith.constant 64 : i32
      %add3A_1631 = arith.addi %add3A_1630, %scan3A_1629 : i32
      %get3A_1632 = arith.index_cast %add3A_1631 : i32 to index
      %get3A_1633 = arith.constant 0 : index
      %get3A_1634 = tpu.vector_load %arg8[%get3A_1632, %get3A_1633] {strides = array<i32>} : memref<128x128xi32, #tpu.memory_space<vmem>>, vector<16xi32>,
      %add3A_1635 = arith.constant 64 : i32
      %add3A_1636 = arith.addi %add3A_1635, %scan3A_1629 : i32
      %get3A_1637 = arith.index_cast %add3A_1636 : i32 to index
      %get3A_1638 = arith.constant 16 : index
      %get3A_1639 = tpu.vector_load %arg8[%get3A_1637, %get3A_1638] {strides = array<i32>} : memref<128x128xi32, #tpu.memory_space<vmem>>, vector<16xi32>,
      %add3A_1640 = arith.constant 64 : i32
      %add3A_1641 = arith.addi %add3A_1640, %scan3A_1629 : i32
      %get3A_1642 = arith.index_cast %add3A_1641 : i32 to index
      %get3A_1643 = arith.constant 32 : index
      %get3A_1644 = tpu.vector_load %arg8[%get3A_1642, %get3A_1643] {strides = array<i32>} : memref<128x128xi32, #tpu.memory_space<vmem>>, vector<16xi32>,
      %add3A_1645 = arith.constant 64 : i32
      %add3A_1646 = arith.addi %add3A_1645, %scan3A_1629 : i32
      %get3A_1647 = arith.index_cast %add3A_1646 : i32 to index
      %get3A_1648 = arith.constant 48 : index
      %get3A_1649 = tpu.vector_load %arg8[%get3A_1647, %get3A_1648] {strides = array<i32>} : memref<128x128xi32, #tpu.memory_space<vmem>>, vector<16xi32>,
      %add3A_1650 = arith.constant 64 : i32
      %add3A_1651 = arith.addi %add3A_1650, %scan3A_1629 : i32
      %get3A_1652 = arith.index_cast %add3A_1651 : i32 to index
      %get3A_1653 = arith.constant 64 : index
      %get3A_1654 = tpu.vector_load %arg8[%get3A_1652, %get3A_1653] {strides = array<i32>} : memref<128x128xi32, #tpu.memory_space<vmem>>, vector<16xi32>,
      %add3A_1655 = arith.constant 64 : i32
      %add3A_1656 = arith.addi %add3A_1655, %scan3A_1629 : i32
      %get3A_1657 = arith.index_cast %add3A_1656 : i32 to index
      %get3A_1658 = arith.constant 80 : index
      %get3A_1659 = tpu.vector_load %arg8[%get3A_1657, %get3A_1658] {strides = array<i32>} : memref<128x128xi32, #tpu.memory_space<vmem>>, vector<16xi32>,
      %add3A_1660 = arith.constant 64 : i32
      %add3A_1661 = arith.addi %add3A_1660, %scan3A_1629 : i32
      %get3A_1662 = arith.index_cast %add3A_1661 : i32 to index
      %get3A_1663 = arith.constant 96 : index
      %get3A_1664 = tpu.vector_load %arg8[%get3A_1662, %get3A_1663] {strides = array<i32>} : memref<128x128xi32, #tpu.memory_space<vmem>>, vector<16xi32>,
      %add3A_1665 = arith.constant 64 : i32
      %add3A_1666 = arith.addi %add3A_1665, %scan3A_1629 : i32
      %get3A_1667 = arith.index_cast %add3A_1666 : i32 to index
      %get3A_1668 = arith.constant 112 : index
      %get3A_1669 = tpu.vector_load %arg8[%get3A_1667, %get3A_1668] {strides = array<i32>} : memref<128x128xi32, #tpu.memory_space<vmem>>, vector<16xi32>,
      %gather3A = tpu.vector_load_idx %arg7[%get3A_1634] : memref<100000xf32, #tpu.memory_space<vmem>>[vector<16xi32>], vector<16xf32>,
      %gather3A_1670 = tpu.vector_load_idx %arg7[%get3A_1639] : memref<100000xf32, #tpu.memory_space<vmem>>[vector<16xi32>], vector<16xf32>,
      %gather3A_1671 = tpu.vector_load_idx %arg7[%get3A_1644] : memref<100000xf32, #tpu.memory_space<vmem>>[vector<16xi32>], vector<16xf32>,
      %gather3A_1672 = tpu.vector_load_idx %arg7[%get3A_1649] : memref<100000xf32, #tpu.memory_space<vmem>>[vector<16xi32>], vector<16xf32>,
      %gather3A_1673 = tpu.vector_load_idx %arg7[%get3A_1654] : memref<100000xf32, #tpu.memory_space<vmem>>[vector<16xi32>], vector<16xf32>,
      %gather3A_1674 = tpu.vector_load_idx %arg7[%get3A_1659] : memref<100000xf32, #tpu.memory_space<vmem>>[vector<16xi32>], vector<16xf32>,
      %gather3A_1675 = tpu.vector_load_idx %arg7[%get3A_1664] : memref<100000xf32, #tpu.memory_space<vmem>>[vector<16xi32>], vector<16xf32>,
      %gather3A_1676 = tpu.vector_load_idx %arg7[%get3A_1669] : memref<100000xf32, #tpu.memory_space<vmem>>[vector<16xi32>], vector<16xf32>,
      %get3A_1677 = arith.index_cast %scan3A_1629 : i32 to index
      %get3A_1678 = arith.constant 0 : index
      %get3A_1679 = tpu.vector_load %arg9[%get3A_1677, %get3A_1678] {strides = array<i32>} : memref<32x128xf32, #tpu.memory_space<vmem>>, vector<16xf32>,
      %get3A_1680 = arith.index_cast %scan3A_1629 : i32 to index
      %get3A_1681 = arith.constant 16 : index
      %get3A_1682 = tpu.vector_load %arg9[%get3A_1680, %get3A_1681] {strides = array<i32>} : memref<32x128xf32, #tpu.memory_space<vmem>>, vector<16xf32>,
      %get3A_1683 = arith.index_cast %scan3A_1629 : i32 to index
      %get3A_1684 = arith.constant 32 : index
      %get3A_1685 = tpu.vector_load %arg9[%get3A_1683, %get3A_1684] {strides = array<i32>} : memref<32x128xf32, #tpu.memory_space<vmem>>, vector<16xf32>,
      %get3A_1686 = arith.index_cast %scan3A_1629 : i32 to index
      %get3A_1687 = arith.constant 48 : index
      %get3A_1688 = tpu.vector_load %arg9[%get3A_1686, %get3A_1687] {strides = array<i32>} : memref<32x128xf32, #tpu.memory_space<vmem>>, vector<16xf32>,
      %get3A_1689 = arith.index_cast %scan3A_1629 : i32 to index
      %get3A_1690 = arith.constant 64 : index
      %get3A_1691 = tpu.vector_load %arg9[%get3A_1689, %get3A_1690] {strides = array<i32>} : memref<32x128xf32, #tpu.memory_space<vmem>>, vector<16xf32>,
      %get3A_1692 = arith.index_cast %scan3A_1629 : i32 to index
      %get3A_1693 = arith.constant 80 : index
      %get3A_1694 = tpu.vector_load %arg9[%get3A_1692, %get3A_1693] {strides = array<i32>} : memref<32x128xf32, #tpu.memory_space<vmem>>, vector<16xf32>,
      %get3A_1695 = arith.index_cast %scan3A_1629 : i32 to index
      %get3A_1696 = arith.constant 96 : index
      %get3A_1697 = tpu.vector_load %arg9[%get3A_1695, %get3A_1696] {strides = array<i32>} : memref<32x128xf32, #tpu.memory_space<vmem>>, vector<16xf32>,
      %get3A_1698 = arith.index_cast %scan3A_1629 : i32 to index
      %get3A_1699 = arith.constant 112 : index
      %get3A_1700 = tpu.vector_load %arg9[%get3A_1698, %get3A_1699] {strides = array<i32>} : memref<32x128xf32, #tpu.memory_space<vmem>>, vector<16xf32>,
      %mul3A_1701 = arith.mulf %gather3A, %get3A_1679 : vector<16xf32>
      %mul3A_1702 = arith.constant 128 : i32
      %mul3A_1703 = arith.muli %scan3A_1629, %mul3A_1702 : i32
      %add3A_1704 = arith.constant 0 : i32
      %add3A_1705 = arith.addi %mul3A_1703, %add3A_1704 : i32
      %swap3A_1706 = arith.constant 0 : i32
      %swap3A_1707 = arith.index_cast %swap3A_1706 : i32 to index
      %swap3A_1708 = arith.index_cast %add3A_1705 : i32 to index
      %swap3A_1709 = tpu.vector_load %arg10[%swap3A_1707, %swap3A_1708] {strides = array<i32>} : memref<2x4096xf32, #tpu.memory_space<vmem>>, vector<16xf32>,
      tpu.vector_store %arg10[%swap3A_1707, %swap3A_1708], %mul3A_1701 {strides = array<i32>} : memref<2x4096xf32, #tpu.memory_space<vmem>>, vector<16xf32>,
      %mul3A_1710 = arith.mulf %gather3A_1670, %get3A_1682 : vector<16xf32>
      %mul3A_1711 = arith.constant 128 : i32
      %mul3A_1712 = arith.muli %scan3A_1629, %mul3A_1711 : i32
      %add3A_1713 = arith.constant 16 : i32
      %add3A_1714 = arith.addi %mul3A_1712, %add3A_1713 : i32
      %swap3A_1715 = arith.constant 0 : i32
      %swap3A_1716 = arith.index_cast %swap3A_1715 : i32 to index
      %swap3A_1717 = arith.index_cast %add3A_1714 : i32 to index
      %swap3A_1718 = tpu.vector_load %arg10[%swap3A_1716, %swap3A_1717] {strides = array<i32>} : memref<2x4096xf32, #tpu.memory_space<vmem>>, vector<16xf32>,
      tpu.vector_store %arg10[%swap3A_1716, %swap3A_1717], %mul3A_1710 {strides = array<i32>} : memref<2x4096xf32, #tpu.memory_space<vmem>>, vector<16xf32>,
      %mul3A_1719 = arith.mulf %gather3A_1671, %get3A_1685 : vector<16xf32>
      %mul3A_1720 = arith.constant 128 : i32
      %mul3A_1721 = arith.muli %scan3A_1629, %mul3A_1720 : i32
      %add3A_1722 = arith.constant 32 : i32
      %add3A_1723 = arith.addi %mul3A_1721, %add3A_1722 : i32
      %swap3A_1724 = arith.constant 0 : i32
      %swap3A_1725 = arith.index_cast %swap3A_1724 : i32 to index
      %swap3A_1726 = arith.index_cast %add3A_1723 : i32 to index
      %swap3A_1727 = tpu.vector_load %arg10[%swap3A_1725, %swap3A_1726] {strides = array<i32>} : memref<2x4096xf32, #tpu.memory_space<vmem>>, vector<16xf32>,
      tpu.vector_store %arg10[%swap3A_1725, %swap3A_1726], %mul3A_1719 {strides = array<i32>} : memref<2x4096xf32, #tpu.memory_space<vmem>>, vector<16xf32>,
      %mul3A_1728 = arith.mulf %gather3A_1672, %get3A_1688 : vector<16xf32>
      %mul3A_1729 = arith.constant 128 : i32
      %mul3A_1730 = arith.muli %scan3A_1629, %mul3A_1729 : i32
      %add3A_1731 = arith.constant 48 : i32
      %add3A_1732 = arith.addi %mul3A_1730, %add3A_1731 : i32
      %swap3A_1733 = arith.constant 0 : i32
      %swap3A_1734 = arith.index_cast %swap3A_1733 : i32 to index
      %swap3A_1735 = arith.index_cast %add3A_1732 : i32 to index
      %swap3A_1736 = tpu.vector_load %arg10[%swap3A_1734, %swap3A_1735] {strides = array<i32>} : memref<2x4096xf32, #tpu.memory_space<vmem>>, vector<16xf32>,
      tpu.vector_store %arg10[%swap3A_1734, %swap3A_1735], %mul3A_1728 {strides = array<i32>} : memref<2x4096xf32, #tpu.memory_space<vmem>>, vector<16xf32>,
      %mul3A_1737 = arith.mulf %gather3A_1673, %get3A_1691 : vector<16xf32>
      %mul3A_1738 = arith.constant 128 : i32
      %mul3A_1739 = arith.muli %scan3A_1629, %mul3A_1738 : i32
      %add3A_1740 = arith.constant 64 : i32
      %add3A_1741 = arith.addi %mul3A_1739, %add3A_1740 : i32
      %swap3A_1742 = arith.constant 0 : i32
      %swap3A_1743 = arith.index_cast %swap3A_1742 : i32 to index
      %swap3A_1744 = arith.index_cast %add3A_1741 : i32 to index
      %swap3A_1745 = tpu.vector_load %arg10[%swap3A_1743, %swap3A_1744] {strides = array<i32>} : memref<2x4096xf32, #tpu.memory_space<vmem>>, vector<16xf32>,
      tpu.vector_store %arg10[%swap3A_1743, %swap3A_1744], %mul3A_1737 {strides = array<i32>} : memref<2x4096xf32, #tpu.memory_space<vmem>>, vector<16xf32>,
      %mul3A_1746 = arith.mulf %gather3A_1674, %get3A_1694 : vector<16xf32>
      %mul3A_1747 = arith.constant 128 : i32
      %mul3A_1748 = arith.muli %scan3A_1629, %mul3A_1747 : i32
      %add3A_1749 = arith.constant 80 : i32
      %add3A_1750 = arith.addi %mul3A_1748, %add3A_1749 : i32
      %swap3A_1751 = arith.constant 0 : i32
      %swap3A_1752 = arith.index_cast %swap3A_1751 : i32 to index
      %swap3A_1753 = arith.index_cast %add3A_1750 : i32 to index
      %swap3A_1754 = tpu.vector_load %arg10[%swap3A_1752, %swap3A_1753] {strides = array<i32>} : memref<2x4096xf32, #tpu.memory_space<vmem>>, vector<16xf32>,
      tpu.vector_store %arg10[%swap3A_1752, %swap3A_1753], %mul3A_1746 {strides = array<i32>} : memref<2x4096xf32, #tpu.memory_space<vmem>>, vector<16xf32>,
      %mul3A_1755 = arith.mulf %gather3A_1675, %get3A_1697 : vector<16xf32>
      %mul3A_1756 = arith.constant 128 : i32
      %mul3A_1757 = arith.muli %scan3A_1629, %mul3A_1756 : i32
      %add3A_1758 = arith.constant 96 : i32
      %add3A_1759 = arith.addi %mul3A_1757, %add3A_1758 : i32
      %swap3A_1760 = arith.constant 0 : i32
      %swap3A_1761 = arith.index_cast %swap3A_1760 : i32 to index
      %swap3A_1762 = arith.index_cast %add3A_1759 : i32 to index
      %swap3A_1763 = tpu.vector_load %arg10[%swap3A_1761, %swap3A_1762] {strides = array<i32>} : memref<2x4096xf32, #tpu.memory_space<vmem>>, vector<16xf32>,
      tpu.vector_store %arg10[%swap3A_1761, %swap3A_1762], %mul3A_1755 {strides = array<i32>} : memref<2x4096xf32, #tpu.memory_space<vmem>>, vector<16xf32>,
      %mul3A_1764 = arith.mulf %gather3A_1676, %get3A_1700 : vector<16xf32>
      %mul3A_1765 = arith.constant 128 : i32
      %mul3A_1766 = arith.muli %scan3A_1629, %mul3A_1765 : i32
      %add3A_1767 = arith.constant 112 : i32
      %add3A_1768 = arith.addi %mul3A_1766, %add3A_1767 : i32
      %swap3A_1769 = arith.constant 0 : i32
      %swap3A_1770 = arith.index_cast %swap3A_1769 : i32 to index
      %swap3A_1771 = arith.index_cast %add3A_1768 : i32 to index
      %swap3A_1772 = tpu.vector_load %arg10[%swap3A_1770, %swap3A_1771] {strides = array<i32>} : memref<2x4096xf32, #tpu.memory_space<vmem>>, vector<16xf32>,
      tpu.vector_store %arg10[%swap3A_1770, %swap3A_1771], %mul3A_1764 {strides = array<i32>} : memref<2x4096xf32, #tpu.memory_space<vmem>>, vector<16xf32>,
    }
    %scan3A_1405 = arith.constant 32 : i32
    %dma_start3A_1406 = arith.constant 0 : i32
    %dma_start3A_1407 = arith.constant 0 : i32
    %dma_start3A_1408 = tpu.memref_slice %arg10[%dma_start3A_1406, %dma_start3A_1407] : memref<2x4096xf32, #tpu.memory_space<vmem>> -> memref<1x4096xf32, #tpu.memory_space<vmem>>
    %dma_start3A_1409 = tpu.memref_squeeze %dma_start3A_1408 : memref<1x4096xf32, #tpu.memory_space<vmem>> -> memref<4096xf32, #tpu.memory_space<vmem>>
    %dma_start3A_1410 = arith.constant 8192 : i32
    %dma_start3A_1411 = tpu.memref_slice %arg5[%add3A_1399, %dma_start3A_1410] : memref<64x16384xf32, #tpu.memory_space<hbm>> -> memref<1x4096xf32, #tpu.memory_space<hbm>>
    %dma_start3A_1412 = tpu.memref_squeeze %dma_start3A_1411 : memref<1x4096xf32, #tpu.memory_space<hbm>> -> memref<4096xf32, #tpu.memory_space<hbm>>
    %dma_start3A_1413 = arith.constant 8192 : i32
    %dma_start3A_1414 = tpu.memref_slice %arg5[%add3A_1399, %dma_start3A_1413] : memref<64x16384xf32, #tpu.memory_space<hbm>> -> memref<1x4096xf32, #tpu.memory_space<hbm>>
    %dma_start3A_1415 = tpu.memref_squeeze %dma_start3A_1414 : memref<1x4096xf32, #tpu.memory_space<hbm>> -> memref<4096xf32, #tpu.memory_space<hbm>>
    %dma_start3A_1416 = arith.constant 0 : i32
    %dma_start3A_1417 = tpu.memref_slice %arg10[%dma_start3A_1406, %dma_start3A_1416] : memref<2x4096xf32, #tpu.memory_space<vmem>> -> memref<1x4096xf32, #tpu.memory_space<vmem>>
    %dma_start3A_1418 = tpu.memref_squeeze %dma_start3A_1417 : memref<1x4096xf32, #tpu.memory_space<vmem>> -> memref<4096xf32, #tpu.memory_space<vmem>>
    tpu.enqueue_dma source(%dma_start3A_1418 : memref<4096xf32, #tpu.memory_space<vmem>>) target(%dma_start3A_1415 : memref<4096xf32, #tpu.memory_space<hbm>>) target_semaphore(%arg12 : memref<!tpu.dma_semaphore, #tpu.memory_space<semaphore_mem>>)
    "tpu.region"() ({
      %run_scoped3A = tpu.sem_alloc : memref<!tpu.dma_semaphore, #tpu.memory_space<semaphore_mem>>
      %dma_start3A_1629 = arith.constant 96 : i32
      %dma_start3A_1630 = arith.constant 0 : i32
      %dma_start3A_1631 = tpu.memref_slice %arg6[%dma_start3A_1629, %dma_start3A_1630] : memref<128x128xf32, #tpu.memory_space<vmem_shared>> -> memref<32x128xf32, #tpu.memory_space<vmem_shared>>
      %dma_start3A_1632 = arith.constant 96 : i32
      %dma_start3A_1633 = arith.constant 0 : i32
      %dma_start3A_1634 = tpu.memref_slice %arg6[%dma_start3A_1632, %dma_start3A_1633] : memref<128x128xf32, #tpu.memory_space<vmem_shared>> -> memref<32x128xf32, #tpu.memory_space<vmem_shared>>
      tpu.enqueue_dma source(%dma_start3A_1634 : memref<32x128xf32, #tpu.memory_space<vmem_shared>>) target(%arg9 : memref<32x128xf32, #tpu.memory_space<vmem>>) target_semaphore(%run_scoped3A : memref<!tpu.dma_semaphore, #tpu.memory_space<semaphore_mem>>)
      %dma_wait3A_1635 = arith.constant 96 : i32
      %dma_wait3A_1636 = arith.constant 0 : i32
      %dma_wait3A_1637 = tpu.memref_slice %arg6[%dma_wait3A_1635, %dma_wait3A_1636] : memref<128x128xf32, #tpu.memory_space<vmem_shared>> -> memref<32x128xf32, #tpu.memory_space<vmem_shared>>
      %dma_wait3A_1638 = arith.constant 96 : i32
      %dma_wait3A_1639 = arith.constant 0 : i32
      %dma_wait3A_1640 = tpu.memref_slice %arg6[%dma_wait3A_1638, %dma_wait3A_1639] : memref<128x128xf32, #tpu.memory_space<vmem_shared>> -> memref<32x128xf32, #tpu.memory_space<vmem_shared>>
      tpu.wait_dma2 semaphore(%run_scoped3A : memref<!tpu.dma_semaphore, #tpu.memory_space<semaphore_mem>>) src(%dma_wait3A_1640 : memref<32x128xf32, #tpu.memory_space<vmem_shared>>) dst(%arg9 : memref<32x128xf32, #tpu.memory_space<vmem>>)
      tpu.yield
    }) : () -> ()
    %dma_wait3A_1419 = arith.constant 1 : i32
    %dma_wait3A_1420 = arith.constant 0 : i32
    %dma_wait3A_1421 = tpu.memref_slice %arg10[%dma_wait3A_1419, %dma_wait3A_1420] : memref<2x4096xf32, #tpu.memory_space<vmem>> -> memref<1x4096xf32, #tpu.memory_space<vmem>>
    %dma_wait3A_1422 = tpu.memref_squeeze %dma_wait3A_1421 : memref<1x4096xf32, #tpu.memory_space<vmem>> -> memref<4096xf32, #tpu.memory_space<vmem>>
    %dma_wait3A_1423 = arith.constant 4096 : i32
    %dma_wait3A_1424 = tpu.memref_slice %arg5[%add3A_1363, %dma_wait3A_1423] : memref<64x16384xf32, #tpu.memory_space<hbm>> -> memref<1x4096xf32, #tpu.memory_space<hbm>>
    %dma_wait3A_1425 = tpu.memref_squeeze %dma_wait3A_1424 : memref<1x4096xf32, #tpu.memory_space<hbm>> -> memref<4096xf32, #tpu.memory_space<hbm>>
    %dma_wait3A_1426 = arith.constant 4096 : i32
    %dma_wait3A_1427 = tpu.memref_slice %arg5[%add3A_1363, %dma_wait3A_1426] : memref<64x16384xf32, #tpu.memory_space<hbm>> -> memref<1x4096xf32, #tpu.memory_space<hbm>>
    %dma_wait3A_1428 = tpu.memref_squeeze %dma_wait3A_1427 : memref<1x4096xf32, #tpu.memory_space<hbm>> -> memref<4096xf32, #tpu.memory_space<hbm>>
    %dma_wait3A_1429 = arith.constant 0 : i32
    %dma_wait3A_1430 = tpu.memref_slice %arg10[%dma_wait3A_1419, %dma_wait3A_1429] : memref<2x4096xf32, #tpu.memory_space<vmem>> -> memref<1x4096xf32, #tpu.memory_space<vmem>>
    %dma_wait3A_1431 = tpu.memref_squeeze %dma_wait3A_1430 : memref<1x4096xf32, #tpu.memory_space<vmem>> -> memref<4096xf32, #tpu.memory_space<vmem>>
    tpu.wait_dma2 semaphore(%arg12 : memref<!tpu.dma_semaphore, #tpu.memory_space<semaphore_mem>>) src(%dma_wait3A_1431 : memref<4096xf32, #tpu.memory_space<vmem>>) dst(%dma_wait3A_1428 : memref<4096xf32, #tpu.memory_space<hbm>>)
    %mul3A_1432 = arith.constant 2 : i32
    %mul3A_1433 = arith.muli %add3A, %mul3A_1432 : i32
    %add3A_1434 = arith.constant 0 : i32
    %add3A_1435 = arith.addi %mul3A_1433, %add3A_1434 : i32
    %scan3A_1436 = arith.constant 0 : i32
    %scan3A_1437 = arith.constant 0 : i32
    %scan3A_1438 = arith.constant 32 : i32
    %scan3A_1439 = arith.addi %scan3A_1437, %scan3A_1438 : i32
    %scan3A_1440 = arith.constant 1 : i32
    scf.for %scan3A_1629 = %scan3A_1437 to %scan3A_1439 step %scan3A_1440  : i32 {
      %add3A_1630 = arith.constant 96 : i32
      %add3A_1631 = arith.addi %add3A_1630, %scan3A_1629 : i32
      %get3A_1632 = arith.index_cast %add3A_1631 : i32 to index
      %get3A_1633 = arith.constant 0 : index
      %get3A_1634 = tpu.vector_load %arg8[%get3A_1632, %get3A_1633] {strides = array<i32>} : memref<128x128xi32, #tpu.memory_space<vmem>>, vector<16xi32>,
      %add3A_1635 = arith.constant 96 : i32
      %add3A_1636 = arith.addi %add3A_1635, %scan3A_1629 : i32
      %get3A_1637 = arith.index_cast %add3A_1636 : i32 to index
      %get3A_1638 = arith.constant 16 : index
      %get3A_1639 = tpu.vector_load %arg8[%get3A_1637, %get3A_1638] {strides = array<i32>} : memref<128x128xi32, #tpu.memory_space<vmem>>, vector<16xi32>,
      %add3A_1640 = arith.constant 96 : i32
      %add3A_1641 = arith.addi %add3A_1640, %scan3A_1629 : i32
      %get3A_1642 = arith.index_cast %add3A_1641 : i32 to index
      %get3A_1643 = arith.constant 32 : index
      %get3A_1644 = tpu.vector_load %arg8[%get3A_1642, %get3A_1643] {strides = array<i32>} : memref<128x128xi32, #tpu.memory_space<vmem>>, vector<16xi32>,
      %add3A_1645 = arith.constant 96 : i32
      %add3A_1646 = arith.addi %add3A_1645, %scan3A_1629 : i32
      %get3A_1647 = arith.index_cast %add3A_1646 : i32 to index
      %get3A_1648 = arith.constant 48 : index
      %get3A_1649 = tpu.vector_load %arg8[%get3A_1647, %get3A_1648] {strides = array<i32>} : memref<128x128xi32, #tpu.memory_space<vmem>>, vector<16xi32>,
      %add3A_1650 = arith.constant 96 : i32
      %add3A_1651 = arith.addi %add3A_1650, %scan3A_1629 : i32
      %get3A_1652 = arith.index_cast %add3A_1651 : i32 to index
      %get3A_1653 = arith.constant 64 : index
      %get3A_1654 = tpu.vector_load %arg8[%get3A_1652, %get3A_1653] {strides = array<i32>} : memref<128x128xi32, #tpu.memory_space<vmem>>, vector<16xi32>,
      %add3A_1655 = arith.constant 96 : i32
      %add3A_1656 = arith.addi %add3A_1655, %scan3A_1629 : i32
      %get3A_1657 = arith.index_cast %add3A_1656 : i32 to index
      %get3A_1658 = arith.constant 80 : index
      %get3A_1659 = tpu.vector_load %arg8[%get3A_1657, %get3A_1658] {strides = array<i32>} : memref<128x128xi32, #tpu.memory_space<vmem>>, vector<16xi32>,
      %add3A_1660 = arith.constant 96 : i32
      %add3A_1661 = arith.addi %add3A_1660, %scan3A_1629 : i32
      %get3A_1662 = arith.index_cast %add3A_1661 : i32 to index
      %get3A_1663 = arith.constant 96 : index
      %get3A_1664 = tpu.vector_load %arg8[%get3A_1662, %get3A_1663] {strides = array<i32>} : memref<128x128xi32, #tpu.memory_space<vmem>>, vector<16xi32>,
      %add3A_1665 = arith.constant 96 : i32
      %add3A_1666 = arith.addi %add3A_1665, %scan3A_1629 : i32
      %get3A_1667 = arith.index_cast %add3A_1666 : i32 to index
      %get3A_1668 = arith.constant 112 : index
      %get3A_1669 = tpu.vector_load %arg8[%get3A_1667, %get3A_1668] {strides = array<i32>} : memref<128x128xi32, #tpu.memory_space<vmem>>, vector<16xi32>,
      %gather3A = tpu.vector_load_idx %arg7[%get3A_1634] : memref<100000xf32, #tpu.memory_space<vmem>>[vector<16xi32>], vector<16xf32>,
      %gather3A_1670 = tpu.vector_load_idx %arg7[%get3A_1639] : memref<100000xf32, #tpu.memory_space<vmem>>[vector<16xi32>], vector<16xf32>,
      %gather3A_1671 = tpu.vector_load_idx %arg7[%get3A_1644] : memref<100000xf32, #tpu.memory_space<vmem>>[vector<16xi32>], vector<16xf32>,
      %gather3A_1672 = tpu.vector_load_idx %arg7[%get3A_1649] : memref<100000xf32, #tpu.memory_space<vmem>>[vector<16xi32>], vector<16xf32>,
      %gather3A_1673 = tpu.vector_load_idx %arg7[%get3A_1654] : memref<100000xf32, #tpu.memory_space<vmem>>[vector<16xi32>], vector<16xf32>,
      %gather3A_1674 = tpu.vector_load_idx %arg7[%get3A_1659] : memref<100000xf32, #tpu.memory_space<vmem>>[vector<16xi32>], vector<16xf32>,
      %gather3A_1675 = tpu.vector_load_idx %arg7[%get3A_1664] : memref<100000xf32, #tpu.memory_space<vmem>>[vector<16xi32>], vector<16xf32>,
      %gather3A_1676 = tpu.vector_load_idx %arg7[%get3A_1669] : memref<100000xf32, #tpu.memory_space<vmem>>[vector<16xi32>], vector<16xf32>,
      %get3A_1677 = arith.index_cast %scan3A_1629 : i32 to index
      %get3A_1678 = arith.constant 0 : index
      %get3A_1679 = tpu.vector_load %arg9[%get3A_1677, %get3A_1678] {strides = array<i32>} : memref<32x128xf32, #tpu.memory_space<vmem>>, vector<16xf32>,
      %get3A_1680 = arith.index_cast %scan3A_1629 : i32 to index
      %get3A_1681 = arith.constant 16 : index
      %get3A_1682 = tpu.vector_load %arg9[%get3A_1680, %get3A_1681] {strides = array<i32>} : memref<32x128xf32, #tpu.memory_space<vmem>>, vector<16xf32>,
      %get3A_1683 = arith.index_cast %scan3A_1629 : i32 to index
      %get3A_1684 = arith.constant 32 : index
      %get3A_1685 = tpu.vector_load %arg9[%get3A_1683, %get3A_1684] {strides = array<i32>} : memref<32x128xf32, #tpu.memory_space<vmem>>, vector<16xf32>,
      %get3A_1686 = arith.index_cast %scan3A_1629 : i32 to index
      %get3A_1687 = arith.constant 48 : index
      %get3A_1688 = tpu.vector_load %arg9[%get3A_1686, %get3A_1687] {strides = array<i32>} : memref<32x128xf32, #tpu.memory_space<vmem>>, vector<16xf32>,
      %get3A_1689 = arith.index_cast %scan3A_1629 : i32 to index
      %get3A_1690 = arith.constant 64 : index
      %get3A_1691 = tpu.vector_load %arg9[%get3A_1689, %get3A_1690] {strides = array<i32>} : memref<32x128xf32, #tpu.memory_space<vmem>>, vector<16xf32>,
      %get3A_1692 = arith.index_cast %scan3A_1629 : i32 to index
      %get3A_1693 = arith.constant 80 : index
      %get3A_1694 = tpu.vector_load %arg9[%get3A_1692, %get3A_1693] {strides = array<i32>} : memref<32x128xf32, #tpu.memory_space<vmem>>, vector<16xf32>,
      %get3A_1695 = arith.index_cast %scan3A_1629 : i32 to index
      %get3A_1696 = arith.constant 96 : index
      %get3A_1697 = tpu.vector_load %arg9[%get3A_1695, %get3A_1696] {strides = array<i32>} : memref<32x128xf32, #tpu.memory_space<vmem>>, vector<16xf32>,
      %get3A_1698 = arith.index_cast %scan3A_1629 : i32 to index
      %get3A_1699 = arith.constant 112 : index
      %get3A_1700 = tpu.vector_load %arg9[%get3A_1698, %get3A_1699] {strides = array<i32>} : memref<32x128xf32, #tpu.memory_space<vmem>>, vector<16xf32>,
      %mul3A_1701 = arith.mulf %gather3A, %get3A_1679 : vector<16xf32>
      %mul3A_1702 = arith.constant 128 : i32
      %mul3A_1703 = arith.muli %scan3A_1629, %mul3A_1702 : i32
      %add3A_1704 = arith.constant 0 : i32
      %add3A_1705 = arith.addi %mul3A_1703, %add3A_1704 : i32
      %swap3A_1706 = arith.constant 1 : i32
      %swap3A_1707 = arith.index_cast %swap3A_1706 : i32 to index
      %swap3A_1708 = arith.index_cast %add3A_1705 : i32 to index
      %swap3A_1709 = tpu.vector_load %arg10[%swap3A_1707, %swap3A_1708] {strides = array<i32>} : memref<2x4096xf32, #tpu.memory_space<vmem>>, vector<16xf32>,
      tpu.vector_store %arg10[%swap3A_1707, %swap3A_1708], %mul3A_1701 {strides = array<i32>} : memref<2x4096xf32, #tpu.memory_space<vmem>>, vector<16xf32>,
      %mul3A_1710 = arith.mulf %gather3A_1670, %get3A_1682 : vector<16xf32>
      %mul3A_1711 = arith.constant 128 : i32
      %mul3A_1712 = arith.muli %scan3A_1629, %mul3A_1711 : i32
      %add3A_1713 = arith.constant 16 : i32
      %add3A_1714 = arith.addi %mul3A_1712, %add3A_1713 : i32
      %swap3A_1715 = arith.constant 1 : i32
      %swap3A_1716 = arith.index_cast %swap3A_1715 : i32 to index
      %swap3A_1717 = arith.index_cast %add3A_1714 : i32 to index
      %swap3A_1718 = tpu.vector_load %arg10[%swap3A_1716, %swap3A_1717] {strides = array<i32>} : memref<2x4096xf32, #tpu.memory_space<vmem>>, vector<16xf32>,
      tpu.vector_store %arg10[%swap3A_1716, %swap3A_1717], %mul3A_1710 {strides = array<i32>} : memref<2x4096xf32, #tpu.memory_space<vmem>>, vector<16xf32>,
      %mul3A_1719 = arith.mulf %gather3A_1671, %get3A_1685 : vector<16xf32>
      %mul3A_1720 = arith.constant 128 : i32
      %mul3A_1721 = arith.muli %scan3A_1629, %mul3A_1720 : i32
      %add3A_1722 = arith.constant 32 : i32
      %add3A_1723 = arith.addi %mul3A_1721, %add3A_1722 : i32
      %swap3A_1724 = arith.constant 1 : i32
      %swap3A_1725 = arith.index_cast %swap3A_1724 : i32 to index
      %swap3A_1726 = arith.index_cast %add3A_1723 : i32 to index
      %swap3A_1727 = tpu.vector_load %arg10[%swap3A_1725, %swap3A_1726] {strides = array<i32>} : memref<2x4096xf32, #tpu.memory_space<vmem>>, vector<16xf32>,
      tpu.vector_store %arg10[%swap3A_1725, %swap3A_1726], %mul3A_1719 {strides = array<i32>} : memref<2x4096xf32, #tpu.memory_space<vmem>>, vector<16xf32>,
      %mul3A_1728 = arith.mulf %gather3A_1672, %get3A_1688 : vector<16xf32>
      %mul3A_1729 = arith.constant 128 : i32
      %mul3A_1730 = arith.muli %scan3A_1629, %mul3A_1729 : i32
      %add3A_1731 = arith.constant 48 : i32
      %add3A_1732 = arith.addi %mul3A_1730, %add3A_1731 : i32
      %swap3A_1733 = arith.constant 1 : i32
      %swap3A_1734 = arith.index_cast %swap3A_1733 : i32 to index
      %swap3A_1735 = arith.index_cast %add3A_1732 : i32 to index
      %swap3A_1736 = tpu.vector_load %arg10[%swap3A_1734, %swap3A_1735] {strides = array<i32>} : memref<2x4096xf32, #tpu.memory_space<vmem>>, vector<16xf32>,
      tpu.vector_store %arg10[%swap3A_1734, %swap3A_1735], %mul3A_1728 {strides = array<i32>} : memref<2x4096xf32, #tpu.memory_space<vmem>>, vector<16xf32>,
      %mul3A_1737 = arith.mulf %gather3A_1673, %get3A_1691 : vector<16xf32>
      %mul3A_1738 = arith.constant 128 : i32
      %mul3A_1739 = arith.muli %scan3A_1629, %mul3A_1738 : i32
      %add3A_1740 = arith.constant 64 : i32
      %add3A_1741 = arith.addi %mul3A_1739, %add3A_1740 : i32
      %swap3A_1742 = arith.constant 1 : i32
      %swap3A_1743 = arith.index_cast %swap3A_1742 : i32 to index
      %swap3A_1744 = arith.index_cast %add3A_1741 : i32 to index
      %swap3A_1745 = tpu.vector_load %arg10[%swap3A_1743, %swap3A_1744] {strides = array<i32>} : memref<2x4096xf32, #tpu.memory_space<vmem>>, vector<16xf32>,
      tpu.vector_store %arg10[%swap3A_1743, %swap3A_1744], %mul3A_1737 {strides = array<i32>} : memref<2x4096xf32, #tpu.memory_space<vmem>>, vector<16xf32>,
      %mul3A_1746 = arith.mulf %gather3A_1674, %get3A_1694 : vector<16xf32>
      %mul3A_1747 = arith.constant 128 : i32
      %mul3A_1748 = arith.muli %scan3A_1629, %mul3A_1747 : i32
      %add3A_1749 = arith.constant 80 : i32
      %add3A_1750 = arith.addi %mul3A_1748, %add3A_1749 : i32
      %swap3A_1751 = arith.constant 1 : i32
      %swap3A_1752 = arith.index_cast %swap3A_1751 : i32 to index
      %swap3A_1753 = arith.index_cast %add3A_1750 : i32 to index
      %swap3A_1754 = tpu.vector_load %arg10[%swap3A_1752, %swap3A_1753] {strides = array<i32>} : memref<2x4096xf32, #tpu.memory_space<vmem>>, vector<16xf32>,
      tpu.vector_store %arg10[%swap3A_1752, %swap3A_1753], %mul3A_1746 {strides = array<i32>} : memref<2x4096xf32, #tpu.memory_space<vmem>>, vector<16xf32>,
      %mul3A_1755 = arith.mulf %gather3A_1675, %get3A_1697 : vector<16xf32>
      %mul3A_1756 = arith.constant 128 : i32
      %mul3A_1757 = arith.muli %scan3A_1629, %mul3A_1756 : i32
      %add3A_1758 = arith.constant 96 : i32
      %add3A_1759 = arith.addi %mul3A_1757, %add3A_1758 : i32
      %swap3A_1760 = arith.constant 1 : i32
      %swap3A_1761 = arith.index_cast %swap3A_1760 : i32 to index
      %swap3A_1762 = arith.index_cast %add3A_1759 : i32 to index
      %swap3A_1763 = tpu.vector_load %arg10[%swap3A_1761, %swap3A_1762] {strides = array<i32>} : memref<2x4096xf32, #tpu.memory_space<vmem>>, vector<16xf32>,
      tpu.vector_store %arg10[%swap3A_1761, %swap3A_1762], %mul3A_1755 {strides = array<i32>} : memref<2x4096xf32, #tpu.memory_space<vmem>>, vector<16xf32>,
      %mul3A_1764 = arith.mulf %gather3A_1676, %get3A_1700 : vector<16xf32>
      %mul3A_1765 = arith.constant 128 : i32
      %mul3A_1766 = arith.muli %scan3A_1629, %mul3A_1765 : i32
      %add3A_1767 = arith.constant 112 : i32
      %add3A_1768 = arith.addi %mul3A_1766, %add3A_1767 : i32
      %swap3A_1769 = arith.constant 1 : i32
      %swap3A_1770 = arith.index_cast %swap3A_1769 : i32 to index
      %swap3A_1771 = arith.index_cast %add3A_1768 : i32 to index
      %swap3A_1772 = tpu.vector_load %arg10[%swap3A_1770, %swap3A_1771] {strides = array<i32>} : memref<2x4096xf32, #tpu.memory_space<vmem>>, vector<16xf32>,
      tpu.vector_store %arg10[%swap3A_1770, %swap3A_1771], %mul3A_1764 {strides = array<i32>} : memref<2x4096xf32, #tpu.memory_space<vmem>>, vector<16xf32>,
    }
    %scan3A_1441 = arith.constant 32 : i32
    %dma_start3A_1442 = arith.constant 1 : i32
    %dma_start3A_1443 = arith.constant 0 : i32
    %dma_start3A_1444 = tpu.memref_slice %arg10[%dma_start3A_1442, %dma_start3A_1443] : memref<2x4096xf32, #tpu.memory_space<vmem>> -> memref<1x4096xf32, #tpu.memory_space<vmem>>
    %dma_start3A_1445 = tpu.memref_squeeze %dma_start3A_1444 : memref<1x4096xf32, #tpu.memory_space<vmem>> -> memref<4096xf32, #tpu.memory_space<vmem>>
    %dma_start3A_1446 = arith.constant 12288 : i32
    %dma_start3A_1447 = tpu.memref_slice %arg5[%add3A_1435, %dma_start3A_1446] : memref<64x16384xf32, #tpu.memory_space<hbm>> -> memref<1x4096xf32, #tpu.memory_space<hbm>>
    %dma_start3A_1448 = tpu.memref_squeeze %dma_start3A_1447 : memref<1x4096xf32, #tpu.memory_space<hbm>> -> memref<4096xf32, #tpu.memory_space<hbm>>
    %dma_start3A_1449 = arith.constant 12288 : i32
    %dma_start3A_1450 = tpu.memref_slice %arg5[%add3A_1435, %dma_start3A_1449] : memref<64x16384xf32, #tpu.memory_space<hbm>> -> memref<1x4096xf32, #tpu.memory_space<hbm>>
    %dma_start3A_1451 = tpu.memref_squeeze %dma_start3A_1450 : memref<1x4096xf32, #tpu.memory_space<hbm>> -> memref<4096xf32, #tpu.memory_space<hbm>>
    %dma_start3A_1452 = arith.constant 0 : i32
    %dma_start3A_1453 = tpu.memref_slice %arg10[%dma_start3A_1442, %dma_start3A_1452] : memref<2x4096xf32, #tpu.memory_space<vmem>> -> memref<1x4096xf32, #tpu.memory_space<vmem>>
    %dma_start3A_1454 = tpu.memref_squeeze %dma_start3A_1453 : memref<1x4096xf32, #tpu.memory_space<vmem>> -> memref<4096xf32, #tpu.memory_space<vmem>>
    tpu.enqueue_dma source(%dma_start3A_1454 : memref<4096xf32, #tpu.memory_space<vmem>>) target(%dma_start3A_1451 : memref<4096xf32, #tpu.memory_space<hbm>>) target_semaphore(%arg12 : memref<!tpu.dma_semaphore, #tpu.memory_space<semaphore_mem>>)
    %mul3A_1455 = arith.constant 2 : i32
    %mul3A_1456 = arith.muli %add3A, %mul3A_1455 : i32
    %add3A_1457 = arith.constant 1 : i32
    %add3A_1458 = arith.addi %mul3A_1456, %add3A_1457 : i32
    "tpu.region"() ({
      %run_scoped3A = tpu.sem_alloc : memref<!tpu.dma_semaphore, #tpu.memory_space<semaphore_mem>>
      %dma_start3A_1629 = arith.constant 0 : i32
      %dma_start3A_1630 = tpu.memref_slice %arg3[%add3A_1458, %dma_start3A_1629] : memref<64x100000xf32, #tpu.memory_space<hbm>> -> memref<1x100000xf32, #tpu.memory_space<hbm>>
      %dma_start3A_1631 = tpu.memref_squeeze %dma_start3A_1630 : memref<1x100000xf32, #tpu.memory_space<hbm>> -> memref<100000xf32, #tpu.memory_space<hbm>>
      %dma_start3A_1632 = arith.constant 0 : i32
      %dma_start3A_1633 = tpu.memref_slice %arg3[%add3A_1458, %dma_start3A_1632] : memref<64x100000xf32, #tpu.memory_space<hbm>> -> memref<1x100000xf32, #tpu.memory_space<hbm>>
      %dma_start3A_1634 = tpu.memref_squeeze %dma_start3A_1633 : memref<1x100000xf32, #tpu.memory_space<hbm>> -> memref<100000xf32, #tpu.memory_space<hbm>>
      tpu.enqueue_dma source(%dma_start3A_1634 : memref<100000xf32, #tpu.memory_space<hbm>>) target(%arg7 : memref<100000xf32, #tpu.memory_space<vmem>>) target_semaphore(%run_scoped3A : memref<!tpu.dma_semaphore, #tpu.memory_space<semaphore_mem>>)
      %dma_wait3A_1635 = arith.constant 0 : i32
      %dma_wait3A_1636 = tpu.memref_slice %arg3[%add3A_1458, %dma_wait3A_1635] : memref<64x100000xf32, #tpu.memory_space<hbm>> -> memref<1x100000xf32, #tpu.memory_space<hbm>>
      %dma_wait3A_1637 = tpu.memref_squeeze %dma_wait3A_1636 : memref<1x100000xf32, #tpu.memory_space<hbm>> -> memref<100000xf32, #tpu.memory_space<hbm>>
      %dma_wait3A_1638 = arith.constant 0 : i32
      %dma_wait3A_1639 = tpu.memref_slice %arg3[%add3A_1458, %dma_wait3A_1638] : memref<64x100000xf32, #tpu.memory_space<hbm>> -> memref<1x100000xf32, #tpu.memory_space<hbm>>
      %dma_wait3A_1640 = tpu.memref_squeeze %dma_wait3A_1639 : memref<1x100000xf32, #tpu.memory_space<hbm>> -> memref<100000xf32, #tpu.memory_space<hbm>>
      tpu.wait_dma2 semaphore(%run_scoped3A : memref<!tpu.dma_semaphore, #tpu.memory_space<semaphore_mem>>) src(%dma_wait3A_1640 : memref<100000xf32, #tpu.memory_space<hbm>>) dst(%arg7 : memref<100000xf32, #tpu.memory_space<vmem>>)
      tpu.yield
    }) : () -> ()
    "tpu.region"() ({
      %run_scoped3A = tpu.sem_alloc : memref<!tpu.dma_semaphore, #tpu.memory_space<semaphore_mem>>
      %dma_start3A_1629 = arith.constant 0 : i32
      %dma_start3A_1630 = arith.constant 0 : i32
      %dma_start3A_1631 = tpu.memref_slice %arg6[%dma_start3A_1629, %dma_start3A_1630] : memref<128x128xf32, #tpu.memory_space<vmem_shared>> -> memref<32x128xf32, #tpu.memory_space<vmem_shared>>
      %dma_start3A_1632 = arith.constant 0 : i32
      %dma_start3A_1633 = arith.constant 0 : i32
      %dma_start3A_1634 = tpu.memref_slice %arg6[%dma_start3A_1632, %dma_start3A_1633] : memref<128x128xf32, #tpu.memory_space<vmem_shared>> -> memref<32x128xf32, #tpu.memory_space<vmem_shared>>
      tpu.enqueue_dma source(%dma_start3A_1634 : memref<32x128xf32, #tpu.memory_space<vmem_shared>>) target(%arg9 : memref<32x128xf32, #tpu.memory_space<vmem>>) target_semaphore(%run_scoped3A : memref<!tpu.dma_semaphore, #tpu.memory_space<semaphore_mem>>)
      %dma_wait3A_1635 = arith.constant 0 : i32
      %dma_wait3A_1636 = arith.constant 0 : i32
      %dma_wait3A_1637 = tpu.memref_slice %arg6[%dma_wait3A_1635, %dma_wait3A_1636] : memref<128x128xf32, #tpu.memory_space<vmem_shared>> -> memref<32x128xf32, #tpu.memory_space<vmem_shared>>
      %dma_wait3A_1638 = arith.constant 0 : i32
      %dma_wait3A_1639 = arith.constant 0 : i32
      %dma_wait3A_1640 = tpu.memref_slice %arg6[%dma_wait3A_1638, %dma_wait3A_1639] : memref<128x128xf32, #tpu.memory_space<vmem_shared>> -> memref<32x128xf32, #tpu.memory_space<vmem_shared>>
      tpu.wait_dma2 semaphore(%run_scoped3A : memref<!tpu.dma_semaphore, #tpu.memory_space<semaphore_mem>>) src(%dma_wait3A_1640 : memref<32x128xf32, #tpu.memory_space<vmem_shared>>) dst(%arg9 : memref<32x128xf32, #tpu.memory_space<vmem>>)
      tpu.yield
    }) : () -> ()
    %dma_wait3A_1459 = arith.constant 0 : i32
    %dma_wait3A_1460 = arith.constant 0 : i32
    %dma_wait3A_1461 = tpu.memref_slice %arg10[%dma_wait3A_1459, %dma_wait3A_1460] : memref<2x4096xf32, #tpu.memory_space<vmem>> -> memref<1x4096xf32, #tpu.memory_space<vmem>>
    %dma_wait3A_1462 = tpu.memref_squeeze %dma_wait3A_1461 : memref<1x4096xf32, #tpu.memory_space<vmem>> -> memref<4096xf32, #tpu.memory_space<vmem>>
    %dma_wait3A_1463 = arith.constant 8192 : i32
    %dma_wait3A_1464 = tpu.memref_slice %arg5[%add3A_1399, %dma_wait3A_1463] : memref<64x16384xf32, #tpu.memory_space<hbm>> -> memref<1x4096xf32, #tpu.memory_space<hbm>>
    %dma_wait3A_1465 = tpu.memref_squeeze %dma_wait3A_1464 : memref<1x4096xf32, #tpu.memory_space<hbm>> -> memref<4096xf32, #tpu.memory_space<hbm>>
    %dma_wait3A_1466 = arith.constant 8192 : i32
    %dma_wait3A_1467 = tpu.memref_slice %arg5[%add3A_1399, %dma_wait3A_1466] : memref<64x16384xf32, #tpu.memory_space<hbm>> -> memref<1x4096xf32, #tpu.memory_space<hbm>>
    %dma_wait3A_1468 = tpu.memref_squeeze %dma_wait3A_1467 : memref<1x4096xf32, #tpu.memory_space<hbm>> -> memref<4096xf32, #tpu.memory_space<hbm>>
    %dma_wait3A_1469 = arith.constant 0 : i32
    %dma_wait3A_1470 = tpu.memref_slice %arg10[%dma_wait3A_1459, %dma_wait3A_1469] : memref<2x4096xf32, #tpu.memory_space<vmem>> -> memref<1x4096xf32, #tpu.memory_space<vmem>>
    %dma_wait3A_1471 = tpu.memref_squeeze %dma_wait3A_1470 : memref<1x4096xf32, #tpu.memory_space<vmem>> -> memref<4096xf32, #tpu.memory_space<vmem>>
    tpu.wait_dma2 semaphore(%arg12 : memref<!tpu.dma_semaphore, #tpu.memory_space<semaphore_mem>>) src(%dma_wait3A_1471 : memref<4096xf32, #tpu.memory_space<vmem>>) dst(%dma_wait3A_1468 : memref<4096xf32, #tpu.memory_space<hbm>>)
    %mul3A_1472 = arith.constant 2 : i32
    %mul3A_1473 = arith.muli %add3A, %mul3A_1472 : i32
    %add3A_1474 = arith.constant 1 : i32
    %add3A_1475 = arith.addi %mul3A_1473, %add3A_1474 : i32
    %scan3A_1476 = arith.constant 0 : i32
    %scan3A_1477 = arith.constant 0 : i32
    %scan3A_1478 = arith.constant 32 : i32
    %scan3A_1479 = arith.addi %scan3A_1477, %scan3A_1478 : i32
    %scan3A_1480 = arith.constant 1 : i32
    scf.for %scan3A_1629 = %scan3A_1477 to %scan3A_1479 step %scan3A_1480  : i32 {
      %add3A_1630 = arith.constant 0 : i32
      %add3A_1631 = arith.addi %add3A_1630, %scan3A_1629 : i32
      %get3A_1632 = arith.index_cast %add3A_1631 : i32 to index
      %get3A_1633 = arith.constant 0 : index
      %get3A_1634 = tpu.vector_load %arg8[%get3A_1632, %get3A_1633] {strides = array<i32>} : memref<128x128xi32, #tpu.memory_space<vmem>>, vector<16xi32>,
      %add3A_1635 = arith.constant 0 : i32
      %add3A_1636 = arith.addi %add3A_1635, %scan3A_1629 : i32
      %get3A_1637 = arith.index_cast %add3A_1636 : i32 to index
      %get3A_1638 = arith.constant 16 : index
      %get3A_1639 = tpu.vector_load %arg8[%get3A_1637, %get3A_1638] {strides = array<i32>} : memref<128x128xi32, #tpu.memory_space<vmem>>, vector<16xi32>,
      %add3A_1640 = arith.constant 0 : i32
      %add3A_1641 = arith.addi %add3A_1640, %scan3A_1629 : i32
      %get3A_1642 = arith.index_cast %add3A_1641 : i32 to index
      %get3A_1643 = arith.constant 32 : index
      %get3A_1644 = tpu.vector_load %arg8[%get3A_1642, %get3A_1643] {strides = array<i32>} : memref<128x128xi32, #tpu.memory_space<vmem>>, vector<16xi32>,
      %add3A_1645 = arith.constant 0 : i32
      %add3A_1646 = arith.addi %add3A_1645, %scan3A_1629 : i32
      %get3A_1647 = arith.index_cast %add3A_1646 : i32 to index
      %get3A_1648 = arith.constant 48 : index
      %get3A_1649 = tpu.vector_load %arg8[%get3A_1647, %get3A_1648] {strides = array<i32>} : memref<128x128xi32, #tpu.memory_space<vmem>>, vector<16xi32>,
      %add3A_1650 = arith.constant 0 : i32
      %add3A_1651 = arith.addi %add3A_1650, %scan3A_1629 : i32
      %get3A_1652 = arith.index_cast %add3A_1651 : i32 to index
      %get3A_1653 = arith.constant 64 : index
      %get3A_1654 = tpu.vector_load %arg8[%get3A_1652, %get3A_1653] {strides = array<i32>} : memref<128x128xi32, #tpu.memory_space<vmem>>, vector<16xi32>,
      %add3A_1655 = arith.constant 0 : i32
      %add3A_1656 = arith.addi %add3A_1655, %scan3A_1629 : i32
      %get3A_1657 = arith.index_cast %add3A_1656 : i32 to index
      %get3A_1658 = arith.constant 80 : index
      %get3A_1659 = tpu.vector_load %arg8[%get3A_1657, %get3A_1658] {strides = array<i32>} : memref<128x128xi32, #tpu.memory_space<vmem>>, vector<16xi32>,
      %add3A_1660 = arith.constant 0 : i32
      %add3A_1661 = arith.addi %add3A_1660, %scan3A_1629 : i32
      %get3A_1662 = arith.index_cast %add3A_1661 : i32 to index
      %get3A_1663 = arith.constant 96 : index
      %get3A_1664 = tpu.vector_load %arg8[%get3A_1662, %get3A_1663] {strides = array<i32>} : memref<128x128xi32, #tpu.memory_space<vmem>>, vector<16xi32>,
      %add3A_1665 = arith.constant 0 : i32
      %add3A_1666 = arith.addi %add3A_1665, %scan3A_1629 : i32
      %get3A_1667 = arith.index_cast %add3A_1666 : i32 to index
      %get3A_1668 = arith.constant 112 : index
      %get3A_1669 = tpu.vector_load %arg8[%get3A_1667, %get3A_1668] {strides = array<i32>} : memref<128x128xi32, #tpu.memory_space<vmem>>, vector<16xi32>,
      %gather3A = tpu.vector_load_idx %arg7[%get3A_1634] : memref<100000xf32, #tpu.memory_space<vmem>>[vector<16xi32>], vector<16xf32>,
      %gather3A_1670 = tpu.vector_load_idx %arg7[%get3A_1639] : memref<100000xf32, #tpu.memory_space<vmem>>[vector<16xi32>], vector<16xf32>,
      %gather3A_1671 = tpu.vector_load_idx %arg7[%get3A_1644] : memref<100000xf32, #tpu.memory_space<vmem>>[vector<16xi32>], vector<16xf32>,
      %gather3A_1672 = tpu.vector_load_idx %arg7[%get3A_1649] : memref<100000xf32, #tpu.memory_space<vmem>>[vector<16xi32>], vector<16xf32>,
      %gather3A_1673 = tpu.vector_load_idx %arg7[%get3A_1654] : memref<100000xf32, #tpu.memory_space<vmem>>[vector<16xi32>], vector<16xf32>,
      %gather3A_1674 = tpu.vector_load_idx %arg7[%get3A_1659] : memref<100000xf32, #tpu.memory_space<vmem>>[vector<16xi32>], vector<16xf32>,
      %gather3A_1675 = tpu.vector_load_idx %arg7[%get3A_1664] : memref<100000xf32, #tpu.memory_space<vmem>>[vector<16xi32>], vector<16xf32>,
      %gather3A_1676 = tpu.vector_load_idx %arg7[%get3A_1669] : memref<100000xf32, #tpu.memory_space<vmem>>[vector<16xi32>], vector<16xf32>,
      %get3A_1677 = arith.index_cast %scan3A_1629 : i32 to index
      %get3A_1678 = arith.constant 0 : index
      %get3A_1679 = tpu.vector_load %arg9[%get3A_1677, %get3A_1678] {strides = array<i32>} : memref<32x128xf32, #tpu.memory_space<vmem>>, vector<16xf32>,
      %get3A_1680 = arith.index_cast %scan3A_1629 : i32 to index
      %get3A_1681 = arith.constant 16 : index
      %get3A_1682 = tpu.vector_load %arg9[%get3A_1680, %get3A_1681] {strides = array<i32>} : memref<32x128xf32, #tpu.memory_space<vmem>>, vector<16xf32>,
      %get3A_1683 = arith.index_cast %scan3A_1629 : i32 to index
      %get3A_1684 = arith.constant 32 : index
      %get3A_1685 = tpu.vector_load %arg9[%get3A_1683, %get3A_1684] {strides = array<i32>} : memref<32x128xf32, #tpu.memory_space<vmem>>, vector<16xf32>,
      %get3A_1686 = arith.index_cast %scan3A_1629 : i32 to index
      %get3A_1687 = arith.constant 48 : index
      %get3A_1688 = tpu.vector_load %arg9[%get3A_1686, %get3A_1687] {strides = array<i32>} : memref<32x128xf32, #tpu.memory_space<vmem>>, vector<16xf32>,
      %get3A_1689 = arith.index_cast %scan3A_1629 : i32 to index
      %get3A_1690 = arith.constant 64 : index
      %get3A_1691 = tpu.vector_load %arg9[%get3A_1689, %get3A_1690] {strides = array<i32>} : memref<32x128xf32, #tpu.memory_space<vmem>>, vector<16xf32>,
      %get3A_1692 = arith.index_cast %scan3A_1629 : i32 to index
      %get3A_1693 = arith.constant 80 : index
      %get3A_1694 = tpu.vector_load %arg9[%get3A_1692, %get3A_1693] {strides = array<i32>} : memref<32x128xf32, #tpu.memory_space<vmem>>, vector<16xf32>,
      %get3A_1695 = arith.index_cast %scan3A_1629 : i32 to index
      %get3A_1696 = arith.constant 96 : index
      %get3A_1697 = tpu.vector_load %arg9[%get3A_1695, %get3A_1696] {strides = array<i32>} : memref<32x128xf32, #tpu.memory_space<vmem>>, vector<16xf32>,
      %get3A_1698 = arith.index_cast %scan3A_1629 : i32 to index
      %get3A_1699 = arith.constant 112 : index
      %get3A_1700 = tpu.vector_load %arg9[%get3A_1698, %get3A_1699] {strides = array<i32>} : memref<32x128xf32, #tpu.memory_space<vmem>>, vector<16xf32>,
      %mul3A_1701 = arith.mulf %gather3A, %get3A_1679 : vector<16xf32>
      %mul3A_1702 = arith.constant 128 : i32
      %mul3A_1703 = arith.muli %scan3A_1629, %mul3A_1702 : i32
      %add3A_1704 = arith.constant 0 : i32
      %add3A_1705 = arith.addi %mul3A_1703, %add3A_1704 : i32
      %swap3A_1706 = arith.constant 0 : i32
      %swap3A_1707 = arith.index_cast %swap3A_1706 : i32 to index
      %swap3A_1708 = arith.index_cast %add3A_1705 : i32 to index
      %swap3A_1709 = tpu.vector_load %arg10[%swap3A_1707, %swap3A_1708] {strides = array<i32>} : memref<2x4096xf32, #tpu.memory_space<vmem>>, vector<16xf32>,
      tpu.vector_store %arg10[%swap3A_1707, %swap3A_1708], %mul3A_1701 {strides = array<i32>} : memref<2x4096xf32, #tpu.memory_space<vmem>>, vector<16xf32>,
      %mul3A_1710 = arith.mulf %gather3A_1670, %get3A_1682 : vector<16xf32>
      %mul3A_1711 = arith.constant 128 : i32
      %mul3A_1712 = arith.muli %scan3A_1629, %mul3A_1711 : i32
      %add3A_1713 = arith.constant 16 : i32
      %add3A_1714 = arith.addi %mul3A_1712, %add3A_1713 : i32
      %swap3A_1715 = arith.constant 0 : i32
      %swap3A_1716 = arith.index_cast %swap3A_1715 : i32 to index
      %swap3A_1717 = arith.index_cast %add3A_1714 : i32 to index
      %swap3A_1718 = tpu.vector_load %arg10[%swap3A_1716, %swap3A_1717] {strides = array<i32>} : memref<2x4096xf32, #tpu.memory_space<vmem>>, vector<16xf32>,
      tpu.vector_store %arg10[%swap3A_1716, %swap3A_1717], %mul3A_1710 {strides = array<i32>} : memref<2x4096xf32, #tpu.memory_space<vmem>>, vector<16xf32>,
      %mul3A_1719 = arith.mulf %gather3A_1671, %get3A_1685 : vector<16xf32>
      %mul3A_1720 = arith.constant 128 : i32
      %mul3A_1721 = arith.muli %scan3A_1629, %mul3A_1720 : i32
      %add3A_1722 = arith.constant 32 : i32
      %add3A_1723 = arith.addi %mul3A_1721, %add3A_1722 : i32
      %swap3A_1724 = arith.constant 0 : i32
      %swap3A_1725 = arith.index_cast %swap3A_1724 : i32 to index
      %swap3A_1726 = arith.index_cast %add3A_1723 : i32 to index
      %swap3A_1727 = tpu.vector_load %arg10[%swap3A_1725, %swap3A_1726] {strides = array<i32>} : memref<2x4096xf32, #tpu.memory_space<vmem>>, vector<16xf32>,
      tpu.vector_store %arg10[%swap3A_1725, %swap3A_1726], %mul3A_1719 {strides = array<i32>} : memref<2x4096xf32, #tpu.memory_space<vmem>>, vector<16xf32>,
      %mul3A_1728 = arith.mulf %gather3A_1672, %get3A_1688 : vector<16xf32>
      %mul3A_1729 = arith.constant 128 : i32
      %mul3A_1730 = arith.muli %scan3A_1629, %mul3A_1729 : i32
      %add3A_1731 = arith.constant 48 : i32
      %add3A_1732 = arith.addi %mul3A_1730, %add3A_1731 : i32
      %swap3A_1733 = arith.constant 0 : i32
      %swap3A_1734 = arith.index_cast %swap3A_1733 : i32 to index
      %swap3A_1735 = arith.index_cast %add3A_1732 : i32 to index
      %swap3A_1736 = tpu.vector_load %arg10[%swap3A_1734, %swap3A_1735] {strides = array<i32>} : memref<2x4096xf32, #tpu.memory_space<vmem>>, vector<16xf32>,
      tpu.vector_store %arg10[%swap3A_1734, %swap3A_1735], %mul3A_1728 {strides = array<i32>} : memref<2x4096xf32, #tpu.memory_space<vmem>>, vector<16xf32>,
      %mul3A_1737 = arith.mulf %gather3A_1673, %get3A_1691 : vector<16xf32>
      %mul3A_1738 = arith.constant 128 : i32
      %mul3A_1739 = arith.muli %scan3A_1629, %mul3A_1738 : i32
      %add3A_1740 = arith.constant 64 : i32
      %add3A_1741 = arith.addi %mul3A_1739, %add3A_1740 : i32
      %swap3A_1742 = arith.constant 0 : i32
      %swap3A_1743 = arith.index_cast %swap3A_1742 : i32 to index
      %swap3A_1744 = arith.index_cast %add3A_1741 : i32 to index
      %swap3A_1745 = tpu.vector_load %arg10[%swap3A_1743, %swap3A_1744] {strides = array<i32>} : memref<2x4096xf32, #tpu.memory_space<vmem>>, vector<16xf32>,
      tpu.vector_store %arg10[%swap3A_1743, %swap3A_1744], %mul3A_1737 {strides = array<i32>} : memref<2x4096xf32, #tpu.memory_space<vmem>>, vector<16xf32>,
      %mul3A_1746 = arith.mulf %gather3A_1674, %get3A_1694 : vector<16xf32>
      %mul3A_1747 = arith.constant 128 : i32
      %mul3A_1748 = arith.muli %scan3A_1629, %mul3A_1747 : i32
      %add3A_1749 = arith.constant 80 : i32
      %add3A_1750 = arith.addi %mul3A_1748, %add3A_1749 : i32
      %swap3A_1751 = arith.constant 0 : i32
      %swap3A_1752 = arith.index_cast %swap3A_1751 : i32 to index
      %swap3A_1753 = arith.index_cast %add3A_1750 : i32 to index
      %swap3A_1754 = tpu.vector_load %arg10[%swap3A_1752, %swap3A_1753] {strides = array<i32>} : memref<2x4096xf32, #tpu.memory_space<vmem>>, vector<16xf32>,
      tpu.vector_store %arg10[%swap3A_1752, %swap3A_1753], %mul3A_1746 {strides = array<i32>} : memref<2x4096xf32, #tpu.memory_space<vmem>>, vector<16xf32>,
      %mul3A_1755 = arith.mulf %gather3A_1675, %get3A_1697 : vector<16xf32>
      %mul3A_1756 = arith.constant 128 : i32
      %mul3A_1757 = arith.muli %scan3A_1629, %mul3A_1756 : i32
      %add3A_1758 = arith.constant 96 : i32
      %add3A_1759 = arith.addi %mul3A_1757, %add3A_1758 : i32
      %swap3A_1760 = arith.constant 0 : i32
      %swap3A_1761 = arith.index_cast %swap3A_1760 : i32 to index
      %swap3A_1762 = arith.index_cast %add3A_1759 : i32 to index
      %swap3A_1763 = tpu.vector_load %arg10[%swap3A_1761, %swap3A_1762] {strides = array<i32>} : memref<2x4096xf32, #tpu.memory_space<vmem>>, vector<16xf32>,
      tpu.vector_store %arg10[%swap3A_1761, %swap3A_1762], %mul3A_1755 {strides = array<i32>} : memref<2x4096xf32, #tpu.memory_space<vmem>>, vector<16xf32>,
      %mul3A_1764 = arith.mulf %gather3A_1676, %get3A_1700 : vector<16xf32>
      %mul3A_1765 = arith.constant 128 : i32
      %mul3A_1766 = arith.muli %scan3A_1629, %mul3A_1765 : i32
      %add3A_1767 = arith.constant 112 : i32
      %add3A_1768 = arith.addi %mul3A_1766, %add3A_1767 : i32
      %swap3A_1769 = arith.constant 0 : i32
      %swap3A_1770 = arith.index_cast %swap3A_1769 : i32 to index
      %swap3A_1771 = arith.index_cast %add3A_1768 : i32 to index
      %swap3A_1772 = tpu.vector_load %arg10[%swap3A_1770, %swap3A_1771] {strides = array<i32>} : memref<2x4096xf32, #tpu.memory_space<vmem>>, vector<16xf32>,
      tpu.vector_store %arg10[%swap3A_1770, %swap3A_1771], %mul3A_1764 {strides = array<i32>} : memref<2x4096xf32, #tpu.memory_space<vmem>>, vector<16xf32>,
    }
    %scan3A_1481 = arith.constant 32 : i32
    %dma_start3A_1482 = arith.constant 0 : i32
    %dma_start3A_1483 = arith.constant 0 : i32
    %dma_start3A_1484 = tpu.memref_slice %arg10[%dma_start3A_1482, %dma_start3A_1483] : memref<2x4096xf32, #tpu.memory_space<vmem>> -> memref<1x4096xf32, #tpu.memory_space<vmem>>
    %dma_start3A_1485 = tpu.memref_squeeze %dma_start3A_1484 : memref<1x4096xf32, #tpu.memory_space<vmem>> -> memref<4096xf32, #tpu.memory_space<vmem>>
    %dma_start3A_1486 = arith.constant 0 : i32
    %dma_start3A_1487 = tpu.memref_slice %arg5[%add3A_1475, %dma_start3A_1486] : memref<64x16384xf32, #tpu.memory_space<hbm>> -> memref<1x4096xf32, #tpu.memory_space<hbm>>
    %dma_start3A_1488 = tpu.memref_squeeze %dma_start3A_1487 : memref<1x4096xf32, #tpu.memory_space<hbm>> -> memref<4096xf32, #tpu.memory_space<hbm>>
    %dma_start3A_1489 = arith.constant 0 : i32
    %dma_start3A_1490 = tpu.memref_slice %arg5[%add3A_1475, %dma_start3A_1489] : memref<64x16384xf32, #tpu.memory_space<hbm>> -> memref<1x4096xf32, #tpu.memory_space<hbm>>
    %dma_start3A_1491 = tpu.memref_squeeze %dma_start3A_1490 : memref<1x4096xf32, #tpu.memory_space<hbm>> -> memref<4096xf32, #tpu.memory_space<hbm>>
    %dma_start3A_1492 = arith.constant 0 : i32
    %dma_start3A_1493 = tpu.memref_slice %arg10[%dma_start3A_1482, %dma_start3A_1492] : memref<2x4096xf32, #tpu.memory_space<vmem>> -> memref<1x4096xf32, #tpu.memory_space<vmem>>
    %dma_start3A_1494 = tpu.memref_squeeze %dma_start3A_1493 : memref<1x4096xf32, #tpu.memory_space<vmem>> -> memref<4096xf32, #tpu.memory_space<vmem>>
    tpu.enqueue_dma source(%dma_start3A_1494 : memref<4096xf32, #tpu.memory_space<vmem>>) target(%dma_start3A_1491 : memref<4096xf32, #tpu.memory_space<hbm>>) target_semaphore(%arg12 : memref<!tpu.dma_semaphore, #tpu.memory_space<semaphore_mem>>)
    "tpu.region"() ({
      %run_scoped3A = tpu.sem_alloc : memref<!tpu.dma_semaphore, #tpu.memory_space<semaphore_mem>>
      %dma_start3A_1629 = arith.constant 32 : i32
      %dma_start3A_1630 = arith.constant 0 : i32
      %dma_start3A_1631 = tpu.memref_slice %arg6[%dma_start3A_1629, %dma_start3A_1630] : memref<128x128xf32, #tpu.memory_space<vmem_shared>> -> memref<32x128xf32, #tpu.memory_space<vmem_shared>>
      %dma_start3A_1632 = arith.constant 32 : i32
      %dma_start3A_1633 = arith.constant 0 : i32
      %dma_start3A_1634 = tpu.memref_slice %arg6[%dma_start3A_1632, %dma_start3A_1633] : memref<128x128xf32, #tpu.memory_space<vmem_shared>> -> memref<32x128xf32, #tpu.memory_space<vmem_shared>>
      tpu.enqueue_dma source(%dma_start3A_1634 : memref<32x128xf32, #tpu.memory_space<vmem_shared>>) target(%arg9 : memref<32x128xf32, #tpu.memory_space<vmem>>) target_semaphore(%run_scoped3A : memref<!tpu.dma_semaphore, #tpu.memory_space<semaphore_mem>>)
      %dma_wait3A_1635 = arith.constant 32 : i32
      %dma_wait3A_1636 = arith.constant 0 : i32
      %dma_wait3A_1637 = tpu.memref_slice %arg6[%dma_wait3A_1635, %dma_wait3A_1636] : memref<128x128xf32, #tpu.memory_space<vmem_shared>> -> memref<32x128xf32, #tpu.memory_space<vmem_shared>>
      %dma_wait3A_1638 = arith.constant 32 : i32
      %dma_wait3A_1639 = arith.constant 0 : i32
      %dma_wait3A_1640 = tpu.memref_slice %arg6[%dma_wait3A_1638, %dma_wait3A_1639] : memref<128x128xf32, #tpu.memory_space<vmem_shared>> -> memref<32x128xf32, #tpu.memory_space<vmem_shared>>
      tpu.wait_dma2 semaphore(%run_scoped3A : memref<!tpu.dma_semaphore, #tpu.memory_space<semaphore_mem>>) src(%dma_wait3A_1640 : memref<32x128xf32, #tpu.memory_space<vmem_shared>>) dst(%arg9 : memref<32x128xf32, #tpu.memory_space<vmem>>)
      tpu.yield
    }) : () -> ()
    %dma_wait3A_1495 = arith.constant 1 : i32
    %dma_wait3A_1496 = arith.constant 0 : i32
    %dma_wait3A_1497 = tpu.memref_slice %arg10[%dma_wait3A_1495, %dma_wait3A_1496] : memref<2x4096xf32, #tpu.memory_space<vmem>> -> memref<1x4096xf32, #tpu.memory_space<vmem>>
    %dma_wait3A_1498 = tpu.memref_squeeze %dma_wait3A_1497 : memref<1x4096xf32, #tpu.memory_space<vmem>> -> memref<4096xf32, #tpu.memory_space<vmem>>
    %dma_wait3A_1499 = arith.constant 12288 : i32
    %dma_wait3A_1500 = tpu.memref_slice %arg5[%add3A_1435, %dma_wait3A_1499] : memref<64x16384xf32, #tpu.memory_space<hbm>> -> memref<1x4096xf32, #tpu.memory_space<hbm>>
    %dma_wait3A_1501 = tpu.memref_squeeze %dma_wait3A_1500 : memref<1x4096xf32, #tpu.memory_space<hbm>> -> memref<4096xf32, #tpu.memory_space<hbm>>
    %dma_wait3A_1502 = arith.constant 12288 : i32
    %dma_wait3A_1503 = tpu.memref_slice %arg5[%add3A_1435, %dma_wait3A_1502] : memref<64x16384xf32, #tpu.memory_space<hbm>> -> memref<1x4096xf32, #tpu.memory_space<hbm>>
    %dma_wait3A_1504 = tpu.memref_squeeze %dma_wait3A_1503 : memref<1x4096xf32, #tpu.memory_space<hbm>> -> memref<4096xf32, #tpu.memory_space<hbm>>
    %dma_wait3A_1505 = arith.constant 0 : i32
    %dma_wait3A_1506 = tpu.memref_slice %arg10[%dma_wait3A_1495, %dma_wait3A_1505] : memref<2x4096xf32, #tpu.memory_space<vmem>> -> memref<1x4096xf32, #tpu.memory_space<vmem>>
    %dma_wait3A_1507 = tpu.memref_squeeze %dma_wait3A_1506 : memref<1x4096xf32, #tpu.memory_space<vmem>> -> memref<4096xf32, #tpu.memory_space<vmem>>
    tpu.wait_dma2 semaphore(%arg12 : memref<!tpu.dma_semaphore, #tpu.memory_space<semaphore_mem>>) src(%dma_wait3A_1507 : memref<4096xf32, #tpu.memory_space<vmem>>) dst(%dma_wait3A_1504 : memref<4096xf32, #tpu.memory_space<hbm>>)
    %mul3A_1508 = arith.constant 2 : i32
    %mul3A_1509 = arith.muli %add3A, %mul3A_1508 : i32
    %add3A_1510 = arith.constant 1 : i32
    %add3A_1511 = arith.addi %mul3A_1509, %add3A_1510 : i32
    %scan3A_1512 = arith.constant 0 : i32
    %scan3A_1513 = arith.constant 0 : i32
    %scan3A_1514 = arith.constant 32 : i32
    %scan3A_1515 = arith.addi %scan3A_1513, %scan3A_1514 : i32
    %scan3A_1516 = arith.constant 1 : i32
    scf.for %scan3A_1629 = %scan3A_1513 to %scan3A_1515 step %scan3A_1516  : i32 {
      %add3A_1630 = arith.constant 32 : i32
      %add3A_1631 = arith.addi %add3A_1630, %scan3A_1629 : i32
      %get3A_1632 = arith.index_cast %add3A_1631 : i32 to index
      %get3A_1633 = arith.constant 0 : index
      %get3A_1634 = tpu.vector_load %arg8[%get3A_1632, %get3A_1633] {strides = array<i32>} : memref<128x128xi32, #tpu.memory_space<vmem>>, vector<16xi32>,
      %add3A_1635 = arith.constant 32 : i32
      %add3A_1636 = arith.addi %add3A_1635, %scan3A_1629 : i32
      %get3A_1637 = arith.index_cast %add3A_1636 : i32 to index
      %get3A_1638 = arith.constant 16 : index
      %get3A_1639 = tpu.vector_load %arg8[%get3A_1637, %get3A_1638] {strides = array<i32>} : memref<128x128xi32, #tpu.memory_space<vmem>>, vector<16xi32>,
      %add3A_1640 = arith.constant 32 : i32
      %add3A_1641 = arith.addi %add3A_1640, %scan3A_1629 : i32
      %get3A_1642 = arith.index_cast %add3A_1641 : i32 to index
      %get3A_1643 = arith.constant 32 : index
      %get3A_1644 = tpu.vector_load %arg8[%get3A_1642, %get3A_1643] {strides = array<i32>} : memref<128x128xi32, #tpu.memory_space<vmem>>, vector<16xi32>,
      %add3A_1645 = arith.constant 32 : i32
      %add3A_1646 = arith.addi %add3A_1645, %scan3A_1629 : i32
      %get3A_1647 = arith.index_cast %add3A_1646 : i32 to index
      %get3A_1648 = arith.constant 48 : index
      %get3A_1649 = tpu.vector_load %arg8[%get3A_1647, %get3A_1648] {strides = array<i32>} : memref<128x128xi32, #tpu.memory_space<vmem>>, vector<16xi32>,
      %add3A_1650 = arith.constant 32 : i32
      %add3A_1651 = arith.addi %add3A_1650, %scan3A_1629 : i32
      %get3A_1652 = arith.index_cast %add3A_1651 : i32 to index
      %get3A_1653 = arith.constant 64 : index
      %get3A_1654 = tpu.vector_load %arg8[%get3A_1652, %get3A_1653] {strides = array<i32>} : memref<128x128xi32, #tpu.memory_space<vmem>>, vector<16xi32>,
      %add3A_1655 = arith.constant 32 : i32
      %add3A_1656 = arith.addi %add3A_1655, %scan3A_1629 : i32
      %get3A_1657 = arith.index_cast %add3A_1656 : i32 to index
      %get3A_1658 = arith.constant 80 : index
      %get3A_1659 = tpu.vector_load %arg8[%get3A_1657, %get3A_1658] {strides = array<i32>} : memref<128x128xi32, #tpu.memory_space<vmem>>, vector<16xi32>,
      %add3A_1660 = arith.constant 32 : i32
      %add3A_1661 = arith.addi %add3A_1660, %scan3A_1629 : i32
      %get3A_1662 = arith.index_cast %add3A_1661 : i32 to index
      %get3A_1663 = arith.constant 96 : index
      %get3A_1664 = tpu.vector_load %arg8[%get3A_1662, %get3A_1663] {strides = array<i32>} : memref<128x128xi32, #tpu.memory_space<vmem>>, vector<16xi32>,
      %add3A_1665 = arith.constant 32 : i32
      %add3A_1666 = arith.addi %add3A_1665, %scan3A_1629 : i32
      %get3A_1667 = arith.index_cast %add3A_1666 : i32 to index
      %get3A_1668 = arith.constant 112 : index
      %get3A_1669 = tpu.vector_load %arg8[%get3A_1667, %get3A_1668] {strides = array<i32>} : memref<128x128xi32, #tpu.memory_space<vmem>>, vector<16xi32>,
      %gather3A = tpu.vector_load_idx %arg7[%get3A_1634] : memref<100000xf32, #tpu.memory_space<vmem>>[vector<16xi32>], vector<16xf32>,
      %gather3A_1670 = tpu.vector_load_idx %arg7[%get3A_1639] : memref<100000xf32, #tpu.memory_space<vmem>>[vector<16xi32>], vector<16xf32>,
      %gather3A_1671 = tpu.vector_load_idx %arg7[%get3A_1644] : memref<100000xf32, #tpu.memory_space<vmem>>[vector<16xi32>], vector<16xf32>,
      %gather3A_1672 = tpu.vector_load_idx %arg7[%get3A_1649] : memref<100000xf32, #tpu.memory_space<vmem>>[vector<16xi32>], vector<16xf32>,
      %gather3A_1673 = tpu.vector_load_idx %arg7[%get3A_1654] : memref<100000xf32, #tpu.memory_space<vmem>>[vector<16xi32>], vector<16xf32>,
      %gather3A_1674 = tpu.vector_load_idx %arg7[%get3A_1659] : memref<100000xf32, #tpu.memory_space<vmem>>[vector<16xi32>], vector<16xf32>,
      %gather3A_1675 = tpu.vector_load_idx %arg7[%get3A_1664] : memref<100000xf32, #tpu.memory_space<vmem>>[vector<16xi32>], vector<16xf32>,
      %gather3A_1676 = tpu.vector_load_idx %arg7[%get3A_1669] : memref<100000xf32, #tpu.memory_space<vmem>>[vector<16xi32>], vector<16xf32>,
      %get3A_1677 = arith.index_cast %scan3A_1629 : i32 to index
      %get3A_1678 = arith.constant 0 : index
      %get3A_1679 = tpu.vector_load %arg9[%get3A_1677, %get3A_1678] {strides = array<i32>} : memref<32x128xf32, #tpu.memory_space<vmem>>, vector<16xf32>,
      %get3A_1680 = arith.index_cast %scan3A_1629 : i32 to index
      %get3A_1681 = arith.constant 16 : index
      %get3A_1682 = tpu.vector_load %arg9[%get3A_1680, %get3A_1681] {strides = array<i32>} : memref<32x128xf32, #tpu.memory_space<vmem>>, vector<16xf32>,
      %get3A_1683 = arith.index_cast %scan3A_1629 : i32 to index
      %get3A_1684 = arith.constant 32 : index
      %get3A_1685 = tpu.vector_load %arg9[%get3A_1683, %get3A_1684] {strides = array<i32>} : memref<32x128xf32, #tpu.memory_space<vmem>>, vector<16xf32>,
      %get3A_1686 = arith.index_cast %scan3A_1629 : i32 to index
      %get3A_1687 = arith.constant 48 : index
      %get3A_1688 = tpu.vector_load %arg9[%get3A_1686, %get3A_1687] {strides = array<i32>} : memref<32x128xf32, #tpu.memory_space<vmem>>, vector<16xf32>,
      %get3A_1689 = arith.index_cast %scan3A_1629 : i32 to index
      %get3A_1690 = arith.constant 64 : index
      %get3A_1691 = tpu.vector_load %arg9[%get3A_1689, %get3A_1690] {strides = array<i32>} : memref<32x128xf32, #tpu.memory_space<vmem>>, vector<16xf32>,
      %get3A_1692 = arith.index_cast %scan3A_1629 : i32 to index
      %get3A_1693 = arith.constant 80 : index
      %get3A_1694 = tpu.vector_load %arg9[%get3A_1692, %get3A_1693] {strides = array<i32>} : memref<32x128xf32, #tpu.memory_space<vmem>>, vector<16xf32>,
      %get3A_1695 = arith.index_cast %scan3A_1629 : i32 to index
      %get3A_1696 = arith.constant 96 : index
      %get3A_1697 = tpu.vector_load %arg9[%get3A_1695, %get3A_1696] {strides = array<i32>} : memref<32x128xf32, #tpu.memory_space<vmem>>, vector<16xf32>,
      %get3A_1698 = arith.index_cast %scan3A_1629 : i32 to index
      %get3A_1699 = arith.constant 112 : index
      %get3A_1700 = tpu.vector_load %arg9[%get3A_1698, %get3A_1699] {strides = array<i32>} : memref<32x128xf32, #tpu.memory_space<vmem>>, vector<16xf32>,
      %mul3A_1701 = arith.mulf %gather3A, %get3A_1679 : vector<16xf32>
      %mul3A_1702 = arith.constant 128 : i32
      %mul3A_1703 = arith.muli %scan3A_1629, %mul3A_1702 : i32
      %add3A_1704 = arith.constant 0 : i32
      %add3A_1705 = arith.addi %mul3A_1703, %add3A_1704 : i32
      %swap3A_1706 = arith.constant 1 : i32
      %swap3A_1707 = arith.index_cast %swap3A_1706 : i32 to index
      %swap3A_1708 = arith.index_cast %add3A_1705 : i32 to index
      %swap3A_1709 = tpu.vector_load %arg10[%swap3A_1707, %swap3A_1708] {strides = array<i32>} : memref<2x4096xf32, #tpu.memory_space<vmem>>, vector<16xf32>,
      tpu.vector_store %arg10[%swap3A_1707, %swap3A_1708], %mul3A_1701 {strides = array<i32>} : memref<2x4096xf32, #tpu.memory_space<vmem>>, vector<16xf32>,
      %mul3A_1710 = arith.mulf %gather3A_1670, %get3A_1682 : vector<16xf32>
      %mul3A_1711 = arith.constant 128 : i32
      %mul3A_1712 = arith.muli %scan3A_1629, %mul3A_1711 : i32
      %add3A_1713 = arith.constant 16 : i32
      %add3A_1714 = arith.addi %mul3A_1712, %add3A_1713 : i32
      %swap3A_1715 = arith.constant 1 : i32
      %swap3A_1716 = arith.index_cast %swap3A_1715 : i32 to index
      %swap3A_1717 = arith.index_cast %add3A_1714 : i32 to index
      %swap3A_1718 = tpu.vector_load %arg10[%swap3A_1716, %swap3A_1717] {strides = array<i32>} : memref<2x4096xf32, #tpu.memory_space<vmem>>, vector<16xf32>,
      tpu.vector_store %arg10[%swap3A_1716, %swap3A_1717], %mul3A_1710 {strides = array<i32>} : memref<2x4096xf32, #tpu.memory_space<vmem>>, vector<16xf32>,
      %mul3A_1719 = arith.mulf %gather3A_1671, %get3A_1685 : vector<16xf32>
      %mul3A_1720 = arith.constant 128 : i32
      %mul3A_1721 = arith.muli %scan3A_1629, %mul3A_1720 : i32
      %add3A_1722 = arith.constant 32 : i32
      %add3A_1723 = arith.addi %mul3A_1721, %add3A_1722 : i32
      %swap3A_1724 = arith.constant 1 : i32
      %swap3A_1725 = arith.index_cast %swap3A_1724 : i32 to index
      %swap3A_1726 = arith.index_cast %add3A_1723 : i32 to index
      %swap3A_1727 = tpu.vector_load %arg10[%swap3A_1725, %swap3A_1726] {strides = array<i32>} : memref<2x4096xf32, #tpu.memory_space<vmem>>, vector<16xf32>,
      tpu.vector_store %arg10[%swap3A_1725, %swap3A_1726], %mul3A_1719 {strides = array<i32>} : memref<2x4096xf32, #tpu.memory_space<vmem>>, vector<16xf32>,
      %mul3A_1728 = arith.mulf %gather3A_1672, %get3A_1688 : vector<16xf32>
      %mul3A_1729 = arith.constant 128 : i32
      %mul3A_1730 = arith.muli %scan3A_1629, %mul3A_1729 : i32
      %add3A_1731 = arith.constant 48 : i32
      %add3A_1732 = arith.addi %mul3A_1730, %add3A_1731 : i32
      %swap3A_1733 = arith.constant 1 : i32
      %swap3A_1734 = arith.index_cast %swap3A_1733 : i32 to index
      %swap3A_1735 = arith.index_cast %add3A_1732 : i32 to index
      %swap3A_1736 = tpu.vector_load %arg10[%swap3A_1734, %swap3A_1735] {strides = array<i32>} : memref<2x4096xf32, #tpu.memory_space<vmem>>, vector<16xf32>,
      tpu.vector_store %arg10[%swap3A_1734, %swap3A_1735], %mul3A_1728 {strides = array<i32>} : memref<2x4096xf32, #tpu.memory_space<vmem>>, vector<16xf32>,
      %mul3A_1737 = arith.mulf %gather3A_1673, %get3A_1691 : vector<16xf32>
      %mul3A_1738 = arith.constant 128 : i32
      %mul3A_1739 = arith.muli %scan3A_1629, %mul3A_1738 : i32
      %add3A_1740 = arith.constant 64 : i32
      %add3A_1741 = arith.addi %mul3A_1739, %add3A_1740 : i32
      %swap3A_1742 = arith.constant 1 : i32
      %swap3A_1743 = arith.index_cast %swap3A_1742 : i32 to index
      %swap3A_1744 = arith.index_cast %add3A_1741 : i32 to index
      %swap3A_1745 = tpu.vector_load %arg10[%swap3A_1743, %swap3A_1744] {strides = array<i32>} : memref<2x4096xf32, #tpu.memory_space<vmem>>, vector<16xf32>,
      tpu.vector_store %arg10[%swap3A_1743, %swap3A_1744], %mul3A_1737 {strides = array<i32>} : memref<2x4096xf32, #tpu.memory_space<vmem>>, vector<16xf32>,
      %mul3A_1746 = arith.mulf %gather3A_1674, %get3A_1694 : vector<16xf32>
      %mul3A_1747 = arith.constant 128 : i32
      %mul3A_1748 = arith.muli %scan3A_1629, %mul3A_1747 : i32
      %add3A_1749 = arith.constant 80 : i32
      %add3A_1750 = arith.addi %mul3A_1748, %add3A_1749 : i32
      %swap3A_1751 = arith.constant 1 : i32
      %swap3A_1752 = arith.index_cast %swap3A_1751 : i32 to index
      %swap3A_1753 = arith.index_cast %add3A_1750 : i32 to index
      %swap3A_1754 = tpu.vector_load %arg10[%swap3A_1752, %swap3A_1753] {strides = array<i32>} : memref<2x4096xf32, #tpu.memory_space<vmem>>, vector<16xf32>,
      tpu.vector_store %arg10[%swap3A_1752, %swap3A_1753], %mul3A_1746 {strides = array<i32>} : memref<2x4096xf32, #tpu.memory_space<vmem>>, vector<16xf32>,
      %mul3A_1755 = arith.mulf %gather3A_1675, %get3A_1697 : vector<16xf32>
      %mul3A_1756 = arith.constant 128 : i32
      %mul3A_1757 = arith.muli %scan3A_1629, %mul3A_1756 : i32
      %add3A_1758 = arith.constant 96 : i32
      %add3A_1759 = arith.addi %mul3A_1757, %add3A_1758 : i32
      %swap3A_1760 = arith.constant 1 : i32
      %swap3A_1761 = arith.index_cast %swap3A_1760 : i32 to index
      %swap3A_1762 = arith.index_cast %add3A_1759 : i32 to index
      %swap3A_1763 = tpu.vector_load %arg10[%swap3A_1761, %swap3A_1762] {strides = array<i32>} : memref<2x4096xf32, #tpu.memory_space<vmem>>, vector<16xf32>,
      tpu.vector_store %arg10[%swap3A_1761, %swap3A_1762], %mul3A_1755 {strides = array<i32>} : memref<2x4096xf32, #tpu.memory_space<vmem>>, vector<16xf32>,
      %mul3A_1764 = arith.mulf %gather3A_1676, %get3A_1700 : vector<16xf32>
      %mul3A_1765 = arith.constant 128 : i32
      %mul3A_1766 = arith.muli %scan3A_1629, %mul3A_1765 : i32
      %add3A_1767 = arith.constant 112 : i32
      %add3A_1768 = arith.addi %mul3A_1766, %add3A_1767 : i32
      %swap3A_1769 = arith.constant 1 : i32
      %swap3A_1770 = arith.index_cast %swap3A_1769 : i32 to index
      %swap3A_1771 = arith.index_cast %add3A_1768 : i32 to index
      %swap3A_1772 = tpu.vector_load %arg10[%swap3A_1770, %swap3A_1771] {strides = array<i32>} : memref<2x4096xf32, #tpu.memory_space<vmem>>, vector<16xf32>,
      tpu.vector_store %arg10[%swap3A_1770, %swap3A_1771], %mul3A_1764 {strides = array<i32>} : memref<2x4096xf32, #tpu.memory_space<vmem>>, vector<16xf32>,
    }
    %scan3A_1517 = arith.constant 32 : i32
    %dma_start3A_1518 = arith.constant 1 : i32
    %dma_start3A_1519 = arith.constant 0 : i32
    %dma_start3A_1520 = tpu.memref_slice %arg10[%dma_start3A_1518, %dma_start3A_1519] : memref<2x4096xf32, #tpu.memory_space<vmem>> -> memref<1x4096xf32, #tpu.memory_space<vmem>>
    %dma_start3A_1521 = tpu.memref_squeeze %dma_start3A_1520 : memref<1x4096xf32, #tpu.memory_space<vmem>> -> memref<4096xf32, #tpu.memory_space<vmem>>
    %dma_start3A_1522 = arith.constant 4096 : i32
    %dma_start3A_1523 = tpu.memref_slice %arg5[%add3A_1511, %dma_start3A_1522] : memref<64x16384xf32, #tpu.memory_space<hbm>> -> memref<1x4096xf32, #tpu.memory_space<hbm>>
    %dma_start3A_1524 = tpu.memref_squeeze %dma_start3A_1523 : memref<1x4096xf32, #tpu.memory_space<hbm>> -> memref<4096xf32, #tpu.memory_space<hbm>>
    %dma_start3A_1525 = arith.constant 4096 : i32
    %dma_start3A_1526 = tpu.memref_slice %arg5[%add3A_1511, %dma_start3A_1525] : memref<64x16384xf32, #tpu.memory_space<hbm>> -> memref<1x4096xf32, #tpu.memory_space<hbm>>
    %dma_start3A_1527 = tpu.memref_squeeze %dma_start3A_1526 : memref<1x4096xf32, #tpu.memory_space<hbm>> -> memref<4096xf32, #tpu.memory_space<hbm>>
    %dma_start3A_1528 = arith.constant 0 : i32
    %dma_start3A_1529 = tpu.memref_slice %arg10[%dma_start3A_1518, %dma_start3A_1528] : memref<2x4096xf32, #tpu.memory_space<vmem>> -> memref<1x4096xf32, #tpu.memory_space<vmem>>
    %dma_start3A_1530 = tpu.memref_squeeze %dma_start3A_1529 : memref<1x4096xf32, #tpu.memory_space<vmem>> -> memref<4096xf32, #tpu.memory_space<vmem>>
    tpu.enqueue_dma source(%dma_start3A_1530 : memref<4096xf32, #tpu.memory_space<vmem>>) target(%dma_start3A_1527 : memref<4096xf32, #tpu.memory_space<hbm>>) target_semaphore(%arg12 : memref<!tpu.dma_semaphore, #tpu.memory_space<semaphore_mem>>)
    "tpu.region"() ({
      %run_scoped3A = tpu.sem_alloc : memref<!tpu.dma_semaphore, #tpu.memory_space<semaphore_mem>>
      %dma_start3A_1629 = arith.constant 64 : i32
      %dma_start3A_1630 = arith.constant 0 : i32
      %dma_start3A_1631 = tpu.memref_slice %arg6[%dma_start3A_1629, %dma_start3A_1630] : memref<128x128xf32, #tpu.memory_space<vmem_shared>> -> memref<32x128xf32, #tpu.memory_space<vmem_shared>>
      %dma_start3A_1632 = arith.constant 64 : i32
      %dma_start3A_1633 = arith.constant 0 : i32
      %dma_start3A_1634 = tpu.memref_slice %arg6[%dma_start3A_1632, %dma_start3A_1633] : memref<128x128xf32, #tpu.memory_space<vmem_shared>> -> memref<32x128xf32, #tpu.memory_space<vmem_shared>>
      tpu.enqueue_dma source(%dma_start3A_1634 : memref<32x128xf32, #tpu.memory_space<vmem_shared>>) target(%arg9 : memref<32x128xf32, #tpu.memory_space<vmem>>) target_semaphore(%run_scoped3A : memref<!tpu.dma_semaphore, #tpu.memory_space<semaphore_mem>>)
      %dma_wait3A_1635 = arith.constant 64 : i32
      %dma_wait3A_1636 = arith.constant 0 : i32
      %dma_wait3A_1637 = tpu.memref_slice %arg6[%dma_wait3A_1635, %dma_wait3A_1636] : memref<128x128xf32, #tpu.memory_space<vmem_shared>> -> memref<32x128xf32, #tpu.memory_space<vmem_shared>>
      %dma_wait3A_1638 = arith.constant 64 : i32
      %dma_wait3A_1639 = arith.constant 0 : i32
      %dma_wait3A_1640 = tpu.memref_slice %arg6[%dma_wait3A_1638, %dma_wait3A_1639] : memref<128x128xf32, #tpu.memory_space<vmem_shared>> -> memref<32x128xf32, #tpu.memory_space<vmem_shared>>
      tpu.wait_dma2 semaphore(%run_scoped3A : memref<!tpu.dma_semaphore, #tpu.memory_space<semaphore_mem>>) src(%dma_wait3A_1640 : memref<32x128xf32, #tpu.memory_space<vmem_shared>>) dst(%arg9 : memref<32x128xf32, #tpu.memory_space<vmem>>)
      tpu.yield
    }) : () -> ()
    %dma_wait3A_1531 = arith.constant 0 : i32
    %dma_wait3A_1532 = arith.constant 0 : i32
    %dma_wait3A_1533 = tpu.memref_slice %arg10[%dma_wait3A_1531, %dma_wait3A_1532] : memref<2x4096xf32, #tpu.memory_space<vmem>> -> memref<1x4096xf32, #tpu.memory_space<vmem>>
    %dma_wait3A_1534 = tpu.memref_squeeze %dma_wait3A_1533 : memref<1x4096xf32, #tpu.memory_space<vmem>> -> memref<4096xf32, #tpu.memory_space<vmem>>
    %dma_wait3A_1535 = arith.constant 0 : i32
    %dma_wait3A_1536 = tpu.memref_slice %arg5[%add3A_1475, %dma_wait3A_1535] : memref<64x16384xf32, #tpu.memory_space<hbm>> -> memref<1x4096xf32, #tpu.memory_space<hbm>>
    %dma_wait3A_1537 = tpu.memref_squeeze %dma_wait3A_1536 : memref<1x4096xf32, #tpu.memory_space<hbm>> -> memref<4096xf32, #tpu.memory_space<hbm>>
    %dma_wait3A_1538 = arith.constant 0 : i32
    %dma_wait3A_1539 = tpu.memref_slice %arg5[%add3A_1475, %dma_wait3A_1538] : memref<64x16384xf32, #tpu.memory_space<hbm>> -> memref<1x4096xf32, #tpu.memory_space<hbm>>
    %dma_wait3A_1540 = tpu.memref_squeeze %dma_wait3A_1539 : memref<1x4096xf32, #tpu.memory_space<hbm>> -> memref<4096xf32, #tpu.memory_space<hbm>>
    %dma_wait3A_1541 = arith.constant 0 : i32
    %dma_wait3A_1542 = tpu.memref_slice %arg10[%dma_wait3A_1531, %dma_wait3A_1541] : memref<2x4096xf32, #tpu.memory_space<vmem>> -> memref<1x4096xf32, #tpu.memory_space<vmem>>
    %dma_wait3A_1543 = tpu.memref_squeeze %dma_wait3A_1542 : memref<1x4096xf32, #tpu.memory_space<vmem>> -> memref<4096xf32, #tpu.memory_space<vmem>>
    tpu.wait_dma2 semaphore(%arg12 : memref<!tpu.dma_semaphore, #tpu.memory_space<semaphore_mem>>) src(%dma_wait3A_1543 : memref<4096xf32, #tpu.memory_space<vmem>>) dst(%dma_wait3A_1540 : memref<4096xf32, #tpu.memory_space<hbm>>)
    %mul3A_1544 = arith.constant 2 : i32
    %mul3A_1545 = arith.muli %add3A, %mul3A_1544 : i32
    %add3A_1546 = arith.constant 1 : i32
    %add3A_1547 = arith.addi %mul3A_1545, %add3A_1546 : i32
    %scan3A_1548 = arith.constant 0 : i32
    %scan3A_1549 = arith.constant 0 : i32
    %scan3A_1550 = arith.constant 32 : i32
    %scan3A_1551 = arith.addi %scan3A_1549, %scan3A_1550 : i32
    %scan3A_1552 = arith.constant 1 : i32
    scf.for %scan3A_1629 = %scan3A_1549 to %scan3A_1551 step %scan3A_1552  : i32 {
      %add3A_1630 = arith.constant 64 : i32
      %add3A_1631 = arith.addi %add3A_1630, %scan3A_1629 : i32
      %get3A_1632 = arith.index_cast %add3A_1631 : i32 to index
      %get3A_1633 = arith.constant 0 : index
      %get3A_1634 = tpu.vector_load %arg8[%get3A_1632, %get3A_1633] {strides = array<i32>} : memref<128x128xi32, #tpu.memory_space<vmem>>, vector<16xi32>,
      %add3A_1635 = arith.constant 64 : i32
      %add3A_1636 = arith.addi %add3A_1635, %scan3A_1629 : i32
      %get3A_1637 = arith.index_cast %add3A_1636 : i32 to index
      %get3A_1638 = arith.constant 16 : index
      %get3A_1639 = tpu.vector_load %arg8[%get3A_1637, %get3A_1638] {strides = array<i32>} : memref<128x128xi32, #tpu.memory_space<vmem>>, vector<16xi32>,
      %add3A_1640 = arith.constant 64 : i32
      %add3A_1641 = arith.addi %add3A_1640, %scan3A_1629 : i32
      %get3A_1642 = arith.index_cast %add3A_1641 : i32 to index
      %get3A_1643 = arith.constant 32 : index
      %get3A_1644 = tpu.vector_load %arg8[%get3A_1642, %get3A_1643] {strides = array<i32>} : memref<128x128xi32, #tpu.memory_space<vmem>>, vector<16xi32>,
      %add3A_1645 = arith.constant 64 : i32
      %add3A_1646 = arith.addi %add3A_1645, %scan3A_1629 : i32
      %get3A_1647 = arith.index_cast %add3A_1646 : i32 to index
      %get3A_1648 = arith.constant 48 : index
      %get3A_1649 = tpu.vector_load %arg8[%get3A_1647, %get3A_1648] {strides = array<i32>} : memref<128x128xi32, #tpu.memory_space<vmem>>, vector<16xi32>,
      %add3A_1650 = arith.constant 64 : i32
      %add3A_1651 = arith.addi %add3A_1650, %scan3A_1629 : i32
      %get3A_1652 = arith.index_cast %add3A_1651 : i32 to index
      %get3A_1653 = arith.constant 64 : index
      %get3A_1654 = tpu.vector_load %arg8[%get3A_1652, %get3A_1653] {strides = array<i32>} : memref<128x128xi32, #tpu.memory_space<vmem>>, vector<16xi32>,
      %add3A_1655 = arith.constant 64 : i32
      %add3A_1656 = arith.addi %add3A_1655, %scan3A_1629 : i32
      %get3A_1657 = arith.index_cast %add3A_1656 : i32 to index
      %get3A_1658 = arith.constant 80 : index
      %get3A_1659 = tpu.vector_load %arg8[%get3A_1657, %get3A_1658] {strides = array<i32>} : memref<128x128xi32, #tpu.memory_space<vmem>>, vector<16xi32>,
      %add3A_1660 = arith.constant 64 : i32
      %add3A_1661 = arith.addi %add3A_1660, %scan3A_1629 : i32
      %get3A_1662 = arith.index_cast %add3A_1661 : i32 to index
      %get3A_1663 = arith.constant 96 : index
      %get3A_1664 = tpu.vector_load %arg8[%get3A_1662, %get3A_1663] {strides = array<i32>} : memref<128x128xi32, #tpu.memory_space<vmem>>, vector<16xi32>,
      %add3A_1665 = arith.constant 64 : i32
      %add3A_1666 = arith.addi %add3A_1665, %scan3A_1629 : i32
      %get3A_1667 = arith.index_cast %add3A_1666 : i32 to index
      %get3A_1668 = arith.constant 112 : index
      %get3A_1669 = tpu.vector_load %arg8[%get3A_1667, %get3A_1668] {strides = array<i32>} : memref<128x128xi32, #tpu.memory_space<vmem>>, vector<16xi32>,
      %gather3A = tpu.vector_load_idx %arg7[%get3A_1634] : memref<100000xf32, #tpu.memory_space<vmem>>[vector<16xi32>], vector<16xf32>,
      %gather3A_1670 = tpu.vector_load_idx %arg7[%get3A_1639] : memref<100000xf32, #tpu.memory_space<vmem>>[vector<16xi32>], vector<16xf32>,
      %gather3A_1671 = tpu.vector_load_idx %arg7[%get3A_1644] : memref<100000xf32, #tpu.memory_space<vmem>>[vector<16xi32>], vector<16xf32>,
      %gather3A_1672 = tpu.vector_load_idx %arg7[%get3A_1649] : memref<100000xf32, #tpu.memory_space<vmem>>[vector<16xi32>], vector<16xf32>,
      %gather3A_1673 = tpu.vector_load_idx %arg7[%get3A_1654] : memref<100000xf32, #tpu.memory_space<vmem>>[vector<16xi32>], vector<16xf32>,
      %gather3A_1674 = tpu.vector_load_idx %arg7[%get3A_1659] : memref<100000xf32, #tpu.memory_space<vmem>>[vector<16xi32>], vector<16xf32>,
      %gather3A_1675 = tpu.vector_load_idx %arg7[%get3A_1664] : memref<100000xf32, #tpu.memory_space<vmem>>[vector<16xi32>], vector<16xf32>,
      %gather3A_1676 = tpu.vector_load_idx %arg7[%get3A_1669] : memref<100000xf32, #tpu.memory_space<vmem>>[vector<16xi32>], vector<16xf32>,
      %get3A_1677 = arith.index_cast %scan3A_1629 : i32 to index
      %get3A_1678 = arith.constant 0 : index
      %get3A_1679 = tpu.vector_load %arg9[%get3A_1677, %get3A_1678] {strides = array<i32>} : memref<32x128xf32, #tpu.memory_space<vmem>>, vector<16xf32>,
      %get3A_1680 = arith.index_cast %scan3A_1629 : i32 to index
      %get3A_1681 = arith.constant 16 : index
      %get3A_1682 = tpu.vector_load %arg9[%get3A_1680, %get3A_1681] {strides = array<i32>} : memref<32x128xf32, #tpu.memory_space<vmem>>, vector<16xf32>,
      %get3A_1683 = arith.index_cast %scan3A_1629 : i32 to index
      %get3A_1684 = arith.constant 32 : index
      %get3A_1685 = tpu.vector_load %arg9[%get3A_1683, %get3A_1684] {strides = array<i32>} : memref<32x128xf32, #tpu.memory_space<vmem>>, vector<16xf32>,
      %get3A_1686 = arith.index_cast %scan3A_1629 : i32 to index
      %get3A_1687 = arith.constant 48 : index
      %get3A_1688 = tpu.vector_load %arg9[%get3A_1686, %get3A_1687] {strides = array<i32>} : memref<32x128xf32, #tpu.memory_space<vmem>>, vector<16xf32>,
      %get3A_1689 = arith.index_cast %scan3A_1629 : i32 to index
      %get3A_1690 = arith.constant 64 : index
      %get3A_1691 = tpu.vector_load %arg9[%get3A_1689, %get3A_1690] {strides = array<i32>} : memref<32x128xf32, #tpu.memory_space<vmem>>, vector<16xf32>,
      %get3A_1692 = arith.index_cast %scan3A_1629 : i32 to index
      %get3A_1693 = arith.constant 80 : index
      %get3A_1694 = tpu.vector_load %arg9[%get3A_1692, %get3A_1693] {strides = array<i32>} : memref<32x128xf32, #tpu.memory_space<vmem>>, vector<16xf32>,
      %get3A_1695 = arith.index_cast %scan3A_1629 : i32 to index
      %get3A_1696 = arith.constant 96 : index
      %get3A_1697 = tpu.vector_load %arg9[%get3A_1695, %get3A_1696] {strides = array<i32>} : memref<32x128xf32, #tpu.memory_space<vmem>>, vector<16xf32>,
      %get3A_1698 = arith.index_cast %scan3A_1629 : i32 to index
      %get3A_1699 = arith.constant 112 : index
      %get3A_1700 = tpu.vector_load %arg9[%get3A_1698, %get3A_1699] {strides = array<i32>} : memref<32x128xf32, #tpu.memory_space<vmem>>, vector<16xf32>,
      %mul3A_1701 = arith.mulf %gather3A, %get3A_1679 : vector<16xf32>
      %mul3A_1702 = arith.constant 128 : i32
      %mul3A_1703 = arith.muli %scan3A_1629, %mul3A_1702 : i32
      %add3A_1704 = arith.constant 0 : i32
      %add3A_1705 = arith.addi %mul3A_1703, %add3A_1704 : i32
      %swap3A_1706 = arith.constant 0 : i32
      %swap3A_1707 = arith.index_cast %swap3A_1706 : i32 to index
      %swap3A_1708 = arith.index_cast %add3A_1705 : i32 to index
      %swap3A_1709 = tpu.vector_load %arg10[%swap3A_1707, %swap3A_1708] {strides = array<i32>} : memref<2x4096xf32, #tpu.memory_space<vmem>>, vector<16xf32>,
      tpu.vector_store %arg10[%swap3A_1707, %swap3A_1708], %mul3A_1701 {strides = array<i32>} : memref<2x4096xf32, #tpu.memory_space<vmem>>, vector<16xf32>,
      %mul3A_1710 = arith.mulf %gather3A_1670, %get3A_1682 : vector<16xf32>
      %mul3A_1711 = arith.constant 128 : i32
      %mul3A_1712 = arith.muli %scan3A_1629, %mul3A_1711 : i32
      %add3A_1713 = arith.constant 16 : i32
      %add3A_1714 = arith.addi %mul3A_1712, %add3A_1713 : i32
      %swap3A_1715 = arith.constant 0 : i32
      %swap3A_1716 = arith.index_cast %swap3A_1715 : i32 to index
      %swap3A_1717 = arith.index_cast %add3A_1714 : i32 to index
      %swap3A_1718 = tpu.vector_load %arg10[%swap3A_1716, %swap3A_1717] {strides = array<i32>} : memref<2x4096xf32, #tpu.memory_space<vmem>>, vector<16xf32>,
      tpu.vector_store %arg10[%swap3A_1716, %swap3A_1717], %mul3A_1710 {strides = array<i32>} : memref<2x4096xf32, #tpu.memory_space<vmem>>, vector<16xf32>,
      %mul3A_1719 = arith.mulf %gather3A_1671, %get3A_1685 : vector<16xf32>
      %mul3A_1720 = arith.constant 128 : i32
      %mul3A_1721 = arith.muli %scan3A_1629, %mul3A_1720 : i32
      %add3A_1722 = arith.constant 32 : i32
      %add3A_1723 = arith.addi %mul3A_1721, %add3A_1722 : i32
      %swap3A_1724 = arith.constant 0 : i32
      %swap3A_1725 = arith.index_cast %swap3A_1724 : i32 to index
      %swap3A_1726 = arith.index_cast %add3A_1723 : i32 to index
      %swap3A_1727 = tpu.vector_load %arg10[%swap3A_1725, %swap3A_1726] {strides = array<i32>} : memref<2x4096xf32, #tpu.memory_space<vmem>>, vector<16xf32>,
      tpu.vector_store %arg10[%swap3A_1725, %swap3A_1726], %mul3A_1719 {strides = array<i32>} : memref<2x4096xf32, #tpu.memory_space<vmem>>, vector<16xf32>,
      %mul3A_1728 = arith.mulf %gather3A_1672, %get3A_1688 : vector<16xf32>
      %mul3A_1729 = arith.constant 128 : i32
      %mul3A_1730 = arith.muli %scan3A_1629, %mul3A_1729 : i32
      %add3A_1731 = arith.constant 48 : i32
      %add3A_1732 = arith.addi %mul3A_1730, %add3A_1731 : i32
      %swap3A_1733 = arith.constant 0 : i32
      %swap3A_1734 = arith.index_cast %swap3A_1733 : i32 to index
      %swap3A_1735 = arith.index_cast %add3A_1732 : i32 to index
      %swap3A_1736 = tpu.vector_load %arg10[%swap3A_1734, %swap3A_1735] {strides = array<i32>} : memref<2x4096xf32, #tpu.memory_space<vmem>>, vector<16xf32>,
      tpu.vector_store %arg10[%swap3A_1734, %swap3A_1735], %mul3A_1728 {strides = array<i32>} : memref<2x4096xf32, #tpu.memory_space<vmem>>, vector<16xf32>,
      %mul3A_1737 = arith.mulf %gather3A_1673, %get3A_1691 : vector<16xf32>
      %mul3A_1738 = arith.constant 128 : i32
      %mul3A_1739 = arith.muli %scan3A_1629, %mul3A_1738 : i32
      %add3A_1740 = arith.constant 64 : i32
      %add3A_1741 = arith.addi %mul3A_1739, %add3A_1740 : i32
      %swap3A_1742 = arith.constant 0 : i32
      %swap3A_1743 = arith.index_cast %swap3A_1742 : i32 to index
      %swap3A_1744 = arith.index_cast %add3A_1741 : i32 to index
      %swap3A_1745 = tpu.vector_load %arg10[%swap3A_1743, %swap3A_1744] {strides = array<i32>} : memref<2x4096xf32, #tpu.memory_space<vmem>>, vector<16xf32>,
      tpu.vector_store %arg10[%swap3A_1743, %swap3A_1744], %mul3A_1737 {strides = array<i32>} : memref<2x4096xf32, #tpu.memory_space<vmem>>, vector<16xf32>,
      %mul3A_1746 = arith.mulf %gather3A_1674, %get3A_1694 : vector<16xf32>
      %mul3A_1747 = arith.constant 128 : i32
      %mul3A_1748 = arith.muli %scan3A_1629, %mul3A_1747 : i32
      %add3A_1749 = arith.constant 80 : i32
      %add3A_1750 = arith.addi %mul3A_1748, %add3A_1749 : i32
      %swap3A_1751 = arith.constant 0 : i32
      %swap3A_1752 = arith.index_cast %swap3A_1751 : i32 to index
      %swap3A_1753 = arith.index_cast %add3A_1750 : i32 to index
      %swap3A_1754 = tpu.vector_load %arg10[%swap3A_1752, %swap3A_1753] {strides = array<i32>} : memref<2x4096xf32, #tpu.memory_space<vmem>>, vector<16xf32>,
      tpu.vector_store %arg10[%swap3A_1752, %swap3A_1753], %mul3A_1746 {strides = array<i32>} : memref<2x4096xf32, #tpu.memory_space<vmem>>, vector<16xf32>,
      %mul3A_1755 = arith.mulf %gather3A_1675, %get3A_1697 : vector<16xf32>
      %mul3A_1756 = arith.constant 128 : i32
      %mul3A_1757 = arith.muli %scan3A_1629, %mul3A_1756 : i32
      %add3A_1758 = arith.constant 96 : i32
      %add3A_1759 = arith.addi %mul3A_1757, %add3A_1758 : i32
      %swap3A_1760 = arith.constant 0 : i32
      %swap3A_1761 = arith.index_cast %swap3A_1760 : i32 to index
      %swap3A_1762 = arith.index_cast %add3A_1759 : i32 to index
      %swap3A_1763 = tpu.vector_load %arg10[%swap3A_1761, %swap3A_1762] {strides = array<i32>} : memref<2x4096xf32, #tpu.memory_space<vmem>>, vector<16xf32>,
      tpu.vector_store %arg10[%swap3A_1761, %swap3A_1762], %mul3A_1755 {strides = array<i32>} : memref<2x4096xf32, #tpu.memory_space<vmem>>, vector<16xf32>,
      %mul3A_1764 = arith.mulf %gather3A_1676, %get3A_1700 : vector<16xf32>
      %mul3A_1765 = arith.constant 128 : i32
      %mul3A_1766 = arith.muli %scan3A_1629, %mul3A_1765 : i32
      %add3A_1767 = arith.constant 112 : i32
      %add3A_1768 = arith.addi %mul3A_1766, %add3A_1767 : i32
      %swap3A_1769 = arith.constant 0 : i32
      %swap3A_1770 = arith.index_cast %swap3A_1769 : i32 to index
      %swap3A_1771 = arith.index_cast %add3A_1768 : i32 to index
      %swap3A_1772 = tpu.vector_load %arg10[%swap3A_1770, %swap3A_1771] {strides = array<i32>} : memref<2x4096xf32, #tpu.memory_space<vmem>>, vector<16xf32>,
      tpu.vector_store %arg10[%swap3A_1770, %swap3A_1771], %mul3A_1764 {strides = array<i32>} : memref<2x4096xf32, #tpu.memory_space<vmem>>, vector<16xf32>,
    }
    %scan3A_1553 = arith.constant 32 : i32
    %dma_start3A_1554 = arith.constant 0 : i32
    %dma_start3A_1555 = arith.constant 0 : i32
    %dma_start3A_1556 = tpu.memref_slice %arg10[%dma_start3A_1554, %dma_start3A_1555] : memref<2x4096xf32, #tpu.memory_space<vmem>> -> memref<1x4096xf32, #tpu.memory_space<vmem>>
    %dma_start3A_1557 = tpu.memref_squeeze %dma_start3A_1556 : memref<1x4096xf32, #tpu.memory_space<vmem>> -> memref<4096xf32, #tpu.memory_space<vmem>>
    %dma_start3A_1558 = arith.constant 8192 : i32
    %dma_start3A_1559 = tpu.memref_slice %arg5[%add3A_1547, %dma_start3A_1558] : memref<64x16384xf32, #tpu.memory_space<hbm>> -> memref<1x4096xf32, #tpu.memory_space<hbm>>
    %dma_start3A_1560 = tpu.memref_squeeze %dma_start3A_1559 : memref<1x4096xf32, #tpu.memory_space<hbm>> -> memref<4096xf32, #tpu.memory_space<hbm>>
    %dma_start3A_1561 = arith.constant 8192 : i32
    %dma_start3A_1562 = tpu.memref_slice %arg5[%add3A_1547, %dma_start3A_1561] : memref<64x16384xf32, #tpu.memory_space<hbm>> -> memref<1x4096xf32, #tpu.memory_space<hbm>>
    %dma_start3A_1563 = tpu.memref_squeeze %dma_start3A_1562 : memref<1x4096xf32, #tpu.memory_space<hbm>> -> memref<4096xf32, #tpu.memory_space<hbm>>
    %dma_start3A_1564 = arith.constant 0 : i32
    %dma_start3A_1565 = tpu.memref_slice %arg10[%dma_start3A_1554, %dma_start3A_1564] : memref<2x4096xf32, #tpu.memory_space<vmem>> -> memref<1x4096xf32, #tpu.memory_space<vmem>>
    %dma_start3A_1566 = tpu.memref_squeeze %dma_start3A_1565 : memref<1x4096xf32, #tpu.memory_space<vmem>> -> memref<4096xf32, #tpu.memory_space<vmem>>
    tpu.enqueue_dma source(%dma_start3A_1566 : memref<4096xf32, #tpu.memory_space<vmem>>) target(%dma_start3A_1563 : memref<4096xf32, #tpu.memory_space<hbm>>) target_semaphore(%arg12 : memref<!tpu.dma_semaphore, #tpu.memory_space<semaphore_mem>>)
    "tpu.region"() ({
      %run_scoped3A = tpu.sem_alloc : memref<!tpu.dma_semaphore, #tpu.memory_space<semaphore_mem>>
      %dma_start3A_1629 = arith.constant 96 : i32
      %dma_start3A_1630 = arith.constant 0 : i32
      %dma_start3A_1631 = tpu.memref_slice %arg6[%dma_start3A_1629, %dma_start3A_1630] : memref<128x128xf32, #tpu.memory_space<vmem_shared>> -> memref<32x128xf32, #tpu.memory_space<vmem_shared>>
      %dma_start3A_1632 = arith.constant 96 : i32
      %dma_start3A_1633 = arith.constant 0 : i32
      %dma_start3A_1634 = tpu.memref_slice %arg6[%dma_start3A_1632, %dma_start3A_1633] : memref<128x128xf32, #tpu.memory_space<vmem_shared>> -> memref<32x128xf32, #tpu.memory_space<vmem_shared>>
      tpu.enqueue_dma source(%dma_start3A_1634 : memref<32x128xf32, #tpu.memory_space<vmem_shared>>) target(%arg9 : memref<32x128xf32, #tpu.memory_space<vmem>>) target_semaphore(%run_scoped3A : memref<!tpu.dma_semaphore, #tpu.memory_space<semaphore_mem>>)
      %dma_wait3A_1635 = arith.constant 96 : i32
      %dma_wait3A_1636 = arith.constant 0 : i32
      %dma_wait3A_1637 = tpu.memref_slice %arg6[%dma_wait3A_1635, %dma_wait3A_1636] : memref<128x128xf32, #tpu.memory_space<vmem_shared>> -> memref<32x128xf32, #tpu.memory_space<vmem_shared>>
      %dma_wait3A_1638 = arith.constant 96 : i32
      %dma_wait3A_1639 = arith.constant 0 : i32
      %dma_wait3A_1640 = tpu.memref_slice %arg6[%dma_wait3A_1638, %dma_wait3A_1639] : memref<128x128xf32, #tpu.memory_space<vmem_shared>> -> memref<32x128xf32, #tpu.memory_space<vmem_shared>>
      tpu.wait_dma2 semaphore(%run_scoped3A : memref<!tpu.dma_semaphore, #tpu.memory_space<semaphore_mem>>) src(%dma_wait3A_1640 : memref<32x128xf32, #tpu.memory_space<vmem_shared>>) dst(%arg9 : memref<32x128xf32, #tpu.memory_space<vmem>>)
      tpu.yield
    }) : () -> ()
    %dma_wait3A_1567 = arith.constant 1 : i32
    %dma_wait3A_1568 = arith.constant 0 : i32
    %dma_wait3A_1569 = tpu.memref_slice %arg10[%dma_wait3A_1567, %dma_wait3A_1568] : memref<2x4096xf32, #tpu.memory_space<vmem>> -> memref<1x4096xf32, #tpu.memory_space<vmem>>
    %dma_wait3A_1570 = tpu.memref_squeeze %dma_wait3A_1569 : memref<1x4096xf32, #tpu.memory_space<vmem>> -> memref<4096xf32, #tpu.memory_space<vmem>>
    %dma_wait3A_1571 = arith.constant 4096 : i32
    %dma_wait3A_1572 = tpu.memref_slice %arg5[%add3A_1511, %dma_wait3A_1571] : memref<64x16384xf32, #tpu.memory_space<hbm>> -> memref<1x4096xf32, #tpu.memory_space<hbm>>
    %dma_wait3A_1573 = tpu.memref_squeeze %dma_wait3A_1572 : memref<1x4096xf32, #tpu.memory_space<hbm>> -> memref<4096xf32, #tpu.memory_space<hbm>>
    %dma_wait3A_1574 = arith.constant 4096 : i32
    %dma_wait3A_1575 = tpu.memref_slice %arg5[%add3A_1511, %dma_wait3A_1574] : memref<64x16384xf32, #tpu.memory_space<hbm>> -> memref<1x4096xf32, #tpu.memory_space<hbm>>
    %dma_wait3A_1576 = tpu.memref_squeeze %dma_wait3A_1575 : memref<1x4096xf32, #tpu.memory_space<hbm>> -> memref<4096xf32, #tpu.memory_space<hbm>>
    %dma_wait3A_1577 = arith.constant 0 : i32
    %dma_wait3A_1578 = tpu.memref_slice %arg10[%dma_wait3A_1567, %dma_wait3A_1577] : memref<2x4096xf32, #tpu.memory_space<vmem>> -> memref<1x4096xf32, #tpu.memory_space<vmem>>
    %dma_wait3A_1579 = tpu.memref_squeeze %dma_wait3A_1578 : memref<1x4096xf32, #tpu.memory_space<vmem>> -> memref<4096xf32, #tpu.memory_space<vmem>>
    tpu.wait_dma2 semaphore(%arg12 : memref<!tpu.dma_semaphore, #tpu.memory_space<semaphore_mem>>) src(%dma_wait3A_1579 : memref<4096xf32, #tpu.memory_space<vmem>>) dst(%dma_wait3A_1576 : memref<4096xf32, #tpu.memory_space<hbm>>)
    %mul3A_1580 = arith.constant 2 : i32
    %mul3A_1581 = arith.muli %add3A, %mul3A_1580 : i32
    %add3A_1582 = arith.constant 1 : i32
    %add3A_1583 = arith.addi %mul3A_1581, %add3A_1582 : i32
    %scan3A_1584 = arith.constant 0 : i32
    %scan3A_1585 = arith.constant 0 : i32
    %scan3A_1586 = arith.constant 32 : i32
    %scan3A_1587 = arith.addi %scan3A_1585, %scan3A_1586 : i32
    %scan3A_1588 = arith.constant 1 : i32
    scf.for %scan3A_1629 = %scan3A_1585 to %scan3A_1587 step %scan3A_1588  : i32 {
      %add3A_1630 = arith.constant 96 : i32
      %add3A_1631 = arith.addi %add3A_1630, %scan3A_1629 : i32
      %get3A_1632 = arith.index_cast %add3A_1631 : i32 to index
      %get3A_1633 = arith.constant 0 : index
      %get3A_1634 = tpu.vector_load %arg8[%get3A_1632, %get3A_1633] {strides = array<i32>} : memref<128x128xi32, #tpu.memory_space<vmem>>, vector<16xi32>,
      %add3A_1635 = arith.constant 96 : i32
      %add3A_1636 = arith.addi %add3A_1635, %scan3A_1629 : i32
      %get3A_1637 = arith.index_cast %add3A_1636 : i32 to index
      %get3A_1638 = arith.constant 16 : index
      %get3A_1639 = tpu.vector_load %arg8[%get3A_1637, %get3A_1638] {strides = array<i32>} : memref<128x128xi32, #tpu.memory_space<vmem>>, vector<16xi32>,
      %add3A_1640 = arith.constant 96 : i32
      %add3A_1641 = arith.addi %add3A_1640, %scan3A_1629 : i32
      %get3A_1642 = arith.index_cast %add3A_1641 : i32 to index
      %get3A_1643 = arith.constant 32 : index
      %get3A_1644 = tpu.vector_load %arg8[%get3A_1642, %get3A_1643] {strides = array<i32>} : memref<128x128xi32, #tpu.memory_space<vmem>>, vector<16xi32>,
      %add3A_1645 = arith.constant 96 : i32
      %add3A_1646 = arith.addi %add3A_1645, %scan3A_1629 : i32
      %get3A_1647 = arith.index_cast %add3A_1646 : i32 to index
      %get3A_1648 = arith.constant 48 : index
      %get3A_1649 = tpu.vector_load %arg8[%get3A_1647, %get3A_1648] {strides = array<i32>} : memref<128x128xi32, #tpu.memory_space<vmem>>, vector<16xi32>,
      %add3A_1650 = arith.constant 96 : i32
      %add3A_1651 = arith.addi %add3A_1650, %scan3A_1629 : i32
      %get3A_1652 = arith.index_cast %add3A_1651 : i32 to index
      %get3A_1653 = arith.constant 64 : index
      %get3A_1654 = tpu.vector_load %arg8[%get3A_1652, %get3A_1653] {strides = array<i32>} : memref<128x128xi32, #tpu.memory_space<vmem>>, vector<16xi32>,
      %add3A_1655 = arith.constant 96 : i32
      %add3A_1656 = arith.addi %add3A_1655, %scan3A_1629 : i32
      %get3A_1657 = arith.index_cast %add3A_1656 : i32 to index
      %get3A_1658 = arith.constant 80 : index
      %get3A_1659 = tpu.vector_load %arg8[%get3A_1657, %get3A_1658] {strides = array<i32>} : memref<128x128xi32, #tpu.memory_space<vmem>>, vector<16xi32>,
      %add3A_1660 = arith.constant 96 : i32
      %add3A_1661 = arith.addi %add3A_1660, %scan3A_1629 : i32
      %get3A_1662 = arith.index_cast %add3A_1661 : i32 to index
      %get3A_1663 = arith.constant 96 : index
      %get3A_1664 = tpu.vector_load %arg8[%get3A_1662, %get3A_1663] {strides = array<i32>} : memref<128x128xi32, #tpu.memory_space<vmem>>, vector<16xi32>,
      %add3A_1665 = arith.constant 96 : i32
      %add3A_1666 = arith.addi %add3A_1665, %scan3A_1629 : i32
      %get3A_1667 = arith.index_cast %add3A_1666 : i32 to index
      %get3A_1668 = arith.constant 112 : index
      %get3A_1669 = tpu.vector_load %arg8[%get3A_1667, %get3A_1668] {strides = array<i32>} : memref<128x128xi32, #tpu.memory_space<vmem>>, vector<16xi32>,
      %gather3A = tpu.vector_load_idx %arg7[%get3A_1634] : memref<100000xf32, #tpu.memory_space<vmem>>[vector<16xi32>], vector<16xf32>,
      %gather3A_1670 = tpu.vector_load_idx %arg7[%get3A_1639] : memref<100000xf32, #tpu.memory_space<vmem>>[vector<16xi32>], vector<16xf32>,
      %gather3A_1671 = tpu.vector_load_idx %arg7[%get3A_1644] : memref<100000xf32, #tpu.memory_space<vmem>>[vector<16xi32>], vector<16xf32>,
      %gather3A_1672 = tpu.vector_load_idx %arg7[%get3A_1649] : memref<100000xf32, #tpu.memory_space<vmem>>[vector<16xi32>], vector<16xf32>,
      %gather3A_1673 = tpu.vector_load_idx %arg7[%get3A_1654] : memref<100000xf32, #tpu.memory_space<vmem>>[vector<16xi32>], vector<16xf32>,
      %gather3A_1674 = tpu.vector_load_idx %arg7[%get3A_1659] : memref<100000xf32, #tpu.memory_space<vmem>>[vector<16xi32>], vector<16xf32>,
      %gather3A_1675 = tpu.vector_load_idx %arg7[%get3A_1664] : memref<100000xf32, #tpu.memory_space<vmem>>[vector<16xi32>], vector<16xf32>,
      %gather3A_1676 = tpu.vector_load_idx %arg7[%get3A_1669] : memref<100000xf32, #tpu.memory_space<vmem>>[vector<16xi32>], vector<16xf32>,
      %get3A_1677 = arith.index_cast %scan3A_1629 : i32 to index
      %get3A_1678 = arith.constant 0 : index
      %get3A_1679 = tpu.vector_load %arg9[%get3A_1677, %get3A_1678] {strides = array<i32>} : memref<32x128xf32, #tpu.memory_space<vmem>>, vector<16xf32>,
      %get3A_1680 = arith.index_cast %scan3A_1629 : i32 to index
      %get3A_1681 = arith.constant 16 : index
      %get3A_1682 = tpu.vector_load %arg9[%get3A_1680, %get3A_1681] {strides = array<i32>} : memref<32x128xf32, #tpu.memory_space<vmem>>, vector<16xf32>,
      %get3A_1683 = arith.index_cast %scan3A_1629 : i32 to index
      %get3A_1684 = arith.constant 32 : index
      %get3A_1685 = tpu.vector_load %arg9[%get3A_1683, %get3A_1684] {strides = array<i32>} : memref<32x128xf32, #tpu.memory_space<vmem>>, vector<16xf32>,
      %get3A_1686 = arith.index_cast %scan3A_1629 : i32 to index
      %get3A_1687 = arith.constant 48 : index
      %get3A_1688 = tpu.vector_load %arg9[%get3A_1686, %get3A_1687] {strides = array<i32>} : memref<32x128xf32, #tpu.memory_space<vmem>>, vector<16xf32>,
      %get3A_1689 = arith.index_cast %scan3A_1629 : i32 to index
      %get3A_1690 = arith.constant 64 : index
      %get3A_1691 = tpu.vector_load %arg9[%get3A_1689, %get3A_1690] {strides = array<i32>} : memref<32x128xf32, #tpu.memory_space<vmem>>, vector<16xf32>,
      %get3A_1692 = arith.index_cast %scan3A_1629 : i32 to index
      %get3A_1693 = arith.constant 80 : index
      %get3A_1694 = tpu.vector_load %arg9[%get3A_1692, %get3A_1693] {strides = array<i32>} : memref<32x128xf32, #tpu.memory_space<vmem>>, vector<16xf32>,
      %get3A_1695 = arith.index_cast %scan3A_1629 : i32 to index
      %get3A_1696 = arith.constant 96 : index
      %get3A_1697 = tpu.vector_load %arg9[%get3A_1695, %get3A_1696] {strides = array<i32>} : memref<32x128xf32, #tpu.memory_space<vmem>>, vector<16xf32>,
      %get3A_1698 = arith.index_cast %scan3A_1629 : i32 to index
      %get3A_1699 = arith.constant 112 : index
      %get3A_1700 = tpu.vector_load %arg9[%get3A_1698, %get3A_1699] {strides = array<i32>} : memref<32x128xf32, #tpu.memory_space<vmem>>, vector<16xf32>,
      %mul3A_1701 = arith.mulf %gather3A, %get3A_1679 : vector<16xf32>
      %mul3A_1702 = arith.constant 128 : i32
      %mul3A_1703 = arith.muli %scan3A_1629, %mul3A_1702 : i32
      %add3A_1704 = arith.constant 0 : i32
      %add3A_1705 = arith.addi %mul3A_1703, %add3A_1704 : i32
      %swap3A_1706 = arith.constant 1 : i32
      %swap3A_1707 = arith.index_cast %swap3A_1706 : i32 to index
      %swap3A_1708 = arith.index_cast %add3A_1705 : i32 to index
      %swap3A_1709 = tpu.vector_load %arg10[%swap3A_1707, %swap3A_1708] {strides = array<i32>} : memref<2x4096xf32, #tpu.memory_space<vmem>>, vector<16xf32>,
      tpu.vector_store %arg10[%swap3A_1707, %swap3A_1708], %mul3A_1701 {strides = array<i32>} : memref<2x4096xf32, #tpu.memory_space<vmem>>, vector<16xf32>,
      %mul3A_1710 = arith.mulf %gather3A_1670, %get3A_1682 : vector<16xf32>
      %mul3A_1711 = arith.constant 128 : i32
      %mul3A_1712 = arith.muli %scan3A_1629, %mul3A_1711 : i32
      %add3A_1713 = arith.constant 16 : i32
      %add3A_1714 = arith.addi %mul3A_1712, %add3A_1713 : i32
      %swap3A_1715 = arith.constant 1 : i32
      %swap3A_1716 = arith.index_cast %swap3A_1715 : i32 to index
      %swap3A_1717 = arith.index_cast %add3A_1714 : i32 to index
      %swap3A_1718 = tpu.vector_load %arg10[%swap3A_1716, %swap3A_1717] {strides = array<i32>} : memref<2x4096xf32, #tpu.memory_space<vmem>>, vector<16xf32>,
      tpu.vector_store %arg10[%swap3A_1716, %swap3A_1717], %mul3A_1710 {strides = array<i32>} : memref<2x4096xf32, #tpu.memory_space<vmem>>, vector<16xf32>,
      %mul3A_1719 = arith.mulf %gather3A_1671, %get3A_1685 : vector<16xf32>
      %mul3A_1720 = arith.constant 128 : i32
      %mul3A_1721 = arith.muli %scan3A_1629, %mul3A_1720 : i32
      %add3A_1722 = arith.constant 32 : i32
      %add3A_1723 = arith.addi %mul3A_1721, %add3A_1722 : i32
      %swap3A_1724 = arith.constant 1 : i32
      %swap3A_1725 = arith.index_cast %swap3A_1724 : i32 to index
      %swap3A_1726 = arith.index_cast %add3A_1723 : i32 to index
      %swap3A_1727 = tpu.vector_load %arg10[%swap3A_1725, %swap3A_1726] {strides = array<i32>} : memref<2x4096xf32, #tpu.memory_space<vmem>>, vector<16xf32>,
      tpu.vector_store %arg10[%swap3A_1725, %swap3A_1726], %mul3A_1719 {strides = array<i32>} : memref<2x4096xf32, #tpu.memory_space<vmem>>, vector<16xf32>,
      %mul3A_1728 = arith.mulf %gather3A_1672, %get3A_1688 : vector<16xf32>
      %mul3A_1729 = arith.constant 128 : i32
      %mul3A_1730 = arith.muli %scan3A_1629, %mul3A_1729 : i32
      %add3A_1731 = arith.constant 48 : i32
      %add3A_1732 = arith.addi %mul3A_1730, %add3A_1731 : i32
      %swap3A_1733 = arith.constant 1 : i32
      %swap3A_1734 = arith.index_cast %swap3A_1733 : i32 to index
      %swap3A_1735 = arith.index_cast %add3A_1732 : i32 to index
      %swap3A_1736 = tpu.vector_load %arg10[%swap3A_1734, %swap3A_1735] {strides = array<i32>} : memref<2x4096xf32, #tpu.memory_space<vmem>>, vector<16xf32>,
      tpu.vector_store %arg10[%swap3A_1734, %swap3A_1735], %mul3A_1728 {strides = array<i32>} : memref<2x4096xf32, #tpu.memory_space<vmem>>, vector<16xf32>,
      %mul3A_1737 = arith.mulf %gather3A_1673, %get3A_1691 : vector<16xf32>
      %mul3A_1738 = arith.constant 128 : i32
      %mul3A_1739 = arith.muli %scan3A_1629, %mul3A_1738 : i32
      %add3A_1740 = arith.constant 64 : i32
      %add3A_1741 = arith.addi %mul3A_1739, %add3A_1740 : i32
      %swap3A_1742 = arith.constant 1 : i32
      %swap3A_1743 = arith.index_cast %swap3A_1742 : i32 to index
      %swap3A_1744 = arith.index_cast %add3A_1741 : i32 to index
      %swap3A_1745 = tpu.vector_load %arg10[%swap3A_1743, %swap3A_1744] {strides = array<i32>} : memref<2x4096xf32, #tpu.memory_space<vmem>>, vector<16xf32>,
      tpu.vector_store %arg10[%swap3A_1743, %swap3A_1744], %mul3A_1737 {strides = array<i32>} : memref<2x4096xf32, #tpu.memory_space<vmem>>, vector<16xf32>,
      %mul3A_1746 = arith.mulf %gather3A_1674, %get3A_1694 : vector<16xf32>
      %mul3A_1747 = arith.constant 128 : i32
      %mul3A_1748 = arith.muli %scan3A_1629, %mul3A_1747 : i32
      %add3A_1749 = arith.constant 80 : i32
      %add3A_1750 = arith.addi %mul3A_1748, %add3A_1749 : i32
      %swap3A_1751 = arith.constant 1 : i32
      %swap3A_1752 = arith.index_cast %swap3A_1751 : i32 to index
      %swap3A_1753 = arith.index_cast %add3A_1750 : i32 to index
      %swap3A_1754 = tpu.vector_load %arg10[%swap3A_1752, %swap3A_1753] {strides = array<i32>} : memref<2x4096xf32, #tpu.memory_space<vmem>>, vector<16xf32>,
      tpu.vector_store %arg10[%swap3A_1752, %swap3A_1753], %mul3A_1746 {strides = array<i32>} : memref<2x4096xf32, #tpu.memory_space<vmem>>, vector<16xf32>,
      %mul3A_1755 = arith.mulf %gather3A_1675, %get3A_1697 : vector<16xf32>
      %mul3A_1756 = arith.constant 128 : i32
      %mul3A_1757 = arith.muli %scan3A_1629, %mul3A_1756 : i32
      %add3A_1758 = arith.constant 96 : i32
      %add3A_1759 = arith.addi %mul3A_1757, %add3A_1758 : i32
      %swap3A_1760 = arith.constant 1 : i32
      %swap3A_1761 = arith.index_cast %swap3A_1760 : i32 to index
      %swap3A_1762 = arith.index_cast %add3A_1759 : i32 to index
      %swap3A_1763 = tpu.vector_load %arg10[%swap3A_1761, %swap3A_1762] {strides = array<i32>} : memref<2x4096xf32, #tpu.memory_space<vmem>>, vector<16xf32>,
      tpu.vector_store %arg10[%swap3A_1761, %swap3A_1762], %mul3A_1755 {strides = array<i32>} : memref<2x4096xf32, #tpu.memory_space<vmem>>, vector<16xf32>,
      %mul3A_1764 = arith.mulf %gather3A_1676, %get3A_1700 : vector<16xf32>
      %mul3A_1765 = arith.constant 128 : i32
      %mul3A_1766 = arith.muli %scan3A_1629, %mul3A_1765 : i32
      %add3A_1767 = arith.constant 112 : i32
      %add3A_1768 = arith.addi %mul3A_1766, %add3A_1767 : i32
      %swap3A_1769 = arith.constant 1 : i32
      %swap3A_1770 = arith.index_cast %swap3A_1769 : i32 to index
      %swap3A_1771 = arith.index_cast %add3A_1768 : i32 to index
      %swap3A_1772 = tpu.vector_load %arg10[%swap3A_1770, %swap3A_1771] {strides = array<i32>} : memref<2x4096xf32, #tpu.memory_space<vmem>>, vector<16xf32>,
      tpu.vector_store %arg10[%swap3A_1770, %swap3A_1771], %mul3A_1764 {strides = array<i32>} : memref<2x4096xf32, #tpu.memory_space<vmem>>, vector<16xf32>,
    }
    %scan3A_1589 = arith.constant 32 : i32
    %dma_start3A_1590 = arith.constant 1 : i32
    %dma_start3A_1591 = arith.constant 0 : i32
    %dma_start3A_1592 = tpu.memref_slice %arg10[%dma_start3A_1590, %dma_start3A_1591] : memref<2x4096xf32, #tpu.memory_space<vmem>> -> memref<1x4096xf32, #tpu.memory_space<vmem>>
    %dma_start3A_1593 = tpu.memref_squeeze %dma_start3A_1592 : memref<1x4096xf32, #tpu.memory_space<vmem>> -> memref<4096xf32, #tpu.memory_space<vmem>>
    %dma_start3A_1594 = arith.constant 12288 : i32
    %dma_start3A_1595 = tpu.memref_slice %arg5[%add3A_1583, %dma_start3A_1594] : memref<64x16384xf32, #tpu.memory_space<hbm>> -> memref<1x4096xf32, #tpu.memory_space<hbm>>
    %dma_start3A_1596 = tpu.memref_squeeze %dma_start3A_1595 : memref<1x4096xf32, #tpu.memory_space<hbm>> -> memref<4096xf32, #tpu.memory_space<hbm>>
    %dma_start3A_1597 = arith.constant 12288 : i32
    %dma_start3A_1598 = tpu.memref_slice %arg5[%add3A_1583, %dma_start3A_1597] : memref<64x16384xf32, #tpu.memory_space<hbm>> -> memref<1x4096xf32, #tpu.memory_space<hbm>>
    %dma_start3A_1599 = tpu.memref_squeeze %dma_start3A_1598 : memref<1x4096xf32, #tpu.memory_space<hbm>> -> memref<4096xf32, #tpu.memory_space<hbm>>
    %dma_start3A_1600 = arith.constant 0 : i32
    %dma_start3A_1601 = tpu.memref_slice %arg10[%dma_start3A_1590, %dma_start3A_1600] : memref<2x4096xf32, #tpu.memory_space<vmem>> -> memref<1x4096xf32, #tpu.memory_space<vmem>>
    %dma_start3A_1602 = tpu.memref_squeeze %dma_start3A_1601 : memref<1x4096xf32, #tpu.memory_space<vmem>> -> memref<4096xf32, #tpu.memory_space<vmem>>
    tpu.enqueue_dma source(%dma_start3A_1602 : memref<4096xf32, #tpu.memory_space<vmem>>) target(%dma_start3A_1599 : memref<4096xf32, #tpu.memory_space<hbm>>) target_semaphore(%arg12 : memref<!tpu.dma_semaphore, #tpu.memory_space<semaphore_mem>>)
    %dma_wait3A_1603 = arith.constant 0 : i32
    %dma_wait3A_1604 = arith.constant 0 : i32
    %dma_wait3A_1605 = tpu.memref_slice %arg10[%dma_wait3A_1603, %dma_wait3A_1604] : memref<2x4096xf32, #tpu.memory_space<vmem>> -> memref<1x4096xf32, #tpu.memory_space<vmem>>
    %dma_wait3A_1606 = tpu.memref_squeeze %dma_wait3A_1605 : memref<1x4096xf32, #tpu.memory_space<vmem>> -> memref<4096xf32, #tpu.memory_space<vmem>>
    %dma_wait3A_1607 = arith.constant 8192 : i32
    %dma_wait3A_1608 = tpu.memref_slice %arg5[%add3A_1547, %dma_wait3A_1607] : memref<64x16384xf32, #tpu.memory_space<hbm>> -> memref<1x4096xf32, #tpu.memory_space<hbm>>
    %dma_wait3A_1609 = tpu.memref_squeeze %dma_wait3A_1608 : memref<1x4096xf32, #tpu.memory_space<hbm>> -> memref<4096xf32, #tpu.memory_space<hbm>>
    %dma_wait3A_1610 = arith.constant 8192 : i32
    %dma_wait3A_1611 = tpu.memref_slice %arg5[%add3A_1547, %dma_wait3A_1610] : memref<64x16384xf32, #tpu.memory_space<hbm>> -> memref<1x4096xf32, #tpu.memory_space<hbm>>
    %dma_wait3A_1612 = tpu.memref_squeeze %dma_wait3A_1611 : memref<1x4096xf32, #tpu.memory_space<hbm>> -> memref<4096xf32, #tpu.memory_space<hbm>>
    %dma_wait3A_1613 = arith.constant 0 : i32
    %dma_wait3A_1614 = tpu.memref_slice %arg10[%dma_wait3A_1603, %dma_wait3A_1613] : memref<2x4096xf32, #tpu.memory_space<vmem>> -> memref<1x4096xf32, #tpu.memory_space<vmem>>
    %dma_wait3A_1615 = tpu.memref_squeeze %dma_wait3A_1614 : memref<1x4096xf32, #tpu.memory_space<vmem>> -> memref<4096xf32, #tpu.memory_space<vmem>>
    tpu.wait_dma2 semaphore(%arg12 : memref<!tpu.dma_semaphore, #tpu.memory_space<semaphore_mem>>) src(%dma_wait3A_1615 : memref<4096xf32, #tpu.memory_space<vmem>>) dst(%dma_wait3A_1612 : memref<4096xf32, #tpu.memory_space<hbm>>)
    %dma_wait3A_1616 = arith.constant 1 : i32
    %dma_wait3A_1617 = arith.constant 0 : i32
    %dma_wait3A_1618 = tpu.memref_slice %arg10[%dma_wait3A_1616, %dma_wait3A_1617] : memref<2x4096xf32, #tpu.memory_space<vmem>> -> memref<1x4096xf32, #tpu.memory_space<vmem>>
    %dma_wait3A_1619 = tpu.memref_squeeze %dma_wait3A_1618 : memref<1x4096xf32, #tpu.memory_space<vmem>> -> memref<4096xf32, #tpu.memory_space<vmem>>
    %dma_wait3A_1620 = arith.constant 12288 : i32
    %dma_wait3A_1621 = tpu.memref_slice %arg5[%add3A_1583, %dma_wait3A_1620] : memref<64x16384xf32, #tpu.memory_space<hbm>> -> memref<1x4096xf32, #tpu.memory_space<hbm>>
    %dma_wait3A_1622 = tpu.memref_squeeze %dma_wait3A_1621 : memref<1x4096xf32, #tpu.memory_space<hbm>> -> memref<4096xf32, #tpu.memory_space<hbm>>
    %dma_wait3A_1623 = arith.constant 12288 : i32
    %dma_wait3A_1624 = tpu.memref_slice %arg5[%add3A_1583, %dma_wait3A_1623] : memref<64x16384xf32, #tpu.memory_space<hbm>> -> memref<1x4096xf32, #tpu.memory_space<hbm>>
    %dma_wait3A_1625 = tpu.memref_squeeze %dma_wait3A_1624 : memref<1x4096xf32, #tpu.memory_space<hbm>> -> memref<4096xf32, #tpu.memory_space<hbm>>
    %dma_wait3A_1626 = arith.constant 0 : i32
    %dma_wait3A_1627 = tpu.memref_slice %arg10[%dma_wait3A_1616, %dma_wait3A_1626] : memref<2x4096xf32, #tpu.memory_space<vmem>> -> memref<1x4096xf32, #tpu.memory_space<vmem>>
    %dma_wait3A_1628 = tpu.memref_squeeze %dma_wait3A_1627 : memref<1x4096xf32, #tpu.memory_space<vmem>> -> memref<4096xf32, #tpu.memory_space<vmem>>
    tpu.wait_dma2 semaphore(%arg12 : memref<!tpu.dma_semaphore, #tpu.memory_space<semaphore_mem>>) src(%dma_wait3A_1628 : memref<4096xf32, #tpu.memory_space<vmem>>) dst(%dma_wait3A_1625 : memref<4096xf32, #tpu.memory_space<hbm>>)
    return
  }
}

</mosaic_0001>

<sc_bundles>
// kernel: kernel.3.cloned.1.call-start
scs
__scs_entry_jumppad:
0x0: {  	(pc) =	sbr.rel $0x88, $3  }
0x1: {  	(tag) =	ssettag $0x0;
	lr =	simm.s32 $0x1  }
0x2: {  	[smem:$0x3F9E] =	sst lr;
	_ =	strace $0xD0000000  }
0x3: {  	_ = 	snop  }
0x4: {  	_ = 	snop  }
0x5: {  	_ = 	snop  }
0x6: {  	_ = 	snop  }
0x7: {  	_ = 	snop  }
__scs_overlays_trampoline_lowered:
0x8: {  	[smem:$0x3FAD] =	sst s0  }
0x9: {  	[smem:$0x3FAE] =	sst s1  }
0xa: {  	[smem:$0x3FAF] =	sst s2  }
0xb: {  	[smem:$0x3FB0] =	sst s3  }
0xc: {  	[smem:$0x3FB1] =	sst s4  }
0xd: {  	[smem:$0x3FB2] =	sst s5  }
0xe: {  	[smem:$0x3FB3] =	sst s6  }
0xf: {  	[smem:$0x3FB4] =	sst s7  }
0x10: {  	[smem:$0x3FB5] =	sst s8  }
0x11: {  	[smem:$0x3FB6] =	sst s9;
	s0 =	simm.s32 @!p0 $0x0  }
0x12: {  	s1 =	sld [smem:$0x3F9C];
	s0 =	simm.s32 @p0 $0x1  }
0x13: {  	[smem:$0x3FB7] =	sst s0;
	s0 =	simm.s32 @!p1 $0x0  }
0x14: {  	s2 =	sld [smem:$0x3F9B];
	s0 =	simm.s32 @p1 $0x1  }
0x15: {  	[smem:$0x3FB8] =	sst s0;
	s0 =	simm.s32 @!p2 $0x0  }
0x16: {  	s3 =	sld [smem:$0x3FDB];
	s0 =	simm.s32 @p2 $0x1  }
0x17: {  	s4 =	simm.s32 $0x1BF5;
	[smem:$0x3FBA] =	sst s0  }
0x18: {  	s0 =	sld [smem:$0x3F9D];
	_ =	swait.ge [sflag:s4], $0x0  }
0x19: {  	s7 =	sld [smem:$0x3F9E]  }
0x1a: {  	s8 =	sadd.s32 $0xFFFFE003, lr  }
0x1b: {  	s9 =	sadd.s32 $0xFFFFFEF7, lr;
	s5 =	simm.s32 $0xFFFFFFFF;
	p2 =	slt.u32 s8, $0xFFFFF086  }
0x1c: {  	p1 =	slt.u32 s9, $0xF7A;
	s5 =	simm.s32 @!p2 $0x0  }
0x1d: {  	s5 =	simm.s32 @p1 $0x1;
	p0 =	seq.s32 s7, s2  }
0x1e: {  	s7 =	smul.u32 @!p0 $0xF7A, s2;
	p2 =	seq.s32 @!p0 s5, $0x0  }
0x1f: {  	s9 =	smul.u32 $0xF7A, s1;
	s8 =	simm.s32 @!p0 $0x1BF5;
	p2 =	por !p2, p0  }
0x20: {  	[sflag:s8] =	ssyncset.s32 @!p0 $0xFFFFF086;
	s6 =	sadd.s32 @!p0 s3, s7;
	s7 =	simm.s32 @!p0 $0x108  }
0x21: {  	s3 =	sadd.s32 s3, s9;
	s6 =	sadd.s32 @!p0 $0x88, s6;
	s7 =	simm.s32 @p2 $0x1082  }
0x22: {  	[simem:s7], [sflag:s8] =	dma.local @!p0 [hbm:s6], $0xF7A  }
0x23: {  	s9 =	sor.u32 $0xD0000000, s2;
	s6 =	simm.s32 $0x108;
	_ =	swait.ge @!p0 [sflag:s8], $0x0  }
0x24: {  	s3 =	sadd.s32 $0x88, s3;
	s6 =	simm.s32 @!p1 $0x1082;
	[sflag:s4] =	ssyncset.s32 $0xFFFFF086  }
0x25: {  	[simem:s6], [sflag:s4] =	dma.local [hbm:s3], $0xF7A  }
0x26: {  	[smem:$0x3F9E] =	sst s1;
	(tag) =	ssettag s2;
	_ =	strace s9  }
0x27: {  	s1 =	sld [smem:$0x3FAE]  }
0x28: {  	s2 =	sld [smem:$0x3FAF]  }
0x29: {  	s4 =	sld [smem:$0x3FB1]  }
0x2a: {  	p0 =	seq.s32 s5, $0x0;
	s5 =	sld [smem:$0x3FB2]  }
0x2b: {  	s6 =	sld [smem:$0x3FB3]  }
0x2c: {  	s7 =	sld [smem:$0x3FB4]  }
0x2d: {  	s3 =	simm.s32 $0x108;
	s8 =	sld [smem:$0x3FB5]  }
0x2e: {  	s3 =	simm.s32 @!p0 $0x1082;
	s9 =	sld [smem:$0x3FB6]  }
0x2f: {  	lr =	sadd.s32 s0, s3;
	s0 =	sld [smem:$0x3FAD]  }
0x30: {  	s3 =	sld [smem:$0x3FB0]  }
0x31: {  	[smem:$0x3FB9] =	sst s10  }
0x32: {  	s10 =	sld [smem:$0x3FB7];
	_ =	sdelay $0x3  }
0x33: {  	p0 =	seq.s32 s10, $0x1;
	s10 =	sld [smem:$0x3FB9];
	_ =	sdelay $0x3  }
0x34: {  	[smem:$0x3FB9] =	sst s10  }
0x35: {  	s10 =	sld [smem:$0x3FB8];
	_ =	sdelay $0x3  }
0x36: {  	p1 =	seq.s32 s10, $0x1;
	s10 =	sld [smem:$0x3FB9];
	_ =	sdelay $0x3  }
0x37: {  	[smem:$0x3FB9] =	sst s10  }
0x38: {  	s10 =	sld [smem:$0x3FBA]  }
0x39: {  	_ = 	snop;
	(pc) =	sbr.ind lr, $3  }
0x3a: {  	_ = 	snop  }
0x3b: {  	_ = 	snop  }
0x3c: {  	p2 =	seq.s32 s10, $0x1;
	s10 =	sld [smem:$0x3FB9]  }
0x3d: {  	_ =	shalt  }
0x3e: {  	_ =	shalt  }
0x3f: {  	_ =	shalt  }
0x40: {  	_ =	shalt  }
0x41: {  	_ =	shalt  }
0x42: {  	_ =	shalt  }
0x43: {  	_ =	shalt  }
0x44: {  	_ =	shalt  }
0x45: {  	_ =	shalt  }
0x46: {  	_ =	shalt  }
0x47: {  	_ =	shalt  }
0x48: {  	_ =	shalt  }
0x49: {  	_ =	shalt  }
0x4a: {  	_ =	shalt  }
0x4b: {  	_ =	shalt  }
0x4c: {  	_ =	shalt  }
0x4d: {  	_ =	shalt  }
0x4e: {  	_ =	shalt  }
0x4f: {  	_ =	shalt  }
0x50: {  	_ =	shalt  }
0x51: {  	_ =	shalt  }
0x52: {  	_ =	shalt  }
0x53: {  	_ =	shalt  }
0x54: {  	_ =	shalt  }
0x55: {  	_ =	shalt  }
0x56: {  	_ =	shalt  }
0x57: {  	_ =	shalt  }
0x58: {  	_ =	shalt  }
0x59: {  	_ =	shalt  }
0x5a: {  	_ =	shalt  }
0x5b: {  	_ =	shalt  }
0x5c: {  	_ =	shalt  }
0x5d: {  	_ =	shalt  }
0x5e: {  	_ =	shalt  }
0x5f: {  	_ =	shalt  }
0x60: {  	_ =	shalt  }
0x61: {  	_ =	shalt  }
0x62: {  	_ =	shalt  }
0x63: {  	_ =	shalt  }
0x64: {  	_ =	shalt  }
0x65: {  	_ =	shalt  }
0x66: {  	_ =	shalt  }
0x67: {  	_ =	shalt  }
0x68: {  	_ =	shalt  }
0x69: {  	_ =	shalt  }
0x6a: {  	_ =	shalt  }
0x6b: {  	_ =	shalt  }
0x6c: {  	_ =	shalt  }
0x6d: {  	_ =	shalt  }
0x6e: {  	_ =	shalt  }
0x6f: {  	_ =	shalt  }
0x70: {  	_ =	shalt  }
0x71: {  	_ =	shalt  }
0x72: {  	_ =	shalt  }
0x73: {  	_ =	shalt  }
0x74: {  	_ =	shalt  }
0x75: {  	_ =	shalt  }
0x76: {  	_ =	shalt  }
0x77: {  	_ =	shalt  }
0x78: {  	_ =	shalt  }
0x79: {  	_ =	shalt  }
0x7a: {  	_ =	shalt  }
0x7b: {  	_ =	shalt  }
0x7c: {  	_ =	shalt  }
0x7d: {  	_ =	shalt  }
0x7e: {  	_ =	shalt  }
0x7f: {  	_ =	shalt  }
0x80: {  	_ =	shalt  }
0x81: {  	_ =	shalt  }
0x82: {  	_ =	shalt  }
0x83: {  	_ =	shalt  }
0x84: {  	_ =	shalt  }
0x85: {  	_ =	shalt  }
0x86: {  	_ =	shalt  }
0x87: {  	_ =	shalt  }
.Lfunc_end0:
.L_simem_size_0:
called_computation_lowered:
.L_overlay_start_0:
0x88: {  	s2 =	sld [smem:$0x3FD9]  }
0x89: {  	s3 =	sld [smem:$0x3FFE];
	_ =	sdelay $0x1  }
0x8a: {  	s1 =	srdreg.scid  }
0x8b: {  	s0 =	sand.u32 $0x1, s1  }
0x8c: {  	s18 =	sshll.u32 s0, $0xA;
	s2 =	sadd.s32 s3, s2  }
0x8d: {  	s2 =	sadd.s32 s2, s18  }
0x8e: {  	[smem:$0x3FC5] =	sst s2  }
0x8f: {  	_ = 	snop  }
0x90: {  	s2 =	sld [smem:$0x3FC9]  }
0x91: {  	s19 =	sld [smem:$0x3FC8]  }
0x92: {  	s4 =	sld [smem:$0x3FC7]  }
0x93: {  	s5 =	sld [smem:$0x3FD0];
	(tm) =	ssettm $0x1  }
0x94: {  	s6 =	sld [smem:$0x3FFB];
	_ =	sdelay $0x3  }
0x95: {  	_ =	strace s6  }
0x96: {  	s6 =	sld [smem:$0x3FFC];
	_ =	sdelay $0x3  }
0x97: {  	_ =	strace s6  }
0x98: {  	s6 =	sld [smem:$0x3FFD];
	_ =	sdelay $0x3  }
0x99: {  	_ =	strace s6  }
0x9a: {  	_ =	strace $0x8FFFFFFF  }
0x9b: {  	s20 =	sld [smem:$0x3FDB];
	_ =	sdelay $0x1  }
0x9c: {  	s7 =	simm.s32 $_scs_section_size  }
0x9d: {  	s8 =	simm.s32 $_size__tile_overlayer_lowered;
	s9 =	simm.s32 $_tile_overlayer_lowered  }
0x9e: {  	s23 =	simm.s32 $0x1BFF;
	s22 =	sshll.u32 s9, $0x1;
	s6 =	sadd.s32 s7, s20  }
0x9f: {  	s10 =	simm.s32 $0x0;
	s21 =	sshll.u32 s8, $0x1;
	s8 =	sadd.s32 s22, s6  }
0xa0: {  	[timem:s10], [sflag:s23] =	dma.local [hbm:s8], s21  }
0xa1: {  	_ =	swait.ge [sflag:s23], s21  }
0xa2: {  	s7 =	ssub.s32 $0x0, s21;
	[sflag:s23] =	ssyncset.done $0x0  }
0xa3: {  	[sflag:s23] =	ssyncadd.s32 s7;
	_ =	sdelay $0x1  }
0xa4: {  	s24 =	simm.s32 $0x1B8B  }
0xa5: {  	_ =	swait.ge [sflag:s24], $0x1  }
0xa6: {  	[sflag:s24] =	ssyncset.done $0x0  }
0xa7: {  	s25 =	simm.s32 $0x1B8E;
	[sflag:s24] =	ssyncadd.s32 $0xFFFFFFFF  }
0xa8: {  	s26 =	simm.s32 $execute0_lowered;
	[smem:$0x3FD2] =	sst s25  }
0xa9: {  	s7 =	sshll.u32 s26, $0x1;
	_ =	strace $0x80000046;
	[dreg:$0x1] =	wrdreg $0xFFFFFFFF  }
0xaa: {  	s28 =	simm.s32 $_size_execute0_lowered;
	s6 =	sadd.s32 s6, s7;
	[dreg:$0x0] =	wrdreg $0x0  }
0xab: {  	s7 =	sshll.u32 s28, $0x1;
	[dreg:$0x2] =	wrdreg s6  }
0xac: {  	[dreg:$0x3] =	wrdreg s7  }
0xad: {  	[dreg:$0x4] =	wrdreg $0xC0  }
0xae: {  	_ =	task [dreg:s10], $0x5FFFF  }
0xaf: {  	[dreg:$0x1] =	wrdreg $0xFFFFFFFF  }
0xb0: {  	[dreg:$0x0] =	wrdreg $0x60  }
0xb1: {  	[dreg:$0x2] =	wrdreg s2  }
0xb2: {  	[dreg:$0x3] =	wrdreg s19  }
0xb3: {  	[dreg:$0x4] =	wrdreg s4  }
0xb4: {  	[dreg:$0x5] =	wrdreg s5  }
0xb5: {  	[dreg:$0x6] =	wrdreg $0x0  }
0xb6: {  	[dreg:$0x7] =	wrdreg $0x9  }
0xb7: {  	_ =	task.clear_ibuf [dreg:s10], $0x8FFFF;
	_ =	strace $0x90000046  }
0xb8: {  	s29 =	simm.s32 $0x9;
	_ =	strace $0x80000048  }
0xb9: {  	_ =	swait.ge [sflag:s29], $0x1  }
0xba: {  	[sflag:s29] =	ssyncadd.s32 $0xFFFFFFFF  }
0xbb: {  	_ =	strace $0x90000048  }
0xbc: {  	_ =	sfence  }
0xbd: {  	s30 =	sld [smem:$0x0];
	_ =	sdelay $0x2  }
0xbe: {  	s31 =	sshll.u32 s1, $0xD;
	s1 =	sshrl.u32 s1, $0x2  }
0xbf: {  	s3 =	sand.u32 $0x4000, s31;
	s1 =	sadd.s32 s1, s30  }
0xc0: {  	s0 =	sor.u32 s3, s0;
	s1 =	sshll.u32 s1, $0x11  }
0xc1: {  	s0 =	sor.u32 s1, s0  }
0xc2: {  	s0 =	sadd.s32 $0x8F2B, s0  }
0xc3: {  	[sflag:s0] =	ssyncadd.remote.s32 $0x1  }
0xc4: {  	_ =	sfence.sel $0xFFFF  }
0xc5: {  	[dreg:$0x0] =	wrdreg $0xFFFFFFFF;
	(pc) =	sbr.abs _section_cstart, $3  }
0xc6: {  	[dreg:$0x1] =	wrdreg $0xFFFFFFFF  }
0xc7: {  	_ =	task.clear_ibuf [dreg:s10], $0x2FFFF;
	_ =	strace $0x9FFFFFFF  }
0xc8: {  	(tm) =	ssettm $0x7FFFFFFF  }
0xc9: {  	_ =	shalt  }
tec
execute0_lowered:
.L_overlay_start_1:
0x0: {  	(tag) =	ssettag $0x1  }
0x1: {  	s0 =	rddreg [dreg:$0x1]  }
0x2: {  	s2 =	rddreg [dreg:$0x2]  }
0x3: {  	s1 =	rddreg [dreg:$0x3]  }
0x4: {  	s4 =	rddreg [dreg:$0x4];
	s5 =	simm.s32 $0x0;
	s3 =	srdreg.scid  }
0x5: {  	s11 =	stileid.u32;
	s30 =	simm.s32 $0x80;
	s31 =	simm.s32 $0x400  }
0x6: {  	s3 =	sand.u32 $0x1, s3;
	s6 =	sshll.u32 s11, $0x9;
	s7 =	sshrl.u32 s11, $0x1  }
0x7: {  	[smem:$0x7FF] =	sst s5;
	s13 =	sshll.u32 s11, $0xA;
	s25 =	sadd.s32 $0x1000, s1  }
0x8: {  	s28 =	sadd.s32 $0x2000, s4;
	s29 =	sadd.s32 $0x3000, s4;
	s18 =	sadd.s32 $0x18B00, s13  }
0x9: {  	_ =	strace $0x80000047;
	s19 =	sadd.s32 $0x18B80, s13;
	[dreg:$0x7] =	wrdreg s18  }
0xa: {  	s8 =	sshll.u32 s3, $0x8;
	s20 =	sadd.s32 $0x18C00, s13;
	[dreg:$0x8] =	wrdreg s19  }
0xb: {  	s6 =	sand.u32 $0x200, s6;
	s21 =	sadd.s32 $0x18C80, s13;
	[dreg:$0x9] =	wrdreg s20  }
0xc: {  	s9 =	smul.u32 $0xC3800, s7;
	s22 =	sadd.s32 $0x18D00, s13;
	[dreg:$0xa] =	wrdreg s21  }
0xd: {  	s3 =	ssub.s32 $0x2, s3;
	s23 =	sadd.s32 $0x18D80, s13;
	[dreg:$0xb] =	wrdreg s22  }
0xe: {  	s7 =	sshll.u32 s7, $0x11;
	s11 =	sadd.s32 $0x18E00, s13;
	[dreg:$0xc] =	wrdreg s23  }
0xf: {  	s6 =	sor.u32 s8, s6;
	s26 =	sshrl.u32 s3, $0x1;
	[dreg:$0xd] =	wrdreg s11  }
0x10: {  	s23 =	sadd.s32 $0x18E80, s13;
	s10 =	sor.u32 s9, s6;
	s3 =	ssub.s32 s3, s26  }
0x11: {  	s24 =	sor.u32 s7, s6;
	s6 =	sor.u32 $0x80, s6;
	s26 =	sadd.s32 $0x3000, s1  }
0x12: {  	s12 =	sshrl.u32 s10, $0x3;
	s9 =	sor.u32 s9, s6;
	s6 =	sor.u32 s7, s6  }
0x13: {  	s7 =	simm.s32 $0x2;
	s8 =	sadd.s32 s0, s12;
	s12 =	sadd.s32 $0x2000, s1  }
0x14: {  	s9 =	sshrl.u32 s9, $0x3;
	s6 =	sshrl.u32 s6, $0x3;
	[dreg:$0x6] =	wrdreg s8  }
0x15: {  	s8 =	sshrl.u32 s24, $0x3;
	s16 =	sadd.s32 s0, s9;
	s19 =	sadd.s32 s1, s6  }
0x16: {  	s20 =	sadd.s32 s6, s25;
	s21 =	sadd.s32 s6, s12;
	s22 =	sadd.s32 s6, s26  }
0x17: {  	s24 =	sadd.s32 s13, s4;
	s0 =	simm.s32 $0x1;
	s6 =	simm.s32 $0x3  }
0x18: {  	s14 =	sadd.s32 s1, s8;
	s15 =	sadd.s32 s8, s25;
	s17 =	sadd.s32 s8, s12  }
0x19: {  	s18 =	sadd.s32 s8, s26;
	s25 =	smax.u32 s3, $0x1;
	s26 =	sadd.s32 $0x1000, s4  }
0x1a: {  	s3 =	simm.s32 $0x4;
	s1 =	simm.s32 $0x1CB00;
	s8 =	simm.s32 $0x0  }
.LBB2_1:
0x1b: {  	s9 =	rddreg [dreg:$0x6]  }
0x1c: {  	[tilespmem:s31], [sflag:$0x3] =	stream.strided.gather [hbm4b:s9+s30], $0x18700, s31, s30, $0x38;
	[tilespmem:$0x1FB00] =	vst v63  }
0x1d: {  	s13 =	rddreg [dreg:$0x0];
	s10 =	simm.s32 $0x18B00  }
0x1e: {  	[tilespmem:s10], [sflag:$0x4] =	stream.linear.gather [hbm4b:s13+s5], $0x4000, $0x38;
	[tilespmem:$0x1FB00] =	vst v63  }
0x1f: {  	_ =	swait.ge [sflag:s3], $0x4000  }
0x20: {  	[sflag:s3] =	ssyncset.done $0x0  }
0x21: {  	s11 =	rddreg [dreg:$0x7];
	[sflag:s3] =	ssyncadd.s32 $0xFFFFC000  }
0x22: {  	[tilespmem:s1], [sflag:$0x1] =	stream.indirect.gather [hbm4b:s2+s30], $0x1, s11, s30, $0xb8;
	[tilespmem:$0x1FB00] =	vst v63  }
0x23: {  	s13 =	simm.s32 $0x1CB80;
	s12 =	rddreg [dreg:$0x8]  }
0x24: {  	[tilespmem:s13], [sflag:$0x1] =	stream.indirect.gather [hbm4b:s2+s30], $0x1, s12, s30, $0xb8;
	[tilespmem:$0x1FB00] =	vst v63  }
0x25: {  	s10 =	rddreg [dreg:$0x9];
	s11 =	simm.s32 $0x1CC00  }
0x26: {  	[tilespmem:s11], [sflag:$0x1] =	stream.indirect.gather [hbm4b:s2+s30], $0x1, s10, s30, $0xb8;
	[tilespmem:$0x1FB00] =	vst v63  }
0x27: {  	s12 =	rddreg [dreg:$0xa];
	s13 =	simm.s32 $0x1CC80  }
0x28: {  	[tilespmem:s13], [sflag:$0x1] =	stream.indirect.gather [hbm4b:s2+s30], $0x1, s12, s30, $0xb8;
	[tilespmem:$0x1FB00] =	vst v63  }
0x29: {  	s10 =	rddreg [dreg:$0xb];
	s11 =	simm.s32 $0x1CD00  }
0x2a: {  	[tilespmem:s11], [sflag:$0x1] =	stream.indirect.gather [hbm4b:s2+s30], $0x1, s10, s30, $0xb8;
	[tilespmem:$0x1FB00] =	vst v63  }
0x2b: {  	s12 =	rddreg [dreg:$0xc];
	s13 =	simm.s32 $0x1CD80  }
0x2c: {  	[tilespmem:s13], [sflag:$0x1] =	stream.indirect.gather [hbm4b:s2+s30], $0x1, s12, s30, $0xb8;
	[tilespmem:$0x1FB00] =	vst v63  }
0x2d: {  	s10 =	rddreg [dreg:$0xd];
	s11 =	simm.s32 $0x1CE00  }
0x2e: {  	[tilespmem:s11], [sflag:$0x1] =	stream.indirect.gather [hbm4b:s2+s30], $0x1, s10, s30, $0xb8;
	[tilespmem:$0x1FB00] =	vst v63  }
0x2f: {  	s12 =	simm.s32 $0x1CE80  }
0x30: {  	[tilespmem:s12], [sflag:$0x1] =	stream.indirect.gather [hbm4b:s2+s30], $0x1, s23, s30, $0xb8;
	[tilespmem:$0x1FB00] =	vst v63  }
0x31: {  	_ =	swait.ge [sflag:s0], $0x80  }
0x32: {  	[sflag:s0] =	ssyncset.done $0x0  }
0x33: {  	[sflag:s0] =	ssyncadd.s32 $0xFFFFFF80  }
0x34: {  	_ =	swait.ge [sflag:s0], $0x80  }
0x35: {  	[sflag:s0] =	ssyncset.done $0x0  }
0x36: {  	[sflag:s0] =	ssyncadd.s32 $0xFFFFFF80  }
0x37: {  	_ =	swait.ge [sflag:s0], $0x80  }
0x38: {  	[sflag:s0] =	ssyncset.done $0x0  }
0x39: {  	[sflag:s0] =	ssyncadd.s32 $0xFFFFFF80  }
0x3a: {  	_ =	swait.ge [sflag:s0], $0x80  }
0x3b: {  	[sflag:s0] =	ssyncset.done $0x0  }
0x3c: {  	[sflag:s0] =	ssyncadd.s32 $0xFFFFFF80  }
0x3d: {  	_ =	swait.ge [sflag:s0], $0x80  }
0x3e: {  	[sflag:s0] =	ssyncset.done $0x0  }
0x3f: {  	[sflag:s0] =	ssyncadd.s32 $0xFFFFFF80  }
0x40: {  	_ =	swait.ge [sflag:s0], $0x80  }
0x41: {  	[sflag:s0] =	ssyncset.done $0x0  }
0x42: {  	[sflag:s0] =	ssyncadd.s32 $0xFFFFFF80  }
0x43: {  	_ =	swait.ge [sflag:s0], $0x80  }
0x44: {  	[sflag:s0] =	ssyncset.done $0x0  }
0x45: {  	[sflag:s0] =	ssyncadd.s32 $0xFFFFFF80  }
0x46: {  	_ =	swait.ge [sflag:s0], $0x80  }
0x47: {  	[sflag:s0] =	ssyncset.done $0x0  }
0x48: {  	[sflag:s0] =	ssyncadd.s32 $0xFFFFFF80  }
0x49: {  	v0 =	vld [tilespmem:$0x1CB00];
	_ =	sdelay $0x4  }
0x4a: {  	v0 =	vmul.f32 $-1.005033590e-02, v0;
	_ =	sdelay $0x1  }
0x4b: {  	v0 =	vmul.f32 $1.442695020e+00, v0;
	_ =	sdelay $0x1  }
0x4c: {  	(erf) = vpow2.f32 v0;
	_ =	sdelay $0x3  }
0x4d: {  	v0 =	vld [tilespmem:$0x1CB10];
	_ =	sdelay $0x4  }
0x4e: {  	v0 =	vmul.f32 $-1.005033590e-02, v0;
	v1 =	vpop (erf)  }
0x4f: {  	v1 =	vsub.f32 $1.000000950e+00, v1  }
0x50: {  	v0 =	vmul.f32 $1.442695020e+00, v0  }
0x51: {  	(erf) = vrcp.f32 v1  }
0x52: {  	(erf) = vpow2.f32 v0;
	_ =	sdelay $0x3  }
0x53: {  	v1 =	vld [tilespmem:$0x1CB20];
	_ =	sdelay $0x3  }
0x54: {  	v0 =	vpop (erf)  }
0x55: {  	v1 =	vmul.f32 $-1.005033590e-02, v1;
	v2 =	vpop (erf)  }
0x56: {  	v2 =	vsub.f32 $1.000000950e+00, v2  }
0x57: {  	v1 =	vmul.f32 $1.442695020e+00, v1  }
0x58: {  	(erf) = vrcp.f32 v2  }
0x59: {  	(erf) = vpow2.f32 v1;
	_ =	sdelay $0x3  }
0x5a: {  	v2 =	vld [tilespmem:$0x1CB30];
	_ =	sdelay $0x3  }
0x5b: {  	v1 =	vpop (erf)  }
0x5c: {  	v2 =	vmul.f32 $-1.005033590e-02, v2;
	v3 =	vpop (erf)  }
0x5d: {  	v3 =	vsub.f32 $1.000000950e+00, v3  }
0x5e: {  	v2 =	vmul.f32 $1.442695020e+00, v2  }
0x5f: {  	(erf) = vrcp.f32 v3  }
0x60: {  	(erf) = vpow2.f32 v2;
	_ =	sdelay $0x3  }
0x61: {  	v3 =	vld [tilespmem:$0x1CB40];
	_ =	sdelay $0x3  }
0x62: {  	v2 =	vpop (erf)  }
0x63: {  	v3 =	vmul.f32 $-1.005033590e-02, v3;
	v4 =	vpop (erf)  }
0x64: {  	v4 =	vsub.f32 $1.000000950e+00, v4  }
0x65: {  	v3 =	vmul.f32 $1.442695020e+00, v3  }
0x66: {  	(erf) = vrcp.f32 v4  }
0x67: {  	(erf) = vpow2.f32 v3;
	_ =	sdelay $0x3  }
0x68: {  	v4 =	vld [tilespmem:$0x1CB50];
	_ =	sdelay $0x3  }
0x69: {  	v3 =	vpop (erf)  }
0x6a: {  	v4 =	vmul.f32 $-1.005033590e-02, v4;
	v5 =	vpop (erf)  }
0x6b: {  	v5 =	vsub.f32 $1.000000950e+00, v5  }
0x6c: {  	v4 =	vmul.f32 $1.442695020e+00, v4  }
0x6d: {  	(erf) = vrcp.f32 v5  }
0x6e: {  	(erf) = vpow2.f32 v4;
	_ =	sdelay $0x3  }
0x6f: {  	v5 =	vld [tilespmem:$0x1CB60];
	_ =	sdelay $0x3  }
0x70: {  	v4 =	vpop (erf)  }
0x71: {  	v5 =	vmul.f32 $-1.005033590e-02, v5;
	v6 =	vpop (erf)  }
0x72: {  	v6 =	vsub.f32 $1.000000950e+00, v6  }
0x73: {  	v5 =	vmul.f32 $1.442695020e+00, v5  }
0x74: {  	(erf) = vrcp.f32 v6  }
0x75: {  	(erf) = vpow2.f32 v5;
	_ =	sdelay $0x3  }
0x76: {  	v6 =	vld [tilespmem:$0x1CB70];
	_ =	sdelay $0x3  }
0x77: {  	v5 =	vpop (erf)  }
0x78: {  	v6 =	vmul.f32 $-1.005033590e-02, v6;
	v7 =	vpop (erf)  }
0x79: {  	v7 =	vsub.f32 $1.000000950e+00, v7  }
0x7a: {  	v6 =	vmul.f32 $1.442695020e+00, v6  }
0x7b: {  	(erf) = vrcp.f32 v7  }
0x7c: {  	(erf) = vpow2.f32 v6;
	_ =	sdelay $0x3  }
0x7d: {  	v7 =	vld [tilespmem:$0x1CB80];
	_ =	sdelay $0x3  }
0x7e: {  	v6 =	vpop (erf)  }
0x7f: {  	v7 =	vmul.f32 $-1.005033590e-02, v7;
	v8 =	vpop (erf)  }
0x80: {  	v8 =	vsub.f32 $1.000000950e+00, v8  }
0x81: {  	v7 =	vmul.f32 $1.442695020e+00, v7  }
0x82: {  	(erf) = vrcp.f32 v8  }
0x83: {  	(erf) = vpow2.f32 v7;
	_ =	sdelay $0x3  }
0x84: {  	v8 =	vld [tilespmem:$0x1CB90];
	_ =	sdelay $0x3  }
0x85: {  	v7 =	vpop (erf)  }
0x86: {  	v8 =	vmul.f32 $-1.005033590e-02, v8;
	v9 =	vpop (erf)  }
0x87: {  	v9 =	vsub.f32 $1.000000950e+00, v9  }
0x88: {  	v8 =	vmul.f32 $1.442695020e+00, v8  }
0x89: {  	(erf) = vrcp.f32 v9  }
0x8a: {  	(erf) = vpow2.f32 v8;
	_ =	sdelay $0x3  }
0x8b: {  	v9 =	vld [tilespmem:$0x1CBA0];
	_ =	sdelay $0x3  }
0x8c: {  	v8 =	vpop (erf)  }
0x8d: {  	v9 =	vmul.f32 $-1.005033590e-02, v9;
	v10 =	vpop (erf)  }
0x8e: {  	v10 =	vsub.f32 $1.000000950e+00, v10  }
0x8f: {  	v9 =	vmul.f32 $1.442695020e+00, v9  }
0x90: {  	(erf) = vrcp.f32 v10  }
0x91: {  	(erf) = vpow2.f32 v9;
	_ =	sdelay $0x3  }
0x92: {  	v10 =	vld [tilespmem:$0x1CBB0];
	_ =	sdelay $0x3  }
0x93: {  	v9 =	vpop (erf)  }
0x94: {  	v10 =	vmul.f32 $-1.005033590e-02, v10;
	v11 =	vpop (erf)  }
0x95: {  	v11 =	vsub.f32 $1.000000950e+00, v11  }
0x96: {  	v10 =	vmul.f32 $1.442695020e+00, v10  }
0x97: {  	(erf) = vrcp.f32 v11  }
0x98: {  	(erf) = vpow2.f32 v10;
	_ =	sdelay $0x3  }
0x99: {  	v11 =	vld [tilespmem:$0x1CBC0];
	_ =	sdelay $0x3  }
0x9a: {  	v10 =	vpop (erf)  }
0x9b: {  	v11 =	vmul.f32 $-1.005033590e-02, v11;
	v12 =	vpop (erf)  }
0x9c: {  	v12 =	vsub.f32 $1.000000950e+00, v12  }
0x9d: {  	v11 =	vmul.f32 $1.442695020e+00, v11  }
0x9e: {  	(erf) = vrcp.f32 v12  }
0x9f: {  	(erf) = vpow2.f32 v11;
	_ =	sdelay $0x3  }
0xa0: {  	v12 =	vld [tilespmem:$0x1CBD0];
	_ =	sdelay $0x3  }
0xa1: {  	v11 =	vpop (erf)  }
0xa2: {  	v12 =	vmul.f32 $-1.005033590e-02, v12;
	v13 =	vpop (erf)  }
0xa3: {  	v13 =	vsub.f32 $1.000000950e+00, v13  }
0xa4: {  	v12 =	vmul.f32 $1.442695020e+00, v12  }
0xa5: {  	(erf) = vrcp.f32 v13  }
0xa6: {  	(erf) = vpow2.f32 v12;
	_ =	sdelay $0x3  }
0xa7: {  	v13 =	vld [tilespmem:$0x1CBE0];
	_ =	sdelay $0x3  }
0xa8: {  	v12 =	vpop (erf)  }
0xa9: {  	v13 =	vmul.f32 $-1.005033590e-02, v13;
	v14 =	vpop (erf)  }
0xaa: {  	v14 =	vsub.f32 $1.000000950e+00, v14  }
0xab: {  	v13 =	vmul.f32 $1.442695020e+00, v13  }
0xac: {  	(erf) = vrcp.f32 v14  }
0xad: {  	(erf) = vpow2.f32 v13;
	_ =	sdelay $0x3  }
0xae: {  	v14 =	vld [tilespmem:$0x1CBF0];
	_ =	sdelay $0x3  }
0xaf: {  	v13 =	vpop (erf)  }
0xb0: {  	v14 =	vmul.f32 $-1.005033590e-02, v14;
	v15 =	vpop (erf)  }
0xb1: {  	v15 =	vsub.f32 $1.000000950e+00, v15  }
0xb2: {  	v14 =	vmul.f32 $1.442695020e+00, v14  }
0xb3: {  	(erf) = vrcp.f32 v15  }
0xb4: {  	(erf) = vpow2.f32 v14;
	_ =	sdelay $0x3  }
0xb5: {  	v15 =	vld [tilespmem:$0x1CC00];
	_ =	sdelay $0x3  }
0xb6: {  	v14 =	vpop (erf)  }
0xb7: {  	v15 =	vmul.f32 $-1.005033590e-02, v15;
	v16 =	vpop (erf)  }
0xb8: {  	v16 =	vsub.f32 $1.000000950e+00, v16  }
0xb9: {  	v15 =	vmul.f32 $1.442695020e+00, v15  }
0xba: {  	(erf) = vrcp.f32 v16  }
0xbb: {  	(erf) = vpow2.f32 v15;
	_ =	sdelay $0x3  }
0xbc: {  	v21 =	vld [tilespmem:$0x1CC10];
	_ =	sdelay $0x3  }
0xbd: {  	v15 =	vpop (erf)  }
0xbe: {  	v16 =	vmul.f32 $-1.005033590e-02, v21;
	v17 =	vpop (erf)  }
0xbf: {  	v17 =	vsub.f32 $1.000000950e+00, v17  }
0xc0: {  	v16 =	vmul.f32 $1.442695020e+00, v16  }
0xc1: {  	(erf) = vrcp.f32 v17  }
0xc2: {  	(erf) = vpow2.f32 v16;
	_ =	sdelay $0x3  }
0xc3: {  	v22 =	vld [tilespmem:$0x1CC20];
	_ =	sdelay $0x3  }
0xc4: {  	v16 =	vpop (erf)  }
0xc5: {  	v17 =	vmul.f32 $-1.005033590e-02, v22;
	v18 =	vpop (erf)  }
0xc6: {  	v18 =	vsub.f32 $1.000000950e+00, v18  }
0xc7: {  	v17 =	vmul.f32 $1.442695020e+00, v17  }
0xc8: {  	(erf) = vrcp.f32 v18  }
0xc9: {  	(erf) = vpow2.f32 v17;
	_ =	sdelay $0x3  }
0xca: {  	v23 =	vld [tilespmem:$0x1CC30];
	_ =	sdelay $0x3  }
0xcb: {  	v17 =	vpop (erf)  }
0xcc: {  	v18 =	vmul.f32 $-1.005033590e-02, v23;
	v19 =	vpop (erf)  }
0xcd: {  	v19 =	vsub.f32 $1.000000950e+00, v19  }
0xce: {  	v18 =	vmul.f32 $1.442695020e+00, v18  }
0xcf: {  	(erf) = vrcp.f32 v19  }
0xd0: {  	(erf) = vpow2.f32 v18;
	_ =	sdelay $0x3  }
0xd1: {  	v24 =	vld [tilespmem:$0x1CC40];
	_ =	sdelay $0x3  }
0xd2: {  	v18 =	vpop (erf)  }
0xd3: {  	v19 =	vmul.f32 $-1.005033590e-02, v24;
	v20 =	vpop (erf)  }
0xd4: {  	v20 =	vsub.f32 $1.000000950e+00, v20  }
0xd5: {  	v19 =	vmul.f32 $1.442695020e+00, v19  }
0xd6: {  	(erf) = vrcp.f32 v20  }
0xd7: {  	(erf) = vpow2.f32 v19;
	_ =	sdelay $0x3  }
0xd8: {  	v25 =	vld [tilespmem:$0x1CC50];
	_ =	sdelay $0x3  }
0xd9: {  	v19 =	vpop (erf)  }
0xda: {  	v20 =	vmul.f32 $-1.005033590e-02, v25;
	v21 =	vpop (erf)  }
0xdb: {  	v21 =	vsub.f32 $1.000000950e+00, v21  }
0xdc: {  	v20 =	vmul.f32 $1.442695020e+00, v20  }
0xdd: {  	(erf) = vrcp.f32 v21  }
0xde: {  	(erf) = vpow2.f32 v20;
	_ =	sdelay $0x3  }
0xdf: {  	v26 =	vld [tilespmem:$0x1CC60];
	_ =	sdelay $0x3  }
0xe0: {  	v20 =	vpop (erf)  }
0xe1: {  	v21 =	vmul.f32 $-1.005033590e-02, v26;
	v22 =	vpop (erf)  }
0xe2: {  	v22 =	vsub.f32 $1.000000950e+00, v22  }
0xe3: {  	v21 =	vmul.f32 $1.442695020e+00, v21  }
0xe4: {  	(erf) = vrcp.f32 v22  }
0xe5: {  	(erf) = vpow2.f32 v21;
	_ =	sdelay $0x3  }
0xe6: {  	v27 =	vld [tilespmem:$0x1CC70];
	_ =	sdelay $0x3  }
0xe7: {  	v21 =	vpop (erf)  }
0xe8: {  	v22 =	vmul.f32 $-1.005033590e-02, v27;
	v23 =	vpop (erf)  }
0xe9: {  	v23 =	vsub.f32 $1.000000950e+00, v23  }
0xea: {  	v22 =	vmul.f32 $1.442695020e+00, v22  }
0xeb: {  	(erf) = vrcp.f32 v23  }
0xec: {  	(erf) = vpow2.f32 v22;
	_ =	sdelay $0x3  }
0xed: {  	v28 =	vld [tilespmem:$0x1CC80];
	_ =	sdelay $0x3  }
0xee: {  	v22 =	vpop (erf)  }
0xef: {  	v23 =	vmul.f32 $-1.005033590e-02, v28;
	v24 =	vpop (erf)  }
0xf0: {  	v24 =	vsub.f32 $1.000000950e+00, v24  }
0xf1: {  	v23 =	vmul.f32 $1.442695020e+00, v23  }
0xf2: {  	(erf) = vrcp.f32 v24  }
0xf3: {  	(erf) = vpow2.f32 v23;
	_ =	sdelay $0x3  }
0xf4: {  	v29 =	vld [tilespmem:$0x1CC90];
	_ =	sdelay $0x3  }
0xf5: {  	v23 =	vpop (erf)  }
0xf6: {  	v24 =	vmul.f32 $-1.005033590e-02, v29;
	v25 =	vpop (erf)  }
0xf7: {  	v25 =	vsub.f32 $1.000000950e+00, v25  }
0xf8: {  	v24 =	vmul.f32 $1.442695020e+00, v24  }
0xf9: {  	(erf) = vrcp.f32 v25  }
0xfa: {  	(erf) = vpow2.f32 v24;
	_ =	sdelay $0x3  }
0xfb: {  	v30 =	vld [tilespmem:$0x1CCA0];
	_ =	sdelay $0x3  }
0xfc: {  	v24 =	vpop (erf)  }
0xfd: {  	v25 =	vmul.f32 $-1.005033590e-02, v30;
	v26 =	vpop (erf)  }
0xfe: {  	v26 =	vsub.f32 $1.000000950e+00, v26  }
0xff: {  	v25 =	vmul.f32 $1.442695020e+00, v25  }
0x100: {  	(erf) = vrcp.f32 v26  }
0x101: {  	(erf) = vpow2.f32 v25;
	_ =	sdelay $0x3  }
0x102: {  	v31 =	vld [tilespmem:$0x1CCB0];
	_ =	sdelay $0x3  }
0x103: {  	v25 =	vpop (erf)  }
0x104: {  	v26 =	vmul.f32 $-1.005033590e-02, v31;
	v27 =	vpop (erf)  }
0x105: {  	v27 =	vsub.f32 $1.000000950e+00, v27  }
0x106: {  	v26 =	vmul.f32 $1.442695020e+00, v26  }
0x107: {  	(erf) = vrcp.f32 v27  }
0x108: {  	(erf) = vpow2.f32 v26;
	_ =	sdelay $0x3  }
0x109: {  	v32 =	vld [tilespmem:$0x1CCC0];
	_ =	sdelay $0x3  }
0x10a: {  	v26 =	vpop (erf)  }
0x10b: {  	v27 =	vmul.f32 $-1.005033590e-02, v32;
	v28 =	vpop (erf)  }
0x10c: {  	v28 =	vsub.f32 $1.000000950e+00, v28  }
0x10d: {  	v27 =	vmul.f32 $1.442695020e+00, v27  }
0x10e: {  	(erf) = vrcp.f32 v28  }
0x10f: {  	(erf) = vpow2.f32 v27;
	_ =	sdelay $0x3  }
0x110: {  	v33 =	vld [tilespmem:$0x1CCD0];
	_ =	sdelay $0x3  }
0x111: {  	v27 =	vpop (erf)  }
0x112: {  	v28 =	vmul.f32 $-1.005033590e-02, v33;
	v29 =	vpop (erf)  }
0x113: {  	v29 =	vsub.f32 $1.000000950e+00, v29  }
0x114: {  	v28 =	vmul.f32 $1.442695020e+00, v28  }
0x115: {  	(erf) = vrcp.f32 v29  }
0x116: {  	(erf) = vpow2.f32 v28;
	_ =	sdelay $0x3  }
0x117: {  	v34 =	vld [tilespmem:$0x1CCE0];
	_ =	sdelay $0x3  }
0x118: {  	v28 =	vpop (erf)  }
0x119: {  	v29 =	vmul.f32 $-1.005033590e-02, v34;
	v30 =	vpop (erf)  }
0x11a: {  	v30 =	vsub.f32 $1.000000950e+00, v30  }
0x11b: {  	v29 =	vmul.f32 $1.442695020e+00, v29  }
0x11c: {  	(erf) = vrcp.f32 v30  }
0x11d: {  	(erf) = vpow2.f32 v29;
	_ =	sdelay $0x3  }
0x11e: {  	v35 =	vld [tilespmem:$0x1CCF0];
	_ =	sdelay $0x3  }
0x11f: {  	v29 =	vpop (erf)  }
0x120: {  	v30 =	vmul.f32 $-1.005033590e-02, v35;
	v31 =	vpop (erf)  }
0x121: {  	v31 =	vsub.f32 $1.000000950e+00, v31  }
0x122: {  	v30 =	vmul.f32 $1.442695020e+00, v30  }
0x123: {  	(erf) = vrcp.f32 v31  }
0x124: {  	(erf) = vpow2.f32 v30;
	_ =	sdelay $0x3  }
0x125: {  	v36 =	vld [tilespmem:$0x1CD00];
	_ =	sdelay $0x3  }
0x126: {  	v30 =	vpop (erf)  }
0x127: {  	v31 =	vmul.f32 $-1.005033590e-02, v36;
	v32 =	vpop (erf)  }
0x128: {  	v32 =	vsub.f32 $1.000000950e+00, v32  }
0x129: {  	v31 =	vmul.f32 $1.442695020e+00, v31  }
0x12a: {  	(erf) = vrcp.f32 v32  }
0x12b: {  	(erf) = vpow2.f32 v31;
	_ =	sdelay $0x3  }
0x12c: {  	v37 =	vld [tilespmem:$0x1CD10];
	_ =	sdelay $0x3  }
0x12d: {  	v31 =	vpop (erf)  }
0x12e: {  	v32 =	vmul.f32 $-1.005033590e-02, v37;
	v33 =	vpop (erf)  }
0x12f: {  	v33 =	vsub.f32 $1.000000950e+00, v33  }
0x130: {  	v32 =	vmul.f32 $1.442695020e+00, v32  }
0x131: {  	(erf) = vrcp.f32 v33  }
0x132: {  	(erf) = vpow2.f32 v32;
	_ =	sdelay $0x3  }
0x133: {  	v38 =	vld [tilespmem:$0x1CD20];
	_ =	sdelay $0x3  }
0x134: {  	v32 =	vpop (erf)  }
0x135: {  	v33 =	vmul.f32 $-1.005033590e-02, v38;
	v34 =	vpop (erf)  }
0x136: {  	v34 =	vsub.f32 $1.000000950e+00, v34  }
0x137: {  	v33 =	vmul.f32 $1.442695020e+00, v33  }
0x138: {  	(erf) = vrcp.f32 v34  }
0x139: {  	(erf) = vpow2.f32 v33;
	_ =	sdelay $0x3  }
0x13a: {  	v39 =	vld [tilespmem:$0x1CD30];
	_ =	sdelay $0x3  }
0x13b: {  	v33 =	vpop (erf)  }
0x13c: {  	v34 =	vmul.f32 $-1.005033590e-02, v39;
	v35 =	vpop (erf)  }
0x13d: {  	v35 =	vsub.f32 $1.000000950e+00, v35  }
0x13e: {  	v34 =	vmul.f32 $1.442695020e+00, v34  }
0x13f: {  	(erf) = vrcp.f32 v35  }
0x140: {  	(erf) = vpow2.f32 v34;
	_ =	sdelay $0x3  }
0x141: {  	v40 =	vld [tilespmem:$0x1CD40];
	_ =	sdelay $0x3  }
0x142: {  	v34 =	vpop (erf)  }
0x143: {  	v35 =	vmul.f32 $-1.005033590e-02, v40;
	v36 =	vpop (erf)  }
0x144: {  	v36 =	vsub.f32 $1.000000950e+00, v36  }
0x145: {  	v35 =	vmul.f32 $1.442695020e+00, v35  }
0x146: {  	(erf) = vrcp.f32 v36  }
0x147: {  	(erf) = vpow2.f32 v35;
	_ =	sdelay $0x3  }
0x148: {  	v41 =	vld [tilespmem:$0x1CD50];
	_ =	sdelay $0x3  }
0x149: {  	v35 =	vpop (erf)  }
0x14a: {  	v36 =	vmul.f32 $-1.005033590e-02, v41;
	v37 =	vpop (erf)  }
0x14b: {  	v37 =	vsub.f32 $1.000000950e+00, v37  }
0x14c: {  	v36 =	vmul.f32 $1.442695020e+00, v36  }
0x14d: {  	(erf) = vrcp.f32 v37  }
0x14e: {  	(erf) = vpow2.f32 v36;
	_ =	sdelay $0x3  }
0x14f: {  	v42 =	vld [tilespmem:$0x1CD60];
	_ =	sdelay $0x3  }
0x150: {  	v36 =	vpop (erf)  }
0x151: {  	v37 =	vmul.f32 $-1.005033590e-02, v42;
	v38 =	vpop (erf)  }
0x152: {  	v38 =	vsub.f32 $1.000000950e+00, v38  }
0x153: {  	v37 =	vmul.f32 $1.442695020e+00, v37  }
0x154: {  	(erf) = vrcp.f32 v38  }
0x155: {  	(erf) = vpow2.f32 v37;
	_ =	sdelay $0x3  }
0x156: {  	v43 =	vld [tilespmem:$0x1CD70];
	_ =	sdelay $0x3  }
0x157: {  	v37 =	vpop (erf)  }
0x158: {  	v38 =	vmul.f32 $-1.005033590e-02, v43;
	v39 =	vpop (erf)  }
0x159: {  	v39 =	vsub.f32 $1.000000950e+00, v39  }
0x15a: {  	v38 =	vmul.f32 $1.442695020e+00, v38  }
0x15b: {  	(erf) = vrcp.f32 v39  }
0x15c: {  	(erf) = vpow2.f32 v38;
	_ =	sdelay $0x3  }
0x15d: {  	v44 =	vld [tilespmem:$0x1CD80];
	_ =	sdelay $0x3  }
0x15e: {  	v38 =	vpop (erf)  }
0x15f: {  	v39 =	vmul.f32 $-1.005033590e-02, v44;
	v40 =	vpop (erf)  }
0x160: {  	v40 =	vsub.f32 $1.000000950e+00, v40  }
0x161: {  	v39 =	vmul.f32 $1.442695020e+00, v39  }
0x162: {  	(erf) = vrcp.f32 v40  }
0x163: {  	(erf) = vpow2.f32 v39;
	_ =	sdelay $0x3  }
0x164: {  	v45 =	vld [tilespmem:$0x1CD90];
	_ =	sdelay $0x3  }
0x165: {  	v39 =	vpop (erf)  }
0x166: {  	v40 =	vmul.f32 $-1.005033590e-02, v45;
	v41 =	vpop (erf)  }
0x167: {  	v41 =	vsub.f32 $1.000000950e+00, v41  }
0x168: {  	v40 =	vmul.f32 $1.442695020e+00, v40  }
0x169: {  	(erf) = vrcp.f32 v41  }
0x16a: {  	(erf) = vpow2.f32 v40;
	_ =	sdelay $0x3  }
0x16b: {  	v46 =	vld [tilespmem:$0x1CDA0];
	_ =	sdelay $0x3  }
0x16c: {  	v40 =	vpop (erf)  }
0x16d: {  	v41 =	vmul.f32 $-1.005033590e-02, v46;
	v42 =	vpop (erf)  }
0x16e: {  	v42 =	vsub.f32 $1.000000950e+00, v42  }
0x16f: {  	v41 =	vmul.f32 $1.442695020e+00, v41  }
0x170: {  	(erf) = vrcp.f32 v42  }
0x171: {  	(erf) = vpow2.f32 v41;
	_ =	sdelay $0x3  }
0x172: {  	v47 =	vld [tilespmem:$0x1CDB0];
	_ =	sdelay $0x3  }
0x173: {  	v41 =	vpop (erf)  }
0x174: {  	v42 =	vmul.f32 $-1.005033590e-02, v47;
	v43 =	vpop (erf)  }
0x175: {  	v43 =	vsub.f32 $1.000000950e+00, v43  }
0x176: {  	v42 =	vmul.f32 $1.442695020e+00, v42  }
0x177: {  	(erf) = vrcp.f32 v43  }
0x178: {  	(erf) = vpow2.f32 v42;
	_ =	sdelay $0x3  }
0x179: {  	v48 =	vld [tilespmem:$0x1CDC0];
	_ =	sdelay $0x3  }
0x17a: {  	v42 =	vpop (erf)  }
0x17b: {  	v43 =	vmul.f32 $-1.005033590e-02, v48;
	v44 =	vpop (erf)  }
0x17c: {  	v44 =	vsub.f32 $1.000000950e+00, v44  }
0x17d: {  	v43 =	vmul.f32 $1.442695020e+00, v43  }
0x17e: {  	(erf) = vrcp.f32 v44  }
0x17f: {  	(erf) = vpow2.f32 v43;
	_ =	sdelay $0x3  }
0x180: {  	v49 =	vld [tilespmem:$0x1CDD0];
	_ =	sdelay $0x3  }
0x181: {  	v43 =	vpop (erf)  }
0x182: {  	v44 =	vmul.f32 $-1.005033590e-02, v49;
	v45 =	vpop (erf)  }
0x183: {  	v45 =	vsub.f32 $1.000000950e+00, v45  }
0x184: {  	v44 =	vmul.f32 $1.442695020e+00, v44  }
0x185: {  	(erf) = vrcp.f32 v45  }
0x186: {  	(erf) = vpow2.f32 v44;
	_ =	sdelay $0x3  }
0x187: {  	v50 =	vld [tilespmem:$0x1CDE0];
	_ =	sdelay $0x3  }
0x188: {  	v44 =	vpop (erf)  }
0x189: {  	v45 =	vmul.f32 $-1.005033590e-02, v50;
	v46 =	vpop (erf)  }
0x18a: {  	v46 =	vsub.f32 $1.000000950e+00, v46  }
0x18b: {  	v45 =	vmul.f32 $1.442695020e+00, v45  }
0x18c: {  	(erf) = vrcp.f32 v46  }
0x18d: {  	(erf) = vpow2.f32 v45;
	_ =	sdelay $0x3  }
0x18e: {  	v51 =	vld [tilespmem:$0x1CDF0];
	_ =	sdelay $0x3  }
0x18f: {  	v45 =	vpop (erf)  }
0x190: {  	v46 =	vmul.f32 $-1.005033590e-02, v51;
	v47 =	vpop (erf)  }
0x191: {  	v47 =	vsub.f32 $1.000000950e+00, v47  }
0x192: {  	v46 =	vmul.f32 $1.442695020e+00, v46  }
0x193: {  	(erf) = vrcp.f32 v47  }
0x194: {  	(erf) = vpow2.f32 v46;
	_ =	sdelay $0x3  }
0x195: {  	v52 =	vld [tilespmem:$0x1CE00];
	_ =	sdelay $0x3  }
0x196: {  	v46 =	vpop (erf)  }
0x197: {  	v47 =	vmul.f32 $-1.005033590e-02, v52;
	v48 =	vpop (erf)  }
0x198: {  	v48 =	vsub.f32 $1.000000950e+00, v48  }
0x199: {  	v47 =	vmul.f32 $1.442695020e+00, v47  }
0x19a: {  	(erf) = vrcp.f32 v48  }
0x19b: {  	(erf) = vpow2.f32 v47;
	_ =	sdelay $0x3  }
0x19c: {  	v53 =	vld [tilespmem:$0x1CE10];
	_ =	sdelay $0x3  }
0x19d: {  	v47 =	vpop (erf)  }
0x19e: {  	v48 =	vmul.f32 $-1.005033590e-02, v53;
	v49 =	vpop (erf)  }
0x19f: {  	v49 =	vsub.f32 $1.000000950e+00, v49  }
0x1a0: {  	v48 =	vmul.f32 $1.442695020e+00, v48  }
0x1a1: {  	(erf) = vrcp.f32 v49  }
0x1a2: {  	(erf) = vpow2.f32 v48;
	_ =	sdelay $0x3  }
0x1a3: {  	v54 =	vld [tilespmem:$0x1CE20];
	_ =	sdelay $0x3  }
0x1a4: {  	v48 =	vpop (erf)  }
0x1a5: {  	v49 =	vmul.f32 $-1.005033590e-02, v54;
	v50 =	vpop (erf)  }
0x1a6: {  	v50 =	vsub.f32 $1.000000950e+00, v50  }
0x1a7: {  	v49 =	vmul.f32 $1.442695020e+00, v49  }
0x1a8: {  	(erf) = vrcp.f32 v50  }
0x1a9: {  	(erf) = vpow2.f32 v49;
	_ =	sdelay $0x3  }
0x1aa: {  	v55 =	vld [tilespmem:$0x1CE30];
	_ =	sdelay $0x3  }
0x1ab: {  	v49 =	vpop (erf)  }
0x1ac: {  	v50 =	vmul.f32 $-1.005033590e-02, v55;
	v51 =	vpop (erf)  }
0x1ad: {  	v51 =	vsub.f32 $1.000000950e+00, v51  }
0x1ae: {  	v50 =	vmul.f32 $1.442695020e+00, v50  }
0x1af: {  	(erf) = vrcp.f32 v51  }
0x1b0: {  	(erf) = vpow2.f32 v50;
	_ =	sdelay $0x3  }
0x1b1: {  	v56 =	vld [tilespmem:$0x1CE40];
	_ =	sdelay $0x3  }
0x1b2: {  	v50 =	vpop (erf)  }
0x1b3: {  	v51 =	vmul.f32 $-1.005033590e-02, v56;
	v52 =	vpop (erf)  }
0x1b4: {  	v52 =	vsub.f32 $1.000000950e+00, v52  }
0x1b5: {  	v51 =	vmul.f32 $1.442695020e+00, v51  }
0x1b6: {  	(erf) = vrcp.f32 v52  }
0x1b7: {  	(erf) = vpow2.f32 v51;
	_ =	sdelay $0x3  }
0x1b8: {  	v57 =	vld [tilespmem:$0x1CE50];
	_ =	sdelay $0x3  }
0x1b9: {  	v51 =	vpop (erf)  }
0x1ba: {  	v52 =	vmul.f32 $-1.005033590e-02, v57;
	v53 =	vpop (erf)  }
0x1bb: {  	v53 =	vsub.f32 $1.000000950e+00, v53  }
0x1bc: {  	v52 =	vmul.f32 $1.442695020e+00, v52  }
0x1bd: {  	(erf) = vrcp.f32 v53  }
0x1be: {  	(erf) = vpow2.f32 v52;
	_ =	sdelay $0x3  }
0x1bf: {  	v58 =	vld [tilespmem:$0x1CE60];
	_ =	sdelay $0x3  }
0x1c0: {  	v52 =	vpop (erf)  }
0x1c1: {  	v53 =	vmul.f32 $-1.005033590e-02, v58;
	v54 =	vpop (erf)  }
0x1c2: {  	v54 =	vsub.f32 $1.000000950e+00, v54  }
0x1c3: {  	v53 =	vmul.f32 $1.442695020e+00, v53  }
0x1c4: {  	(erf) = vrcp.f32 v54  }
0x1c5: {  	(erf) = vpow2.f32 v53;
	_ =	sdelay $0x3  }
0x1c6: {  	v59 =	vld [tilespmem:$0x1CE70];
	_ =	sdelay $0x3  }
0x1c7: {  	v54 =	vpop (erf)  }
0x1c8: {  	v53 =	vmul.f32 $-1.005033590e-02, v59;
	v55 =	vpop (erf)  }
0x1c9: {  	v55 =	vsub.f32 $1.000000950e+00, v55  }
0x1ca: {  	v53 =	vmul.f32 $1.442695020e+00, v53  }
0x1cb: {  	(erf) = vrcp.f32 v55  }
0x1cc: {  	(erf) = vpow2.f32 v53;
	_ =	sdelay $0x3  }
0x1cd: {  	v60 =	vld [tilespmem:$0x1CE80];
	_ =	sdelay $0x3  }
0x1ce: {  	v55 =	vpop (erf)  }
0x1cf: {  	v53 =	vmul.f32 $-1.005033590e-02, v60;
	v56 =	vpop (erf)  }
0x1d0: {  	v56 =	vsub.f32 $1.000000950e+00, v56  }
0x1d1: {  	v53 =	vmul.f32 $1.442695020e+00, v53  }
0x1d2: {  	(erf) = vrcp.f32 v56  }
0x1d3: {  	(erf) = vpow2.f32 v53;
	_ =	sdelay $0x3  }
0x1d4: {  	v61 =	vld [tilespmem:$0x1CE90];
	_ =	sdelay $0x3  }
0x1d5: {  	v56 =	vpop (erf)  }
0x1d6: {  	v53 =	vmul.f32 $-1.005033590e-02, v61;
	v57 =	vpop (erf)  }
0x1d7: {  	v57 =	vsub.f32 $1.000000950e+00, v57  }
0x1d8: {  	v53 =	vmul.f32 $1.442695020e+00, v53  }
0x1d9: {  	(erf) = vrcp.f32 v57  }
0x1da: {  	(erf) = vpow2.f32 v53;
	_ =	sdelay $0x3  }
0x1db: {  	v62 =	vld [tilespmem:$0x1CEA0];
	_ =	sdelay $0x3  }
0x1dc: {  	v57 =	vpop (erf)  }
0x1dd: {  	v53 =	vmul.f32 $-1.005033590e-02, v62;
	v58 =	vpop (erf)  }
0x1de: {  	v58 =	vsub.f32 $1.000000950e+00, v58  }
0x1df: {  	v53 =	vmul.f32 $1.442695020e+00, v53  }
0x1e0: {  	(erf) = vrcp.f32 v58  }
0x1e1: {  	(erf) = vpow2.f32 v53;
	_ =	sdelay $0x3  }
0x1e2: {  	v63 =	vld [tilespmem:$0x1CEB0];
	_ =	sdelay $0x3  }
0x1e3: {  	v58 =	vpop (erf)  }
0x1e4: {  	v53 =	vmul.f32 $-1.005033590e-02, v63;
	v59 =	vpop (erf)  }
0x1e5: {  	v59 =	vsub.f32 $1.000000950e+00, v59  }
0x1e6: {  	v53 =	vmul.f32 $1.442695020e+00, v53  }
0x1e7: {  	(erf) = vrcp.f32 v59  }
0x1e8: {  	(erf) = vpow2.f32 v53;
	_ =	sdelay $0x3  }
0x1e9: {  	v53 =	vld [tilespmem:$0x1CEC0];
	_ =	sdelay $0x3  }
0x1ea: {  	v59 =	vpop (erf)  }
0x1eb: {  	v53 =	vmul.f32 $-1.005033590e-02, v53;
	v60 =	vpop (erf)  }
0x1ec: {  	v60 =	vsub.f32 $1.000000950e+00, v60  }
0x1ed: {  	[tilespmem:$0x1CF00] =	vst v0;
	v0 =	vmul.f32 $1.442695020e+00, v53  }
0x1ee: {  	[tilespmem:$0x1CF10] =	vst v1;
	(erf) = vrcp.f32 v60  }
0x1ef: {  	[tilespmem:$0x1CF20] =	vst v2;
	(erf) = vpow2.f32 v0  }
0x1f0: {  	[tilespmem:$0x1CF30] =	vst v3  }
0x1f1: {  	[tilespmem:$0x1CF40] =	vst v4  }
0x1f2: {  	[tilespmem:$0x1CF50] =	vst v5  }
0x1f3: {  	[tilespmem:$0x1CF60] =	vst v6;
	v0 =	vld [tilespmem:$0x1CED0]  }
0x1f4: {  	[tilespmem:$0x1CF70] =	vst v7  }
0x1f5: {  	[tilespmem:$0x1CF80] =	vst v8  }
0x1f6: {  	[tilespmem:$0x1CF90] =	vst v9  }
0x1f7: {  	[tilespmem:$0x1CFA0] =	vst v10;
	v1 =	vpop (erf)  }
0x1f8: {  	[tilespmem:$0x1CFB0] =	vst v11;
	v0 =	vmul.f32 $-1.005033590e-02, v0;
	v2 =	vpop (erf)  }
0x1f9: {  	[tilespmem:$0x1CFC0] =	vst v12;
	v2 =	vsub.f32 $1.000000950e+00, v2  }
0x1fa: {  	[tilespmem:$0x1CFD0] =	vst v13;
	v0 =	vmul.f32 $1.442695020e+00, v0  }
0x1fb: {  	[tilespmem:$0x1CFE0] =	vst v14;
	(erf) = vrcp.f32 v2  }
0x1fc: {  	[tilespmem:$0x1CFF0] =	vst v15;
	(erf) = vpow2.f32 v0  }
0x1fd: {  	[tilespmem:$0x1D000] =	vst v16  }
0x1fe: {  	[tilespmem:$0x1D010] =	vst v17  }
0x1ff: {  	[tilespmem:$0x1D020] =	vst v18  }
0x200: {  	[tilespmem:$0x1D030] =	vst v19;
	v0 =	vld [tilespmem:$0x1CEE0]  }
0x201: {  	[tilespmem:$0x1D040] =	vst v20  }
0x202: {  	[tilespmem:$0x1D050] =	vst v21  }
0x203: {  	[tilespmem:$0x1D060] =	vst v22  }
0x204: {  	[tilespmem:$0x1D070] =	vst v23;
	v2 =	vpop (erf)  }
0x205: {  	[tilespmem:$0x1D080] =	vst v24;
	v0 =	vmul.f32 $-1.005033590e-02, v0;
	v3 =	vpop (erf)  }
0x206: {  	[tilespmem:$0x1D090] =	vst v25;
	v3 =	vsub.f32 $1.000000950e+00, v3  }
0x207: {  	[tilespmem:$0x1D0A0] =	vst v26;
	v0 =	vmul.f32 $1.442695020e+00, v0  }
0x208: {  	[tilespmem:$0x1D0B0] =	vst v27;
	(erf) = vrcp.f32 v3  }
0x209: {  	[tilespmem:$0x1D0C0] =	vst v28;
	(erf) = vpow2.f32 v0  }
0x20a: {  	[tilespmem:$0x1D0D0] =	vst v29  }
0x20b: {  	[tilespmem:$0x1D0E0] =	vst v30  }
0x20c: {  	[tilespmem:$0x1D0F0] =	vst v31  }
0x20d: {  	[tilespmem:$0x1D100] =	vst v32;
	v0 =	vld [tilespmem:$0x1CEF0]  }
0x20e: {  	[tilespmem:$0x1D110] =	vst v33  }
0x20f: {  	[tilespmem:$0x1D120] =	vst v34  }
0x210: {  	[tilespmem:$0x1D130] =	vst v35  }
0x211: {  	[tilespmem:$0x1D140] =	vst v36;
	v3 =	vpop (erf)  }
0x212: {  	[tilespmem:$0x1D150] =	vst v37;
	v0 =	vmul.f32 $-1.005033590e-02, v0;
	v4 =	vpop (erf)  }
0x213: {  	[tilespmem:$0x1D160] =	vst v38;
	v4 =	vsub.f32 $1.000000950e+00, v4  }
0x214: {  	[tilespmem:$0x1D170] =	vst v39;
	v0 =	vmul.f32 $1.442695020e+00, v0  }
0x215: {  	[tilespmem:$0x1D180] =	vst v40;
	(erf) = vrcp.f32 v4  }
0x216: {  	[tilespmem:$0x1D190] =	vst v41;
	(erf) = vpow2.f32 v0  }
0x217: {  	[tilespmem:$0x1D1A0] =	vst v42  }
0x218: {  	[tilespmem:$0x1D1B0] =	vst v43  }
0x219: {  	[tilespmem:$0x1D1C0] =	vst v44  }
0x21a: {  	[tilespmem:$0x1D1D0] =	vst v45  }
0x21b: {  	[tilespmem:$0x1D1E0] =	vst v46  }
0x21c: {  	[tilespmem:$0x1D1F0] =	vst v47  }
0x21d: {  	[tilespmem:$0x1D200] =	vst v48  }
0x21e: {  	[tilespmem:$0x1D210] =	vst v49;
	v0 =	vpop (erf)  }
0x21f: {  	[tilespmem:$0x1D220] =	vst v50;
	v4 =	vpop (erf)  }
0x220: {  	[tilespmem:$0x1D230] =	vst v51;
	v4 =	vsub.f32 $1.000000950e+00, v4  }
0x221: {  	[tilespmem:$0x1D240] =	vst v52  }
0x222: {  	[tilespmem:$0x1D250] =	vst v54;
	(erf) = vrcp.f32 v4  }
0x223: {  	[tilespmem:$0x1D260] =	vst v55  }
0x224: {  	[tilespmem:$0x1D270] =	vst v56  }
0x225: {  	[tilespmem:$0x1D280] =	vst v57  }
0x226: {  	[tilespmem:$0x1D290] =	vst v58  }
0x227: {  	[tilespmem:$0x1D2A0] =	vst v59  }
0x228: {  	[tilespmem:$0x1D2B0] =	vst v1  }
0x229: {  	[tilespmem:$0x1D2C0] =	vst v2  }
0x22a: {  	[tilespmem:$0x1D2D0] =	vst v3  }
0x22b: {  	[tilespmem:$0x1D2E0] =	vst v0;
	v0 =	vpop (erf)  }
0x22c: {  	s13 =	simm.s32 $0x1CF00;
	[tilespmem:$0x1D2F0] =	vst v0  }
0x22d: {  	[spmem:s24] =	stream.linear.scatter [tilespmem:s13], [sflag:$0x4], $0x400, $0x38;
	[tilespmem:$0x1FB00] =	vst v63  }
0x22e: {  	_ =	swait.ge [sflag:s3], $0x400  }
0x22f: {  	[sflag:s3] =	ssyncset.done $0x0  }
0x230: {  	[sflag:s3] =	ssyncadd.s32 $0xFFFFFC00  }
0x231: {  	[bflag:$0x0] =	sbarrier.arrive $0xFFFF  }
0x232: {  	_ =	swait.ge [sflag:s6], $0x18700  }
0x233: {  	[sflag:s6] =	ssyncset.done $0x0  }
0x234: {  	[sflag:s6] =	ssyncadd.s32 $0xFFFE7900  }
0x235: {  	[tilespmem:s1], [sflag:$0x4] =	stream.linear.gather [spmem:s4], $0x1000, $0x38;
	[tilespmem:$0x1FB00] =	vst v63  }
0x236: {  	_ =	swait.ge [sflag:s3], $0x1000  }
0x237: {  	[sflag:s3] =	ssyncset.done $0x0  }
0x238: {  	s12 =	simm.s32 $0x0;
	[sflag:s3] =	ssyncadd.s32 $0xFFFFF000  }
0x239: {  	v0 =	vld [tilespmem:s12+$0x1CB10]  }
0x23a: {  	v1 =	vld [tilespmem:s12+$0x1CB30]  }
0x23b: {  	v3 =	vld [tilespmem:s12+$0x1CB50]  }
0x23c: {  	v2 =	vld [tilespmem:s12+$0x1CB40]  }
0x23d: {  	v4 =	vld [tilespmem:s12+$0x1CB00]  }
0x23e: {  	v5 =	vld [tilespmem:s12+$0x1CB70]  }
0x23f: {  	v13 =	vld [tilespmem:s12+$0x18B70]  }
0x240: {  	v6 =	vld [tilespmem:s12+$0x18B30]  }
0x241: {  	v8 =	vld [tilespmem:s12+$0x18B60]  }
0x242: {  	v10 =	vld [tilespmem:s12+$0x18B20]  }
0x243: {  	v11 =	vld [tilespmem:s12+$0x18B00]  }
0x244: {  	v7 =	vld [tilespmem:s12+$0x18B10]  }
0x245: {  	v12 =	vld [tilespmem:s12+$0x18B50]  }
0x246: {  	v9 =	vld [tilespmem:s12+$0x18B40]  }
0x247: {  	s9 =	simm.s32 $0x1DB40;
	s10 =	simm.s32 $0x1DB40;
	s11 =	simm.s32 $0x200;
	v13 =	vld.idx.msk [tilespmem:v13+s31+$0x0], $0xffff  }
.LBB2_2:
0x248: {  	p0 =	sne.s32 s11, $0x3E00  }
0x249: {  	v14 =	vld [tilespmem:s12+$0x1CB60];
	s10 =	sadd.s32 $0x100, s10;
	s13 =	smov.u32 s11;
	s11 =	sadd.s32 $0x200, s11  }
0x24a: {  	v15 =	vld [tilespmem:s12+$0x1CB20]  }
0x24b: {  	v10 =	vld.idx.msk [tilespmem:v10+s31+$0x0], $0xffff  }
0x24c: {  	v11 =	vld.idx.msk [tilespmem:v11+s31+$0x0], $0xffff  }
0x24d: {  	v8 =	vld.idx.msk [tilespmem:v8+s31+$0x0], $0xffff  }
0x24e: {  	v5 =	vmul.f32 v5, v13;
	v12 =	vld.idx.msk [tilespmem:v12+s31+$0x0], $0xffff  }
0x24f: {  	v6 =	vld.idx.msk [tilespmem:v6+s31+$0x0], $0xffff  }
0x250: {  	v9 =	vld.idx.msk [tilespmem:v9+s31+$0x0], $0xffff  }
0x251: {  	v10 =	vmul.f32 v15, v10;
	v7 =	vld.idx.msk [tilespmem:v7+s31+$0x0], $0xffff  }
0x252: {  	v4 =	vmul.f32 v4, v11;
	[tilespmem:s9+$0x30] =	vst v5  }
0x253: {  	v5 =	vmul.f32 v14, v8;
	[tilespmem:s9+$0xFFFFFFE0] =	vst v10  }
0x254: {  	v3 =	vmul.f32 v3, v12;
	[tilespmem:s9+$0xFFFFFFC0] =	vst v4  }
0x255: {  	v1 =	vmul.f32 v1, v6;
	[tilespmem:s9+$0x20] =	vst v5  }
0x256: {  	v2 =	vmul.f32 v2, v9;
	[tilespmem:s9+$0x10] =	vst v3  }
0x257: {  	v0 =	vmul.f32 v0, v7;
	[tilespmem:s9+$0xFFFFFFF0] =	vst v1  }
0x258: {  	s12 =	sshra.s32 s13, $0x2;
	[tilespmem:s9+$0x0] =	vst v2  }
0x259: {  	[tilespmem:s9+$0xFFFFFFD0] =	vst v0;
	s9 =	smov.u32 s10  }
0x25a: {  	v0 =	vld [tilespmem:s12+$0x1CB10]  }
0x25b: {  	v1 =	vld [tilespmem:s12+$0x1CB30]  }
0x25c: {  	v3 =	vld [tilespmem:s12+$0x1CB50]  }
0x25d: {  	v2 =	vld [tilespmem:s12+$0x1CB40]  }
0x25e: {  	v4 =	vld [tilespmem:s12+$0x1CB00]  }
0x25f: {  	v5 =	vld [tilespmem:s12+$0x1CB70]  }
0x260: {  	v13 =	vld [tilespmem:s12+$0x18B70]  }
0x261: {  	v6 =	vld [tilespmem:s12+$0x18B30]  }
0x262: {  	v8 =	vld [tilespmem:s12+$0x18B60]  }
0x263: {  	v10 =	vld [tilespmem:s12+$0x18B20]  }
.Ltmp0:
0x264: {  	v11 =	vld [tilespmem:s12+$0x18B00];
	(pc) =	sbr.rel @p0 .LBB2_2-.Ltmp0, $4  }
0x265: {  	v7 =	vld [tilespmem:s12+$0x18B10]  }
0x266: {  	v12 =	vld [tilespmem:s12+$0x18B50]  }
0x267: {  	v9 =	vld [tilespmem:s12+$0x18B40]  }
0x268: {  	v13 =	vld.idx.msk [tilespmem:v13+s31+$0x0], $0xffff  }
0x269: {  	_ =	sdelay $0x1  }
0x26a: {  	v14 =	vld [tilespmem:s12+$0x1CB60]  }
0x26b: {  	v15 =	vld [tilespmem:s12+$0x1CB20]  }
0x26c: {  	v10 =	vld.idx.msk [tilespmem:v10+s31+$0x0], $0xffff  }
0x26d: {  	v11 =	vld.idx.msk [tilespmem:v11+s31+$0x0], $0xffff  }
0x26e: {  	v8 =	vld.idx.msk [tilespmem:v8+s31+$0x0], $0xffff  }
0x26f: {  	v6 =	vld.idx.msk [tilespmem:v6+s31+$0x0], $0xffff  }
0x270: {  	v7 =	vld.idx.msk [tilespmem:v7+s31+$0x0], $0xffff;
	v5 =	vmul.f32 v5, v13  }
0x271: {  	v12 =	vld.idx.msk [tilespmem:v12+s31+$0x0], $0xffff;
	v10 =	vmul.f32 v15, v10  }
0x272: {  	v9 =	vld.idx.msk [tilespmem:v9+s31+$0x0], $0xffff;
	v4 =	vmul.f32 v4, v11;
	[tilespmem:s9+$0x30] =	vst v5  }
0x273: {  	v63 =	vmul.f32 v14, v8;
	[tilespmem:s9+$0xFFFFFFE0] =	vst v10  }
0x274: {  	v1 =	vmul.f32 v1, v6;
	[tilespmem:s9+$0xFFFFFFC0] =	vst v4  }
0x275: {  	v0 =	vmul.f32 v0, v7;
	[tilespmem:s9+$0x20] =	vst v63  }
0x276: {  	v3 =	vmul.f32 v3, v12;
	[tilespmem:s9+$0xFFFFFFF0] =	vst v1  }
0x277: {  	v2 =	vmul.f32 v2, v9;
	[tilespmem:s9+$0xFFFFFFD0] =	vst v0  }
0x278: {  	s10 =	simm.s32 $0x1DB00;
	[tilespmem:s9+$0x10] =	vst v3  }
0x279: {  	s12 =	sadd.s32 $0x0, s14;
	s11 =	simm.s32 $0x1DC00;
	[tilespmem:s9+$0x0] =	vst v2;
	s9 =	simm.s32 $0x80  }
.LBB2_4:
0x27a: {  	[hbm4b:s12+s5] =	stream.linear.scatter [tilespmem:s10], [sflag:$0x2], $0x80, $0x38;
	[tilespmem:$0x1FB00] =	vst v63  }
0x27b: {  	s12 =	smov.u32 s9;
	s10 =	smov.u32 s11;
	p0 =	sne.s32 s9, $0xF80  }
.Ltmp1:
0x27c: {  	s9 =	sadd.s32 $0x80, s9;
	(pc) =	sbr.rel @p0 .LBB2_4-.Ltmp1, $2  }
0x27d: {  	_ =	sdelay $0x2  }
0x27e: {  	s11 =	sadd.s32 $0x100, s11;
	s12 =	sadd.s32 s12, s14  }
0x27f: {  	[hbm4b:s12+s5] =	stream.linear.scatter [tilespmem:s10], [sflag:$0x2], $0x80, $0x38;
	[tilespmem:$0x1FB00] =	vst v63  }
0x280: {  	_ = 	snop  }
0x281: {  	[tilespmem:s1], [sflag:$0x4] =	stream.linear.gather [spmem:s26], $0x1000, $0x38;
	[tilespmem:$0x1FB00] =	vst v63  }
0x282: {  	_ =	swait.ge [sflag:s3], $0x1000  }
0x283: {  	[sflag:s3] =	ssyncset.done $0x0  }
0x284: {  	s12 =	simm.s32 $0x0;
	[sflag:s3] =	ssyncadd.s32 $0xFFFFF000  }
0x285: {  	v0 =	vld [tilespmem:s12+$0x1CB10]  }
0x286: {  	v1 =	vld [tilespmem:s12+$0x1CB30]  }
0x287: {  	v3 =	vld [tilespmem:s12+$0x1CB50]  }
0x288: {  	v2 =	vld [tilespmem:s12+$0x1CB40]  }
0x289: {  	v4 =	vld [tilespmem:s12+$0x1CB00]  }
0x28a: {  	v5 =	vld [tilespmem:s12+$0x1CB70]  }
0x28b: {  	v13 =	vld [tilespmem:s12+$0x19B70]  }
0x28c: {  	v6 =	vld [tilespmem:s12+$0x19B30]  }
0x28d: {  	v8 =	vld [tilespmem:s12+$0x19B60]  }
0x28e: {  	v10 =	vld [tilespmem:s12+$0x19B20]  }
0x28f: {  	v11 =	vld [tilespmem:s12+$0x19B00]  }
0x290: {  	v7 =	vld [tilespmem:s12+$0x19B10]  }
0x291: {  	v12 =	vld [tilespmem:s12+$0x19B50]  }
0x292: {  	v9 =	vld [tilespmem:s12+$0x19B40]  }
0x293: {  	s10 =	simm.s32 $0x1DBF0;
	s11 =	simm.s32 $0x200;
	s9 =	simm.s32 $0x1DBF0;
	v13 =	vld.idx.msk [tilespmem:v13+s31+$0x0], $0xffff  }
.LBB2_6:
0x294: {  	p0 =	sne.s32 s11, $0x3E00  }
0x295: {  	v14 =	vld [tilespmem:s12+$0x1CB60];
	s10 =	sadd.s32 $0x100, s10;
	s13 =	smov.u32 s11;
	s11 =	sadd.s32 $0x200, s11  }
0x296: {  	v15 =	vld [tilespmem:s12+$0x1CB20]  }
0x297: {  	v10 =	vld.idx.msk [tilespmem:v10+s31+$0x0], $0xffff  }
0x298: {  	v11 =	vld.idx.msk [tilespmem:v11+s31+$0x0], $0xffff  }
0x299: {  	v8 =	vld.idx.msk [tilespmem:v8+s31+$0x0], $0xffff  }
0x29a: {  	v5 =	vmul.f32 v5, v13;
	v12 =	vld.idx.msk [tilespmem:v12+s31+$0x0], $0xffff  }
0x29b: {  	v6 =	vld.idx.msk [tilespmem:v6+s31+$0x0], $0xffff  }
0x29c: {  	v9 =	vld.idx.msk [tilespmem:v9+s31+$0x0], $0xffff  }
0x29d: {  	v10 =	vmul.f32 v15, v10;
	v7 =	vld.idx.msk [tilespmem:v7+s31+$0x0], $0xffff  }
0x29e: {  	v4 =	vmul.f32 v4, v11;
	[tilespmem:s9+$0x0] =	vst v5  }
0x29f: {  	v5 =	vmul.f32 v14, v8;
	[tilespmem:s9+$0xFFFFFFB0] =	vst v10  }
0x2a0: {  	v3 =	vmul.f32 v3, v12;
	[tilespmem:s9+$0xFFFFFF90] =	vst v4  }
0x2a1: {  	v1 =	vmul.f32 v1, v6;
	[tilespmem:s9+$0xFFFFFFF0] =	vst v5  }
0x2a2: {  	v2 =	vmul.f32 v2, v9;
	[tilespmem:s9+$0xFFFFFFE0] =	vst v3  }
0x2a3: {  	v0 =	vmul.f32 v0, v7;
	[tilespmem:s9+$0xFFFFFFC0] =	vst v1  }
0x2a4: {  	s12 =	sshra.s32 s13, $0x2;
	[tilespmem:s9+$0xFFFFFFD0] =	vst v2  }
0x2a5: {  	[tilespmem:s9+$0xFFFFFFA0] =	vst v0;
	s9 =	smov.u32 s10  }
0x2a6: {  	v0 =	vld [tilespmem:s12+$0x1CB10]  }
0x2a7: {  	v1 =	vld [tilespmem:s12+$0x1CB30]  }
0x2a8: {  	v3 =	vld [tilespmem:s12+$0x1CB50]  }
0x2a9: {  	v2 =	vld [tilespmem:s12+$0x1CB40]  }
0x2aa: {  	v4 =	vld [tilespmem:s12+$0x1CB00]  }
0x2ab: {  	v5 =	vld [tilespmem:s12+$0x1CB70]  }
0x2ac: {  	v13 =	vld [tilespmem:s12+$0x19B70]  }
0x2ad: {  	v6 =	vld [tilespmem:s12+$0x19B30]  }
0x2ae: {  	v8 =	vld [tilespmem:s12+$0x19B60]  }
0x2af: {  	v10 =	vld [tilespmem:s12+$0x19B20]  }
.Ltmp2:
0x2b0: {  	v11 =	vld [tilespmem:s12+$0x19B00];
	(pc) =	sbr.rel @p0 .LBB2_6-.Ltmp2, $4  }
0x2b1: {  	v7 =	vld [tilespmem:s12+$0x19B10]  }
0x2b2: {  	v12 =	vld [tilespmem:s12+$0x19B50]  }
0x2b3: {  	v9 =	vld [tilespmem:s12+$0x19B40]  }
0x2b4: {  	v13 =	vld.idx.msk [tilespmem:v13+s31+$0x0], $0xffff  }
0x2b5: {  	_ =	sdelay $0x1  }
0x2b6: {  	v14 =	vld [tilespmem:s12+$0x1CB60]  }
0x2b7: {  	v15 =	vld [tilespmem:s12+$0x1CB20]  }
0x2b8: {  	v10 =	vld.idx.msk [tilespmem:v10+s31+$0x0], $0xffff  }
0x2b9: {  	v11 =	vld.idx.msk [tilespmem:v11+s31+$0x0], $0xffff  }
0x2ba: {  	v8 =	vld.idx.msk [tilespmem:v8+s31+$0x0], $0xffff  }
0x2bb: {  	v6 =	vld.idx.msk [tilespmem:v6+s31+$0x0], $0xffff  }
0x2bc: {  	v7 =	vld.idx.msk [tilespmem:v7+s31+$0x0], $0xffff;
	v5 =	vmul.f32 v5, v13  }
0x2bd: {  	v12 =	vld.idx.msk [tilespmem:v12+s31+$0x0], $0xffff;
	v10 =	vmul.f32 v15, v10  }
0x2be: {  	v9 =	vld.idx.msk [tilespmem:v9+s31+$0x0], $0xffff;
	v4 =	vmul.f32 v4, v11;
	[tilespmem:s9+$0x0] =	vst v5  }
0x2bf: {  	v63 =	vmul.f32 v14, v8;
	[tilespmem:s9+$0xFFFFFFB0] =	vst v10  }
0x2c0: {  	v1 =	vmul.f32 v1, v6;
	[tilespmem:s9+$0xFFFFFF90] =	vst v4  }
0x2c1: {  	v0 =	vmul.f32 v0, v7;
	[tilespmem:s9+$0xFFFFFFF0] =	vst v63  }
0x2c2: {  	v3 =	vmul.f32 v3, v12;
	[tilespmem:s9+$0xFFFFFFC0] =	vst v1  }
0x2c3: {  	v2 =	vmul.f32 v2, v9;
	[tilespmem:s9+$0xFFFFFFA0] =	vst v0  }
0x2c4: {  	s10 =	simm.s32 $0x1DB80;
	[tilespmem:s9+$0xFFFFFFE0] =	vst v3  }
0x2c5: {  	s12 =	sadd.s32 $0x0, s15;
	s11 =	simm.s32 $0x1DC80;
	[tilespmem:s9+$0xFFFFFFD0] =	vst v2;
	s9 =	simm.s32 $0x80  }
.LBB2_8:
0x2c6: {  	[hbm4b:s12+s5] =	stream.linear.scatter [tilespmem:s10], [sflag:$0x2], $0x80, $0x38;
	[tilespmem:$0x1FB00] =	vst v63  }
0x2c7: {  	s12 =	smov.u32 s9;
	s10 =	smov.u32 s11;
	p0 =	sne.s32 s9, $0xF80  }
.Ltmp3:
0x2c8: {  	s9 =	sadd.s32 $0x80, s9;
	(pc) =	sbr.rel @p0 .LBB2_8-.Ltmp3, $2  }
0x2c9: {  	_ =	sdelay $0x2  }
0x2ca: {  	s11 =	sadd.s32 $0x100, s11;
	s12 =	sadd.s32 s12, s15  }
0x2cb: {  	[hbm4b:s12+s5] =	stream.linear.scatter [tilespmem:s10], [sflag:$0x2], $0x80, $0x38;
	[tilespmem:$0x1FB00] =	vst v63  }
0x2cc: {  	_ = 	snop  }
0x2cd: {  	[tilespmem:s1], [sflag:$0x4] =	stream.linear.gather [spmem:s28], $0x1000, $0x38;
	[tilespmem:$0x1FB00] =	vst v63  }
0x2ce: {  	_ =	swait.ge [sflag:s3], $0x1000  }
0x2cf: {  	[sflag:s3] =	ssyncset.done $0x0  }
0x2d0: {  	[sflag:s3] =	ssyncadd.s32 $0xFFFFF000  }
0x2d1: {  	_ =	swait.ge [sflag:s7], $0x1000  }
0x2d2: {  	[sflag:s7] =	ssyncset.done $0x0  }
0x2d3: {  	s12 =	simm.s32 $0x0;
	[sflag:s7] =	ssyncadd.s32 $0xFFFFF000  }
0x2d4: {  	v0 =	vld [tilespmem:s12+$0x1CB10]  }
0x2d5: {  	v1 =	vld [tilespmem:s12+$0x1CB30]  }
0x2d6: {  	v3 =	vld [tilespmem:s12+$0x1CB50]  }
0x2d7: {  	v2 =	vld [tilespmem:s12+$0x1CB40]  }
0x2d8: {  	v4 =	vld [tilespmem:s12+$0x1CB00]  }
0x2d9: {  	v5 =	vld [tilespmem:s12+$0x1CB70]  }
0x2da: {  	v13 =	vld [tilespmem:s12+$0x1AB70]  }
0x2db: {  	v6 =	vld [tilespmem:s12+$0x1AB30]  }
0x2dc: {  	v8 =	vld [tilespmem:s12+$0x1AB60]  }
0x2dd: {  	v10 =	vld [tilespmem:s12+$0x1AB20]  }
0x2de: {  	v11 =	vld [tilespmem:s12+$0x1AB00]  }
0x2df: {  	v7 =	vld [tilespmem:s12+$0x1AB10]  }
0x2e0: {  	v12 =	vld [tilespmem:s12+$0x1AB50]  }
0x2e1: {  	v9 =	vld [tilespmem:s12+$0x1AB40]  }
0x2e2: {  	s10 =	simm.s32 $0x1DB40;
	s11 =	simm.s32 $0x200;
	s9 =	simm.s32 $0x1DB40;
	v13 =	vld.idx.msk [tilespmem:v13+s31+$0x0], $0xffff  }
.LBB2_10:
0x2e3: {  	p0 =	sne.s32 s11, $0x3E00  }
0x2e4: {  	v14 =	vld [tilespmem:s12+$0x1CB60];
	s10 =	sadd.s32 $0x100, s10;
	s13 =	smov.u32 s11;
	s11 =	sadd.s32 $0x200, s11  }
0x2e5: {  	v15 =	vld [tilespmem:s12+$0x1CB20]  }
0x2e6: {  	v10 =	vld.idx.msk [tilespmem:v10+s31+$0x0], $0xffff  }
0x2e7: {  	v11 =	vld.idx.msk [tilespmem:v11+s31+$0x0], $0xffff  }
0x2e8: {  	v8 =	vld.idx.msk [tilespmem:v8+s31+$0x0], $0xffff  }
0x2e9: {  	v5 =	vmul.f32 v5, v13;
	v12 =	vld.idx.msk [tilespmem:v12+s31+$0x0], $0xffff  }
0x2ea: {  	v6 =	vld.idx.msk [tilespmem:v6+s31+$0x0], $0xffff  }
0x2eb: {  	v9 =	vld.idx.msk [tilespmem:v9+s31+$0x0], $0xffff  }
0x2ec: {  	v10 =	vmul.f32 v15, v10;
	v7 =	vld.idx.msk [tilespmem:v7+s31+$0x0], $0xffff  }
0x2ed: {  	v4 =	vmul.f32 v4, v11;
	[tilespmem:s9+$0x30] =	vst v5  }
0x2ee: {  	v5 =	vmul.f32 v14, v8;
	[tilespmem:s9+$0xFFFFFFE0] =	vst v10  }
0x2ef: {  	v3 =	vmul.f32 v3, v12;
	[tilespmem:s9+$0xFFFFFFC0] =	vst v4  }
0x2f0: {  	v1 =	vmul.f32 v1, v6;
	[tilespmem:s9+$0x20] =	vst v5  }
0x2f1: {  	v2 =	vmul.f32 v2, v9;
	[tilespmem:s9+$0x10] =	vst v3  }
0x2f2: {  	v0 =	vmul.f32 v0, v7;
	[tilespmem:s9+$0xFFFFFFF0] =	vst v1  }
0x2f3: {  	s12 =	sshra.s32 s13, $0x2;
	[tilespmem:s9+$0x0] =	vst v2  }
0x2f4: {  	[tilespmem:s9+$0xFFFFFFD0] =	vst v0;
	s9 =	smov.u32 s10  }
0x2f5: {  	v0 =	vld [tilespmem:s12+$0x1CB10]  }
0x2f6: {  	v1 =	vld [tilespmem:s12+$0x1CB30]  }
0x2f7: {  	v3 =	vld [tilespmem:s12+$0x1CB50]  }
0x2f8: {  	v2 =	vld [tilespmem:s12+$0x1CB40]  }
0x2f9: {  	v4 =	vld [tilespmem:s12+$0x1CB00]  }
0x2fa: {  	v5 =	vld [tilespmem:s12+$0x1CB70]  }
0x2fb: {  	v13 =	vld [tilespmem:s12+$0x1AB70]  }
0x2fc: {  	v6 =	vld [tilespmem:s12+$0x1AB30]  }
0x2fd: {  	v8 =	vld [tilespmem:s12+$0x1AB60]  }
0x2fe: {  	v10 =	vld [tilespmem:s12+$0x1AB20]  }
.Ltmp4:
0x2ff: {  	v11 =	vld [tilespmem:s12+$0x1AB00];
	(pc) =	sbr.rel @p0 .LBB2_10-.Ltmp4, $4  }
0x300: {  	v7 =	vld [tilespmem:s12+$0x1AB10]  }
0x301: {  	v12 =	vld [tilespmem:s12+$0x1AB50]  }
0x302: {  	v9 =	vld [tilespmem:s12+$0x1AB40]  }
0x303: {  	v13 =	vld.idx.msk [tilespmem:v13+s31+$0x0], $0xffff  }
0x304: {  	_ =	sdelay $0x1  }
0x305: {  	v14 =	vld [tilespmem:s12+$0x1CB60]  }
0x306: {  	v15 =	vld [tilespmem:s12+$0x1CB20]  }
0x307: {  	v10 =	vld.idx.msk [tilespmem:v10+s31+$0x0], $0xffff  }
0x308: {  	v11 =	vld.idx.msk [tilespmem:v11+s31+$0x0], $0xffff  }
0x309: {  	v8 =	vld.idx.msk [tilespmem:v8+s31+$0x0], $0xffff  }
0x30a: {  	v6 =	vld.idx.msk [tilespmem:v6+s31+$0x0], $0xffff  }
0x30b: {  	v7 =	vld.idx.msk [tilespmem:v7+s31+$0x0], $0xffff;
	v5 =	vmul.f32 v5, v13  }
0x30c: {  	v12 =	vld.idx.msk [tilespmem:v12+s31+$0x0], $0xffff;
	v10 =	vmul.f32 v15, v10  }
0x30d: {  	v9 =	vld.idx.msk [tilespmem:v9+s31+$0x0], $0xffff;
	v4 =	vmul.f32 v4, v11;
	[tilespmem:s9+$0x30] =	vst v5  }
0x30e: {  	v63 =	vmul.f32 v14, v8;
	[tilespmem:s9+$0xFFFFFFE0] =	vst v10  }
0x30f: {  	v1 =	vmul.f32 v1, v6;
	[tilespmem:s9+$0xFFFFFFC0] =	vst v4  }
0x310: {  	v0 =	vmul.f32 v0, v7;
	[tilespmem:s9+$0x20] =	vst v63  }
0x311: {  	v3 =	vmul.f32 v3, v12;
	[tilespmem:s9+$0xFFFFFFF0] =	vst v1  }
0x312: {  	v2 =	vmul.f32 v2, v9;
	[tilespmem:s9+$0xFFFFFFD0] =	vst v0  }
0x313: {  	s10 =	simm.s32 $0x1DB00;
	[tilespmem:s9+$0x10] =	vst v3  }
0x314: {  	s12 =	sadd.s32 $0x0, s17;
	s11 =	simm.s32 $0x1DC00;
	[tilespmem:s9+$0x0] =	vst v2;
	s9 =	simm.s32 $0x80  }
.LBB2_12:
0x315: {  	[hbm4b:s12+s5] =	stream.linear.scatter [tilespmem:s10], [sflag:$0x2], $0x80, $0x38;
	[tilespmem:$0x1FB00] =	vst v63  }
0x316: {  	s12 =	smov.u32 s9;
	s10 =	smov.u32 s11;
	p0 =	sne.s32 s9, $0xF80  }
.Ltmp5:
0x317: {  	s9 =	sadd.s32 $0x80, s9;
	(pc) =	sbr.rel @p0 .LBB2_12-.Ltmp5, $2  }
0x318: {  	_ =	sdelay $0x2  }
0x319: {  	s11 =	sadd.s32 $0x100, s11;
	s12 =	sadd.s32 s12, s17  }
0x31a: {  	[hbm4b:s12+s5] =	stream.linear.scatter [tilespmem:s10], [sflag:$0x2], $0x80, $0x38;
	[tilespmem:$0x1FB00] =	vst v63  }
0x31b: {  	_ = 	snop  }
0x31c: {  	[tilespmem:s1], [sflag:$0x4] =	stream.linear.gather [spmem:s29], $0x1000, $0x38;
	[tilespmem:$0x1FB00] =	vst v63  }
0x31d: {  	_ =	swait.ge [sflag:s3], $0x1000  }
0x31e: {  	[sflag:s3] =	ssyncset.done $0x0  }
0x31f: {  	[sflag:s3] =	ssyncadd.s32 $0xFFFFF000  }
0x320: {  	_ =	swait.ge [sflag:s7], $0x1000  }
0x321: {  	[sflag:s7] =	ssyncset.done $0x0  }
0x322: {  	s12 =	simm.s32 $0x0;
	[sflag:s7] =	ssyncadd.s32 $0xFFFFF000  }
0x323: {  	v0 =	vld [tilespmem:s12+$0x1CB10]  }
0x324: {  	v1 =	vld [tilespmem:s12+$0x1CB30]  }
0x325: {  	v3 =	vld [tilespmem:s12+$0x1CB50]  }
0x326: {  	v2 =	vld [tilespmem:s12+$0x1CB40]  }
0x327: {  	v4 =	vld [tilespmem:s12+$0x1CB00]  }
0x328: {  	v5 =	vld [tilespmem:s12+$0x1CB70]  }
0x329: {  	v13 =	vld [tilespmem:s12+$0x1BB70]  }
0x32a: {  	v6 =	vld [tilespmem:s12+$0x1BB30]  }
0x32b: {  	v8 =	vld [tilespmem:s12+$0x1BB60]  }
0x32c: {  	v10 =	vld [tilespmem:s12+$0x1BB20]  }
0x32d: {  	v11 =	vld [tilespmem:s12+$0x1BB00]  }
0x32e: {  	v7 =	vld [tilespmem:s12+$0x1BB10]  }
0x32f: {  	v12 =	vld [tilespmem:s12+$0x1BB50]  }
0x330: {  	v9 =	vld [tilespmem:s12+$0x1BB40]  }
0x331: {  	s10 =	simm.s32 $0x1DBF0;
	s11 =	simm.s32 $0x200;
	s9 =	simm.s32 $0x1DBF0;
	v13 =	vld.idx.msk [tilespmem:v13+s31+$0x0], $0xffff  }
.LBB2_14:
0x332: {  	p0 =	sne.s32 s11, $0x3E00  }
0x333: {  	v14 =	vld [tilespmem:s12+$0x1CB60];
	s10 =	sadd.s32 $0x100, s10;
	s13 =	smov.u32 s11;
	s11 =	sadd.s32 $0x200, s11  }
0x334: {  	v15 =	vld [tilespmem:s12+$0x1CB20]  }
0x335: {  	v10 =	vld.idx.msk [tilespmem:v10+s31+$0x0], $0xffff  }
0x336: {  	v11 =	vld.idx.msk [tilespmem:v11+s31+$0x0], $0xffff  }
0x337: {  	v8 =	vld.idx.msk [tilespmem:v8+s31+$0x0], $0xffff  }
0x338: {  	v5 =	vmul.f32 v5, v13;
	v12 =	vld.idx.msk [tilespmem:v12+s31+$0x0], $0xffff  }
0x339: {  	v6 =	vld.idx.msk [tilespmem:v6+s31+$0x0], $0xffff  }
0x33a: {  	v9 =	vld.idx.msk [tilespmem:v9+s31+$0x0], $0xffff  }
0x33b: {  	v10 =	vmul.f32 v15, v10;
	v7 =	vld.idx.msk [tilespmem:v7+s31+$0x0], $0xffff  }
0x33c: {  	v4 =	vmul.f32 v4, v11;
	[tilespmem:s9+$0x0] =	vst v5  }
0x33d: {  	v5 =	vmul.f32 v14, v8;
	[tilespmem:s9+$0xFFFFFFB0] =	vst v10  }
0x33e: {  	v3 =	vmul.f32 v3, v12;
	[tilespmem:s9+$0xFFFFFF90] =	vst v4  }
0x33f: {  	v1 =	vmul.f32 v1, v6;
	[tilespmem:s9+$0xFFFFFFF0] =	vst v5  }
0x340: {  	v2 =	vmul.f32 v2, v9;
	[tilespmem:s9+$0xFFFFFFE0] =	vst v3  }
0x341: {  	v0 =	vmul.f32 v0, v7;
	[tilespmem:s9+$0xFFFFFFC0] =	vst v1  }
0x342: {  	s12 =	sshra.s32 s13, $0x2;
	[tilespmem:s9+$0xFFFFFFD0] =	vst v2  }
0x343: {  	[tilespmem:s9+$0xFFFFFFA0] =	vst v0;
	s9 =	smov.u32 s10  }
0x344: {  	v0 =	vld [tilespmem:s12+$0x1CB10]  }
0x345: {  	v1 =	vld [tilespmem:s12+$0x1CB30]  }
0x346: {  	v3 =	vld [tilespmem:s12+$0x1CB50]  }
0x347: {  	v2 =	vld [tilespmem:s12+$0x1CB40]  }
0x348: {  	v4 =	vld [tilespmem:s12+$0x1CB00]  }
0x349: {  	v5 =	vld [tilespmem:s12+$0x1CB70]  }
0x34a: {  	v13 =	vld [tilespmem:s12+$0x1BB70]  }
0x34b: {  	v6 =	vld [tilespmem:s12+$0x1BB30]  }
0x34c: {  	v8 =	vld [tilespmem:s12+$0x1BB60]  }
0x34d: {  	v10 =	vld [tilespmem:s12+$0x1BB20]  }
.Ltmp6:
0x34e: {  	v11 =	vld [tilespmem:s12+$0x1BB00];
	(pc) =	sbr.rel @p0 .LBB2_14-.Ltmp6, $4  }
0x34f: {  	v7 =	vld [tilespmem:s12+$0x1BB10]  }
0x350: {  	v12 =	vld [tilespmem:s12+$0x1BB50]  }
0x351: {  	v9 =	vld [tilespmem:s12+$0x1BB40]  }
0x352: {  	v13 =	vld.idx.msk [tilespmem:v13+s31+$0x0], $0xffff  }
0x353: {  	_ =	sdelay $0x1  }
0x354: {  	v14 =	vld [tilespmem:s12+$0x1CB60]  }
0x355: {  	v15 =	vld [tilespmem:s12+$0x1CB20]  }
0x356: {  	v10 =	vld.idx.msk [tilespmem:v10+s31+$0x0], $0xffff  }
0x357: {  	v11 =	vld.idx.msk [tilespmem:v11+s31+$0x0], $0xffff  }
0x358: {  	v8 =	vld.idx.msk [tilespmem:v8+s31+$0x0], $0xffff  }
0x359: {  	v6 =	vld.idx.msk [tilespmem:v6+s31+$0x0], $0xffff  }
0x35a: {  	v7 =	vld.idx.msk [tilespmem:v7+s31+$0x0], $0xffff;
	v5 =	vmul.f32 v5, v13  }
0x35b: {  	v12 =	vld.idx.msk [tilespmem:v12+s31+$0x0], $0xffff;
	v10 =	vmul.f32 v15, v10  }
0x35c: {  	v9 =	vld.idx.msk [tilespmem:v9+s31+$0x0], $0xffff;
	v4 =	vmul.f32 v4, v11;
	[tilespmem:s9+$0x0] =	vst v5  }
0x35d: {  	v63 =	vmul.f32 v14, v8;
	[tilespmem:s9+$0xFFFFFFB0] =	vst v10  }
0x35e: {  	v1 =	vmul.f32 v1, v6;
	[tilespmem:s9+$0xFFFFFF90] =	vst v4  }
0x35f: {  	v0 =	vmul.f32 v0, v7;
	[tilespmem:s9+$0xFFFFFFF0] =	vst v63  }
0x360: {  	v3 =	vmul.f32 v3, v12;
	[tilespmem:s9+$0xFFFFFFC0] =	vst v1  }
0x361: {  	v2 =	vmul.f32 v2, v9;
	[tilespmem:s9+$0xFFFFFFA0] =	vst v0  }
0x362: {  	s10 =	simm.s32 $0x1DB80;
	[tilespmem:s9+$0xFFFFFFE0] =	vst v3  }
0x363: {  	s12 =	sadd.s32 $0x0, s18;
	s11 =	simm.s32 $0x1DC80;
	[tilespmem:s9+$0xFFFFFFD0] =	vst v2;
	s9 =	simm.s32 $0x80  }
.LBB2_16:
0x364: {  	[hbm4b:s12+s5] =	stream.linear.scatter [tilespmem:s10], [sflag:$0x2], $0x80, $0x38;
	[tilespmem:$0x1FB00] =	vst v63  }
0x365: {  	s12 =	smov.u32 s9;
	s10 =	smov.u32 s11;
	p0 =	sne.s32 s9, $0xF80  }
.Ltmp7:
0x366: {  	s9 =	sadd.s32 $0x80, s9;
	(pc) =	sbr.rel @p0 .LBB2_16-.Ltmp7, $2  }
0x367: {  	_ =	sdelay $0x2  }
0x368: {  	s11 =	sadd.s32 $0x100, s11;
	s12 =	sadd.s32 s12, s18  }
0x369: {  	[hbm4b:s12+s5] =	stream.linear.scatter [tilespmem:s10], [sflag:$0x2], $0x80, $0x38;
	[tilespmem:$0x1FB00] =	vst v63  }
0x36a: {  	_ = 	snop  }
0x36b: {  	[tilespmem:s31], [sflag:$0x4] =	stream.strided.gather [hbm4b:s16+s30], $0x18700, s31, s30, $0x38;
	[tilespmem:$0x1FB00] =	vst v63  }
0x36c: {  	_ =	swait.ge [sflag:s3], $0x18700  }
0x36d: {  	[sflag:s3] =	ssyncset.done $0x0  }
0x36e: {  	[sflag:s3] =	ssyncadd.s32 $0xFFFE7900  }
0x36f: {  	[tilespmem:s1], [sflag:$0x4] =	stream.linear.gather [spmem:s4], $0x1000, $0x38;
	[tilespmem:$0x1FB00] =	vst v63  }
0x370: {  	_ =	swait.ge [sflag:s3], $0x1000  }
0x371: {  	[sflag:s3] =	ssyncset.done $0x0  }
0x372: {  	[sflag:s3] =	ssyncadd.s32 $0xFFFFF000  }
0x373: {  	_ =	swait.ge [sflag:s7], $0x1000  }
0x374: {  	[sflag:s7] =	ssyncset.done $0x0  }
0x375: {  	s12 =	simm.s32 $0x0;
	[sflag:s7] =	ssyncadd.s32 $0xFFFFF000  }
0x376: {  	v0 =	vld [tilespmem:s12+$0x1CB10]  }
0x377: {  	v1 =	vld [tilespmem:s12+$0x1CB30]  }
0x378: {  	v3 =	vld [tilespmem:s12+$0x1CB50]  }
0x379: {  	v2 =	vld [tilespmem:s12+$0x1CB40]  }
0x37a: {  	v4 =	vld [tilespmem:s12+$0x1CB00]  }
0x37b: {  	v5 =	vld [tilespmem:s12+$0x1CB70]  }
0x37c: {  	v13 =	vld [tilespmem:s12+$0x18B70]  }
0x37d: {  	v6 =	vld [tilespmem:s12+$0x18B30]  }
0x37e: {  	v8 =	vld [tilespmem:s12+$0x18B60]  }
0x37f: {  	v10 =	vld [tilespmem:s12+$0x18B20]  }
0x380: {  	v11 =	vld [tilespmem:s12+$0x18B00]  }
0x381: {  	v7 =	vld [tilespmem:s12+$0x18B10]  }
0x382: {  	v12 =	vld [tilespmem:s12+$0x18B50]  }
0x383: {  	v9 =	vld [tilespmem:s12+$0x18B40]  }
0x384: {  	s10 =	simm.s32 $0x1DB40;
	s11 =	simm.s32 $0x200;
	s9 =	simm.s32 $0x1DB40;
	v13 =	vld.idx.msk [tilespmem:v13+s31+$0x0], $0xffff  }
.LBB2_18:
0x385: {  	p0 =	sne.s32 s11, $0x3E00  }
0x386: {  	v14 =	vld [tilespmem:s12+$0x1CB60];
	s10 =	sadd.s32 $0x100, s10;
	s13 =	smov.u32 s11;
	s11 =	sadd.s32 $0x200, s11  }
0x387: {  	v15 =	vld [tilespmem:s12+$0x1CB20]  }
0x388: {  	v10 =	vld.idx.msk [tilespmem:v10+s31+$0x0], $0xffff  }
0x389: {  	v11 =	vld.idx.msk [tilespmem:v11+s31+$0x0], $0xffff  }
0x38a: {  	v8 =	vld.idx.msk [tilespmem:v8+s31+$0x0], $0xffff  }
0x38b: {  	v5 =	vmul.f32 v5, v13;
	v12 =	vld.idx.msk [tilespmem:v12+s31+$0x0], $0xffff  }
0x38c: {  	v6 =	vld.idx.msk [tilespmem:v6+s31+$0x0], $0xffff  }
0x38d: {  	v9 =	vld.idx.msk [tilespmem:v9+s31+$0x0], $0xffff  }
0x38e: {  	v10 =	vmul.f32 v15, v10;
	v7 =	vld.idx.msk [tilespmem:v7+s31+$0x0], $0xffff  }
0x38f: {  	v4 =	vmul.f32 v4, v11;
	[tilespmem:s9+$0x30] =	vst v5  }
0x390: {  	v5 =	vmul.f32 v14, v8;
	[tilespmem:s9+$0xFFFFFFE0] =	vst v10  }
0x391: {  	v3 =	vmul.f32 v3, v12;
	[tilespmem:s9+$0xFFFFFFC0] =	vst v4  }
0x392: {  	v1 =	vmul.f32 v1, v6;
	[tilespmem:s9+$0x20] =	vst v5  }
0x393: {  	v2 =	vmul.f32 v2, v9;
	[tilespmem:s9+$0x10] =	vst v3  }
0x394: {  	v0 =	vmul.f32 v0, v7;
	[tilespmem:s9+$0xFFFFFFF0] =	vst v1  }
0x395: {  	s12 =	sshra.s32 s13, $0x2;
	[tilespmem:s9+$0x0] =	vst v2  }
0x396: {  	[tilespmem:s9+$0xFFFFFFD0] =	vst v0;
	s9 =	smov.u32 s10  }
0x397: {  	v0 =	vld [tilespmem:s12+$0x1CB10]  }
0x398: {  	v1 =	vld [tilespmem:s12+$0x1CB30]  }
0x399: {  	v3 =	vld [tilespmem:s12+$0x1CB50]  }
0x39a: {  	v2 =	vld [tilespmem:s12+$0x1CB40]  }
0x39b: {  	v4 =	vld [tilespmem:s12+$0x1CB00]  }
0x39c: {  	v5 =	vld [tilespmem:s12+$0x1CB70]  }
0x39d: {  	v13 =	vld [tilespmem:s12+$0x18B70]  }
0x39e: {  	v6 =	vld [tilespmem:s12+$0x18B30]  }
0x39f: {  	v8 =	vld [tilespmem:s12+$0x18B60]  }
0x3a0: {  	v10 =	vld [tilespmem:s12+$0x18B20]  }
.Ltmp8:
0x3a1: {  	v11 =	vld [tilespmem:s12+$0x18B00];
	(pc) =	sbr.rel @p0 .LBB2_18-.Ltmp8, $4  }
0x3a2: {  	v7 =	vld [tilespmem:s12+$0x18B10]  }
0x3a3: {  	v12 =	vld [tilespmem:s12+$0x18B50]  }
0x3a4: {  	v9 =	vld [tilespmem:s12+$0x18B40]  }
0x3a5: {  	v13 =	vld.idx.msk [tilespmem:v13+s31+$0x0], $0xffff  }
0x3a6: {  	_ =	sdelay $0x1  }
0x3a7: {  	v14 =	vld [tilespmem:s12+$0x1CB60]  }
0x3a8: {  	v15 =	vld [tilespmem:s12+$0x1CB20]  }
0x3a9: {  	v10 =	vld.idx.msk [tilespmem:v10+s31+$0x0], $0xffff  }
0x3aa: {  	v11 =	vld.idx.msk [tilespmem:v11+s31+$0x0], $0xffff  }
0x3ab: {  	v8 =	vld.idx.msk [tilespmem:v8+s31+$0x0], $0xffff  }
0x3ac: {  	v6 =	vld.idx.msk [tilespmem:v6+s31+$0x0], $0xffff  }
0x3ad: {  	v7 =	vld.idx.msk [tilespmem:v7+s31+$0x0], $0xffff;
	v5 =	vmul.f32 v5, v13  }
0x3ae: {  	v12 =	vld.idx.msk [tilespmem:v12+s31+$0x0], $0xffff;
	v10 =	vmul.f32 v15, v10  }
0x3af: {  	v9 =	vld.idx.msk [tilespmem:v9+s31+$0x0], $0xffff;
	v4 =	vmul.f32 v4, v11;
	[tilespmem:s9+$0x30] =	vst v5  }
0x3b0: {  	v63 =	vmul.f32 v14, v8;
	[tilespmem:s9+$0xFFFFFFE0] =	vst v10  }
0x3b1: {  	v1 =	vmul.f32 v1, v6;
	[tilespmem:s9+$0xFFFFFFC0] =	vst v4  }
0x3b2: {  	v0 =	vmul.f32 v0, v7;
	[tilespmem:s9+$0x20] =	vst v63  }
0x3b3: {  	v3 =	vmul.f32 v3, v12;
	[tilespmem:s9+$0xFFFFFFF0] =	vst v1  }
0x3b4: {  	v2 =	vmul.f32 v2, v9;
	[tilespmem:s9+$0xFFFFFFD0] =	vst v0  }
0x3b5: {  	s10 =	simm.s32 $0x1DB00;
	[tilespmem:s9+$0x10] =	vst v3  }
0x3b6: {  	s12 =	sadd.s32 $0x0, s19;
	s11 =	simm.s32 $0x1DC00;
	[tilespmem:s9+$0x0] =	vst v2;
	s9 =	simm.s32 $0x80  }
.LBB2_20:
0x3b7: {  	[hbm4b:s12+s5] =	stream.linear.scatter [tilespmem:s10], [sflag:$0x2], $0x80, $0x38;
	[tilespmem:$0x1FB00] =	vst v63  }
0x3b8: {  	s12 =	smov.u32 s9;
	s10 =	smov.u32 s11;
	p0 =	sne.s32 s9, $0xF80  }
.Ltmp9:
0x3b9: {  	s9 =	sadd.s32 $0x80, s9;
	(pc) =	sbr.rel @p0 .LBB2_20-.Ltmp9, $2  }
0x3ba: {  	_ =	sdelay $0x2  }
0x3bb: {  	s11 =	sadd.s32 $0x100, s11;
	s12 =	sadd.s32 s12, s19  }
0x3bc: {  	[hbm4b:s12+s5] =	stream.linear.scatter [tilespmem:s10], [sflag:$0x2], $0x80, $0x38;
	[tilespmem:$0x1FB00] =	vst v63  }
0x3bd: {  	_ = 	snop  }
0x3be: {  	[tilespmem:s1], [sflag:$0x4] =	stream.linear.gather [spmem:s26], $0x1000, $0x38;
	[tilespmem:$0x1FB00] =	vst v63  }
0x3bf: {  	_ =	swait.ge [sflag:s3], $0x1000  }
0x3c0: {  	[sflag:s3] =	ssyncset.done $0x0  }
0x3c1: {  	[sflag:s3] =	ssyncadd.s32 $0xFFFFF000  }
0x3c2: {  	_ =	swait.ge [sflag:s7], $0x1000  }
0x3c3: {  	[sflag:s7] =	ssyncset.done $0x0  }
0x3c4: {  	s12 =	simm.s32 $0x0;
	[sflag:s7] =	ssyncadd.s32 $0xFFFFF000  }
0x3c5: {  	v0 =	vld [tilespmem:s12+$0x1CB10]  }
0x3c6: {  	v1 =	vld [tilespmem:s12+$0x1CB30]  }
0x3c7: {  	v3 =	vld [tilespmem:s12+$0x1CB50]  }
0x3c8: {  	v2 =	vld [tilespmem:s12+$0x1CB40]  }
0x3c9: {  	v4 =	vld [tilespmem:s12+$0x1CB00]  }
0x3ca: {  	v5 =	vld [tilespmem:s12+$0x1CB70]  }
0x3cb: {  	v13 =	vld [tilespmem:s12+$0x19B70]  }
0x3cc: {  	v6 =	vld [tilespmem:s12+$0x19B30]  }
0x3cd: {  	v8 =	vld [tilespmem:s12+$0x19B60]  }
0x3ce: {  	v10 =	vld [tilespmem:s12+$0x19B20]  }
0x3cf: {  	v11 =	vld [tilespmem:s12+$0x19B00]  }
0x3d0: {  	v7 =	vld [tilespmem:s12+$0x19B10]  }
0x3d1: {  	v12 =	vld [tilespmem:s12+$0x19B50]  }
0x3d2: {  	v9 =	vld [tilespmem:s12+$0x19B40]  }
0x3d3: {  	s10 =	simm.s32 $0x1DBF0;
	s11 =	simm.s32 $0x200;
	s9 =	simm.s32 $0x1DBF0;
	v13 =	vld.idx.msk [tilespmem:v13+s31+$0x0], $0xffff  }
.LBB2_22:
0x3d4: {  	p0 =	sne.s32 s11, $0x3E00  }
0x3d5: {  	v14 =	vld [tilespmem:s12+$0x1CB60];
	s10 =	sadd.s32 $0x100, s10;
	s13 =	smov.u32 s11;
	s11 =	sadd.s32 $0x200, s11  }
0x3d6: {  	v15 =	vld [tilespmem:s12+$0x1CB20]  }
0x3d7: {  	v10 =	vld.idx.msk [tilespmem:v10+s31+$0x0], $0xffff  }
0x3d8: {  	v11 =	vld.idx.msk [tilespmem:v11+s31+$0x0], $0xffff  }
0x3d9: {  	v8 =	vld.idx.msk [tilespmem:v8+s31+$0x0], $0xffff  }
0x3da: {  	v5 =	vmul.f32 v5, v13;
	v12 =	vld.idx.msk [tilespmem:v12+s31+$0x0], $0xffff  }
0x3db: {  	v6 =	vld.idx.msk [tilespmem:v6+s31+$0x0], $0xffff  }
0x3dc: {  	v9 =	vld.idx.msk [tilespmem:v9+s31+$0x0], $0xffff  }
0x3dd: {  	v10 =	vmul.f32 v15, v10;
	v7 =	vld.idx.msk [tilespmem:v7+s31+$0x0], $0xffff  }
0x3de: {  	v4 =	vmul.f32 v4, v11;
	[tilespmem:s9+$0x0] =	vst v5  }
0x3df: {  	v5 =	vmul.f32 v14, v8;
	[tilespmem:s9+$0xFFFFFFB0] =	vst v10  }
0x3e0: {  	v3 =	vmul.f32 v3, v12;
	[tilespmem:s9+$0xFFFFFF90] =	vst v4  }
0x3e1: {  	v1 =	vmul.f32 v1, v6;
	[tilespmem:s9+$0xFFFFFFF0] =	vst v5  }
0x3e2: {  	v2 =	vmul.f32 v2, v9;
	[tilespmem:s9+$0xFFFFFFE0] =	vst v3  }
0x3e3: {  	v0 =	vmul.f32 v0, v7;
	[tilespmem:s9+$0xFFFFFFC0] =	vst v1  }
0x3e4: {  	s12 =	sshra.s32 s13, $0x2;
	[tilespmem:s9+$0xFFFFFFD0] =	vst v2  }
0x3e5: {  	[tilespmem:s9+$0xFFFFFFA0] =	vst v0;
	s9 =	smov.u32 s10  }
0x3e6: {  	v0 =	vld [tilespmem:s12+$0x1CB10]  }
0x3e7: {  	v1 =	vld [tilespmem:s12+$0x1CB30]  }
0x3e8: {  	v3 =	vld [tilespmem:s12+$0x1CB50]  }
0x3e9: {  	v2 =	vld [tilespmem:s12+$0x1CB40]  }
0x3ea: {  	v4 =	vld [tilespmem:s12+$0x1CB00]  }
0x3eb: {  	v5 =	vld [tilespmem:s12+$0x1CB70]  }
0x3ec: {  	v13 =	vld [tilespmem:s12+$0x19B70]  }
0x3ed: {  	v6 =	vld [tilespmem:s12+$0x19B30]  }
0x3ee: {  	v8 =	vld [tilespmem:s12+$0x19B60]  }
0x3ef: {  	v10 =	vld [tilespmem:s12+$0x19B20]  }
.Ltmp10:
0x3f0: {  	v11 =	vld [tilespmem:s12+$0x19B00];
	(pc) =	sbr.rel @p0 .LBB2_22-.Ltmp10, $4  }
0x3f1: {  	v7 =	vld [tilespmem:s12+$0x19B10]  }
0x3f2: {  	v12 =	vld [tilespmem:s12+$0x19B50]  }
0x3f3: {  	v9 =	vld [tilespmem:s12+$0x19B40]  }
0x3f4: {  	v13 =	vld.idx.msk [tilespmem:v13+s31+$0x0], $0xffff  }
0x3f5: {  	_ =	sdelay $0x1  }
0x3f6: {  	v14 =	vld [tilespmem:s12+$0x1CB60]  }
0x3f7: {  	v15 =	vld [tilespmem:s12+$0x1CB20]  }
0x3f8: {  	v10 =	vld.idx.msk [tilespmem:v10+s31+$0x0], $0xffff  }
0x3f9: {  	v11 =	vld.idx.msk [tilespmem:v11+s31+$0x0], $0xffff  }
0x3fa: {  	v8 =	vld.idx.msk [tilespmem:v8+s31+$0x0], $0xffff  }
0x3fb: {  	v6 =	vld.idx.msk [tilespmem:v6+s31+$0x0], $0xffff  }
0x3fc: {  	v7 =	vld.idx.msk [tilespmem:v7+s31+$0x0], $0xffff;
	v5 =	vmul.f32 v5, v13  }
0x3fd: {  	v12 =	vld.idx.msk [tilespmem:v12+s31+$0x0], $0xffff;
	v10 =	vmul.f32 v15, v10  }
0x3fe: {  	v9 =	vld.idx.msk [tilespmem:v9+s31+$0x0], $0xffff;
	v4 =	vmul.f32 v4, v11;
	[tilespmem:s9+$0x0] =	vst v5  }
0x3ff: {  	v63 =	vmul.f32 v14, v8;
	[tilespmem:s9+$0xFFFFFFB0] =	vst v10  }
0x400: {  	v1 =	vmul.f32 v1, v6;
	[tilespmem:s9+$0xFFFFFF90] =	vst v4  }
0x401: {  	v0 =	vmul.f32 v0, v7;
	[tilespmem:s9+$0xFFFFFFF0] =	vst v63  }
0x402: {  	v3 =	vmul.f32 v3, v12;
	[tilespmem:s9+$0xFFFFFFC0] =	vst v1  }
0x403: {  	v2 =	vmul.f32 v2, v9;
	[tilespmem:s9+$0xFFFFFFA0] =	vst v0  }
0x404: {  	s10 =	simm.s32 $0x1DB80;
	[tilespmem:s9+$0xFFFFFFE0] =	vst v3  }
0x405: {  	s12 =	sadd.s32 $0x0, s20;
	s11 =	simm.s32 $0x1DC80;
	[tilespmem:s9+$0xFFFFFFD0] =	vst v2;
	s9 =	simm.s32 $0x80  }
.LBB2_24:
0x406: {  	[hbm4b:s12+s5] =	stream.linear.scatter [tilespmem:s10], [sflag:$0x2], $0x80, $0x38;
	[tilespmem:$0x1FB00] =	vst v63  }
0x407: {  	s12 =	smov.u32 s9;
	s10 =	smov.u32 s11;
	p0 =	sne.s32 s9, $0xF80  }
.Ltmp11:
0x408: {  	s9 =	sadd.s32 $0x80, s9;
	(pc) =	sbr.rel @p0 .LBB2_24-.Ltmp11, $2  }
0x409: {  	_ =	sdelay $0x2  }
0x40a: {  	s11 =	sadd.s32 $0x100, s11;
	s12 =	sadd.s32 s12, s20  }
0x40b: {  	[hbm4b:s12+s5] =	stream.linear.scatter [tilespmem:s10], [sflag:$0x2], $0x80, $0x38;
	[tilespmem:$0x1FB00] =	vst v63  }
0x40c: {  	_ = 	snop  }
0x40d: {  	[tilespmem:s1], [sflag:$0x4] =	stream.linear.gather [spmem:s28], $0x1000, $0x38;
	[tilespmem:$0x1FB00] =	vst v63  }
0x40e: {  	_ =	swait.ge [sflag:s3], $0x1000  }
0x40f: {  	[sflag:s3] =	ssyncset.done $0x0  }
0x410: {  	[sflag:s3] =	ssyncadd.s32 $0xFFFFF000  }
0x411: {  	_ =	swait.ge [sflag:s7], $0x1000  }
0x412: {  	[sflag:s7] =	ssyncset.done $0x0  }
0x413: {  	s12 =	simm.s32 $0x0;
	[sflag:s7] =	ssyncadd.s32 $0xFFFFF000  }
0x414: {  	v0 =	vld [tilespmem:s12+$0x1CB10]  }
0x415: {  	v1 =	vld [tilespmem:s12+$0x1CB30]  }
0x416: {  	v3 =	vld [tilespmem:s12+$0x1CB50]  }
0x417: {  	v2 =	vld [tilespmem:s12+$0x1CB40]  }
0x418: {  	v4 =	vld [tilespmem:s12+$0x1CB00]  }
0x419: {  	v5 =	vld [tilespmem:s12+$0x1CB70]  }
0x41a: {  	v13 =	vld [tilespmem:s12+$0x1AB70]  }
0x41b: {  	v6 =	vld [tilespmem:s12+$0x1AB30]  }
0x41c: {  	v8 =	vld [tilespmem:s12+$0x1AB60]  }
0x41d: {  	v10 =	vld [tilespmem:s12+$0x1AB20]  }
0x41e: {  	v11 =	vld [tilespmem:s12+$0x1AB00]  }
0x41f: {  	v7 =	vld [tilespmem:s12+$0x1AB10]  }
0x420: {  	v12 =	vld [tilespmem:s12+$0x1AB50]  }
0x421: {  	v9 =	vld [tilespmem:s12+$0x1AB40]  }
0x422: {  	s10 =	simm.s32 $0x1DB40;
	s11 =	simm.s32 $0x200;
	s9 =	simm.s32 $0x1DB40;
	v13 =	vld.idx.msk [tilespmem:v13+s31+$0x0], $0xffff  }
.LBB2_26:
0x423: {  	p0 =	sne.s32 s11, $0x3E00  }
0x424: {  	v14 =	vld [tilespmem:s12+$0x1CB60];
	s10 =	sadd.s32 $0x100, s10;
	s13 =	smov.u32 s11;
	s11 =	sadd.s32 $0x200, s11  }
0x425: {  	v15 =	vld [tilespmem:s12+$0x1CB20]  }
0x426: {  	v10 =	vld.idx.msk [tilespmem:v10+s31+$0x0], $0xffff  }
0x427: {  	v11 =	vld.idx.msk [tilespmem:v11+s31+$0x0], $0xffff  }
0x428: {  	v8 =	vld.idx.msk [tilespmem:v8+s31+$0x0], $0xffff  }
0x429: {  	v5 =	vmul.f32 v5, v13;
	v12 =	vld.idx.msk [tilespmem:v12+s31+$0x0], $0xffff  }
0x42a: {  	v6 =	vld.idx.msk [tilespmem:v6+s31+$0x0], $0xffff  }
0x42b: {  	v9 =	vld.idx.msk [tilespmem:v9+s31+$0x0], $0xffff  }
0x42c: {  	v10 =	vmul.f32 v15, v10;
	v7 =	vld.idx.msk [tilespmem:v7+s31+$0x0], $0xffff  }
0x42d: {  	v4 =	vmul.f32 v4, v11;
	[tilespmem:s9+$0x30] =	vst v5  }
0x42e: {  	v5 =	vmul.f32 v14, v8;
	[tilespmem:s9+$0xFFFFFFE0] =	vst v10  }
0x42f: {  	v3 =	vmul.f32 v3, v12;
	[tilespmem:s9+$0xFFFFFFC0] =	vst v4  }
0x430: {  	v1 =	vmul.f32 v1, v6;
	[tilespmem:s9+$0x20] =	vst v5  }
0x431: {  	v2 =	vmul.f32 v2, v9;
	[tilespmem:s9+$0x10] =	vst v3  }
0x432: {  	v0 =	vmul.f32 v0, v7;
	[tilespmem:s9+$0xFFFFFFF0] =	vst v1  }
0x433: {  	s12 =	sshra.s32 s13, $0x2;
	[tilespmem:s9+$0x0] =	vst v2  }
0x434: {  	[tilespmem:s9+$0xFFFFFFD0] =	vst v0;
	s9 =	smov.u32 s10  }
0x435: {  	v0 =	vld [tilespmem:s12+$0x1CB10]  }
0x436: {  	v1 =	vld [tilespmem:s12+$0x1CB30]  }
0x437: {  	v3 =	vld [tilespmem:s12+$0x1CB50]  }
0x438: {  	v2 =	vld [tilespmem:s12+$0x1CB40]  }
0x439: {  	v4 =	vld [tilespmem:s12+$0x1CB00]  }
0x43a: {  	v5 =	vld [tilespmem:s12+$0x1CB70]  }
0x43b: {  	v13 =	vld [tilespmem:s12+$0x1AB70]  }
0x43c: {  	v6 =	vld [tilespmem:s12+$0x1AB30]  }
0x43d: {  	v8 =	vld [tilespmem:s12+$0x1AB60]  }
0x43e: {  	v10 =	vld [tilespmem:s12+$0x1AB20]  }
.Ltmp12:
0x43f: {  	v11 =	vld [tilespmem:s12+$0x1AB00];
	(pc) =	sbr.rel @p0 .LBB2_26-.Ltmp12, $4  }
0x440: {  	v7 =	vld [tilespmem:s12+$0x1AB10]  }
0x441: {  	v12 =	vld [tilespmem:s12+$0x1AB50]  }
0x442: {  	v9 =	vld [tilespmem:s12+$0x1AB40]  }
0x443: {  	v13 =	vld.idx.msk [tilespmem:v13+s31+$0x0], $0xffff  }
0x444: {  	_ =	sdelay $0x1  }
0x445: {  	v14 =	vld [tilespmem:s12+$0x1CB60]  }
0x446: {  	v15 =	vld [tilespmem:s12+$0x1CB20]  }
0x447: {  	v10 =	vld.idx.msk [tilespmem:v10+s31+$0x0], $0xffff  }
0x448: {  	v11 =	vld.idx.msk [tilespmem:v11+s31+$0x0], $0xffff  }
0x449: {  	v8 =	vld.idx.msk [tilespmem:v8+s31+$0x0], $0xffff  }
0x44a: {  	v6 =	vld.idx.msk [tilespmem:v6+s31+$0x0], $0xffff  }
0x44b: {  	v7 =	vld.idx.msk [tilespmem:v7+s31+$0x0], $0xffff;
	v5 =	vmul.f32 v5, v13  }
0x44c: {  	v12 =	vld.idx.msk [tilespmem:v12+s31+$0x0], $0xffff;
	v10 =	vmul.f32 v15, v10  }
0x44d: {  	v9 =	vld.idx.msk [tilespmem:v9+s31+$0x0], $0xffff;
	v4 =	vmul.f32 v4, v11;
	[tilespmem:s9+$0x30] =	vst v5  }
0x44e: {  	v63 =	vmul.f32 v14, v8;
	[tilespmem:s9+$0xFFFFFFE0] =	vst v10  }
0x44f: {  	v1 =	vmul.f32 v1, v6;
	[tilespmem:s9+$0xFFFFFFC0] =	vst v4  }
0x450: {  	v0 =	vmul.f32 v0, v7;
	[tilespmem:s9+$0x20] =	vst v63  }
0x451: {  	v3 =	vmul.f32 v3, v12;
	[tilespmem:s9+$0xFFFFFFF0] =	vst v1  }
0x452: {  	v2 =	vmul.f32 v2, v9;
	[tilespmem:s9+$0xFFFFFFD0] =	vst v0  }
0x453: {  	s10 =	simm.s32 $0x1DB00;
	[tilespmem:s9+$0x10] =	vst v3  }
0x454: {  	s12 =	sadd.s32 $0x0, s21;
	s11 =	simm.s32 $0x1DC00;
	[tilespmem:s9+$0x0] =	vst v2;
	s9 =	simm.s32 $0x80  }
.LBB2_28:
0x455: {  	[hbm4b:s12+s5] =	stream.linear.scatter [tilespmem:s10], [sflag:$0x2], $0x80, $0x38;
	[tilespmem:$0x1FB00] =	vst v63  }
0x456: {  	s12 =	smov.u32 s9;
	s10 =	smov.u32 s11;
	p0 =	sne.s32 s9, $0xF80  }
.Ltmp13:
0x457: {  	s9 =	sadd.s32 $0x80, s9;
	(pc) =	sbr.rel @p0 .LBB2_28-.Ltmp13, $2  }
0x458: {  	_ =	sdelay $0x2  }
0x459: {  	s11 =	sadd.s32 $0x100, s11;
	s12 =	sadd.s32 s12, s21  }
0x45a: {  	[hbm4b:s12+s5] =	stream.linear.scatter [tilespmem:s10], [sflag:$0x2], $0x80, $0x38;
	[tilespmem:$0x1FB00] =	vst v63  }
0x45b: {  	_ = 	snop  }
0x45c: {  	[tilespmem:s1], [sflag:$0x4] =	stream.linear.gather [spmem:s29], $0x1000, $0x38;
	[tilespmem:$0x1FB00] =	vst v63  }
0x45d: {  	_ =	swait.ge [sflag:s3], $0x1000  }
0x45e: {  	[sflag:s3] =	ssyncset.done $0x0  }
0x45f: {  	[sflag:s3] =	ssyncadd.s32 $0xFFFFF000  }
0x460: {  	_ =	swait.ge [sflag:s7], $0x1000  }
0x461: {  	[sflag:s7] =	ssyncset.done $0x0  }
0x462: {  	s12 =	simm.s32 $0x0;
	[sflag:s7] =	ssyncadd.s32 $0xFFFFF000  }
0x463: {  	v0 =	vld [tilespmem:s12+$0x1CB10]  }
0x464: {  	v1 =	vld [tilespmem:s12+$0x1CB30]  }
0x465: {  	v3 =	vld [tilespmem:s12+$0x1CB50]  }
0x466: {  	v2 =	vld [tilespmem:s12+$0x1CB40]  }
0x467: {  	v4 =	vld [tilespmem:s12+$0x1CB00]  }
0x468: {  	v5 =	vld [tilespmem:s12+$0x1CB70]  }
0x469: {  	v13 =	vld [tilespmem:s12+$0x1BB70]  }
0x46a: {  	v6 =	vld [tilespmem:s12+$0x1BB30]  }
0x46b: {  	v8 =	vld [tilespmem:s12+$0x1BB60]  }
0x46c: {  	v10 =	vld [tilespmem:s12+$0x1BB20]  }
0x46d: {  	v11 =	vld [tilespmem:s12+$0x1BB00]  }
0x46e: {  	v7 =	vld [tilespmem:s12+$0x1BB10]  }
0x46f: {  	v12 =	vld [tilespmem:s12+$0x1BB50]  }
0x470: {  	v9 =	vld [tilespmem:s12+$0x1BB40]  }
0x471: {  	s10 =	simm.s32 $0x1DBF0;
	s11 =	simm.s32 $0x200;
	s9 =	simm.s32 $0x1DBF0;
	v13 =	vld.idx.msk [tilespmem:v13+s31+$0x0], $0xffff  }
.LBB2_30:
0x472: {  	p0 =	sne.s32 s11, $0x3E00  }
0x473: {  	v14 =	vld [tilespmem:s12+$0x1CB60];
	s10 =	sadd.s32 $0x100, s10;
	s13 =	smov.u32 s11;
	s11 =	sadd.s32 $0x200, s11  }
0x474: {  	v15 =	vld [tilespmem:s12+$0x1CB20]  }
0x475: {  	v10 =	vld.idx.msk [tilespmem:v10+s31+$0x0], $0xffff  }
0x476: {  	v11 =	vld.idx.msk [tilespmem:v11+s31+$0x0], $0xffff  }
0x477: {  	v8 =	vld.idx.msk [tilespmem:v8+s31+$0x0], $0xffff  }
0x478: {  	v5 =	vmul.f32 v5, v13;
	v12 =	vld.idx.msk [tilespmem:v12+s31+$0x0], $0xffff  }
0x479: {  	v6 =	vld.idx.msk [tilespmem:v6+s31+$0x0], $0xffff  }
0x47a: {  	v9 =	vld.idx.msk [tilespmem:v9+s31+$0x0], $0xffff  }
0x47b: {  	v10 =	vmul.f32 v15, v10;
	v7 =	vld.idx.msk [tilespmem:v7+s31+$0x0], $0xffff  }
0x47c: {  	v4 =	vmul.f32 v4, v11;
	[tilespmem:s9+$0x0] =	vst v5  }
0x47d: {  	v5 =	vmul.f32 v14, v8;
	[tilespmem:s9+$0xFFFFFFB0] =	vst v10  }
0x47e: {  	v3 =	vmul.f32 v3, v12;
	[tilespmem:s9+$0xFFFFFF90] =	vst v4  }
0x47f: {  	v1 =	vmul.f32 v1, v6;
	[tilespmem:s9+$0xFFFFFFF0] =	vst v5  }
0x480: {  	v2 =	vmul.f32 v2, v9;
	[tilespmem:s9+$0xFFFFFFE0] =	vst v3  }
0x481: {  	v0 =	vmul.f32 v0, v7;
	[tilespmem:s9+$0xFFFFFFC0] =	vst v1  }
0x482: {  	s12 =	sshra.s32 s13, $0x2;
	[tilespmem:s9+$0xFFFFFFD0] =	vst v2  }
0x483: {  	[tilespmem:s9+$0xFFFFFFA0] =	vst v0;
	s9 =	smov.u32 s10  }
0x484: {  	v0 =	vld [tilespmem:s12+$0x1CB10]  }
0x485: {  	v1 =	vld [tilespmem:s12+$0x1CB30]  }
0x486: {  	v3 =	vld [tilespmem:s12+$0x1CB50]  }
0x487: {  	v2 =	vld [tilespmem:s12+$0x1CB40]  }
0x488: {  	v4 =	vld [tilespmem:s12+$0x1CB00]  }
0x489: {  	v5 =	vld [tilespmem:s12+$0x1CB70]  }
0x48a: {  	v13 =	vld [tilespmem:s12+$0x1BB70]  }
0x48b: {  	v6 =	vld [tilespmem:s12+$0x1BB30]  }
0x48c: {  	v8 =	vld [tilespmem:s12+$0x1BB60]  }
0x48d: {  	v10 =	vld [tilespmem:s12+$0x1BB20]  }
.Ltmp14:
0x48e: {  	v11 =	vld [tilespmem:s12+$0x1BB00];
	(pc) =	sbr.rel @p0 .LBB2_30-.Ltmp14, $4  }
0x48f: {  	v7 =	vld [tilespmem:s12+$0x1BB10]  }
0x490: {  	v12 =	vld [tilespmem:s12+$0x1BB50]  }
0x491: {  	v9 =	vld [tilespmem:s12+$0x1BB40]  }
0x492: {  	v13 =	vld.idx.msk [tilespmem:v13+s31+$0x0], $0xffff  }
0x493: {  	_ =	sdelay $0x1  }
0x494: {  	v14 =	vld [tilespmem:s12+$0x1CB60]  }
0x495: {  	v15 =	vld [tilespmem:s12+$0x1CB20]  }
0x496: {  	v10 =	vld.idx.msk [tilespmem:v10+s31+$0x0], $0xffff  }
0x497: {  	v11 =	vld.idx.msk [tilespmem:v11+s31+$0x0], $0xffff  }
0x498: {  	v8 =	vld.idx.msk [tilespmem:v8+s31+$0x0], $0xffff  }
0x499: {  	v6 =	vld.idx.msk [tilespmem:v6+s31+$0x0], $0xffff  }
0x49a: {  	v7 =	vld.idx.msk [tilespmem:v7+s31+$0x0], $0xffff;
	v5 =	vmul.f32 v5, v13  }
0x49b: {  	v12 =	vld.idx.msk [tilespmem:v12+s31+$0x0], $0xffff;
	v10 =	vmul.f32 v15, v10  }
0x49c: {  	v9 =	vld.idx.msk [tilespmem:v9+s31+$0x0], $0xffff;
	v4 =	vmul.f32 v4, v11;
	[tilespmem:s9+$0x0] =	vst v5  }
0x49d: {  	v63 =	vmul.f32 v14, v8;
	[tilespmem:s9+$0xFFFFFFB0] =	vst v10  }
0x49e: {  	v1 =	vmul.f32 v1, v6;
	[tilespmem:s9+$0xFFFFFF90] =	vst v4  }
0x49f: {  	v0 =	vmul.f32 v0, v7;
	[tilespmem:s9+$0xFFFFFFF0] =	vst v63  }
0x4a0: {  	v3 =	vmul.f32 v3, v12;
	[tilespmem:s9+$0xFFFFFFC0] =	vst v1  }
0x4a1: {  	v2 =	vmul.f32 v2, v9;
	[tilespmem:s9+$0xFFFFFFA0] =	vst v0  }
0x4a2: {  	s10 =	simm.s32 $0x1DB80;
	[tilespmem:s9+$0xFFFFFFE0] =	vst v3  }
0x4a3: {  	s12 =	sadd.s32 $0x0, s22;
	s11 =	simm.s32 $0x1DC80;
	[tilespmem:s9+$0xFFFFFFD0] =	vst v2;
	s9 =	simm.s32 $0x80  }
.LBB2_32:
0x4a4: {  	[hbm4b:s12+s5] =	stream.linear.scatter [tilespmem:s10], [sflag:$0x2], $0x80, $0x38;
	[tilespmem:$0x1FB00] =	vst v63  }
0x4a5: {  	s12 =	smov.u32 s9;
	s10 =	smov.u32 s11;
	p0 =	sne.s32 s9, $0xF80  }
.Ltmp15:
0x4a6: {  	s9 =	sadd.s32 $0x80, s9;
	(pc) =	sbr.rel @p0 .LBB2_32-.Ltmp15, $2  }
0x4a7: {  	_ =	sdelay $0x2  }
0x4a8: {  	s11 =	sadd.s32 $0x100, s11;
	s12 =	sadd.s32 s12, s22  }
0x4a9: {  	[hbm4b:s12+s5] =	stream.linear.scatter [tilespmem:s10], [sflag:$0x2], $0x80, $0x38;
	[tilespmem:$0x1FB00] =	vst v63  }
0x4aa: {  	s8 =	sadd.s32 $0x1, s8  }
0x4ab: {  	_ =	swait.ge [sflag:s7], $0x1000;
	p0 =	sne.s32 s8, s25  }
.Ltmp16:
0x4ac: {  	[sflag:s7] =	ssyncset.done $0x0;
	(pc) =	sbr.rel @p0 .LBB2_1-.Ltmp16, $4  }
0x4ad: {  	[sflag:s7] =	ssyncadd.s32 $0xFFFFF000  }
0x4ae: {  	_ =	swait.ge [sflag:s7], $0x1000  }
0x4af: {  	[sflag:s7] =	ssyncset.done $0x0  }
0x4b0: {  	[sflag:s7] =	ssyncadd.s32 $0xFFFFF000  }
0x4b1: {  	_ =	sfence.sel $0x180000  }
0x4b2: {  	[bflag:$0x0] =	sbarrier.arrive $0xFFFF  }
0x4b3: {  	_ =	strace $0x90000047  }
0x4b4: {  	s0 =	stileid.u32;
	[bflag:$0x2] =	sbarrier.arrive $0xFFFF  }
0x4b5: {  	p0 =	sne.s32 s0, $0x0;
	s0 =	rddreg [dreg:$0x5]  }
0x4b6: {  	s0 =	sadd.s32 @!p0 $0x100000, s0  }
0x4b7: {  	[sflag:s0] =	ssyncadd.tile.s32 @!p0 $0x1;
	_ =	shalt  }
.Lfunc_end2:
_tile_overlayer_lowered:
.L_overlay_start_2:
0x4b8: {  	(tag) =	ssettag $0x2  }
0x4b9: {  	s0 =	rddreg [dreg:$0x0];
	s2 =	stileid.u32  }
0x4ba: {  	s1 =	rddreg [dreg:$0x1];
	p0 =	sne.s32 s2, $0x0  }
0x4bb: {  	s3 =	rddreg [dreg:$0x2];
	[bflag:$0x3] =	sbarrier.arrive $0xFFFF;
	s2 =	simm.s32 @!p0 $0x1C04  }
0x4bc: {  	[timem:s3], [sflag:s2] =	dma.local @!p0 [hbm:s0], s1  }
0x4bd: {  	s0 =	simm.s32 @!p0 $0x4  }
0x4be: {  	_ =	swait.ge @!p0 [sflag:s0], s1  }
0x4bf: {  	s1 =	ssub.s32 @!p0 $0x0, s1;
	[sflag:s0] =	ssyncset.done @!p0 $0x0  }
0x4c0: {  	[sflag:s0] =	ssyncadd.s32 @!p0 s1  }
0x4c1: {  	[bflag:$0x3] =	sbarrier.arrive $0xFFFF  }
0x4c2: {  	_ =	shalt  }

</sc_bundles>
